<compile_context>
chip_gen: v7x
topology: tpu7x:2x2x1
jax: 0.10.2.dev20260603
libtpu: 0.0.44.dev20260713+nightly
codegen_flags: <defaults>
</compile_context>

<pallas_src>
import functools

import jax
import jax.numpy as jnp
from jax import lax
from jax.experimental import pallas as pl
from jax.experimental.pallas import tpu as pltpu
from jax.experimental.pallas import tpu_sc as plsc

N = 10000
E = 320000
D = 128
G = 128

NC = 2
NS = 16
NW = NC * NS

NP = 10240
RPS = NP // NS

C = 128
EPAD = 327680
EW = EPAD // NW
NCH = EW // C
NDR = RPS // C

BN = 2000

_F32 = jnp.float32


def _sc_segsum(feat, src3, dst3, zeros):
    mesh = plsc.VectorSubcoreMesh(core_axis_name="c", subcore_axis_name="s")

    @functools.partial(
        pl.kernel,
        out_type=jax.ShapeDtypeStruct((NC * NP, D), _F32),
        mesh=mesh,
        scratch_types=[
            pltpu.VMEM((C,), jnp.int32),
            pltpu.VMEM((C,), jnp.int32),
            pltpu.VMEM((C,), jnp.int32),
            pltpu.VMEM((C,), jnp.int32),
            pltpu.VMEM((C, D), _F32),
            pltpu.VMEM((C, D), _F32),
            pltpu.VMEM_SHARED((NP, D), _F32),
            pltpu.SemaphoreType.DMA,
            pltpu.SemaphoreType.DMA,
        ],
    )
    def k(feat_h, src_h, dst_h, zero_h, out_h,
          isa, ida, isb, idb, rows_a, rows_b, shared, sem_a, sem_b):
        c = lax.axis_index("c")
        s = lax.axis_index("s")
        wid = s * NC + c
        pltpu.sync_copy(zero_h, rows_a)
        for t in range(NDR):
            pltpu.sync_copy(rows_a, shared.at[pl.ds(s * RPS + t * C, C)])
        plsc.subcore_barrier()

        pltpu.sync_copy(src_h.at[wid, 0], isa)
        pltpu.sync_copy(dst_h.at[wid, 0], ida)
        pltpu.async_copy(feat_h.at[isa], rows_a, sem_a)

        def body(i, carry):
            j0 = 2 * i
            pltpu.sync_copy(src_h.at[wid, j0 + 1], isb)
            pltpu.sync_copy(dst_h.at[wid, j0 + 1], idb)
            pltpu.async_copy(feat_h.at[isb], rows_b, sem_b)
            pltpu.make_async_copy(feat_h.at[isa], rows_a, sem_a).wait()
            pltpu.sync_copy(rows_a, shared.at[ida], add=True)

            @pl.when(i < NCH // 2 - 1)
            def _():
                pltpu.sync_copy(src_h.at[wid, j0 + 2], isa)
                pltpu.sync_copy(dst_h.at[wid, j0 + 2], ida)
                pltpu.async_copy(feat_h.at[isa], rows_a, sem_a)

            pltpu.make_async_copy(feat_h.at[isb], rows_b, sem_b).wait()
            pltpu.sync_copy(rows_b, shared.at[idb], add=True)
            return carry

        lax.fori_loop(0, NCH // 2, body, 0)
        plsc.subcore_barrier()
        for t in range(NDR):
            pltpu.sync_copy(shared.at[pl.ds(s * RPS + t * C, C)], rows_a)
            pltpu.sync_copy(rows_a, out_h.at[pl.ds(c * NP + s * RPS + t * C, C)])

    return k(feat, src3, dst3, zeros)


def _sc_segcnt(dst3, zeros, ones):
    mesh = plsc.VectorSubcoreMesh(core_axis_name="c", subcore_axis_name="s")

    @functools.partial(
        pl.kernel,
        out_type=jax.ShapeDtypeStruct((NC * NP, D), _F32),
        mesh=mesh,
        scratch_types=[
            pltpu.VMEM((NCH, C), jnp.int32),
            pltpu.VMEM((C, D), _F32),
            pltpu.VMEM_SHARED((NP, D), _F32),
        ],
    )
    def k(dst_h, zero_h, ones_h, out_h, idst, rows, shared):
        c = lax.axis_index("c")
        s = lax.axis_index("s")
        wid = s * NC + c
        pltpu.sync_copy(zero_h, rows)
        for t in range(NDR):
            pltpu.sync_copy(rows, shared.at[pl.ds(s * RPS + t * C, C)])
        pltpu.sync_copy(ones_h, rows)
        pltpu.sync_copy(dst_h.at[wid], idst)
        plsc.subcore_barrier()

        def body(j, carry):
            pltpu.sync_copy(rows, shared.at[idst.at[j]], add=True)
            return carry

        lax.fori_loop(0, NCH, body, 0)
        plsc.subcore_barrier()
        for t in range(NDR):
            pltpu.sync_copy(shared.at[pl.ds(s * RPS + t * C, C)], rows)
            pltpu.sync_copy(rows, out_h.at[pl.ds(c * NP + s * RPS + t * C, C)])

    return k(dst3, zeros, ones)


def _sc_segsum_wide(feat_a, feat_b, src4, dst4, zeros):
    mesh = plsc.VectorSubcoreMesh(core_axis_name="c", subcore_axis_name="s")

    @functools.partial(
        pl.kernel,
        out_type=jax.ShapeDtypeStruct((NC * NP, D), _F32),
        mesh=mesh,
        scratch_types=[
            pltpu.VMEM((C,), jnp.int32),
            pltpu.VMEM((C,), jnp.int32),
            pltpu.VMEM((C,), jnp.int32),
            pltpu.VMEM((C,), jnp.int32),
            pltpu.VMEM((C, D), _F32),
            pltpu.VMEM((C, D), _F32),
            pltpu.VMEM_SHARED((NP, D), _F32),
            pltpu.SemaphoreType.DMA,
            pltpu.SemaphoreType.DMA,
        ],
    )
    def k(fa_h, fb_h, src_h, dst_h, zero_h, out_h,
          isa, ida, isb, idb, rows_a, rows_b, shared, sem_a, sem_b):
        c = lax.axis_index("c")
        s = lax.axis_index("s")
        pltpu.sync_copy(zero_h, rows_a)
        for t in range(NDR):
            pltpu.sync_copy(rows_a, shared.at[pl.ds(s * RPS + t * C, C)])
        plsc.subcore_barrier()

        def run(feat_h):
            for stage in range(2):
                pltpu.sync_copy(src_h.at[s, stage, 0], isa)
                pltpu.sync_copy(dst_h.at[s, stage, 0], ida)
                pltpu.async_copy(feat_h.at[isa], rows_a, sem_a)

                def body(i, carry):
                    j0 = 2 * i
                    pltpu.sync_copy(src_h.at[s, stage, j0 + 1], isb)
                    pltpu.sync_copy(dst_h.at[s, stage, j0 + 1], idb)
                    pltpu.async_copy(feat_h.at[isb], rows_b, sem_b)
                    pltpu.make_async_copy(feat_h.at[isa], rows_a, sem_a).wait()
                    pltpu.sync_copy(rows_a, shared.at[ida], add=True)

                    @pl.when(i < NCH // 2 - 1)
                    def _():
                        pltpu.sync_copy(src_h.at[s, stage, j0 + 2], isa)
                        pltpu.sync_copy(dst_h.at[s, stage, j0 + 2], ida)
                        pltpu.async_copy(feat_h.at[isa], rows_a, sem_a)

                    pltpu.make_async_copy(feat_h.at[isb], rows_b, sem_b).wait()
                    pltpu.sync_copy(rows_b, shared.at[idb], add=True)
                    return carry

                lax.fori_loop(0, NCH // 2, body, 0)

        @pl.when(c == 0)
        def _():
            run(fa_h)

        @pl.when(c == 1)
        def _():
            run(fb_h)

        plsc.subcore_barrier()
        for t in range(NDR):
            pltpu.sync_copy(shared.at[pl.ds(s * RPS + t * C, C)], rows_a)
            pltpu.sync_copy(rows_a, out_h.at[pl.ds(c * NP + s * RPS + t * C, C)])

    return k(feat_a, feat_b, src4, dst4, zeros)


def _dgT(a, b):
    return lax.dot_general(a, b, (((1,), (1,)), ((), ())),
                           preferred_element_type=_F32)


def _tc_layer(h, m0, m1, c0, c1, Wl, bl, Wr):
    din = h.shape[1]
    dout = Wl.shape[0]

    def body(h_r, m0_r, m1_r, c0_r, c1_r, wl_r, bl_r, wr_r, ho_r):
        cnt = jnp.maximum(c0_r[:, 0:1] + c1_r[:, 0:1], 1.0)
        agg = (m0_r[...] + m1_r[...]) / cnt
        hv = _dgT(h_r[...], wl_r[...]) + bl_r[...] + _dgT(agg, wr_r[...])
        ho_r[...] = jnp.maximum(hv, 0.0)

    in_specs = [
        pl.BlockSpec((BN, din), lambda i: (i, 0)),
        pl.BlockSpec((BN, 128), lambda i: (i, 0)),
        pl.BlockSpec((BN, 128), lambda i: (i, 0)),
        pl.BlockSpec((BN, 128), lambda i: (i, 0)),
        pl.BlockSpec((BN, 128), lambda i: (i, 0)),
        pl.BlockSpec((dout, din), lambda i: (0, 0)),
        pl.BlockSpec((1, dout), lambda i: (0, 0)),
        pl.BlockSpec((dout, 128), lambda i: (0, 0)),
    ]
    return pl.pallas_call(
        body,
        grid=(N // BN,),
        in_specs=in_specs,
        out_specs=pl.BlockSpec((BN, dout), lambda i: (i, 0)),
        out_shape=jax.ShapeDtypeStruct((N, dout), _F32),
    )(h, m0, m1, c0, c1, Wl, bl.reshape(1, -1), Wr)


def _tc_layer_split(h, ma, mb, c0, c1, Wl, bl, Wra, Wrb):
    din = h.shape[1]
    dout = Wl.shape[0]

    def body(h_r, ma_r, mb_r, c0_r, c1_r, wl_r, bl_r, wra_r, wrb_r, ho_r):
        cnt = jnp.maximum(c0_r[:, 0:1] + c1_r[:, 0:1], 1.0)
        agg = _dgT(ma_r[...] / cnt, wra_r[...]) + _dgT(mb_r[...] / cnt, wrb_r[...])
        hv = _dgT(h_r[...], wl_r[...]) + bl_r[...] + agg
        ho_r[...] = jnp.maximum(hv, 0.0)

    in_specs = [
        pl.BlockSpec((BN, din), lambda i: (i, 0)),
        pl.BlockSpec((BN, 128), lambda i: (i, 0)),
        pl.BlockSpec((BN, 128), lambda i: (i, 0)),
        pl.BlockSpec((BN, 128), lambda i: (i, 0)),
        pl.BlockSpec((BN, 128), lambda i: (i, 0)),
        pl.BlockSpec((dout, din), lambda i: (0, 0)),
        pl.BlockSpec((1, dout), lambda i: (0, 0)),
        pl.BlockSpec((dout, 128), lambda i: (0, 0)),
        pl.BlockSpec((dout, 128), lambda i: (0, 0)),
    ]
    return pl.pallas_call(
        body,
        grid=(N // BN,),
        in_specs=in_specs,
        out_specs=pl.BlockSpec((BN, dout), lambda i: (i, 0)),
        out_shape=jax.ShapeDtypeStruct((N, dout), _F32),
    )(h, ma, mb, c0, c1, Wl, bl.reshape(1, -1), Wra, Wrb)


def _tc_pool_mlp(h4, batch2, l1W, l1b, l2W, l2b, l3W, l3b, l4W, l4b):
    nblk = N // BN

    def body(h_r, b_r, w1, b1, w2, b2, w3, b3, w4, b4, out_r, acc, cacc):
        i = pl.program_id(0)

        @pl.when(i == 0)
        def _():
            acc[...] = jnp.zeros((G, D), _F32)
            cacc[...] = jnp.zeros((G, D), _F32)

        mask = (b_r[...] == lax.broadcasted_iota(jnp.int32, (BN, G), 1)).astype(_F32)
        acc[...] += lax.dot_general(mask, h_r[...], (((0,), (0,)), ((), ())),
                                    preferred_element_type=_F32,
                                    precision=lax.Precision.HIGHEST)
        cacc[...] += lax.dot_general(mask, jnp.ones((BN, D), _F32),
                                     (((0,), (0,)), ((), ())),
                                     preferred_element_type=_F32,
                                     precision=lax.Precision.HIGHEST)

        @pl.when(i == nblk - 1)
        def _():
            g = acc[...] / jnp.maximum(cacc[...], 1.0)
            g = jnp.maximum(_dgT(g, w1[...]) + b1[...], 0.0)
            g = jnp.maximum(_dgT(g, w2[...]) + b2[...], 0.0)
            g = jnp.maximum(_dgT(g, w3[...]) + b3[...], 0.0)
            o = lax.dot_general(w4[...], g, (((1,), (1,)), ((), ())),
                                preferred_element_type=_F32)
            out_r[...] = o + b4[...]

    in_specs = [
        pl.BlockSpec((BN, D), lambda i: (i, 0)),
        pl.BlockSpec((BN, 1), lambda i: (i, 0)),
        pl.BlockSpec((128, 128), lambda i: (0, 0)),
        pl.BlockSpec((1, 128), lambda i: (0, 0)),
        pl.BlockSpec((64, 128), lambda i: (0, 0)),
        pl.BlockSpec((1, 64), lambda i: (0, 0)),
        pl.BlockSpec((64, 64), lambda i: (0, 0)),
        pl.BlockSpec((1, 64), lambda i: (0, 0)),
        pl.BlockSpec((1, 64), lambda i: (0, 0)),
        pl.BlockSpec((1, 1), lambda i: (0, 0)),
    ]
    out = pl.pallas_call(
        body,
        grid=(nblk,),
        in_specs=in_specs,
        out_specs=pl.BlockSpec((1, G), lambda i: (0, 0)),
        out_shape=jax.ShapeDtypeStruct((1, G), _F32),
        scratch_shapes=[pltpu.VMEM((G, D), _F32), pltpu.VMEM((G, D), _F32)],
    )(h4, batch2,
      l1W, l1b.reshape(1, -1), l2W, l2b.reshape(1, -1),
      l3W, l3b.reshape(1, -1), l4W, l4b.reshape(1, -1))
    return out


def kernel(x, edge_index, batch,
           conv1_Wl, conv1_bl, conv1_Wr,
           conv2_Wl, conv2_bl, conv2_Wr,
           conv3_Wl, conv3_bl, conv3_Wr,
           conv4_Wl, conv4_bl, conv4_Wr,
           lin1_W, lin1_b, lin2_W, lin2_b,
           lin3_W, lin3_b, lin4_W, lin4_b):
    pad = EPAD - E
    src3 = jnp.concatenate(
        [edge_index[0], jnp.zeros((pad,), jnp.int32)]).reshape(NW, NCH, C)
    dst3 = jnp.concatenate(
        [edge_index[1], jnp.full((pad,), N, jnp.int32)]).reshape(NW, NCH, C)
    zeros128 = jnp.zeros((C, D), _F32)
    ones128 = jnp.ones((C, D), _F32)

    cnt = _sc_segcnt(dst3, zeros128, ones128)
    c0 = cnt[:N]
    c1 = cnt[NP:NP + N]
    zeros128 = zeros128 + cnt[0:1, 0:1] * 0.0

    def seg(feat):
        m = _sc_segsum(feat, src3, dst3, zeros128)
        return m[:N], m[NP:NP + N]

    src4 = src3.reshape(NS, 2, NCH, C)
    dst4 = dst3.reshape(NS, 2, NCH, C)

    m0, m1 = seg(x)
    h1 = _tc_layer(x, m0, m1, c0, c1, conv1_Wl, conv1_bl, conv1_Wr)
    mw = _sc_segsum_wide(h1[:, :128], h1[:, 128:], src4, dst4, zeros128)
    h2 = _tc_layer_split(h1, mw[:N], mw[NP:NP + N], c0, c1, conv2_Wl,
                         conv2_bl, conv2_Wr[:, :128], conv2_Wr[:, 128:])
    m0, m1 = seg(h2)
    h3 = _tc_layer(h2, m0, m1, c0, c1, conv3_Wl, conv3_bl, conv3_Wr)
    m0, m1 = seg(h3)
    h4 = _tc_layer(h3, m0, m1, c0, c1, conv4_Wl, conv4_bl, conv4_Wr)

    out = _tc_pool_mlp(h4, batch.reshape(N, 1),
                       lin1_W, lin1_b, lin2_W, lin2_b,
                       lin3_W, lin3_b, lin4_W, lin4_b)
    return out.reshape(G)

# --- scband reference (transcript-rebuilt; emitter-appended) ---
"""Pipeline reference for scband-graph-sagemodel-18107582119954 (READ-ONLY COPY).

The authoritative reference and input builder live on the scoring server;
editing this copy changes nothing except your own understanding.
"""

import jax, jax.numpy as jnp
import numpy as np

N = 10000
E = 320000
D = 128
G = 128


def setup_inputs(seed: int = 0):
    key = jax.random.key(seed)
    inp = {}
    inp["x"] = jax.random.normal(jax.random.fold_in(key, 0), (N, D), dtype=jnp.float32)
    inp["edge_index"] = jax.random.randint(jax.random.fold_in(key, 1), (2, E), 0, N, dtype=jnp.int32)
    inp["batch"] = jnp.sort(jax.random.randint(jax.random.fold_in(key, 2), (N,), 0, G, dtype=jnp.int32))
    conv_dims = [(128, 256), (256, 128), (128, 128), (128, 128)]
    k = 10
    for i, (din, dout) in enumerate(conv_dims, 1):
        s = 1.0 / np.sqrt(din)
        inp["conv%d_Wl" % i] = jax.random.normal(jax.random.fold_in(key, k), (dout, din), dtype=jnp.float32) * s
        k += 1
        inp["conv%d_bl" % i] = jnp.zeros((dout,), dtype=jnp.float32)
        inp["conv%d_Wr" % i] = jax.random.normal(jax.random.fold_in(key, k), (dout, din), dtype=jnp.float32) * s
        k += 1
    lin_dims = [(128, 128), (128, 64), (64, 64), (64, 1)]
    for i, (din, dout) in enumerate(lin_dims, 1):
        s = 1.0 / np.sqrt(din)
        inp["lin%d_W" % i] = jax.random.normal(jax.random.fold_in(key, k), (dout, din), dtype=jnp.float32) * s
        k += 1
        inp["lin%d_b" % i] = jnp.zeros((dout,), dtype=jnp.float32)
    return inp


def _sage(x, edge_index, Wl, bl, Wr):
    # PyG SAGEConv (mean aggr): out = W_l x_i + b_l + W_r * mean_{j in N(i)} x_j
    src = edge_index[0]
    dst = edge_index[1]
    n = x.shape[0]
    msum = jax.ops.segment_sum(x[src], dst, num_segments=n)
    cnt = jax.ops.segment_sum(jnp.ones((edge_index.shape[1],), x.dtype), dst, num_segments=n)
    agg = msum / jnp.maximum(cnt, 1.0)[:, None]
    return x @ Wl.T + bl + agg @ Wr.T


def reference(x, edge_index, batch,
              conv1_Wl, conv1_bl, conv1_Wr,
              conv2_Wl, conv2_bl, conv2_Wr,
              conv3_Wl, conv3_bl, conv3_Wr,
              conv4_Wl, conv4_bl, conv4_Wr,
              lin1_W, lin1_b, lin2_W, lin2_b,
              lin3_W, lin3_b, lin4_W, lin4_b):
    h = jax.nn.relu(_sage(x, edge_index, conv1_Wl, conv1_bl, conv1_Wr))
    h = jax.nn.relu(_sage(h, edge_index, conv2_Wl, conv2_bl, conv2_Wr))
    h = jax.nn.relu(_sage(h, edge_index, conv3_Wl, conv3_bl, conv3_Wr))
    h = jax.nn.relu(_sage(h, edge_index, conv4_Wl, conv4_bl, conv4_Wr))
    gsum = jax.ops.segment_sum(h, batch, num_segments=G)
    gcnt = jax.ops.segment_sum(jnp.ones((h.shape[0],), h.dtype), batch, num_segments=G)
    g = gsum / jnp.maximum(gcnt, 1.0)[:, None]
    g = jax.nn.relu(g @ lin1_W.T + lin1_b)
    g = jax.nn.relu(g @ lin2_W.T + lin2_b)
    g = jax.nn.relu(g @ lin3_W.T + lin3_b)
    out = (g @ lin4_W.T + lin4_b).squeeze(1)
    return out

if __name__ == "__main__":
    import jax
    _d = setup_inputs()
    print(jax.jit(kernel)(*tuple(_d.values())))

</pallas_src>

<mosaic_0001>
#map = affine_map<(d0, d1) -> (0, 0, 0)>
#map1 = affine_map<(d0, d1) -> (0, 0)>
module attributes {stable_mosaic.version = 14 : i64} {
  func.func @k(%arg0: i32, %arg1: i32, %arg2: memref<32x80x128xi32, #tpu.memory_space<hbm>>, %arg3: memref<128x128xf32, #tpu.memory_space<hbm>>, %arg4: memref<128x128xf32, #tpu.memory_space<hbm>>, %arg5: memref<20480x128xf32, #tpu.memory_space<hbm>>, %arg6: memref<80x128xi32, #tpu.memory_space<vmem>>, %arg7: memref<128x128xf32, #tpu.memory_space<vmem>>, %arg8: memref<10240x128xf32, #tpu.memory_space<vmem_shared>>) attributes {dimension_semantics = [#tpu.dimension_semantics<core_parallel>, #tpu.dimension_semantics<subcore_parallel>], iteration_bounds = array<i64: 2, 16>, scalar_prefetch = 0 : i64, scratch_operands = 3 : i64, tpu.core_type = #tpu.core_type<sc_vector_subcore>, window_params = [{transform_indices = #map}, {transform_indices = #map1}, {transform_indices = #map1}, {transform_indices = #map1}]} {
    %mul3A = arith.constant 2 : i32
    %mul3A_0 = arith.muli %arg1, %mul3A : i32
    %add3A = arith.addi %mul3A_0, %arg0 : i32
    "tpu.region"() ({
      %run_scoped3A = tpu.sem_alloc : memref<!tpu.dma_semaphore, #tpu.memory_space<semaphore_mem>>
      tpu.enqueue_dma source(%arg3 : memref<128x128xf32, #tpu.memory_space<hbm>>) target(%arg7 : memref<128x128xf32, #tpu.memory_space<vmem>>) target_semaphore(%run_scoped3A : memref<!tpu.dma_semaphore, #tpu.memory_space<semaphore_mem>>)
      tpu.wait_dma2 semaphore(%run_scoped3A : memref<!tpu.dma_semaphore, #tpu.memory_space<semaphore_mem>>) src(%arg3 : memref<128x128xf32, #tpu.memory_space<hbm>>) dst(%arg7 : memref<128x128xf32, #tpu.memory_space<vmem>>)
      tpu.yield
    }) : () -> ()
    %mul3A_1 = arith.constant 640 : i32
    %mul3A_2 = arith.muli %arg1, %mul3A_1 : i32
    %add3A_3 = arith.constant 0 : i32
    %add3A_4 = arith.addi %mul3A_2, %add3A_3 : i32
    "tpu.region"() ({
      %run_scoped3A = tpu.sem_alloc : memref<!tpu.dma_semaphore, #tpu.memory_space<semaphore_mem>>
      %dma_start3A = arith.constant 0 : i32
      %dma_start3A_82 = tpu.memref_slice %arg8[%add3A_4, %dma_start3A] : memref<10240x128xf32, #tpu.memory_space<vmem_shared>> -> memref<128x128xf32, #tpu.memory_space<vmem_shared>>
      %dma_start3A_83 = arith.constant 0 : i32
      %dma_start3A_84 = tpu.memref_slice %arg8[%add3A_4, %dma_start3A_83] : memref<10240x128xf32, #tpu.memory_space<vmem_shared>> -> memref<128x128xf32, #tpu.memory_space<vmem_shared>>
      tpu.enqueue_dma source(%arg7 : memref<128x128xf32, #tpu.memory_space<vmem>>) target(%dma_start3A_84 : memref<128x128xf32, #tpu.memory_space<vmem_shared>>) target_semaphore(%run_scoped3A : memref<!tpu.dma_semaphore, #tpu.memory_space<semaphore_mem>>)
      %dma_wait3A = arith.constant 0 : i32
      %dma_wait3A_85 = tpu.memref_slice %arg8[%add3A_4, %dma_wait3A] : memref<10240x128xf32, #tpu.memory_space<vmem_shared>> -> memref<128x128xf32, #tpu.memory_space<vmem_shared>>
      %dma_wait3A_86 = arith.constant 0 : i32
      %dma_wait3A_87 = tpu.memref_slice %arg8[%add3A_4, %dma_wait3A_86] : memref<10240x128xf32, #tpu.memory_space<vmem_shared>> -> memref<128x128xf32, #tpu.memory_space<vmem_shared>>
      tpu.wait_dma2 semaphore(%run_scoped3A : memref<!tpu.dma_semaphore, #tpu.memory_space<semaphore_mem>>) src(%arg7 : memref<128x128xf32, #tpu.memory_space<vmem>>) dst(%dma_wait3A_87 : memref<128x128xf32, #tpu.memory_space<vmem_shared>>)
      tpu.yield
    }) : () -> ()
    %mul3A_5 = arith.constant 640 : i32
    %mul3A_6 = arith.muli %arg1, %mul3A_5 : i32
    %add3A_7 = arith.constant 128 : i32
    %add3A_8 = arith.addi %mul3A_6, %add3A_7 : i32
    "tpu.region"() ({
      %run_scoped3A = tpu.sem_alloc : memref<!tpu.dma_semaphore, #tpu.memory_space<semaphore_mem>>
      %dma_start3A = arith.constant 0 : i32
      %dma_start3A_82 = tpu.memref_slice %arg8[%add3A_8, %dma_start3A] : memref<10240x128xf32, #tpu.memory_space<vmem_shared>> -> memref<128x128xf32, #tpu.memory_space<vmem_shared>>
      %dma_start3A_83 = arith.constant 0 : i32
      %dma_start3A_84 = tpu.memref_slice %arg8[%add3A_8, %dma_start3A_83] : memref<10240x128xf32, #tpu.memory_space<vmem_shared>> -> memref<128x128xf32, #tpu.memory_space<vmem_shared>>
      tpu.enqueue_dma source(%arg7 : memref<128x128xf32, #tpu.memory_space<vmem>>) target(%dma_start3A_84 : memref<128x128xf32, #tpu.memory_space<vmem_shared>>) target_semaphore(%run_scoped3A : memref<!tpu.dma_semaphore, #tpu.memory_space<semaphore_mem>>)
      %dma_wait3A = arith.constant 0 : i32
      %dma_wait3A_85 = tpu.memref_slice %arg8[%add3A_8, %dma_wait3A] : memref<10240x128xf32, #tpu.memory_space<vmem_shared>> -> memref<128x128xf32, #tpu.memory_space<vmem_shared>>
      %dma_wait3A_86 = arith.constant 0 : i32
      %dma_wait3A_87 = tpu.memref_slice %arg8[%add3A_8, %dma_wait3A_86] : memref<10240x128xf32, #tpu.memory_space<vmem_shared>> -> memref<128x128xf32, #tpu.memory_space<vmem_shared>>
      tpu.wait_dma2 semaphore(%run_scoped3A : memref<!tpu.dma_semaphore, #tpu.memory_space<semaphore_mem>>) src(%arg7 : memref<128x128xf32, #tpu.memory_space<vmem>>) dst(%dma_wait3A_87 : memref<128x128xf32, #tpu.memory_space<vmem_shared>>)
      tpu.yield
    }) : () -> ()
    %mul3A_9 = arith.constant 640 : i32
    %mul3A_10 = arith.muli %arg1, %mul3A_9 : i32
    %add3A_11 = arith.constant 256 : i32
    %add3A_12 = arith.addi %mul3A_10, %add3A_11 : i32
    "tpu.region"() ({
      %run_scoped3A = tpu.sem_alloc : memref<!tpu.dma_semaphore, #tpu.memory_space<semaphore_mem>>
      %dma_start3A = arith.constant 0 : i32
      %dma_start3A_82 = tpu.memref_slice %arg8[%add3A_12, %dma_start3A] : memref<10240x128xf32, #tpu.memory_space<vmem_shared>> -> memref<128x128xf32, #tpu.memory_space<vmem_shared>>
      %dma_start3A_83 = arith.constant 0 : i32
      %dma_start3A_84 = tpu.memref_slice %arg8[%add3A_12, %dma_start3A_83] : memref<10240x128xf32, #tpu.memory_space<vmem_shared>> -> memref<128x128xf32, #tpu.memory_space<vmem_shared>>
      tpu.enqueue_dma source(%arg7 : memref<128x128xf32, #tpu.memory_space<vmem>>) target(%dma_start3A_84 : memref<128x128xf32, #tpu.memory_space<vmem_shared>>) target_semaphore(%run_scoped3A : memref<!tpu.dma_semaphore, #tpu.memory_space<semaphore_mem>>)
      %dma_wait3A = arith.constant 0 : i32
      %dma_wait3A_85 = tpu.memref_slice %arg8[%add3A_12, %dma_wait3A] : memref<10240x128xf32, #tpu.memory_space<vmem_shared>> -> memref<128x128xf32, #tpu.memory_space<vmem_shared>>
      %dma_wait3A_86 = arith.constant 0 : i32
      %dma_wait3A_87 = tpu.memref_slice %arg8[%add3A_12, %dma_wait3A_86] : memref<10240x128xf32, #tpu.memory_space<vmem_shared>> -> memref<128x128xf32, #tpu.memory_space<vmem_shared>>
      tpu.wait_dma2 semaphore(%run_scoped3A : memref<!tpu.dma_semaphore, #tpu.memory_space<semaphore_mem>>) src(%arg7 : memref<128x128xf32, #tpu.memory_space<vmem>>) dst(%dma_wait3A_87 : memref<128x128xf32, #tpu.memory_space<vmem_shared>>)
      tpu.yield
    }) : () -> ()
    %mul3A_13 = arith.constant 640 : i32
    %mul3A_14 = arith.muli %arg1, %mul3A_13 : i32
    %add3A_15 = arith.constant 384 : i32
    %add3A_16 = arith.addi %mul3A_14, %add3A_15 : i32
    "tpu.region"() ({
      %run_scoped3A = tpu.sem_alloc : memref<!tpu.dma_semaphore, #tpu.memory_space<semaphore_mem>>
      %dma_start3A = arith.constant 0 : i32
      %dma_start3A_82 = tpu.memref_slice %arg8[%add3A_16, %dma_start3A] : memref<10240x128xf32, #tpu.memory_space<vmem_shared>> -> memref<128x128xf32, #tpu.memory_space<vmem_shared>>
      %dma_start3A_83 = arith.constant 0 : i32
      %dma_start3A_84 = tpu.memref_slice %arg8[%add3A_16, %dma_start3A_83] : memref<10240x128xf32, #tpu.memory_space<vmem_shared>> -> memref<128x128xf32, #tpu.memory_space<vmem_shared>>
      tpu.enqueue_dma source(%arg7 : memref<128x128xf32, #tpu.memory_space<vmem>>) target(%dma_start3A_84 : memref<128x128xf32, #tpu.memory_space<vmem_shared>>) target_semaphore(%run_scoped3A : memref<!tpu.dma_semaphore, #tpu.memory_space<semaphore_mem>>)
      %dma_wait3A = arith.constant 0 : i32
      %dma_wait3A_85 = tpu.memref_slice %arg8[%add3A_16, %dma_wait3A] : memref<10240x128xf32, #tpu.memory_space<vmem_shared>> -> memref<128x128xf32, #tpu.memory_space<vmem_shared>>
      %dma_wait3A_86 = arith.constant 0 : i32
      %dma_wait3A_87 = tpu.memref_slice %arg8[%add3A_16, %dma_wait3A_86] : memref<10240x128xf32, #tpu.memory_space<vmem_shared>> -> memref<128x128xf32, #tpu.memory_space<vmem_shared>>
      tpu.wait_dma2 semaphore(%run_scoped3A : memref<!tpu.dma_semaphore, #tpu.memory_space<semaphore_mem>>) src(%arg7 : memref<128x128xf32, #tpu.memory_space<vmem>>) dst(%dma_wait3A_87 : memref<128x128xf32, #tpu.memory_space<vmem_shared>>)
      tpu.yield
    }) : () -> ()
    %mul3A_17 = arith.constant 640 : i32
    %mul3A_18 = arith.muli %arg1, %mul3A_17 : i32
    %add3A_19 = arith.constant 512 : i32
    %add3A_20 = arith.addi %mul3A_18, %add3A_19 : i32
    "tpu.region"() ({
      %run_scoped3A = tpu.sem_alloc : memref<!tpu.dma_semaphore, #tpu.memory_space<semaphore_mem>>
      %dma_start3A = arith.constant 0 : i32
      %dma_start3A_82 = tpu.memref_slice %arg8[%add3A_20, %dma_start3A] : memref<10240x128xf32, #tpu.memory_space<vmem_shared>> -> memref<128x128xf32, #tpu.memory_space<vmem_shared>>
      %dma_start3A_83 = arith.constant 0 : i32
      %dma_start3A_84 = tpu.memref_slice %arg8[%add3A_20, %dma_start3A_83] : memref<10240x128xf32, #tpu.memory_space<vmem_shared>> -> memref<128x128xf32, #tpu.memory_space<vmem_shared>>
      tpu.enqueue_dma source(%arg7 : memref<128x128xf32, #tpu.memory_space<vmem>>) target(%dma_start3A_84 : memref<128x128xf32, #tpu.memory_space<vmem_shared>>) target_semaphore(%run_scoped3A : memref<!tpu.dma_semaphore, #tpu.memory_space<semaphore_mem>>)
      %dma_wait3A = arith.constant 0 : i32
      %dma_wait3A_85 = tpu.memref_slice %arg8[%add3A_20, %dma_wait3A] : memref<10240x128xf32, #tpu.memory_space<vmem_shared>> -> memref<128x128xf32, #tpu.memory_space<vmem_shared>>
      %dma_wait3A_86 = arith.constant 0 : i32
      %dma_wait3A_87 = tpu.memref_slice %arg8[%add3A_20, %dma_wait3A_86] : memref<10240x128xf32, #tpu.memory_space<vmem_shared>> -> memref<128x128xf32, #tpu.memory_space<vmem_shared>>
      tpu.wait_dma2 semaphore(%run_scoped3A : memref<!tpu.dma_semaphore, #tpu.memory_space<semaphore_mem>>) src(%arg7 : memref<128x128xf32, #tpu.memory_space<vmem>>) dst(%dma_wait3A_87 : memref<128x128xf32, #tpu.memory_space<vmem_shared>>)
      tpu.yield
    }) : () -> ()
    "tpu.region"() ({
      %run_scoped3A = tpu.sem_alloc : memref<!tpu.dma_semaphore, #tpu.memory_space<semaphore_mem>>
      tpu.enqueue_dma source(%arg4 : memref<128x128xf32, #tpu.memory_space<hbm>>) target(%arg7 : memref<128x128xf32, #tpu.memory_space<vmem>>) target_semaphore(%run_scoped3A : memref<!tpu.dma_semaphore, #tpu.memory_space<semaphore_mem>>)
      tpu.wait_dma2 semaphore(%run_scoped3A : memref<!tpu.dma_semaphore, #tpu.memory_space<semaphore_mem>>) src(%arg4 : memref<128x128xf32, #tpu.memory_space<hbm>>) dst(%arg7 : memref<128x128xf32, #tpu.memory_space<vmem>>)
      tpu.yield
    }) : () -> ()
    "tpu.region"() ({
      %run_scoped3A = tpu.sem_alloc : memref<!tpu.dma_semaphore, #tpu.memory_space<semaphore_mem>>
      %dma_start3A = arith.constant 0 : i32
      %dma_start3A_82 = arith.constant 0 : i32
      %dma_start3A_83 = tpu.memref_slice %arg2[%add3A, %dma_start3A, %dma_start3A_82] : memref<32x80x128xi32, #tpu.memory_space<hbm>> -> memref<1x80x128xi32, #tpu.memory_space<hbm>>
      %dma_start3A_84 = tpu.memref_squeeze %dma_start3A_83 : memref<1x80x128xi32, #tpu.memory_space<hbm>> -> memref<80x128xi32, #tpu.memory_space<hbm>>
      %dma_start3A_85 = arith.constant 0 : i32
      %dma_start3A_86 = arith.constant 0 : i32
      %dma_start3A_87 = tpu.memref_slice %arg2[%add3A, %dma_start3A_85, %dma_start3A_86] : memref<32x80x128xi32, #tpu.memory_space<hbm>> -> memref<1x80x128xi32, #tpu.memory_space<hbm>>
      %dma_start3A_88 = tpu.memref_squeeze %dma_start3A_87 : memref<1x80x128xi32, #tpu.memory_space<hbm>> -> memref<80x128xi32, #tpu.memory_space<hbm>>
      tpu.enqueue_dma source(%dma_start3A_88 : memref<80x128xi32, #tpu.memory_space<hbm>>) target(%arg6 : memref<80x128xi32, #tpu.memory_space<vmem>>) target_semaphore(%run_scoped3A : memref<!tpu.dma_semaphore, #tpu.memory_space<semaphore_mem>>)
      %dma_wait3A = arith.constant 0 : i32
      %dma_wait3A_89 = arith.constant 0 : i32
      %dma_wait3A_90 = tpu.memref_slice %arg2[%add3A, %dma_wait3A, %dma_wait3A_89] : memref<32x80x128xi32, #tpu.memory_space<hbm>> -> memref<1x80x128xi32, #tpu.memory_space<hbm>>
      %dma_wait3A_91 = tpu.memref_squeeze %dma_wait3A_90 : memref<1x80x128xi32, #tpu.memory_space<hbm>> -> memref<80x128xi32, #tpu.memory_space<hbm>>
      %dma_wait3A_92 = arith.constant 0 : i32
      %dma_wait3A_93 = arith.constant 0 : i32
      %dma_wait3A_94 = tpu.memref_slice %arg2[%add3A, %dma_wait3A_92, %dma_wait3A_93] : memref<32x80x128xi32, #tpu.memory_space<hbm>> -> memref<1x80x128xi32, #tpu.memory_space<hbm>>
      %dma_wait3A_95 = tpu.memref_squeeze %dma_wait3A_94 : memref<1x80x128xi32, #tpu.memory_space<hbm>> -> memref<80x128xi32, #tpu.memory_space<hbm>>
      tpu.wait_dma2 semaphore(%run_scoped3A : memref<!tpu.dma_semaphore, #tpu.memory_space<semaphore_mem>>) src(%dma_wait3A_95 : memref<80x128xi32, #tpu.memory_space<hbm>>) dst(%arg6 : memref<80x128xi32, #tpu.memory_space<vmem>>)
      tpu.yield
    }) : () -> ()
    %barrier3A = arith.constant 0 : index
    tpu.barrier barrier_id(%barrier3A)
    %scan3A = arith.constant 0 : i32
    %scan3A_21 = arith.constant 0 : i32
    %scan3A_22 = arith.constant 80 : i32
    %scan3A_23 = arith.addi %scan3A_21, %scan3A_22 : i32
    %scan3A_24 = arith.constant 1 : i32
    scf.for %scan3A_82 = %scan3A_21 to %scan3A_23 step %scan3A_24  : i32 {
      "tpu.region"() ({
        %run_scoped3A = tpu.sem_alloc : memref<!tpu.dma_semaphore, #tpu.memory_space<semaphore_mem>>
        %dma_start3A = arith.constant 0 : i32
        %dma_start3A_83 = tpu.memref_slice %arg6[%scan3A_82, %dma_start3A] : memref<80x128xi32, #tpu.memory_space<vmem>> -> memref<1x128xi32, #tpu.memory_space<vmem>>
        %dma_start3A_84 = tpu.memref_squeeze %dma_start3A_83 : memref<1x128xi32, #tpu.memory_space<vmem>> -> memref<128xi32, #tpu.memory_space<vmem>>
        %dma_start3A_85 = arith.constant 0 : i32
        %dma_start3A_86 = arith.constant 0 : i32
        %dma_start3A_87 = tpu.memref_slice %arg8[%dma_start3A_85, %dma_start3A_86] : memref<10240x128xf32, #tpu.memory_space<vmem_shared>> -> memref<10240x128xf32, #tpu.memory_space<vmem_shared>>
        tpu.enqueue_indirect_dma source(%arg7 : memref<128x128xf32, #tpu.memory_space<vmem>>) target(%dma_start3A_87 : memref<10240x128xf32, #tpu.memory_space<vmem_shared>>) offsets(%dma_start3A_84 : memref<128xi32, #tpu.memory_space<vmem>>) semaphore(%run_scoped3A : memref<!tpu.dma_semaphore, #tpu.memory_space<semaphore_mem>>) {add = true}
        %dma_wait3A = arith.constant 0 : i32
        %dma_wait3A_88 = tpu.memref_slice %arg6[%scan3A_82, %dma_wait3A] : memref<80x128xi32, #tpu.memory_space<vmem>> -> memref<1x128xi32, #tpu.memory_space<vmem>>
        %dma_wait3A_89 = tpu.memref_squeeze %dma_wait3A_88 : memref<1x128xi32, #tpu.memory_space<vmem>> -> memref<128xi32, #tpu.memory_space<vmem>>
        %dma_wait3A_90 = arith.constant 0 : i32
        %dma_wait3A_91 = arith.constant 0 : i32
        %dma_wait3A_92 = tpu.memref_slice %arg8[%dma_wait3A_90, %dma_wait3A_91] : memref<10240x128xf32, #tpu.memory_space<vmem_shared>> -> memref<10240x128xf32, #tpu.memory_space<vmem_shared>>
        tpu.wait_indirect_dma semaphore(%run_scoped3A : memref<!tpu.dma_semaphore, #tpu.memory_space<semaphore_mem>>) src(%arg7 : memref<128x128xf32, #tpu.memory_space<vmem>>) dst(%dma_wait3A_92 : memref<10240x128xf32, #tpu.memory_space<vmem_shared>>)
        tpu.yield
      }) : () -> ()
    }
    %scan3A_25 = arith.constant 80 : i32
    %barrier3A_26 = arith.constant 0 : index
    tpu.barrier barrier_id(%barrier3A_26)
    %mul3A_27 = arith.constant 640 : i32
    %mul3A_28 = arith.muli %arg1, %mul3A_27 : i32
    %add3A_29 = arith.constant 0 : i32
    %add3A_30 = arith.addi %mul3A_28, %add3A_29 : i32
    "tpu.region"() ({
      %run_scoped3A = tpu.sem_alloc : memref<!tpu.dma_semaphore, #tpu.memory_space<semaphore_mem>>
      %dma_start3A = arith.constant 0 : i32
      %dma_start3A_82 = tpu.memref_slice %arg8[%add3A_30, %dma_start3A] : memref<10240x128xf32, #tpu.memory_space<vmem_shared>> -> memref<128x128xf32, #tpu.memory_space<vmem_shared>>
      %dma_start3A_83 = arith.constant 0 : i32
      %dma_start3A_84 = tpu.memref_slice %arg8[%add3A_30, %dma_start3A_83] : memref<10240x128xf32, #tpu.memory_space<vmem_shared>> -> memref<128x128xf32, #tpu.memory_space<vmem_shared>>
      tpu.enqueue_dma source(%dma_start3A_84 : memref<128x128xf32, #tpu.memory_space<vmem_shared>>) target(%arg7 : memref<128x128xf32, #tpu.memory_space<vmem>>) target_semaphore(%run_scoped3A : memref<!tpu.dma_semaphore, #tpu.memory_space<semaphore_mem>>)
      %dma_wait3A = arith.constant 0 : i32
      %dma_wait3A_85 = tpu.memref_slice %arg8[%add3A_30, %dma_wait3A] : memref<10240x128xf32, #tpu.memory_space<vmem_shared>> -> memref<128x128xf32, #tpu.memory_space<vmem_shared>>
      %dma_wait3A_86 = arith.constant 0 : i32
      %dma_wait3A_87 = tpu.memref_slice %arg8[%add3A_30, %dma_wait3A_86] : memref<10240x128xf32, #tpu.memory_space<vmem_shared>> -> memref<128x128xf32, #tpu.memory_space<vmem_shared>>
      tpu.wait_dma2 semaphore(%run_scoped3A : memref<!tpu.dma_semaphore, #tpu.memory_space<semaphore_mem>>) src(%dma_wait3A_87 : memref<128x128xf32, #tpu.memory_space<vmem_shared>>) dst(%arg7 : memref<128x128xf32, #tpu.memory_space<vmem>>)
      tpu.yield
    }) : () -> ()
    %mul3A_31 = arith.constant 10240 : i32
    %mul3A_32 = arith.muli %arg0, %mul3A_31 : i32
    %mul3A_33 = arith.constant 640 : i32
    %mul3A_34 = arith.muli %arg1, %mul3A_33 : i32
    %add3A_35 = arith.addi %mul3A_32, %mul3A_34 : i32
    %add3A_36 = arith.constant 0 : i32
    %add3A_37 = arith.addi %add3A_35, %add3A_36 : i32
    "tpu.region"() ({
      %run_scoped3A = tpu.sem_alloc : memref<!tpu.dma_semaphore, #tpu.memory_space<semaphore_mem>>
      %dma_start3A = arith.constant 0 : i32
      %dma_start3A_82 = tpu.memref_slice %arg5[%add3A_37, %dma_start3A] : memref<20480x128xf32, #tpu.memory_space<hbm>> -> memref<128x128xf32, #tpu.memory_space<hbm>>
      %dma_start3A_83 = arith.constant 0 : i32
      %dma_start3A_84 = tpu.memref_slice %arg5[%add3A_37, %dma_start3A_83] : memref<20480x128xf32, #tpu.memory_space<hbm>> -> memref<128x128xf32, #tpu.memory_space<hbm>>
      tpu.enqueue_dma source(%arg7 : memref<128x128xf32, #tpu.memory_space<vmem>>) target(%dma_start3A_84 : memref<128x128xf32, #tpu.memory_space<hbm>>) target_semaphore(%run_scoped3A : memref<!tpu.dma_semaphore, #tpu.memory_space<semaphore_mem>>)
      %dma_wait3A = arith.constant 0 : i32
      %dma_wait3A_85 = tpu.memref_slice %arg5[%add3A_37, %dma_wait3A] : memref<20480x128xf32, #tpu.memory_space<hbm>> -> memref<128x128xf32, #tpu.memory_space<hbm>>
      %dma_wait3A_86 = arith.constant 0 : i32
      %dma_wait3A_87 = tpu.memref_slice %arg5[%add3A_37, %dma_wait3A_86] : memref<20480x128xf32, #tpu.memory_space<hbm>> -> memref<128x128xf32, #tpu.memory_space<hbm>>
      tpu.wait_dma2 semaphore(%run_scoped3A : memref<!tpu.dma_semaphore, #tpu.memory_space<semaphore_mem>>) src(%arg7 : memref<128x128xf32, #tpu.memory_space<vmem>>) dst(%dma_wait3A_87 : memref<128x128xf32, #tpu.memory_space<hbm>>)
      tpu.yield
    }) : () -> ()
    %mul3A_38 = arith.constant 640 : i32
    %mul3A_39 = arith.muli %arg1, %mul3A_38 : i32
    %add3A_40 = arith.constant 128 : i32
    %add3A_41 = arith.addi %mul3A_39, %add3A_40 : i32
    "tpu.region"() ({
      %run_scoped3A = tpu.sem_alloc : memref<!tpu.dma_semaphore, #tpu.memory_space<semaphore_mem>>
      %dma_start3A = arith.constant 0 : i32
      %dma_start3A_82 = tpu.memref_slice %arg8[%add3A_41, %dma_start3A] : memref<10240x128xf32, #tpu.memory_space<vmem_shared>> -> memref<128x128xf32, #tpu.memory_space<vmem_shared>>
      %dma_start3A_83 = arith.constant 0 : i32
      %dma_start3A_84 = tpu.memref_slice %arg8[%add3A_41, %dma_start3A_83] : memref<10240x128xf32, #tpu.memory_space<vmem_shared>> -> memref<128x128xf32, #tpu.memory_space<vmem_shared>>
      tpu.enqueue_dma source(%dma_start3A_84 : memref<128x128xf32, #tpu.memory_space<vmem_shared>>) target(%arg7 : memref<128x128xf32, #tpu.memory_space<vmem>>) target_semaphore(%run_scoped3A : memref<!tpu.dma_semaphore, #tpu.memory_space<semaphore_mem>>)
      %dma_wait3A = arith.constant 0 : i32
      %dma_wait3A_85 = tpu.memref_slice %arg8[%add3A_41, %dma_wait3A] : memref<10240x128xf32, #tpu.memory_space<vmem_shared>> -> memref<128x128xf32, #tpu.memory_space<vmem_shared>>
      %dma_wait3A_86 = arith.constant 0 : i32
      %dma_wait3A_87 = tpu.memref_slice %arg8[%add3A_41, %dma_wait3A_86] : memref<10240x128xf32, #tpu.memory_space<vmem_shared>> -> memref<128x128xf32, #tpu.memory_space<vmem_shared>>
      tpu.wait_dma2 semaphore(%run_scoped3A : memref<!tpu.dma_semaphore, #tpu.memory_space<semaphore_mem>>) src(%dma_wait3A_87 : memref<128x128xf32, #tpu.memory_space<vmem_shared>>) dst(%arg7 : memref<128x128xf32, #tpu.memory_space<vmem>>)
      tpu.yield
    }) : () -> ()
    %mul3A_42 = arith.constant 10240 : i32
    %mul3A_43 = arith.muli %arg0, %mul3A_42 : i32
    %mul3A_44 = arith.constant 640 : i32
    %mul3A_45 = arith.muli %arg1, %mul3A_44 : i32
    %add3A_46 = arith.addi %mul3A_43, %mul3A_45 : i32
    %add3A_47 = arith.constant 128 : i32
    %add3A_48 = arith.addi %add3A_46, %add3A_47 : i32
    "tpu.region"() ({
      %run_scoped3A = tpu.sem_alloc : memref<!tpu.dma_semaphore, #tpu.memory_space<semaphore_mem>>
      %dma_start3A = arith.constant 0 : i32
      %dma_start3A_82 = tpu.memref_slice %arg5[%add3A_48, %dma_start3A] : memref<20480x128xf32, #tpu.memory_space<hbm>> -> memref<128x128xf32, #tpu.memory_space<hbm>>
      %dma_start3A_83 = arith.constant 0 : i32
      %dma_start3A_84 = tpu.memref_slice %arg5[%add3A_48, %dma_start3A_83] : memref<20480x128xf32, #tpu.memory_space<hbm>> -> memref<128x128xf32, #tpu.memory_space<hbm>>
      tpu.enqueue_dma source(%arg7 : memref<128x128xf32, #tpu.memory_space<vmem>>) target(%dma_start3A_84 : memref<128x128xf32, #tpu.memory_space<hbm>>) target_semaphore(%run_scoped3A : memref<!tpu.dma_semaphore, #tpu.memory_space<semaphore_mem>>)
      %dma_wait3A = arith.constant 0 : i32
      %dma_wait3A_85 = tpu.memref_slice %arg5[%add3A_48, %dma_wait3A] : memref<20480x128xf32, #tpu.memory_space<hbm>> -> memref<128x128xf32, #tpu.memory_space<hbm>>
      %dma_wait3A_86 = arith.constant 0 : i32
      %dma_wait3A_87 = tpu.memref_slice %arg5[%add3A_48, %dma_wait3A_86] : memref<20480x128xf32, #tpu.memory_space<hbm>> -> memref<128x128xf32, #tpu.memory_space<hbm>>
      tpu.wait_dma2 semaphore(%run_scoped3A : memref<!tpu.dma_semaphore, #tpu.memory_space<semaphore_mem>>) src(%arg7 : memref<128x128xf32, #tpu.memory_space<vmem>>) dst(%dma_wait3A_87 : memref<128x128xf32, #tpu.memory_space<hbm>>)
      tpu.yield
    }) : () -> ()
    %mul3A_49 = arith.constant 640 : i32
    %mul3A_50 = arith.muli %arg1, %mul3A_49 : i32
    %add3A_51 = arith.constant 256 : i32
    %add3A_52 = arith.addi %mul3A_50, %add3A_51 : i32
    "tpu.region"() ({
      %run_scoped3A = tpu.sem_alloc : memref<!tpu.dma_semaphore, #tpu.memory_space<semaphore_mem>>
      %dma_start3A = arith.constant 0 : i32
      %dma_start3A_82 = tpu.memref_slice %arg8[%add3A_52, %dma_start3A] : memref<10240x128xf32, #tpu.memory_space<vmem_shared>> -> memref<128x128xf32, #tpu.memory_space<vmem_shared>>
      %dma_start3A_83 = arith.constant 0 : i32
      %dma_start3A_84 = tpu.memref_slice %arg8[%add3A_52, %dma_start3A_83] : memref<10240x128xf32, #tpu.memory_space<vmem_shared>> -> memref<128x128xf32, #tpu.memory_space<vmem_shared>>
      tpu.enqueue_dma source(%dma_start3A_84 : memref<128x128xf32, #tpu.memory_space<vmem_shared>>) target(%arg7 : memref<128x128xf32, #tpu.memory_space<vmem>>) target_semaphore(%run_scoped3A : memref<!tpu.dma_semaphore, #tpu.memory_space<semaphore_mem>>)
      %dma_wait3A = arith.constant 0 : i32
      %dma_wait3A_85 = tpu.memref_slice %arg8[%add3A_52, %dma_wait3A] : memref<10240x128xf32, #tpu.memory_space<vmem_shared>> -> memref<128x128xf32, #tpu.memory_space<vmem_shared>>
      %dma_wait3A_86 = arith.constant 0 : i32
      %dma_wait3A_87 = tpu.memref_slice %arg8[%add3A_52, %dma_wait3A_86] : memref<10240x128xf32, #tpu.memory_space<vmem_shared>> -> memref<128x128xf32, #tpu.memory_space<vmem_shared>>
      tpu.wait_dma2 semaphore(%run_scoped3A : memref<!tpu.dma_semaphore, #tpu.memory_space<semaphore_mem>>) src(%dma_wait3A_87 : memref<128x128xf32, #tpu.memory_space<vmem_shared>>) dst(%arg7 : memref<128x128xf32, #tpu.memory_space<vmem>>)
      tpu.yield
    }) : () -> ()
    %mul3A_53 = arith.constant 10240 : i32
    %mul3A_54 = arith.muli %arg0, %mul3A_53 : i32
    %mul3A_55 = arith.constant 640 : i32
    %mul3A_56 = arith.muli %arg1, %mul3A_55 : i32
    %add3A_57 = arith.addi %mul3A_54, %mul3A_56 : i32
    %add3A_58 = arith.constant 256 : i32
    %add3A_59 = arith.addi %add3A_57, %add3A_58 : i32
    "tpu.region"() ({
      %run_scoped3A = tpu.sem_alloc : memref<!tpu.dma_semaphore, #tpu.memory_space<semaphore_mem>>
      %dma_start3A = arith.constant 0 : i32
      %dma_start3A_82 = tpu.memref_slice %arg5[%add3A_59, %dma_start3A] : memref<20480x128xf32, #tpu.memory_space<hbm>> -> memref<128x128xf32, #tpu.memory_space<hbm>>
      %dma_start3A_83 = arith.constant 0 : i32
      %dma_start3A_84 = tpu.memref_slice %arg5[%add3A_59, %dma_start3A_83] : memref<20480x128xf32, #tpu.memory_space<hbm>> -> memref<128x128xf32, #tpu.memory_space<hbm>>
      tpu.enqueue_dma source(%arg7 : memref<128x128xf32, #tpu.memory_space<vmem>>) target(%dma_start3A_84 : memref<128x128xf32, #tpu.memory_space<hbm>>) target_semaphore(%run_scoped3A : memref<!tpu.dma_semaphore, #tpu.memory_space<semaphore_mem>>)
      %dma_wait3A = arith.constant 0 : i32
      %dma_wait3A_85 = tpu.memref_slice %arg5[%add3A_59, %dma_wait3A] : memref<20480x128xf32, #tpu.memory_space<hbm>> -> memref<128x128xf32, #tpu.memory_space<hbm>>
      %dma_wait3A_86 = arith.constant 0 : i32
      %dma_wait3A_87 = tpu.memref_slice %arg5[%add3A_59, %dma_wait3A_86] : memref<20480x128xf32, #tpu.memory_space<hbm>> -> memref<128x128xf32, #tpu.memory_space<hbm>>
      tpu.wait_dma2 semaphore(%run_scoped3A : memref<!tpu.dma_semaphore, #tpu.memory_space<semaphore_mem>>) src(%arg7 : memref<128x128xf32, #tpu.memory_space<vmem>>) dst(%dma_wait3A_87 : memref<128x128xf32, #tpu.memory_space<hbm>>)
      tpu.yield
    }) : () -> ()
    %mul3A_60 = arith.constant 640 : i32
    %mul3A_61 = arith.muli %arg1, %mul3A_60 : i32
    %add3A_62 = arith.constant 384 : i32
    %add3A_63 = arith.addi %mul3A_61, %add3A_62 : i32
    "tpu.region"() ({
      %run_scoped3A = tpu.sem_alloc : memref<!tpu.dma_semaphore, #tpu.memory_space<semaphore_mem>>
      %dma_start3A = arith.constant 0 : i32
      %dma_start3A_82 = tpu.memref_slice %arg8[%add3A_63, %dma_start3A] : memref<10240x128xf32, #tpu.memory_space<vmem_shared>> -> memref<128x128xf32, #tpu.memory_space<vmem_shared>>
      %dma_start3A_83 = arith.constant 0 : i32
      %dma_start3A_84 = tpu.memref_slice %arg8[%add3A_63, %dma_start3A_83] : memref<10240x128xf32, #tpu.memory_space<vmem_shared>> -> memref<128x128xf32, #tpu.memory_space<vmem_shared>>
      tpu.enqueue_dma source(%dma_start3A_84 : memref<128x128xf32, #tpu.memory_space<vmem_shared>>) target(%arg7 : memref<128x128xf32, #tpu.memory_space<vmem>>) target_semaphore(%run_scoped3A : memref<!tpu.dma_semaphore, #tpu.memory_space<semaphore_mem>>)
      %dma_wait3A = arith.constant 0 : i32
      %dma_wait3A_85 = tpu.memref_slice %arg8[%add3A_63, %dma_wait3A] : memref<10240x128xf32, #tpu.memory_space<vmem_shared>> -> memref<128x128xf32, #tpu.memory_space<vmem_shared>>
      %dma_wait3A_86 = arith.constant 0 : i32
      %dma_wait3A_87 = tpu.memref_slice %arg8[%add3A_63, %dma_wait3A_86] : memref<10240x128xf32, #tpu.memory_space<vmem_shared>> -> memref<128x128xf32, #tpu.memory_space<vmem_shared>>
      tpu.wait_dma2 semaphore(%run_scoped3A : memref<!tpu.dma_semaphore, #tpu.memory_space<semaphore_mem>>) src(%dma_wait3A_87 : memref<128x128xf32, #tpu.memory_space<vmem_shared>>) dst(%arg7 : memref<128x128xf32, #tpu.memory_space<vmem>>)
      tpu.yield
    }) : () -> ()
    %mul3A_64 = arith.constant 10240 : i32
    %mul3A_65 = arith.muli %arg0, %mul3A_64 : i32
    %mul3A_66 = arith.constant 640 : i32
    %mul3A_67 = arith.muli %arg1, %mul3A_66 : i32
    %add3A_68 = arith.addi %mul3A_65, %mul3A_67 : i32
    %add3A_69 = arith.constant 384 : i32
    %add3A_70 = arith.addi %add3A_68, %add3A_69 : i32
    "tpu.region"() ({
      %run_scoped3A = tpu.sem_alloc : memref<!tpu.dma_semaphore, #tpu.memory_space<semaphore_mem>>
      %dma_start3A = arith.constant 0 : i32
      %dma_start3A_82 = tpu.memref_slice %arg5[%add3A_70, %dma_start3A] : memref<20480x128xf32, #tpu.memory_space<hbm>> -> memref<128x128xf32, #tpu.memory_space<hbm>>
      %dma_start3A_83 = arith.constant 0 : i32
      %dma_start3A_84 = tpu.memref_slice %arg5[%add3A_70, %dma_start3A_83] : memref<20480x128xf32, #tpu.memory_space<hbm>> -> memref<128x128xf32, #tpu.memory_space<hbm>>
      tpu.enqueue_dma source(%arg7 : memref<128x128xf32, #tpu.memory_space<vmem>>) target(%dma_start3A_84 : memref<128x128xf32, #tpu.memory_space<hbm>>) target_semaphore(%run_scoped3A : memref<!tpu.dma_semaphore, #tpu.memory_space<semaphore_mem>>)
      %dma_wait3A = arith.constant 0 : i32
      %dma_wait3A_85 = tpu.memref_slice %arg5[%add3A_70, %dma_wait3A] : memref<20480x128xf32, #tpu.memory_space<hbm>> -> memref<128x128xf32, #tpu.memory_space<hbm>>
      %dma_wait3A_86 = arith.constant 0 : i32
      %dma_wait3A_87 = tpu.memref_slice %arg5[%add3A_70, %dma_wait3A_86] : memref<20480x128xf32, #tpu.memory_space<hbm>> -> memref<128x128xf32, #tpu.memory_space<hbm>>
      tpu.wait_dma2 semaphore(%run_scoped3A : memref<!tpu.dma_semaphore, #tpu.memory_space<semaphore_mem>>) src(%arg7 : memref<128x128xf32, #tpu.memory_space<vmem>>) dst(%dma_wait3A_87 : memref<128x128xf32, #tpu.memory_space<hbm>>)
      tpu.yield
    }) : () -> ()
    %mul3A_71 = arith.constant 640 : i32
    %mul3A_72 = arith.muli %arg1, %mul3A_71 : i32
    %add3A_73 = arith.constant 512 : i32
    %add3A_74 = arith.addi %mul3A_72, %add3A_73 : i32
    "tpu.region"() ({
      %run_scoped3A = tpu.sem_alloc : memref<!tpu.dma_semaphore, #tpu.memory_space<semaphore_mem>>
      %dma_start3A = arith.constant 0 : i32
      %dma_start3A_82 = tpu.memref_slice %arg8[%add3A_74, %dma_start3A] : memref<10240x128xf32, #tpu.memory_space<vmem_shared>> -> memref<128x128xf32, #tpu.memory_space<vmem_shared>>
      %dma_start3A_83 = arith.constant 0 : i32
      %dma_start3A_84 = tpu.memref_slice %arg8[%add3A_74, %dma_start3A_83] : memref<10240x128xf32, #tpu.memory_space<vmem_shared>> -> memref<128x128xf32, #tpu.memory_space<vmem_shared>>
      tpu.enqueue_dma source(%dma_start3A_84 : memref<128x128xf32, #tpu.memory_space<vmem_shared>>) target(%arg7 : memref<128x128xf32, #tpu.memory_space<vmem>>) target_semaphore(%run_scoped3A : memref<!tpu.dma_semaphore, #tpu.memory_space<semaphore_mem>>)
      %dma_wait3A = arith.constant 0 : i32
      %dma_wait3A_85 = tpu.memref_slice %arg8[%add3A_74, %dma_wait3A] : memref<10240x128xf32, #tpu.memory_space<vmem_shared>> -> memref<128x128xf32, #tpu.memory_space<vmem_shared>>
      %dma_wait3A_86 = arith.constant 0 : i32
      %dma_wait3A_87 = tpu.memref_slice %arg8[%add3A_74, %dma_wait3A_86] : memref<10240x128xf32, #tpu.memory_space<vmem_shared>> -> memref<128x128xf32, #tpu.memory_space<vmem_shared>>
      tpu.wait_dma2 semaphore(%run_scoped3A : memref<!tpu.dma_semaphore, #tpu.memory_space<semaphore_mem>>) src(%dma_wait3A_87 : memref<128x128xf32, #tpu.memory_space<vmem_shared>>) dst(%arg7 : memref<128x128xf32, #tpu.memory_space<vmem>>)
      tpu.yield
    }) : () -> ()
    %mul3A_75 = arith.constant 10240 : i32
    %mul3A_76 = arith.muli %arg0, %mul3A_75 : i32
    %mul3A_77 = arith.constant 640 : i32
    %mul3A_78 = arith.muli %arg1, %mul3A_77 : i32
    %add3A_79 = arith.addi %mul3A_76, %mul3A_78 : i32
    %add3A_80 = arith.constant 512 : i32
    %add3A_81 = arith.addi %add3A_79, %add3A_80 : i32
    "tpu.region"() ({
      %run_scoped3A = tpu.sem_alloc : memref<!tpu.dma_semaphore, #tpu.memory_space<semaphore_mem>>
      %dma_start3A = arith.constant 0 : i32
      %dma_start3A_82 = tpu.memref_slice %arg5[%add3A_81, %dma_start3A] : memref<20480x128xf32, #tpu.memory_space<hbm>> -> memref<128x128xf32, #tpu.memory_space<hbm>>
      %dma_start3A_83 = arith.constant 0 : i32
      %dma_start3A_84 = tpu.memref_slice %arg5[%add3A_81, %dma_start3A_83] : memref<20480x128xf32, #tpu.memory_space<hbm>> -> memref<128x128xf32, #tpu.memory_space<hbm>>
      tpu.enqueue_dma source(%arg7 : memref<128x128xf32, #tpu.memory_space<vmem>>) target(%dma_start3A_84 : memref<128x128xf32, #tpu.memory_space<hbm>>) target_semaphore(%run_scoped3A : memref<!tpu.dma_semaphore, #tpu.memory_space<semaphore_mem>>)
      %dma_wait3A = arith.constant 0 : i32
      %dma_wait3A_85 = tpu.memref_slice %arg5[%add3A_81, %dma_wait3A] : memref<20480x128xf32, #tpu.memory_space<hbm>> -> memref<128x128xf32, #tpu.memory_space<hbm>>
      %dma_wait3A_86 = arith.constant 0 : i32
      %dma_wait3A_87 = tpu.memref_slice %arg5[%add3A_81, %dma_wait3A_86] : memref<20480x128xf32, #tpu.memory_space<hbm>> -> memref<128x128xf32, #tpu.memory_space<hbm>>
      tpu.wait_dma2 semaphore(%run_scoped3A : memref<!tpu.dma_semaphore, #tpu.memory_space<semaphore_mem>>) src(%arg7 : memref<128x128xf32, #tpu.memory_space<vmem>>) dst(%dma_wait3A_87 : memref<128x128xf32, #tpu.memory_space<hbm>>)
      tpu.yield
    }) : () -> ()
    return
  }
}

#map = affine_map<(d0, d1) -> (0, 0)>
#map1 = affine_map<(d0, d1) -> (0, 0, 0)>
module attributes {stable_mosaic.version = 14 : i64} {
  func.func @k(%arg0: i32, %arg1: i32, %arg2: memref<10000x128xf32, #tpu.memory_space<hbm>>, %arg3: memref<32x80x128xi32, #tpu.memory_space<hbm>>, %arg4: memref<32x80x128xi32, #tpu.memory_space<hbm>>, %arg5: memref<128x128xf32, #tpu.memory_space<hbm>>, %arg6: memref<20480x128xf32, #tpu.memory_space<hbm>>, %arg7: memref<128xi32, #tpu.memory_space<vmem>>, %arg8: memref<128xi32, #tpu.memory_space<vmem>>, %arg9: memref<128xi32, #tpu.memory_space<vmem>>, %arg10: memref<128xi32, #tpu.memory_space<vmem>>, %arg11: memref<128x128xf32, #tpu.memory_space<vmem>>, %arg12: memref<128x128xf32, #tpu.memory_space<vmem>>, %arg13: memref<10240x128xf32, #tpu.memory_space<vmem_shared>>, %arg14: memref<!tpu.dma_semaphore, #tpu.memory_space<semaphore_mem>>, %arg15: memref<!tpu.dma_semaphore, #tpu.memory_space<semaphore_mem>>) attributes {dimension_semantics = [#tpu.dimension_semantics<core_parallel>, #tpu.dimension_semantics<subcore_parallel>], iteration_bounds = array<i64: 2, 16>, scalar_prefetch = 0 : i64, scratch_operands = 9 : i64, tpu.core_type = #tpu.core_type<sc_vector_subcore>, window_params = [{transform_indices = #map}, {transform_indices = #map1}, {transform_indices = #map1}, {transform_indices = #map}, {transform_indices = #map}]} {
    %mul3A = arith.constant 2 : i32
    %mul3A_0 = arith.muli %arg1, %mul3A : i32
    %add3A = arith.addi %mul3A_0, %arg0 : i32
    "tpu.region"() ({
      %run_scoped3A_85 = tpu.sem_alloc : memref<!tpu.dma_semaphore, #tpu.memory_space<semaphore_mem>>
      tpu.enqueue_dma source(%arg5 : memref<128x128xf32, #tpu.memory_space<hbm>>) target(%arg11 : memref<128x128xf32, #tpu.memory_space<vmem>>) target_semaphore(%run_scoped3A_85 : memref<!tpu.dma_semaphore, #tpu.memory_space<semaphore_mem>>)
      tpu.wait_dma2 semaphore(%run_scoped3A_85 : memref<!tpu.dma_semaphore, #tpu.memory_space<semaphore_mem>>) src(%arg5 : memref<128x128xf32, #tpu.memory_space<hbm>>) dst(%arg11 : memref<128x128xf32, #tpu.memory_space<vmem>>)
      tpu.yield
    }) : () -> ()
    %mul3A_1 = arith.constant 640 : i32
    %mul3A_2 = arith.muli %arg1, %mul3A_1 : i32
    %add3A_3 = arith.constant 0 : i32
    %add3A_4 = arith.addi %mul3A_2, %add3A_3 : i32
    "tpu.region"() ({
      %run_scoped3A_85 = tpu.sem_alloc : memref<!tpu.dma_semaphore, #tpu.memory_space<semaphore_mem>>
      %dma_start3A_86 = arith.constant 0 : i32
      %dma_start3A_87 = tpu.memref_slice %arg13[%add3A_4, %dma_start3A_86] : memref<10240x128xf32, #tpu.memory_space<vmem_shared>> -> memref<128x128xf32, #tpu.memory_space<vmem_shared>>
      %dma_start3A_88 = arith.constant 0 : i32
      %dma_start3A_89 = tpu.memref_slice %arg13[%add3A_4, %dma_start3A_88] : memref<10240x128xf32, #tpu.memory_space<vmem_shared>> -> memref<128x128xf32, #tpu.memory_space<vmem_shared>>
      tpu.enqueue_dma source(%arg11 : memref<128x128xf32, #tpu.memory_space<vmem>>) target(%dma_start3A_89 : memref<128x128xf32, #tpu.memory_space<vmem_shared>>) target_semaphore(%run_scoped3A_85 : memref<!tpu.dma_semaphore, #tpu.memory_space<semaphore_mem>>)
      %dma_wait3A = arith.constant 0 : i32
      %dma_wait3A_90 = tpu.memref_slice %arg13[%add3A_4, %dma_wait3A] : memref<10240x128xf32, #tpu.memory_space<vmem_shared>> -> memref<128x128xf32, #tpu.memory_space<vmem_shared>>
      %dma_wait3A_91 = arith.constant 0 : i32
      %dma_wait3A_92 = tpu.memref_slice %arg13[%add3A_4, %dma_wait3A_91] : memref<10240x128xf32, #tpu.memory_space<vmem_shared>> -> memref<128x128xf32, #tpu.memory_space<vmem_shared>>
      tpu.wait_dma2 semaphore(%run_scoped3A_85 : memref<!tpu.dma_semaphore, #tpu.memory_space<semaphore_mem>>) src(%arg11 : memref<128x128xf32, #tpu.memory_space<vmem>>) dst(%dma_wait3A_92 : memref<128x128xf32, #tpu.memory_space<vmem_shared>>)
      tpu.yield
    }) : () -> ()
    %mul3A_5 = arith.constant 640 : i32
    %mul3A_6 = arith.muli %arg1, %mul3A_5 : i32
    %add3A_7 = arith.constant 128 : i32
    %add3A_8 = arith.addi %mul3A_6, %add3A_7 : i32
    "tpu.region"() ({
      %run_scoped3A_85 = tpu.sem_alloc : memref<!tpu.dma_semaphore, #tpu.memory_space<semaphore_mem>>
      %dma_start3A_86 = arith.constant 0 : i32
      %dma_start3A_87 = tpu.memref_slice %arg13[%add3A_8, %dma_start3A_86] : memref<10240x128xf32, #tpu.memory_space<vmem_shared>> -> memref<128x128xf32, #tpu.memory_space<vmem_shared>>
      %dma_start3A_88 = arith.constant 0 : i32
      %dma_start3A_89 = tpu.memref_slice %arg13[%add3A_8, %dma_start3A_88] : memref<10240x128xf32, #tpu.memory_space<vmem_shared>> -> memref<128x128xf32, #tpu.memory_space<vmem_shared>>
      tpu.enqueue_dma source(%arg11 : memref<128x128xf32, #tpu.memory_space<vmem>>) target(%dma_start3A_89 : memref<128x128xf32, #tpu.memory_space<vmem_shared>>) target_semaphore(%run_scoped3A_85 : memref<!tpu.dma_semaphore, #tpu.memory_space<semaphore_mem>>)
      %dma_wait3A = arith.constant 0 : i32
      %dma_wait3A_90 = tpu.memref_slice %arg13[%add3A_8, %dma_wait3A] : memref<10240x128xf32, #tpu.memory_space<vmem_shared>> -> memref<128x128xf32, #tpu.memory_space<vmem_shared>>
      %dma_wait3A_91 = arith.constant 0 : i32
      %dma_wait3A_92 = tpu.memref_slice %arg13[%add3A_8, %dma_wait3A_91] : memref<10240x128xf32, #tpu.memory_space<vmem_shared>> -> memref<128x128xf32, #tpu.memory_space<vmem_shared>>
      tpu.wait_dma2 semaphore(%run_scoped3A_85 : memref<!tpu.dma_semaphore, #tpu.memory_space<semaphore_mem>>) src(%arg11 : memref<128x128xf32, #tpu.memory_space<vmem>>) dst(%dma_wait3A_92 : memref<128x128xf32, #tpu.memory_space<vmem_shared>>)
      tpu.yield
    }) : () -> ()
    %mul3A_9 = arith.constant 640 : i32
    %mul3A_10 = arith.muli %arg1, %mul3A_9 : i32
    %add3A_11 = arith.constant 256 : i32
    %add3A_12 = arith.addi %mul3A_10, %add3A_11 : i32
    "tpu.region"() ({
      %run_scoped3A_85 = tpu.sem_alloc : memref<!tpu.dma_semaphore, #tpu.memory_space<semaphore_mem>>
      %dma_start3A_86 = arith.constant 0 : i32
      %dma_start3A_87 = tpu.memref_slice %arg13[%add3A_12, %dma_start3A_86] : memref<10240x128xf32, #tpu.memory_space<vmem_shared>> -> memref<128x128xf32, #tpu.memory_space<vmem_shared>>
      %dma_start3A_88 = arith.constant 0 : i32
      %dma_start3A_89 = tpu.memref_slice %arg13[%add3A_12, %dma_start3A_88] : memref<10240x128xf32, #tpu.memory_space<vmem_shared>> -> memref<128x128xf32, #tpu.memory_space<vmem_shared>>
      tpu.enqueue_dma source(%arg11 : memref<128x128xf32, #tpu.memory_space<vmem>>) target(%dma_start3A_89 : memref<128x128xf32, #tpu.memory_space<vmem_shared>>) target_semaphore(%run_scoped3A_85 : memref<!tpu.dma_semaphore, #tpu.memory_space<semaphore_mem>>)
      %dma_wait3A = arith.constant 0 : i32
      %dma_wait3A_90 = tpu.memref_slice %arg13[%add3A_12, %dma_wait3A] : memref<10240x128xf32, #tpu.memory_space<vmem_shared>> -> memref<128x128xf32, #tpu.memory_space<vmem_shared>>
      %dma_wait3A_91 = arith.constant 0 : i32
      %dma_wait3A_92 = tpu.memref_slice %arg13[%add3A_12, %dma_wait3A_91] : memref<10240x128xf32, #tpu.memory_space<vmem_shared>> -> memref<128x128xf32, #tpu.memory_space<vmem_shared>>
      tpu.wait_dma2 semaphore(%run_scoped3A_85 : memref<!tpu.dma_semaphore, #tpu.memory_space<semaphore_mem>>) src(%arg11 : memref<128x128xf32, #tpu.memory_space<vmem>>) dst(%dma_wait3A_92 : memref<128x128xf32, #tpu.memory_space<vmem_shared>>)
      tpu.yield
    }) : () -> ()
    %mul3A_13 = arith.constant 640 : i32
    %mul3A_14 = arith.muli %arg1, %mul3A_13 : i32
    %add3A_15 = arith.constant 384 : i32
    %add3A_16 = arith.addi %mul3A_14, %add3A_15 : i32
    "tpu.region"() ({
      %run_scoped3A_85 = tpu.sem_alloc : memref<!tpu.dma_semaphore, #tpu.memory_space<semaphore_mem>>
      %dma_start3A_86 = arith.constant 0 : i32
      %dma_start3A_87 = tpu.memref_slice %arg13[%add3A_16, %dma_start3A_86] : memref<10240x128xf32, #tpu.memory_space<vmem_shared>> -> memref<128x128xf32, #tpu.memory_space<vmem_shared>>
      %dma_start3A_88 = arith.constant 0 : i32
      %dma_start3A_89 = tpu.memref_slice %arg13[%add3A_16, %dma_start3A_88] : memref<10240x128xf32, #tpu.memory_space<vmem_shared>> -> memref<128x128xf32, #tpu.memory_space<vmem_shared>>
      tpu.enqueue_dma source(%arg11 : memref<128x128xf32, #tpu.memory_space<vmem>>) target(%dma_start3A_89 : memref<128x128xf32, #tpu.memory_space<vmem_shared>>) target_semaphore(%run_scoped3A_85 : memref<!tpu.dma_semaphore, #tpu.memory_space<semaphore_mem>>)
      %dma_wait3A = arith.constant 0 : i32
      %dma_wait3A_90 = tpu.memref_slice %arg13[%add3A_16, %dma_wait3A] : memref<10240x128xf32, #tpu.memory_space<vmem_shared>> -> memref<128x128xf32, #tpu.memory_space<vmem_shared>>
      %dma_wait3A_91 = arith.constant 0 : i32
      %dma_wait3A_92 = tpu.memref_slice %arg13[%add3A_16, %dma_wait3A_91] : memref<10240x128xf32, #tpu.memory_space<vmem_shared>> -> memref<128x128xf32, #tpu.memory_space<vmem_shared>>
      tpu.wait_dma2 semaphore(%run_scoped3A_85 : memref<!tpu.dma_semaphore, #tpu.memory_space<semaphore_mem>>) src(%arg11 : memref<128x128xf32, #tpu.memory_space<vmem>>) dst(%dma_wait3A_92 : memref<128x128xf32, #tpu.memory_space<vmem_shared>>)
      tpu.yield
    }) : () -> ()
    %mul3A_17 = arith.constant 640 : i32
    %mul3A_18 = arith.muli %arg1, %mul3A_17 : i32
    %add3A_19 = arith.constant 512 : i32
    %add3A_20 = arith.addi %mul3A_18, %add3A_19 : i32
    "tpu.region"() ({
      %run_scoped3A_85 = tpu.sem_alloc : memref<!tpu.dma_semaphore, #tpu.memory_space<semaphore_mem>>
      %dma_start3A_86 = arith.constant 0 : i32
      %dma_start3A_87 = tpu.memref_slice %arg13[%add3A_20, %dma_start3A_86] : memref<10240x128xf32, #tpu.memory_space<vmem_shared>> -> memref<128x128xf32, #tpu.memory_space<vmem_shared>>
      %dma_start3A_88 = arith.constant 0 : i32
      %dma_start3A_89 = tpu.memref_slice %arg13[%add3A_20, %dma_start3A_88] : memref<10240x128xf32, #tpu.memory_space<vmem_shared>> -> memref<128x128xf32, #tpu.memory_space<vmem_shared>>
      tpu.enqueue_dma source(%arg11 : memref<128x128xf32, #tpu.memory_space<vmem>>) target(%dma_start3A_89 : memref<128x128xf32, #tpu.memory_space<vmem_shared>>) target_semaphore(%run_scoped3A_85 : memref<!tpu.dma_semaphore, #tpu.memory_space<semaphore_mem>>)
      %dma_wait3A = arith.constant 0 : i32
      %dma_wait3A_90 = tpu.memref_slice %arg13[%add3A_20, %dma_wait3A] : memref<10240x128xf32, #tpu.memory_space<vmem_shared>> -> memref<128x128xf32, #tpu.memory_space<vmem_shared>>
      %dma_wait3A_91 = arith.constant 0 : i32
      %dma_wait3A_92 = tpu.memref_slice %arg13[%add3A_20, %dma_wait3A_91] : memref<10240x128xf32, #tpu.memory_space<vmem_shared>> -> memref<128x128xf32, #tpu.memory_space<vmem_shared>>
      tpu.wait_dma2 semaphore(%run_scoped3A_85 : memref<!tpu.dma_semaphore, #tpu.memory_space<semaphore_mem>>) src(%arg11 : memref<128x128xf32, #tpu.memory_space<vmem>>) dst(%dma_wait3A_92 : memref<128x128xf32, #tpu.memory_space<vmem_shared>>)
      tpu.yield
    }) : () -> ()
    %barrier3A = arith.constant 0 : index
    tpu.barrier barrier_id(%barrier3A)
    %run_scoped3A = arith.constant 0 : i32
    "tpu.region"() ({
      %run_scoped3A_85 = tpu.sem_alloc : memref<!tpu.dma_semaphore, #tpu.memory_space<semaphore_mem>>
      %dma_start3A_86 = arith.constant 0 : i32
      %dma_start3A_87 = tpu.memref_slice %arg3[%add3A, %run_scoped3A, %dma_start3A_86] : memref<32x80x128xi32, #tpu.memory_space<hbm>> -> memref<1x1x128xi32, #tpu.memory_space<hbm>>
      %dma_start3A_88 = tpu.memref_squeeze %dma_start3A_87 : memref<1x1x128xi32, #tpu.memory_space<hbm>> -> memref<128xi32, #tpu.memory_space<hbm>>
      %dma_start3A_89 = arith.constant 0 : i32
      %dma_start3A_90 = tpu.memref_slice %arg3[%add3A, %run_scoped3A, %dma_start3A_89] : memref<32x80x128xi32, #tpu.memory_space<hbm>> -> memref<1x1x128xi32, #tpu.memory_space<hbm>>
      %dma_start3A_91 = tpu.memref_squeeze %dma_start3A_90 : memref<1x1x128xi32, #tpu.memory_space<hbm>> -> memref<128xi32, #tpu.memory_space<hbm>>
      tpu.enqueue_dma source(%dma_start3A_91 : memref<128xi32, #tpu.memory_space<hbm>>) target(%arg7 : memref<128xi32, #tpu.memory_space<vmem>>) target_semaphore(%run_scoped3A_85 : memref<!tpu.dma_semaphore, #tpu.memory_space<semaphore_mem>>)
      %dma_wait3A = arith.constant 0 : i32
      %dma_wait3A_92 = tpu.memref_slice %arg3[%add3A, %run_scoped3A, %dma_wait3A] : memref<32x80x128xi32, #tpu.memory_space<hbm>> -> memref<1x1x128xi32, #tpu.memory_space<hbm>>
      %dma_wait3A_93 = tpu.memref_squeeze %dma_wait3A_92 : memref<1x1x128xi32, #tpu.memory_space<hbm>> -> memref<128xi32, #tpu.memory_space<hbm>>
      %dma_wait3A_94 = arith.constant 0 : i32
      %dma_wait3A_95 = tpu.memref_slice %arg3[%add3A, %run_scoped3A, %dma_wait3A_94] : memref<32x80x128xi32, #tpu.memory_space<hbm>> -> memref<1x1x128xi32, #tpu.memory_space<hbm>>
      %dma_wait3A_96 = tpu.memref_squeeze %dma_wait3A_95 : memref<1x1x128xi32, #tpu.memory_space<hbm>> -> memref<128xi32, #tpu.memory_space<hbm>>
      tpu.wait_dma2 semaphore(%run_scoped3A_85 : memref<!tpu.dma_semaphore, #tpu.memory_space<semaphore_mem>>) src(%dma_wait3A_96 : memref<128xi32, #tpu.memory_space<hbm>>) dst(%arg7 : memref<128xi32, #tpu.memory_space<vmem>>)
      tpu.yield
    }) : () -> ()
    %run_scoped3A_21 = arith.constant 0 : i32
    "tpu.region"() ({
      %run_scoped3A_85 = tpu.sem_alloc : memref<!tpu.dma_semaphore, #tpu.memory_space<semaphore_mem>>
      %dma_start3A_86 = arith.constant 0 : i32
      %dma_start3A_87 = tpu.memref_slice %arg4[%add3A, %run_scoped3A_21, %dma_start3A_86] : memref<32x80x128xi32, #tpu.memory_space<hbm>> -> memref<1x1x128xi32, #tpu.memory_space<hbm>>
      %dma_start3A_88 = tpu.memref_squeeze %dma_start3A_87 : memref<1x1x128xi32, #tpu.memory_space<hbm>> -> memref<128xi32, #tpu.memory_space<hbm>>
      %dma_start3A_89 = arith.constant 0 : i32
      %dma_start3A_90 = tpu.memref_slice %arg4[%add3A, %run_scoped3A_21, %dma_start3A_89] : memref<32x80x128xi32, #tpu.memory_space<hbm>> -> memref<1x1x128xi32, #tpu.memory_space<hbm>>
      %dma_start3A_91 = tpu.memref_squeeze %dma_start3A_90 : memref<1x1x128xi32, #tpu.memory_space<hbm>> -> memref<128xi32, #tpu.memory_space<hbm>>
      tpu.enqueue_dma source(%dma_start3A_91 : memref<128xi32, #tpu.memory_space<hbm>>) target(%arg8 : memref<128xi32, #tpu.memory_space<vmem>>) target_semaphore(%run_scoped3A_85 : memref<!tpu.dma_semaphore, #tpu.memory_space<semaphore_mem>>)
      %dma_wait3A = arith.constant 0 : i32
      %dma_wait3A_92 = tpu.memref_slice %arg4[%add3A, %run_scoped3A_21, %dma_wait3A] : memref<32x80x128xi32, #tpu.memory_space<hbm>> -> memref<1x1x128xi32, #tpu.memory_space<hbm>>
      %dma_wait3A_93 = tpu.memref_squeeze %dma_wait3A_92 : memref<1x1x128xi32, #tpu.memory_space<hbm>> -> memref<128xi32, #tpu.memory_space<hbm>>
      %dma_wait3A_94 = arith.constant 0 : i32
      %dma_wait3A_95 = tpu.memref_slice %arg4[%add3A, %run_scoped3A_21, %dma_wait3A_94] : memref<32x80x128xi32, #tpu.memory_space<hbm>> -> memref<1x1x128xi32, #tpu.memory_space<hbm>>
      %dma_wait3A_96 = tpu.memref_squeeze %dma_wait3A_95 : memref<1x1x128xi32, #tpu.memory_space<hbm>> -> memref<128xi32, #tpu.memory_space<hbm>>
      tpu.wait_dma2 semaphore(%run_scoped3A_85 : memref<!tpu.dma_semaphore, #tpu.memory_space<semaphore_mem>>) src(%dma_wait3A_96 : memref<128xi32, #tpu.memory_space<hbm>>) dst(%arg8 : memref<128xi32, #tpu.memory_space<vmem>>)
      tpu.yield
    }) : () -> ()
    %dma_start3A = arith.constant 0 : i32
    %dma_start3A_22 = arith.constant 0 : i32
    %dma_start3A_23 = tpu.memref_slice %arg2[%dma_start3A, %dma_start3A_22] : memref<10000x128xf32, #tpu.memory_space<hbm>> -> memref<10000x128xf32, #tpu.memory_space<hbm>>
    tpu.enqueue_indirect_dma source(%dma_start3A_23 : memref<10000x128xf32, #tpu.memory_space<hbm>>) target(%arg11 : memref<128x128xf32, #tpu.memory_space<vmem>>) offsets(%arg7 : memref<128xi32, #tpu.memory_space<vmem>>) semaphore(%arg14 : memref<!tpu.dma_semaphore, #tpu.memory_space<semaphore_mem>>)
    %scan3A = arith.constant 0 : i32
    %scan3A_24 = arith.constant 0 : i32
    %scan3A_25 = arith.constant 40 : i32
    %scan3A_26 = arith.addi %scan3A_24, %scan3A_25 : i32
    %scan3A_27 = arith.constant 1 : i32
    scf.for %scan3A_85 = %scan3A_24 to %scan3A_26 step %scan3A_27  : i32 {
      %mul3A_86 = arith.constant 2 : i32
      %mul3A_87 = arith.muli %mul3A_86, %scan3A_85 : i32
      %add3A_88 = arith.constant 1 : i32
      %add3A_89 = arith.addi %mul3A_87, %add3A_88 : i32
      "tpu.region"() ({
        %run_scoped3A_102 = tpu.sem_alloc : memref<!tpu.dma_semaphore, #tpu.memory_space<semaphore_mem>>
        %dma_start3A_103 = arith.constant 0 : i32
        %dma_start3A_104 = tpu.memref_slice %arg3[%add3A, %add3A_89, %dma_start3A_103] : memref<32x80x128xi32, #tpu.memory_space<hbm>> -> memref<1x1x128xi32, #tpu.memory_space<hbm>>
        %dma_start3A_105 = tpu.memref_squeeze %dma_start3A_104 : memref<1x1x128xi32, #tpu.memory_space<hbm>> -> memref<128xi32, #tpu.memory_space<hbm>>
        %dma_start3A_106 = arith.constant 0 : i32
        %dma_start3A_107 = tpu.memref_slice %arg3[%add3A, %add3A_89, %dma_start3A_106] : memref<32x80x128xi32, #tpu.memory_space<hbm>> -> memref<1x1x128xi32, #tpu.memory_space<hbm>>
        %dma_start3A_108 = tpu.memref_squeeze %dma_start3A_107 : memref<1x1x128xi32, #tpu.memory_space<hbm>> -> memref<128xi32, #tpu.memory_space<hbm>>
        tpu.enqueue_dma source(%dma_start3A_108 : memref<128xi32, #tpu.memory_space<hbm>>) target(%arg9 : memref<128xi32, #tpu.memory_space<vmem>>) target_semaphore(%run_scoped3A_102 : memref<!tpu.dma_semaphore, #tpu.memory_space<semaphore_mem>>)
        %dma_wait3A_109 = arith.constant 0 : i32
        %dma_wait3A_110 = tpu.memref_slice %arg3[%add3A, %add3A_89, %dma_wait3A_109] : memref<32x80x128xi32, #tpu.memory_space<hbm>> -> memref<1x1x128xi32, #tpu.memory_space<hbm>>
        %dma_wait3A_111 = tpu.memref_squeeze %dma_wait3A_110 : memref<1x1x128xi32, #tpu.memory_space<hbm>> -> memref<128xi32, #tpu.memory_space<hbm>>
        %dma_wait3A_112 = arith.constant 0 : i32
        %dma_wait3A_113 = tpu.memref_slice %arg3[%add3A, %add3A_89, %dma_wait3A_112] : memref<32x80x128xi32, #tpu.memory_space<hbm>> -> memref<1x1x128xi32, #tpu.memory_space<hbm>>
        %dma_wait3A_114 = tpu.memref_squeeze %dma_wait3A_113 : memref<1x1x128xi32, #tpu.memory_space<hbm>> -> memref<128xi32, #tpu.memory_space<hbm>>
        tpu.wait_dma2 semaphore(%run_scoped3A_102 : memref<!tpu.dma_semaphore, #tpu.memory_space<semaphore_mem>>) src(%dma_wait3A_114 : memref<128xi32, #tpu.memory_space<hbm>>) dst(%arg9 : memref<128xi32, #tpu.memory_space<vmem>>)
        tpu.yield
      }) : () -> ()
      %add3A_90 = arith.constant 1 : i32
      %add3A_91 = arith.addi %mul3A_87, %add3A_90 : i32
      "tpu.region"() ({
        %run_scoped3A_102 = tpu.sem_alloc : memref<!tpu.dma_semaphore, #tpu.memory_space<semaphore_mem>>
        %dma_start3A_103 = arith.constant 0 : i32
        %dma_start3A_104 = tpu.memref_slice %arg4[%add3A, %add3A_91, %dma_start3A_103] : memref<32x80x128xi32, #tpu.memory_space<hbm>> -> memref<1x1x128xi32, #tpu.memory_space<hbm>>
        %dma_start3A_105 = tpu.memref_squeeze %dma_start3A_104 : memref<1x1x128xi32, #tpu.memory_space<hbm>> -> memref<128xi32, #tpu.memory_space<hbm>>
        %dma_start3A_106 = arith.constant 0 : i32
        %dma_start3A_107 = tpu.memref_slice %arg4[%add3A, %add3A_91, %dma_start3A_106] : memref<32x80x128xi32, #tpu.memory_space<hbm>> -> memref<1x1x128xi32, #tpu.memory_space<hbm>>
        %dma_start3A_108 = tpu.memref_squeeze %dma_start3A_107 : memref<1x1x128xi32, #tpu.memory_space<hbm>> -> memref<128xi32, #tpu.memory_space<hbm>>
        tpu.enqueue_dma source(%dma_start3A_108 : memref<128xi32, #tpu.memory_space<hbm>>) target(%arg10 : memref<128xi32, #tpu.memory_space<vmem>>) target_semaphore(%run_scoped3A_102 : memref<!tpu.dma_semaphore, #tpu.memory_space<semaphore_mem>>)
        %dma_wait3A_109 = arith.constant 0 : i32
        %dma_wait3A_110 = tpu.memref_slice %arg4[%add3A, %add3A_91, %dma_wait3A_109] : memref<32x80x128xi32, #tpu.memory_space<hbm>> -> memref<1x1x128xi32, #tpu.memory_space<hbm>>
        %dma_wait3A_111 = tpu.memref_squeeze %dma_wait3A_110 : memref<1x1x128xi32, #tpu.memory_space<hbm>> -> memref<128xi32, #tpu.memory_space<hbm>>
        %dma_wait3A_112 = arith.constant 0 : i32
        %dma_wait3A_113 = tpu.memref_slice %arg4[%add3A, %add3A_91, %dma_wait3A_112] : memref<32x80x128xi32, #tpu.memory_space<hbm>> -> memref<1x1x128xi32, #tpu.memory_space<hbm>>
        %dma_wait3A_114 = tpu.memref_squeeze %dma_wait3A_113 : memref<1x1x128xi32, #tpu.memory_space<hbm>> -> memref<128xi32, #tpu.memory_space<hbm>>
        tpu.wait_dma2 semaphore(%run_scoped3A_102 : memref<!tpu.dma_semaphore, #tpu.memory_space<semaphore_mem>>) src(%dma_wait3A_114 : memref<128xi32, #tpu.memory_space<hbm>>) dst(%arg10 : memref<128xi32, #tpu.memory_space<vmem>>)
        tpu.yield
      }) : () -> ()
      %dma_start3A_92 = arith.constant 0 : i32
      %dma_start3A_93 = arith.constant 0 : i32
      %dma_start3A_94 = tpu.memref_slice %arg2[%dma_start3A_92, %dma_start3A_93] : memref<10000x128xf32, #tpu.memory_space<hbm>> -> memref<10000x128xf32, #tpu.memory_space<hbm>>
      tpu.enqueue_indirect_dma source(%dma_start3A_94 : memref<10000x128xf32, #tpu.memory_space<hbm>>) target(%arg12 : memref<128x128xf32, #tpu.memory_space<vmem>>) offsets(%arg9 : memref<128xi32, #tpu.memory_space<vmem>>) semaphore(%arg15 : memref<!tpu.dma_semaphore, #tpu.memory_space<semaphore_mem>>)
      %dma_wait3A = arith.constant 0 : i32
      %dma_wait3A_95 = arith.constant 0 : i32
      %dma_wait3A_96 = tpu.memref_slice %arg2[%dma_wait3A, %dma_wait3A_95] : memref<10000x128xf32, #tpu.memory_space<hbm>> -> memref<10000x128xf32, #tpu.memory_space<hbm>>
      tpu.wait_indirect_dma semaphore(%arg14 : memref<!tpu.dma_semaphore, #tpu.memory_space<semaphore_mem>>) src(%dma_wait3A_96 : memref<10000x128xf32, #tpu.memory_space<hbm>>) dst(%arg11 : memref<128x128xf32, #tpu.memory_space<vmem>>)
      "tpu.region"() ({
        %run_scoped3A_102 = tpu.sem_alloc : memref<!tpu.dma_semaphore, #tpu.memory_space<semaphore_mem>>
        %dma_start3A_103 = arith.constant 0 : i32
        %dma_start3A_104 = arith.constant 0 : i32
        %dma_start3A_105 = tpu.memref_slice %arg13[%dma_start3A_103, %dma_start3A_104] : memref<10240x128xf32, #tpu.memory_space<vmem_shared>> -> memref<10240x128xf32, #tpu.memory_space<vmem_shared>>
        tpu.enqueue_indirect_dma source(%arg11 : memref<128x128xf32, #tpu.memory_space<vmem>>) target(%dma_start3A_105 : memref<10240x128xf32, #tpu.memory_space<vmem_shared>>) offsets(%arg8 : memref<128xi32, #tpu.memory_space<vmem>>) semaphore(%run_scoped3A_102 : memref<!tpu.dma_semaphore, #tpu.memory_space<semaphore_mem>>) {add = true}
        %dma_wait3A_106 = arith.constant 0 : i32
        %dma_wait3A_107 = arith.constant 0 : i32
        %dma_wait3A_108 = tpu.memref_slice %arg13[%dma_wait3A_106, %dma_wait3A_107] : memref<10240x128xf32, #tpu.memory_space<vmem_shared>> -> memref<10240x128xf32, #tpu.memory_space<vmem_shared>>
        tpu.wait_indirect_dma semaphore(%run_scoped3A_102 : memref<!tpu.dma_semaphore, #tpu.memory_space<semaphore_mem>>) src(%arg11 : memref<128x128xf32, #tpu.memory_space<vmem>>) dst(%dma_wait3A_108 : memref<10240x128xf32, #tpu.memory_space<vmem_shared>>)
        tpu.yield
      }) : () -> ()
      %lt3A = arith.constant 39 : i32
      %lt3A_97 = arith.cmpi slt, %scan3A_85, %lt3A : i32
      %convert_element_type3A = arith.extui %lt3A_97 : i1 to i32
      %cond3A = arith.constant 0 : i32
      %cond3A_98 = arith.cmpi ne, %convert_element_type3A, %cond3A : i32
      scf.if %cond3A_98 {
        %add3A_102 = arith.constant 2 : i32
        %add3A_103 = arith.addi %mul3A_87, %add3A_102 : i32
        "tpu.region"() ({
          %run_scoped3A_109 = tpu.sem_alloc : memref<!tpu.dma_semaphore, #tpu.memory_space<semaphore_mem>>
          %dma_start3A_110 = arith.constant 0 : i32
          %dma_start3A_111 = tpu.memref_slice %arg3[%add3A, %add3A_103, %dma_start3A_110] : memref<32x80x128xi32, #tpu.memory_space<hbm>> -> memref<1x1x128xi32, #tpu.memory_space<hbm>>
          %dma_start3A_112 = tpu.memref_squeeze %dma_start3A_111 : memref<1x1x128xi32, #tpu.memory_space<hbm>> -> memref<128xi32, #tpu.memory_space<hbm>>
          %dma_start3A_113 = arith.constant 0 : i32
          %dma_start3A_114 = tpu.memref_slice %arg3[%add3A, %add3A_103, %dma_start3A_113] : memref<32x80x128xi32, #tpu.memory_space<hbm>> -> memref<1x1x128xi32, #tpu.memory_space<hbm>>
          %dma_start3A_115 = tpu.memref_squeeze %dma_start3A_114 : memref<1x1x128xi32, #tpu.memory_space<hbm>> -> memref<128xi32, #tpu.memory_space<hbm>>
          tpu.enqueue_dma source(%dma_start3A_115 : memref<128xi32, #tpu.memory_space<hbm>>) target(%arg7 : memref<128xi32, #tpu.memory_space<vmem>>) target_semaphore(%run_scoped3A_109 : memref<!tpu.dma_semaphore, #tpu.memory_space<semaphore_mem>>)
          %dma_wait3A_116 = arith.constant 0 : i32
          %dma_wait3A_117 = tpu.memref_slice %arg3[%add3A, %add3A_103, %dma_wait3A_116] : memref<32x80x128xi32, #tpu.memory_space<hbm>> -> memref<1x1x128xi32, #tpu.memory_space<hbm>>
          %dma_wait3A_118 = tpu.memref_squeeze %dma_wait3A_117 : memref<1x1x128xi32, #tpu.memory_space<hbm>> -> memref<128xi32, #tpu.memory_space<hbm>>
          %dma_wait3A_119 = arith.constant 0 : i32
          %dma_wait3A_120 = tpu.memref_slice %arg3[%add3A, %add3A_103, %dma_wait3A_119] : memref<32x80x128xi32, #tpu.memory_space<hbm>> -> memref<1x1x128xi32, #tpu.memory_space<hbm>>
          %dma_wait3A_121 = tpu.memref_squeeze %dma_wait3A_120 : memref<1x1x128xi32, #tpu.memory_space<hbm>> -> memref<128xi32, #tpu.memory_space<hbm>>
          tpu.wait_dma2 semaphore(%run_scoped3A_109 : memref<!tpu.dma_semaphore, #tpu.memory_space<semaphore_mem>>) src(%dma_wait3A_121 : memref<128xi32, #tpu.memory_space<hbm>>) dst(%arg7 : memref<128xi32, #tpu.memory_space<vmem>>)
          tpu.yield
        }) : () -> ()
        %add3A_104 = arith.constant 2 : i32
        %add3A_105 = arith.addi %mul3A_87, %add3A_104 : i32
        "tpu.region"() ({
          %run_scoped3A_109 = tpu.sem_alloc : memref<!tpu.dma_semaphore, #tpu.memory_space<semaphore_mem>>
          %dma_start3A_110 = arith.constant 0 : i32
          %dma_start3A_111 = tpu.memref_slice %arg4[%add3A, %add3A_105, %dma_start3A_110] : memref<32x80x128xi32, #tpu.memory_space<hbm>> -> memref<1x1x128xi32, #tpu.memory_space<hbm>>
          %dma_start3A_112 = tpu.memref_squeeze %dma_start3A_111 : memref<1x1x128xi32, #tpu.memory_space<hbm>> -> memref<128xi32, #tpu.memory_space<hbm>>
          %dma_start3A_113 = arith.constant 0 : i32
          %dma_start3A_114 = tpu.memref_slice %arg4[%add3A, %add3A_105, %dma_start3A_113] : memref<32x80x128xi32, #tpu.memory_space<hbm>> -> memref<1x1x128xi32, #tpu.memory_space<hbm>>
          %dma_start3A_115 = tpu.memref_squeeze %dma_start3A_114 : memref<1x1x128xi32, #tpu.memory_space<hbm>> -> memref<128xi32, #tpu.memory_space<hbm>>
          tpu.enqueue_dma source(%dma_start3A_115 : memref<128xi32, #tpu.memory_space<hbm>>) target(%arg8 : memref<128xi32, #tpu.memory_space<vmem>>) target_semaphore(%run_scoped3A_109 : memref<!tpu.dma_semaphore, #tpu.memory_space<semaphore_mem>>)
          %dma_wait3A_116 = arith.constant 0 : i32
          %dma_wait3A_117 = tpu.memref_slice %arg4[%add3A, %add3A_105, %dma_wait3A_116] : memref<32x80x128xi32, #tpu.memory_space<hbm>> -> memref<1x1x128xi32, #tpu.memory_space<hbm>>
          %dma_wait3A_118 = tpu.memref_squeeze %dma_wait3A_117 : memref<1x1x128xi32, #tpu.memory_space<hbm>> -> memref<128xi32, #tpu.memory_space<hbm>>
          %dma_wait3A_119 = arith.constant 0 : i32
          %dma_wait3A_120 = tpu.memref_slice %arg4[%add3A, %add3A_105, %dma_wait3A_119] : memref<32x80x128xi32, #tpu.memory_space<hbm>> -> memref<1x1x128xi32, #tpu.memory_space<hbm>>
          %dma_wait3A_121 = tpu.memref_squeeze %dma_wait3A_120 : memref<1x1x128xi32, #tpu.memory_space<hbm>> -> memref<128xi32, #tpu.memory_space<hbm>>
          tpu.wait_dma2 semaphore(%run_scoped3A_109 : memref<!tpu.dma_semaphore, #tpu.memory_space<semaphore_mem>>) src(%dma_wait3A_121 : memref<128xi32, #tpu.memory_space<hbm>>) dst(%arg8 : memref<128xi32, #tpu.memory_space<vmem>>)
          tpu.yield
        }) : () -> ()
        %dma_start3A_106 = arith.constant 0 : i32
        %dma_start3A_107 = arith.constant 0 : i32
        %dma_start3A_108 = tpu.memref_slice %arg2[%dma_start3A_106, %dma_start3A_107] : memref<10000x128xf32, #tpu.memory_space<hbm>> -> memref<10000x128xf32, #tpu.memory_space<hbm>>
        tpu.enqueue_indirect_dma source(%dma_start3A_108 : memref<10000x128xf32, #tpu.memory_space<hbm>>) target(%arg11 : memref<128x128xf32, #tpu.memory_space<vmem>>) offsets(%arg7 : memref<128xi32, #tpu.memory_space<vmem>>) semaphore(%arg14 : memref<!tpu.dma_semaphore, #tpu.memory_space<semaphore_mem>>)
      } else {
      }
      %dma_wait3A_99 = arith.constant 0 : i32
      %dma_wait3A_100 = arith.constant 0 : i32
      %dma_wait3A_101 = tpu.memref_slice %arg2[%dma_wait3A_99, %dma_wait3A_100] : memref<10000x128xf32, #tpu.memory_space<hbm>> -> memref<10000x128xf32, #tpu.memory_space<hbm>>
      tpu.wait_indirect_dma semaphore(%arg15 : memref<!tpu.dma_semaphore, #tpu.memory_space<semaphore_mem>>) src(%dma_wait3A_101 : memref<10000x128xf32, #tpu.memory_space<hbm>>) dst(%arg12 : memref<128x128xf32, #tpu.memory_space<vmem>>)
      "tpu.region"() ({
        %run_scoped3A_102 = tpu.sem_alloc : memref<!tpu.dma_semaphore, #tpu.memory_space<semaphore_mem>>
        %dma_start3A_103 = arith.constant 0 : i32
        %dma_start3A_104 = arith.constant 0 : i32
        %dma_start3A_105 = tpu.memref_slice %arg13[%dma_start3A_103, %dma_start3A_104] : memref<10240x128xf32, #tpu.memory_space<vmem_shared>> -> memref<10240x128xf32, #tpu.memory_space<vmem_shared>>
        tpu.enqueue_indirect_dma source(%arg12 : memref<128x128xf32, #tpu.memory_space<vmem>>) target(%dma_start3A_105 : memref<10240x128xf32, #tpu.memory_space<vmem_shared>>) offsets(%arg10 : memref<128xi32, #tpu.memory_space<vmem>>) semaphore(%run_scoped3A_102 : memref<!tpu.dma_semaphore, #tpu.memory_space<semaphore_mem>>) {add = true}
        %dma_wait3A_106 = arith.constant 0 : i32
        %dma_wait3A_107 = arith.constant 0 : i32
        %dma_wait3A_108 = tpu.memref_slice %arg13[%dma_wait3A_106, %dma_wait3A_107] : memref<10240x128xf32, #tpu.memory_space<vmem_shared>> -> memref<10240x128xf32, #tpu.memory_space<vmem_shared>>
        tpu.wait_indirect_dma semaphore(%run_scoped3A_102 : memref<!tpu.dma_semaphore, #tpu.memory_space<semaphore_mem>>) src(%arg12 : memref<128x128xf32, #tpu.memory_space<vmem>>) dst(%dma_wait3A_108 : memref<10240x128xf32, #tpu.memory_space<vmem_shared>>)
        tpu.yield
      }) : () -> ()
    }
    %scan3A_28 = arith.constant 40 : i32
    %barrier3A_29 = arith.constant 0 : index
    tpu.barrier barrier_id(%barrier3A_29)
    %mul3A_30 = arith.constant 640 : i32
    %mul3A_31 = arith.muli %arg1, %mul3A_30 : i32
    %add3A_32 = arith.constant 0 : i32
    %add3A_33 = arith.addi %mul3A_31, %add3A_32 : i32
    "tpu.region"() ({
      %run_scoped3A_85 = tpu.sem_alloc : memref<!tpu.dma_semaphore, #tpu.memory_space<semaphore_mem>>
      %dma_start3A_86 = arith.constant 0 : i32
      %dma_start3A_87 = tpu.memref_slice %arg13[%add3A_33, %dma_start3A_86] : memref<10240x128xf32, #tpu.memory_space<vmem_shared>> -> memref<128x128xf32, #tpu.memory_space<vmem_shared>>
      %dma_start3A_88 = arith.constant 0 : i32
      %dma_start3A_89 = tpu.memref_slice %arg13[%add3A_33, %dma_start3A_88] : memref<10240x128xf32, #tpu.memory_space<vmem_shared>> -> memref<128x128xf32, #tpu.memory_space<vmem_shared>>
      tpu.enqueue_dma source(%dma_start3A_89 : memref<128x128xf32, #tpu.memory_space<vmem_shared>>) target(%arg11 : memref<128x128xf32, #tpu.memory_space<vmem>>) target_semaphore(%run_scoped3A_85 : memref<!tpu.dma_semaphore, #tpu.memory_space<semaphore_mem>>)
      %dma_wait3A = arith.constant 0 : i32
      %dma_wait3A_90 = tpu.memref_slice %arg13[%add3A_33, %dma_wait3A] : memref<10240x128xf32, #tpu.memory_space<vmem_shared>> -> memref<128x128xf32, #tpu.memory_space<vmem_shared>>
      %dma_wait3A_91 = arith.constant 0 : i32
      %dma_wait3A_92 = tpu.memref_slice %arg13[%add3A_33, %dma_wait3A_91] : memref<10240x128xf32, #tpu.memory_space<vmem_shared>> -> memref<128x128xf32, #tpu.memory_space<vmem_shared>>
      tpu.wait_dma2 semaphore(%run_scoped3A_85 : memref<!tpu.dma_semaphore, #tpu.memory_space<semaphore_mem>>) src(%dma_wait3A_92 : memref<128x128xf32, #tpu.memory_space<vmem_shared>>) dst(%arg11 : memref<128x128xf32, #tpu.memory_space<vmem>>)
      tpu.yield
    }) : () -> ()
    %mul3A_34 = arith.constant 10240 : i32
    %mul3A_35 = arith.muli %arg0, %mul3A_34 : i32
    %mul3A_36 = arith.constant 640 : i32
    %mul3A_37 = arith.muli %arg1, %mul3A_36 : i32
    %add3A_38 = arith.addi %mul3A_35, %mul3A_37 : i32
    %add3A_39 = arith.constant 0 : i32
    %add3A_40 = arith.addi %add3A_38, %add3A_39 : i32
    "tpu.region"() ({
      %run_scoped3A_85 = tpu.sem_alloc : memref<!tpu.dma_semaphore, #tpu.memory_space<semaphore_mem>>
      %dma_start3A_86 = arith.constant 0 : i32
      %dma_start3A_87 = tpu.memref_slice %arg6[%add3A_40, %dma_start3A_86] : memref<20480x128xf32, #tpu.memory_space<hbm>> -> memref<128x128xf32, #tpu.memory_space<hbm>>
      %dma_start3A_88 = arith.constant 0 : i32
      %dma_start3A_89 = tpu.memref_slice %arg6[%add3A_40, %dma_start3A_88] : memref<20480x128xf32, #tpu.memory_space<hbm>> -> memref<128x128xf32, #tpu.memory_space<hbm>>
      tpu.enqueue_dma source(%arg11 : memref<128x128xf32, #tpu.memory_space<vmem>>) target(%dma_start3A_89 : memref<128x128xf32, #tpu.memory_space<hbm>>) target_semaphore(%run_scoped3A_85 : memref<!tpu.dma_semaphore, #tpu.memory_space<semaphore_mem>>)
      %dma_wait3A = arith.constant 0 : i32
      %dma_wait3A_90 = tpu.memref_slice %arg6[%add3A_40, %dma_wait3A] : memref<20480x128xf32, #tpu.memory_space<hbm>> -> memref<128x128xf32, #tpu.memory_space<hbm>>
      %dma_wait3A_91 = arith.constant 0 : i32
      %dma_wait3A_92 = tpu.memref_slice %arg6[%add3A_40, %dma_wait3A_91] : memref<20480x128xf32, #tpu.memory_space<hbm>> -> memref<128x128xf32, #tpu.memory_space<hbm>>
      tpu.wait_dma2 semaphore(%run_scoped3A_85 : memref<!tpu.dma_semaphore, #tpu.memory_space<semaphore_mem>>) src(%arg11 : memref<128x128xf32, #tpu.memory_space<vmem>>) dst(%dma_wait3A_92 : memref<128x128xf32, #tpu.memory_space<hbm>>)
      tpu.yield
    }) : () -> ()
    %mul3A_41 = arith.constant 640 : i32
    %mul3A_42 = arith.muli %arg1, %mul3A_41 : i32
    %add3A_43 = arith.constant 128 : i32
    %add3A_44 = arith.addi %mul3A_42, %add3A_43 : i32
    "tpu.region"() ({
      %run_scoped3A_85 = tpu.sem_alloc : memref<!tpu.dma_semaphore, #tpu.memory_space<semaphore_mem>>
      %dma_start3A_86 = arith.constant 0 : i32
      %dma_start3A_87 = tpu.memref_slice %arg13[%add3A_44, %dma_start3A_86] : memref<10240x128xf32, #tpu.memory_space<vmem_shared>> -> memref<128x128xf32, #tpu.memory_space<vmem_shared>>
      %dma_start3A_88 = arith.constant 0 : i32
      %dma_start3A_89 = tpu.memref_slice %arg13[%add3A_44, %dma_start3A_88] : memref<10240x128xf32, #tpu.memory_space<vmem_shared>> -> memref<128x128xf32, #tpu.memory_space<vmem_shared>>
      tpu.enqueue_dma source(%dma_start3A_89 : memref<128x128xf32, #tpu.memory_space<vmem_shared>>) target(%arg11 : memref<128x128xf32, #tpu.memory_space<vmem>>) target_semaphore(%run_scoped3A_85 : memref<!tpu.dma_semaphore, #tpu.memory_space<semaphore_mem>>)
      %dma_wait3A = arith.constant 0 : i32
      %dma_wait3A_90 = tpu.memref_slice %arg13[%add3A_44, %dma_wait3A] : memref<10240x128xf32, #tpu.memory_space<vmem_shared>> -> memref<128x128xf32, #tpu.memory_space<vmem_shared>>
      %dma_wait3A_91 = arith.constant 0 : i32
      %dma_wait3A_92 = tpu.memref_slice %arg13[%add3A_44, %dma_wait3A_91] : memref<10240x128xf32, #tpu.memory_space<vmem_shared>> -> memref<128x128xf32, #tpu.memory_space<vmem_shared>>
      tpu.wait_dma2 semaphore(%run_scoped3A_85 : memref<!tpu.dma_semaphore, #tpu.memory_space<semaphore_mem>>) src(%dma_wait3A_92 : memref<128x128xf32, #tpu.memory_space<vmem_shared>>) dst(%arg11 : memref<128x128xf32, #tpu.memory_space<vmem>>)
      tpu.yield
    }) : () -> ()
    %mul3A_45 = arith.constant 10240 : i32
    %mul3A_46 = arith.muli %arg0, %mul3A_45 : i32
    %mul3A_47 = arith.constant 640 : i32
    %mul3A_48 = arith.muli %arg1, %mul3A_47 : i32
    %add3A_49 = arith.addi %mul3A_46, %mul3A_48 : i32
    %add3A_50 = arith.constant 128 : i32
    %add3A_51 = arith.addi %add3A_49, %add3A_50 : i32
    "tpu.region"() ({
      %run_scoped3A_85 = tpu.sem_alloc : memref<!tpu.dma_semaphore, #tpu.memory_space<semaphore_mem>>
      %dma_start3A_86 = arith.constant 0 : i32
      %dma_start3A_87 = tpu.memref_slice %arg6[%add3A_51, %dma_start3A_86] : memref<20480x128xf32, #tpu.memory_space<hbm>> -> memref<128x128xf32, #tpu.memory_space<hbm>>
      %dma_start3A_88 = arith.constant 0 : i32
      %dma_start3A_89 = tpu.memref_slice %arg6[%add3A_51, %dma_start3A_88] : memref<20480x128xf32, #tpu.memory_space<hbm>> -> memref<128x128xf32, #tpu.memory_space<hbm>>
      tpu.enqueue_dma source(%arg11 : memref<128x128xf32, #tpu.memory_space<vmem>>) target(%dma_start3A_89 : memref<128x128xf32, #tpu.memory_space<hbm>>) target_semaphore(%run_scoped3A_85 : memref<!tpu.dma_semaphore, #tpu.memory_space<semaphore_mem>>)
      %dma_wait3A = arith.constant 0 : i32
      %dma_wait3A_90 = tpu.memref_slice %arg6[%add3A_51, %dma_wait3A] : memref<20480x128xf32, #tpu.memory_space<hbm>> -> memref<128x128xf32, #tpu.memory_space<hbm>>
      %dma_wait3A_91 = arith.constant 0 : i32
      %dma_wait3A_92 = tpu.memref_slice %arg6[%add3A_51, %dma_wait3A_91] : memref<20480x128xf32, #tpu.memory_space<hbm>> -> memref<128x128xf32, #tpu.memory_space<hbm>>
      tpu.wait_dma2 semaphore(%run_scoped3A_85 : memref<!tpu.dma_semaphore, #tpu.memory_space<semaphore_mem>>) src(%arg11 : memref<128x128xf32, #tpu.memory_space<vmem>>) dst(%dma_wait3A_92 : memref<128x128xf32, #tpu.memory_space<hbm>>)
      tpu.yield
    }) : () -> ()
    %mul3A_52 = arith.constant 640 : i32
    %mul3A_53 = arith.muli %arg1, %mul3A_52 : i32
    %add3A_54 = arith.constant 256 : i32
    %add3A_55 = arith.addi %mul3A_53, %add3A_54 : i32
    "tpu.region"() ({
      %run_scoped3A_85 = tpu.sem_alloc : memref<!tpu.dma_semaphore, #tpu.memory_space<semaphore_mem>>
      %dma_start3A_86 = arith.constant 0 : i32
      %dma_start3A_87 = tpu.memref_slice %arg13[%add3A_55, %dma_start3A_86] : memref<10240x128xf32, #tpu.memory_space<vmem_shared>> -> memref<128x128xf32, #tpu.memory_space<vmem_shared>>
      %dma_start3A_88 = arith.constant 0 : i32
      %dma_start3A_89 = tpu.memref_slice %arg13[%add3A_55, %dma_start3A_88] : memref<10240x128xf32, #tpu.memory_space<vmem_shared>> -> memref<128x128xf32, #tpu.memory_space<vmem_shared>>
      tpu.enqueue_dma source(%dma_start3A_89 : memref<128x128xf32, #tpu.memory_space<vmem_shared>>) target(%arg11 : memref<128x128xf32, #tpu.memory_space<vmem>>) target_semaphore(%run_scoped3A_85 : memref<!tpu.dma_semaphore, #tpu.memory_space<semaphore_mem>>)
      %dma_wait3A = arith.constant 0 : i32
      %dma_wait3A_90 = tpu.memref_slice %arg13[%add3A_55, %dma_wait3A] : memref<10240x128xf32, #tpu.memory_space<vmem_shared>> -> memref<128x128xf32, #tpu.memory_space<vmem_shared>>
      %dma_wait3A_91 = arith.constant 0 : i32
      %dma_wait3A_92 = tpu.memref_slice %arg13[%add3A_55, %dma_wait3A_91] : memref<10240x128xf32, #tpu.memory_space<vmem_shared>> -> memref<128x128xf32, #tpu.memory_space<vmem_shared>>
      tpu.wait_dma2 semaphore(%run_scoped3A_85 : memref<!tpu.dma_semaphore, #tpu.memory_space<semaphore_mem>>) src(%dma_wait3A_92 : memref<128x128xf32, #tpu.memory_space<vmem_shared>>) dst(%arg11 : memref<128x128xf32, #tpu.memory_space<vmem>>)
      tpu.yield
    }) : () -> ()
    %mul3A_56 = arith.constant 10240 : i32
    %mul3A_57 = arith.muli %arg0, %mul3A_56 : i32
    %mul3A_58 = arith.constant 640 : i32
    %mul3A_59 = arith.muli %arg1, %mul3A_58 : i32
    %add3A_60 = arith.addi %mul3A_57, %mul3A_59 : i32
    %add3A_61 = arith.constant 256 : i32
    %add3A_62 = arith.addi %add3A_60, %add3A_61 : i32
    "tpu.region"() ({
      %run_scoped3A_85 = tpu.sem_alloc : memref<!tpu.dma_semaphore, #tpu.memory_space<semaphore_mem>>
      %dma_start3A_86 = arith.constant 0 : i32
      %dma_start3A_87 = tpu.memref_slice %arg6[%add3A_62, %dma_start3A_86] : memref<20480x128xf32, #tpu.memory_space<hbm>> -> memref<128x128xf32, #tpu.memory_space<hbm>>
      %dma_start3A_88 = arith.constant 0 : i32
      %dma_start3A_89 = tpu.memref_slice %arg6[%add3A_62, %dma_start3A_88] : memref<20480x128xf32, #tpu.memory_space<hbm>> -> memref<128x128xf32, #tpu.memory_space<hbm>>
      tpu.enqueue_dma source(%arg11 : memref<128x128xf32, #tpu.memory_space<vmem>>) target(%dma_start3A_89 : memref<128x128xf32, #tpu.memory_space<hbm>>) target_semaphore(%run_scoped3A_85 : memref<!tpu.dma_semaphore, #tpu.memory_space<semaphore_mem>>)
      %dma_wait3A = arith.constant 0 : i32
      %dma_wait3A_90 = tpu.memref_slice %arg6[%add3A_62, %dma_wait3A] : memref<20480x128xf32, #tpu.memory_space<hbm>> -> memref<128x128xf32, #tpu.memory_space<hbm>>
      %dma_wait3A_91 = arith.constant 0 : i32
      %dma_wait3A_92 = tpu.memref_slice %arg6[%add3A_62, %dma_wait3A_91] : memref<20480x128xf32, #tpu.memory_space<hbm>> -> memref<128x128xf32, #tpu.memory_space<hbm>>
      tpu.wait_dma2 semaphore(%run_scoped3A_85 : memref<!tpu.dma_semaphore, #tpu.memory_space<semaphore_mem>>) src(%arg11 : memref<128x128xf32, #tpu.memory_space<vmem>>) dst(%dma_wait3A_92 : memref<128x128xf32, #tpu.memory_space<hbm>>)
      tpu.yield
    }) : () -> ()
    %mul3A_63 = arith.constant 640 : i32
    %mul3A_64 = arith.muli %arg1, %mul3A_63 : i32
    %add3A_65 = arith.constant 384 : i32
    %add3A_66 = arith.addi %mul3A_64, %add3A_65 : i32
    "tpu.region"() ({
      %run_scoped3A_85 = tpu.sem_alloc : memref<!tpu.dma_semaphore, #tpu.memory_space<semaphore_mem>>
      %dma_start3A_86 = arith.constant 0 : i32
      %dma_start3A_87 = tpu.memref_slice %arg13[%add3A_66, %dma_start3A_86] : memref<10240x128xf32, #tpu.memory_space<vmem_shared>> -> memref<128x128xf32, #tpu.memory_space<vmem_shared>>
      %dma_start3A_88 = arith.constant 0 : i32
      %dma_start3A_89 = tpu.memref_slice %arg13[%add3A_66, %dma_start3A_88] : memref<10240x128xf32, #tpu.memory_space<vmem_shared>> -> memref<128x128xf32, #tpu.memory_space<vmem_shared>>
      tpu.enqueue_dma source(%dma_start3A_89 : memref<128x128xf32, #tpu.memory_space<vmem_shared>>) target(%arg11 : memref<128x128xf32, #tpu.memory_space<vmem>>) target_semaphore(%run_scoped3A_85 : memref<!tpu.dma_semaphore, #tpu.memory_space<semaphore_mem>>)
      %dma_wait3A = arith.constant 0 : i32
      %dma_wait3A_90 = tpu.memref_slice %arg13[%add3A_66, %dma_wait3A] : memref<10240x128xf32, #tpu.memory_space<vmem_shared>> -> memref<128x128xf32, #tpu.memory_space<vmem_shared>>
      %dma_wait3A_91 = arith.constant 0 : i32
      %dma_wait3A_92 = tpu.memref_slice %arg13[%add3A_66, %dma_wait3A_91] : memref<10240x128xf32, #tpu.memory_space<vmem_shared>> -> memref<128x128xf32, #tpu.memory_space<vmem_shared>>
      tpu.wait_dma2 semaphore(%run_scoped3A_85 : memref<!tpu.dma_semaphore, #tpu.memory_space<semaphore_mem>>) src(%dma_wait3A_92 : memref<128x128xf32, #tpu.memory_space<vmem_shared>>) dst(%arg11 : memref<128x128xf32, #tpu.memory_space<vmem>>)
      tpu.yield
    }) : () -> ()
    %mul3A_67 = arith.constant 10240 : i32
    %mul3A_68 = arith.muli %arg0, %mul3A_67 : i32
    %mul3A_69 = arith.constant 640 : i32
    %mul3A_70 = arith.muli %arg1, %mul3A_69 : i32
    %add3A_71 = arith.addi %mul3A_68, %mul3A_70 : i32
    %add3A_72 = arith.constant 384 : i32
    %add3A_73 = arith.addi %add3A_71, %add3A_72 : i32
    "tpu.region"() ({
      %run_scoped3A_85 = tpu.sem_alloc : memref<!tpu.dma_semaphore, #tpu.memory_space<semaphore_mem>>
      %dma_start3A_86 = arith.constant 0 : i32
      %dma_start3A_87 = tpu.memref_slice %arg6[%add3A_73, %dma_start3A_86] : memref<20480x128xf32, #tpu.memory_space<hbm>> -> memref<128x128xf32, #tpu.memory_space<hbm>>
      %dma_start3A_88 = arith.constant 0 : i32
      %dma_start3A_89 = tpu.memref_slice %arg6[%add3A_73, %dma_start3A_88] : memref<20480x128xf32, #tpu.memory_space<hbm>> -> memref<128x128xf32, #tpu.memory_space<hbm>>
      tpu.enqueue_dma source(%arg11 : memref<128x128xf32, #tpu.memory_space<vmem>>) target(%dma_start3A_89 : memref<128x128xf32, #tpu.memory_space<hbm>>) target_semaphore(%run_scoped3A_85 : memref<!tpu.dma_semaphore, #tpu.memory_space<semaphore_mem>>)
      %dma_wait3A = arith.constant 0 : i32
      %dma_wait3A_90 = tpu.memref_slice %arg6[%add3A_73, %dma_wait3A] : memref<20480x128xf32, #tpu.memory_space<hbm>> -> memref<128x128xf32, #tpu.memory_space<hbm>>
      %dma_wait3A_91 = arith.constant 0 : i32
      %dma_wait3A_92 = tpu.memref_slice %arg6[%add3A_73, %dma_wait3A_91] : memref<20480x128xf32, #tpu.memory_space<hbm>> -> memref<128x128xf32, #tpu.memory_space<hbm>>
      tpu.wait_dma2 semaphore(%run_scoped3A_85 : memref<!tpu.dma_semaphore, #tpu.memory_space<semaphore_mem>>) src(%arg11 : memref<128x128xf32, #tpu.memory_space<vmem>>) dst(%dma_wait3A_92 : memref<128x128xf32, #tpu.memory_space<hbm>>)
      tpu.yield
    }) : () -> ()
    %mul3A_74 = arith.constant 640 : i32
    %mul3A_75 = arith.muli %arg1, %mul3A_74 : i32
    %add3A_76 = arith.constant 512 : i32
    %add3A_77 = arith.addi %mul3A_75, %add3A_76 : i32
    "tpu.region"() ({
      %run_scoped3A_85 = tpu.sem_alloc : memref<!tpu.dma_semaphore, #tpu.memory_space<semaphore_mem>>
      %dma_start3A_86 = arith.constant 0 : i32
      %dma_start3A_87 = tpu.memref_slice %arg13[%add3A_77, %dma_start3A_86] : memref<10240x128xf32, #tpu.memory_space<vmem_shared>> -> memref<128x128xf32, #tpu.memory_space<vmem_shared>>
      %dma_start3A_88 = arith.constant 0 : i32
      %dma_start3A_89 = tpu.memref_slice %arg13[%add3A_77, %dma_start3A_88] : memref<10240x128xf32, #tpu.memory_space<vmem_shared>> -> memref<128x128xf32, #tpu.memory_space<vmem_shared>>
      tpu.enqueue_dma source(%dma_start3A_89 : memref<128x128xf32, #tpu.memory_space<vmem_shared>>) target(%arg11 : memref<128x128xf32, #tpu.memory_space<vmem>>) target_semaphore(%run_scoped3A_85 : memref<!tpu.dma_semaphore, #tpu.memory_space<semaphore_mem>>)
      %dma_wait3A = arith.constant 0 : i32
      %dma_wait3A_90 = tpu.memref_slice %arg13[%add3A_77, %dma_wait3A] : memref<10240x128xf32, #tpu.memory_space<vmem_shared>> -> memref<128x128xf32, #tpu.memory_space<vmem_shared>>
      %dma_wait3A_91 = arith.constant 0 : i32
      %dma_wait3A_92 = tpu.memref_slice %arg13[%add3A_77, %dma_wait3A_91] : memref<10240x128xf32, #tpu.memory_space<vmem_shared>> -> memref<128x128xf32, #tpu.memory_space<vmem_shared>>
      tpu.wait_dma2 semaphore(%run_scoped3A_85 : memref<!tpu.dma_semaphore, #tpu.memory_space<semaphore_mem>>) src(%dma_wait3A_92 : memref<128x128xf32, #tpu.memory_space<vmem_shared>>) dst(%arg11 : memref<128x128xf32, #tpu.memory_space<vmem>>)
      tpu.yield
    }) : () -> ()
    %mul3A_78 = arith.constant 10240 : i32
    %mul3A_79 = arith.muli %arg0, %mul3A_78 : i32
    %mul3A_80 = arith.constant 640 : i32
    %mul3A_81 = arith.muli %arg1, %mul3A_80 : i32
    %add3A_82 = arith.addi %mul3A_79, %mul3A_81 : i32
    %add3A_83 = arith.constant 512 : i32
    %add3A_84 = arith.addi %add3A_82, %add3A_83 : i32
    "tpu.region"() ({
      %run_scoped3A_85 = tpu.sem_alloc : memref<!tpu.dma_semaphore, #tpu.memory_space<semaphore_mem>>
      %dma_start3A_86 = arith.constant 0 : i32
      %dma_start3A_87 = tpu.memref_slice %arg6[%add3A_84, %dma_start3A_86] : memref<20480x128xf32, #tpu.memory_space<hbm>> -> memref<128x128xf32, #tpu.memory_space<hbm>>
      %dma_start3A_88 = arith.constant 0 : i32
      %dma_start3A_89 = tpu.memref_slice %arg6[%add3A_84, %dma_start3A_88] : memref<20480x128xf32, #tpu.memory_space<hbm>> -> memref<128x128xf32, #tpu.memory_space<hbm>>
      tpu.enqueue_dma source(%arg11 : memref<128x128xf32, #tpu.memory_space<vmem>>) target(%dma_start3A_89 : memref<128x128xf32, #tpu.memory_space<hbm>>) target_semaphore(%run_scoped3A_85 : memref<!tpu.dma_semaphore, #tpu.memory_space<semaphore_mem>>)
      %dma_wait3A = arith.constant 0 : i32
      %dma_wait3A_90 = tpu.memref_slice %arg6[%add3A_84, %dma_wait3A] : memref<20480x128xf32, #tpu.memory_space<hbm>> -> memref<128x128xf32, #tpu.memory_space<hbm>>
      %dma_wait3A_91 = arith.constant 0 : i32
      %dma_wait3A_92 = tpu.memref_slice %arg6[%add3A_84, %dma_wait3A_91] : memref<20480x128xf32, #tpu.memory_space<hbm>> -> memref<128x128xf32, #tpu.memory_space<hbm>>
      tpu.wait_dma2 semaphore(%run_scoped3A_85 : memref<!tpu.dma_semaphore, #tpu.memory_space<semaphore_mem>>) src(%arg11 : memref<128x128xf32, #tpu.memory_space<vmem>>) dst(%dma_wait3A_92 : memref<128x128xf32, #tpu.memory_space<hbm>>)
      tpu.yield
    }) : () -> ()
    return
  }
}

#map = affine_map<(d0, d1) -> (0, 0)>
#map1 = affine_map<(d0, d1) -> (0, 0, 0, 0)>
module attributes {stable_mosaic.version = 14 : i64} {
  func.func @k(%arg0: i32, %arg1: i32, %arg2: memref<10000x128xf32, #tpu.memory_space<hbm>>, %arg3: memref<10000x128xf32, #tpu.memory_space<hbm>>, %arg4: memref<16x2x80x128xi32, #tpu.memory_space<hbm>>, %arg5: memref<16x2x80x128xi32, #tpu.memory_space<hbm>>, %arg6: memref<128x128xf32, #tpu.memory_space<hbm>>, %arg7: memref<20480x128xf32, #tpu.memory_space<hbm>>, %arg8: memref<128xi32, #tpu.memory_space<vmem>>, %arg9: memref<128xi32, #tpu.memory_space<vmem>>, %arg10: memref<128xi32, #tpu.memory_space<vmem>>, %arg11: memref<128xi32, #tpu.memory_space<vmem>>, %arg12: memref<128x128xf32, #tpu.memory_space<vmem>>, %arg13: memref<128x128xf32, #tpu.memory_space<vmem>>, %arg14: memref<10240x128xf32, #tpu.memory_space<vmem_shared>>, %arg15: memref<!tpu.dma_semaphore, #tpu.memory_space<semaphore_mem>>, %arg16: memref<!tpu.dma_semaphore, #tpu.memory_space<semaphore_mem>>) attributes {dimension_semantics = [#tpu.dimension_semantics<core_parallel>, #tpu.dimension_semantics<subcore_parallel>], iteration_bounds = array<i64: 2, 16>, scalar_prefetch = 0 : i64, scratch_operands = 9 : i64, tpu.core_type = #tpu.core_type<sc_vector_subcore>, window_params = [{transform_indices = #map}, {transform_indices = #map}, {transform_indices = #map1}, {transform_indices = #map1}, {transform_indices = #map}, {transform_indices = #map}]} {
    "tpu.region"() ({
      %run_scoped3A = tpu.sem_alloc : memref<!tpu.dma_semaphore, #tpu.memory_space<semaphore_mem>>
      tpu.enqueue_dma source(%arg6 : memref<128x128xf32, #tpu.memory_space<hbm>>) target(%arg12 : memref<128x128xf32, #tpu.memory_space<vmem>>) target_semaphore(%run_scoped3A : memref<!tpu.dma_semaphore, #tpu.memory_space<semaphore_mem>>)
      tpu.wait_dma2 semaphore(%run_scoped3A : memref<!tpu.dma_semaphore, #tpu.memory_space<semaphore_mem>>) src(%arg6 : memref<128x128xf32, #tpu.memory_space<hbm>>) dst(%arg12 : memref<128x128xf32, #tpu.memory_space<vmem>>)
      tpu.yield
    }) : () -> ()
    %mul3A = arith.constant 640 : i32
    %mul3A_0 = arith.muli %arg1, %mul3A : i32
    %add3A = arith.constant 0 : i32
    %add3A_1 = arith.addi %mul3A_0, %add3A : i32
    "tpu.region"() ({
      %run_scoped3A = tpu.sem_alloc : memref<!tpu.dma_semaphore, #tpu.memory_space<semaphore_mem>>
      %dma_start3A = arith.constant 0 : i32
      %dma_start3A_81 = tpu.memref_slice %arg14[%add3A_1, %dma_start3A] : memref<10240x128xf32, #tpu.memory_space<vmem_shared>> -> memref<128x128xf32, #tpu.memory_space<vmem_shared>>
      %dma_start3A_82 = arith.constant 0 : i32
      %dma_start3A_83 = tpu.memref_slice %arg14[%add3A_1, %dma_start3A_82] : memref<10240x128xf32, #tpu.memory_space<vmem_shared>> -> memref<128x128xf32, #tpu.memory_space<vmem_shared>>
      tpu.enqueue_dma source(%arg12 : memref<128x128xf32, #tpu.memory_space<vmem>>) target(%dma_start3A_83 : memref<128x128xf32, #tpu.memory_space<vmem_shared>>) target_semaphore(%run_scoped3A : memref<!tpu.dma_semaphore, #tpu.memory_space<semaphore_mem>>)
      %dma_wait3A = arith.constant 0 : i32
      %dma_wait3A_84 = tpu.memref_slice %arg14[%add3A_1, %dma_wait3A] : memref<10240x128xf32, #tpu.memory_space<vmem_shared>> -> memref<128x128xf32, #tpu.memory_space<vmem_shared>>
      %dma_wait3A_85 = arith.constant 0 : i32
      %dma_wait3A_86 = tpu.memref_slice %arg14[%add3A_1, %dma_wait3A_85] : memref<10240x128xf32, #tpu.memory_space<vmem_shared>> -> memref<128x128xf32, #tpu.memory_space<vmem_shared>>
      tpu.wait_dma2 semaphore(%run_scoped3A : memref<!tpu.dma_semaphore, #tpu.memory_space<semaphore_mem>>) src(%arg12 : memref<128x128xf32, #tpu.memory_space<vmem>>) dst(%dma_wait3A_86 : memref<128x128xf32, #tpu.memory_space<vmem_shared>>)
      tpu.yield
    }) : () -> ()
    %mul3A_2 = arith.constant 640 : i32
    %mul3A_3 = arith.muli %arg1, %mul3A_2 : i32
    %add3A_4 = arith.constant 128 : i32
    %add3A_5 = arith.addi %mul3A_3, %add3A_4 : i32
    "tpu.region"() ({
      %run_scoped3A = tpu.sem_alloc : memref<!tpu.dma_semaphore, #tpu.memory_space<semaphore_mem>>
      %dma_start3A = arith.constant 0 : i32
      %dma_start3A_81 = tpu.memref_slice %arg14[%add3A_5, %dma_start3A] : memref<10240x128xf32, #tpu.memory_space<vmem_shared>> -> memref<128x128xf32, #tpu.memory_space<vmem_shared>>
      %dma_start3A_82 = arith.constant 0 : i32
      %dma_start3A_83 = tpu.memref_slice %arg14[%add3A_5, %dma_start3A_82] : memref<10240x128xf32, #tpu.memory_space<vmem_shared>> -> memref<128x128xf32, #tpu.memory_space<vmem_shared>>
      tpu.enqueue_dma source(%arg12 : memref<128x128xf32, #tpu.memory_space<vmem>>) target(%dma_start3A_83 : memref<128x128xf32, #tpu.memory_space<vmem_shared>>) target_semaphore(%run_scoped3A : memref<!tpu.dma_semaphore, #tpu.memory_space<semaphore_mem>>)
      %dma_wait3A = arith.constant 0 : i32
      %dma_wait3A_84 = tpu.memref_slice %arg14[%add3A_5, %dma_wait3A] : memref<10240x128xf32, #tpu.memory_space<vmem_shared>> -> memref<128x128xf32, #tpu.memory_space<vmem_shared>>
      %dma_wait3A_85 = arith.constant 0 : i32
      %dma_wait3A_86 = tpu.memref_slice %arg14[%add3A_5, %dma_wait3A_85] : memref<10240x128xf32, #tpu.memory_space<vmem_shared>> -> memref<128x128xf32, #tpu.memory_space<vmem_shared>>
      tpu.wait_dma2 semaphore(%run_scoped3A : memref<!tpu.dma_semaphore, #tpu.memory_space<semaphore_mem>>) src(%arg12 : memref<128x128xf32, #tpu.memory_space<vmem>>) dst(%dma_wait3A_86 : memref<128x128xf32, #tpu.memory_space<vmem_shared>>)
      tpu.yield
    }) : () -> ()
    %mul3A_6 = arith.constant 640 : i32
    %mul3A_7 = arith.muli %arg1, %mul3A_6 : i32
    %add3A_8 = arith.constant 256 : i32
    %add3A_9 = arith.addi %mul3A_7, %add3A_8 : i32
    "tpu.region"() ({
      %run_scoped3A = tpu.sem_alloc : memref<!tpu.dma_semaphore, #tpu.memory_space<semaphore_mem>>
      %dma_start3A = arith.constant 0 : i32
      %dma_start3A_81 = tpu.memref_slice %arg14[%add3A_9, %dma_start3A] : memref<10240x128xf32, #tpu.memory_space<vmem_shared>> -> memref<128x128xf32, #tpu.memory_space<vmem_shared>>
      %dma_start3A_82 = arith.constant 0 : i32
      %dma_start3A_83 = tpu.memref_slice %arg14[%add3A_9, %dma_start3A_82] : memref<10240x128xf32, #tpu.memory_space<vmem_shared>> -> memref<128x128xf32, #tpu.memory_space<vmem_shared>>
      tpu.enqueue_dma source(%arg12 : memref<128x128xf32, #tpu.memory_space<vmem>>) target(%dma_start3A_83 : memref<128x128xf32, #tpu.memory_space<vmem_shared>>) target_semaphore(%run_scoped3A : memref<!tpu.dma_semaphore, #tpu.memory_space<semaphore_mem>>)
      %dma_wait3A = arith.constant 0 : i32
      %dma_wait3A_84 = tpu.memref_slice %arg14[%add3A_9, %dma_wait3A] : memref<10240x128xf32, #tpu.memory_space<vmem_shared>> -> memref<128x128xf32, #tpu.memory_space<vmem_shared>>
      %dma_wait3A_85 = arith.constant 0 : i32
      %dma_wait3A_86 = tpu.memref_slice %arg14[%add3A_9, %dma_wait3A_85] : memref<10240x128xf32, #tpu.memory_space<vmem_shared>> -> memref<128x128xf32, #tpu.memory_space<vmem_shared>>
      tpu.wait_dma2 semaphore(%run_scoped3A : memref<!tpu.dma_semaphore, #tpu.memory_space<semaphore_mem>>) src(%arg12 : memref<128x128xf32, #tpu.memory_space<vmem>>) dst(%dma_wait3A_86 : memref<128x128xf32, #tpu.memory_space<vmem_shared>>)
      tpu.yield
    }) : () -> ()
    %mul3A_10 = arith.constant 640 : i32
    %mul3A_11 = arith.muli %arg1, %mul3A_10 : i32
    %add3A_12 = arith.constant 384 : i32
    %add3A_13 = arith.addi %mul3A_11, %add3A_12 : i32
    "tpu.region"() ({
      %run_scoped3A = tpu.sem_alloc : memref<!tpu.dma_semaphore, #tpu.memory_space<semaphore_mem>>
      %dma_start3A = arith.constant 0 : i32
      %dma_start3A_81 = tpu.memref_slice %arg14[%add3A_13, %dma_start3A] : memref<10240x128xf32, #tpu.memory_space<vmem_shared>> -> memref<128x128xf32, #tpu.memory_space<vmem_shared>>
      %dma_start3A_82 = arith.constant 0 : i32
      %dma_start3A_83 = tpu.memref_slice %arg14[%add3A_13, %dma_start3A_82] : memref<10240x128xf32, #tpu.memory_space<vmem_shared>> -> memref<128x128xf32, #tpu.memory_space<vmem_shared>>
      tpu.enqueue_dma source(%arg12 : memref<128x128xf32, #tpu.memory_space<vmem>>) target(%dma_start3A_83 : memref<128x128xf32, #tpu.memory_space<vmem_shared>>) target_semaphore(%run_scoped3A : memref<!tpu.dma_semaphore, #tpu.memory_space<semaphore_mem>>)
      %dma_wait3A = arith.constant 0 : i32
      %dma_wait3A_84 = tpu.memref_slice %arg14[%add3A_13, %dma_wait3A] : memref<10240x128xf32, #tpu.memory_space<vmem_shared>> -> memref<128x128xf32, #tpu.memory_space<vmem_shared>>
      %dma_wait3A_85 = arith.constant 0 : i32
      %dma_wait3A_86 = tpu.memref_slice %arg14[%add3A_13, %dma_wait3A_85] : memref<10240x128xf32, #tpu.memory_space<vmem_shared>> -> memref<128x128xf32, #tpu.memory_space<vmem_shared>>
      tpu.wait_dma2 semaphore(%run_scoped3A : memref<!tpu.dma_semaphore, #tpu.memory_space<semaphore_mem>>) src(%arg12 : memref<128x128xf32, #tpu.memory_space<vmem>>) dst(%dma_wait3A_86 : memref<128x128xf32, #tpu.memory_space<vmem_shared>>)
      tpu.yield
    }) : () -> ()
    %mul3A_14 = arith.constant 640 : i32
    %mul3A_15 = arith.muli %arg1, %mul3A_14 : i32
    %add3A_16 = arith.constant 512 : i32
    %add3A_17 = arith.addi %mul3A_15, %add3A_16 : i32
    "tpu.region"() ({
      %run_scoped3A = tpu.sem_alloc : memref<!tpu.dma_semaphore, #tpu.memory_space<semaphore_mem>>
      %dma_start3A = arith.constant 0 : i32
      %dma_start3A_81 = tpu.memref_slice %arg14[%add3A_17, %dma_start3A] : memref<10240x128xf32, #tpu.memory_space<vmem_shared>> -> memref<128x128xf32, #tpu.memory_space<vmem_shared>>
      %dma_start3A_82 = arith.constant 0 : i32
      %dma_start3A_83 = tpu.memref_slice %arg14[%add3A_17, %dma_start3A_82] : memref<10240x128xf32, #tpu.memory_space<vmem_shared>> -> memref<128x128xf32, #tpu.memory_space<vmem_shared>>
      tpu.enqueue_dma source(%arg12 : memref<128x128xf32, #tpu.memory_space<vmem>>) target(%dma_start3A_83 : memref<128x128xf32, #tpu.memory_space<vmem_shared>>) target_semaphore(%run_scoped3A : memref<!tpu.dma_semaphore, #tpu.memory_space<semaphore_mem>>)
      %dma_wait3A = arith.constant 0 : i32
      %dma_wait3A_84 = tpu.memref_slice %arg14[%add3A_17, %dma_wait3A] : memref<10240x128xf32, #tpu.memory_space<vmem_shared>> -> memref<128x128xf32, #tpu.memory_space<vmem_shared>>
      %dma_wait3A_85 = arith.constant 0 : i32
      %dma_wait3A_86 = tpu.memref_slice %arg14[%add3A_17, %dma_wait3A_85] : memref<10240x128xf32, #tpu.memory_space<vmem_shared>> -> memref<128x128xf32, #tpu.memory_space<vmem_shared>>
      tpu.wait_dma2 semaphore(%run_scoped3A : memref<!tpu.dma_semaphore, #tpu.memory_space<semaphore_mem>>) src(%arg12 : memref<128x128xf32, #tpu.memory_space<vmem>>) dst(%dma_wait3A_86 : memref<128x128xf32, #tpu.memory_space<vmem_shared>>)
      tpu.yield
    }) : () -> ()
    %barrier3A = arith.constant 0 : index
    tpu.barrier barrier_id(%barrier3A)
    %eq3A = arith.constant 0 : i32
    %eq3A_18 = arith.cmpi eq, %arg0, %eq3A : i32
    %convert_element_type3A = arith.extui %eq3A_18 : i1 to i32
    %cond3A = arith.constant 0 : i32
    %cond3A_19 = arith.cmpi ne, %convert_element_type3A, %cond3A : i32
    scf.if %cond3A_19 {
      %run_scoped3A = arith.constant 0 : i32
      %run_scoped3A_81 = arith.constant 0 : i32
      "tpu.region"() ({
        %run_scoped3A_104 = tpu.sem_alloc : memref<!tpu.dma_semaphore, #tpu.memory_space<semaphore_mem>>
        %dma_start3A_105 = arith.constant 0 : i32
        %dma_start3A_106 = tpu.memref_slice %arg4[%arg1, %run_scoped3A, %run_scoped3A_81, %dma_start3A_105] : memref<16x2x80x128xi32, #tpu.memory_space<hbm>> -> memref<1x1x1x128xi32, #tpu.memory_space<hbm>>
        %dma_start3A_107 = tpu.memref_squeeze %dma_start3A_106 : memref<1x1x1x128xi32, #tpu.memory_space<hbm>> -> memref<128xi32, #tpu.memory_space<hbm>>
        %dma_start3A_108 = arith.constant 0 : i32
        %dma_start3A_109 = tpu.memref_slice %arg4[%arg1, %run_scoped3A, %run_scoped3A_81, %dma_start3A_108] : memref<16x2x80x128xi32, #tpu.memory_space<hbm>> -> memref<1x1x1x128xi32, #tpu.memory_space<hbm>>
        %dma_start3A_110 = tpu.memref_squeeze %dma_start3A_109 : memref<1x1x1x128xi32, #tpu.memory_space<hbm>> -> memref<128xi32, #tpu.memory_space<hbm>>
        tpu.enqueue_dma source(%dma_start3A_110 : memref<128xi32, #tpu.memory_space<hbm>>) target(%arg8 : memref<128xi32, #tpu.memory_space<vmem>>) target_semaphore(%run_scoped3A_104 : memref<!tpu.dma_semaphore, #tpu.memory_space<semaphore_mem>>)
        %dma_wait3A = arith.constant 0 : i32
        %dma_wait3A_111 = tpu.memref_slice %arg4[%arg1, %run_scoped3A, %run_scoped3A_81, %dma_wait3A] : memref<16x2x80x128xi32, #tpu.memory_space<hbm>> -> memref<1x1x1x128xi32, #tpu.memory_space<hbm>>
        %dma_wait3A_112 = tpu.memref_squeeze %dma_wait3A_111 : memref<1x1x1x128xi32, #tpu.memory_space<hbm>> -> memref<128xi32, #tpu.memory_space<hbm>>
        %dma_wait3A_113 = arith.constant 0 : i32
        %dma_wait3A_114 = tpu.memref_slice %arg4[%arg1, %run_scoped3A, %run_scoped3A_81, %dma_wait3A_113] : memref<16x2x80x128xi32, #tpu.memory_space<hbm>> -> memref<1x1x1x128xi32, #tpu.memory_space<hbm>>
        %dma_wait3A_115 = tpu.memref_squeeze %dma_wait3A_114 : memref<1x1x1x128xi32, #tpu.memory_space<hbm>> -> memref<128xi32, #tpu.memory_space<hbm>>
        tpu.wait_dma2 semaphore(%run_scoped3A_104 : memref<!tpu.dma_semaphore, #tpu.memory_space<semaphore_mem>>) src(%dma_wait3A_115 : memref<128xi32, #tpu.memory_space<hbm>>) dst(%arg8 : memref<128xi32, #tpu.memory_space<vmem>>)
        tpu.yield
      }) : () -> ()
      %run_scoped3A_82 = arith.constant 0 : i32
      %run_scoped3A_83 = arith.constant 0 : i32
      "tpu.region"() ({
        %run_scoped3A_104 = tpu.sem_alloc : memref<!tpu.dma_semaphore, #tpu.memory_space<semaphore_mem>>
        %dma_start3A_105 = arith.constant 0 : i32
        %dma_start3A_106 = tpu.memref_slice %arg5[%arg1, %run_scoped3A_82, %run_scoped3A_83, %dma_start3A_105] : memref<16x2x80x128xi32, #tpu.memory_space<hbm>> -> memref<1x1x1x128xi32, #tpu.memory_space<hbm>>
        %dma_start3A_107 = tpu.memref_squeeze %dma_start3A_106 : memref<1x1x1x128xi32, #tpu.memory_space<hbm>> -> memref<128xi32, #tpu.memory_space<hbm>>
        %dma_start3A_108 = arith.constant 0 : i32
        %dma_start3A_109 = tpu.memref_slice %arg5[%arg1, %run_scoped3A_82, %run_scoped3A_83, %dma_start3A_108] : memref<16x2x80x128xi32, #tpu.memory_space<hbm>> -> memref<1x1x1x128xi32, #tpu.memory_space<hbm>>
        %dma_start3A_110 = tpu.memref_squeeze %dma_start3A_109 : memref<1x1x1x128xi32, #tpu.memory_space<hbm>> -> memref<128xi32, #tpu.memory_space<hbm>>
        tpu.enqueue_dma source(%dma_start3A_110 : memref<128xi32, #tpu.memory_space<hbm>>) target(%arg9 : memref<128xi32, #tpu.memory_space<vmem>>) target_semaphore(%run_scoped3A_104 : memref<!tpu.dma_semaphore, #tpu.memory_space<semaphore_mem>>)
        %dma_wait3A = arith.constant 0 : i32
        %dma_wait3A_111 = tpu.memref_slice %arg5[%arg1, %run_scoped3A_82, %run_scoped3A_83, %dma_wait3A] : memref<16x2x80x128xi32, #tpu.memory_space<hbm>> -> memref<1x1x1x128xi32, #tpu.memory_space<hbm>>
        %dma_wait3A_112 = tpu.memref_squeeze %dma_wait3A_111 : memref<1x1x1x128xi32, #tpu.memory_space<hbm>> -> memref<128xi32, #tpu.memory_space<hbm>>
        %dma_wait3A_113 = arith.constant 0 : i32
        %dma_wait3A_114 = tpu.memref_slice %arg5[%arg1, %run_scoped3A_82, %run_scoped3A_83, %dma_wait3A_113] : memref<16x2x80x128xi32, #tpu.memory_space<hbm>> -> memref<1x1x1x128xi32, #tpu.memory_space<hbm>>
        %dma_wait3A_115 = tpu.memref_squeeze %dma_wait3A_114 : memref<1x1x1x128xi32, #tpu.memory_space<hbm>> -> memref<128xi32, #tpu.memory_space<hbm>>
        tpu.wait_dma2 semaphore(%run_scoped3A_104 : memref<!tpu.dma_semaphore, #tpu.memory_space<semaphore_mem>>) src(%dma_wait3A_115 : memref<128xi32, #tpu.memory_space<hbm>>) dst(%arg9 : memref<128xi32, #tpu.memory_space<vmem>>)
        tpu.yield
      }) : () -> ()
      %dma_start3A = arith.constant 0 : i32
      %dma_start3A_84 = arith.constant 0 : i32
      %dma_start3A_85 = tpu.memref_slice %arg2[%dma_start3A, %dma_start3A_84] : memref<10000x128xf32, #tpu.memory_space<hbm>> -> memref<10000x128xf32, #tpu.memory_space<hbm>>
      tpu.enqueue_indirect_dma source(%dma_start3A_85 : memref<10000x128xf32, #tpu.memory_space<hbm>>) target(%arg12 : memref<128x128xf32, #tpu.memory_space<vmem>>) offsets(%arg8 : memref<128xi32, #tpu.memory_space<vmem>>) semaphore(%arg15 : memref<!tpu.dma_semaphore, #tpu.memory_space<semaphore_mem>>)
      %scan3A = arith.constant 0 : i32
      %scan3A_86 = arith.constant 0 : i32
      %scan3A_87 = arith.constant 40 : i32
      %scan3A_88 = arith.addi %scan3A_86, %scan3A_87 : i32
      %scan3A_89 = arith.constant 1 : i32
      scf.for %scan3A_104 = %scan3A_86 to %scan3A_88 step %scan3A_89  : i32 {
        %mul3A_105 = arith.constant 2 : i32
        %mul3A_106 = arith.muli %mul3A_105, %scan3A_104 : i32
        %add3A_107 = arith.constant 1 : i32
        %add3A_108 = arith.addi %mul3A_106, %add3A_107 : i32
        %run_scoped3A_109 = arith.constant 0 : i32
        "tpu.region"() ({
          %run_scoped3A_125 = tpu.sem_alloc : memref<!tpu.dma_semaphore, #tpu.memory_space<semaphore_mem>>
          %dma_start3A_126 = arith.constant 0 : i32
          %dma_start3A_127 = tpu.memref_slice %arg4[%arg1, %run_scoped3A_109, %add3A_108, %dma_start3A_126] : memref<16x2x80x128xi32, #tpu.memory_space<hbm>> -> memref<1x1x1x128xi32, #tpu.memory_space<hbm>>
          %dma_start3A_128 = tpu.memref_squeeze %dma_start3A_127 : memref<1x1x1x128xi32, #tpu.memory_space<hbm>> -> memref<128xi32, #tpu.memory_space<hbm>>
          %dma_start3A_129 = arith.constant 0 : i32
          %dma_start3A_130 = tpu.memref_slice %arg4[%arg1, %run_scoped3A_109, %add3A_108, %dma_start3A_129] : memref<16x2x80x128xi32, #tpu.memory_space<hbm>> -> memref<1x1x1x128xi32, #tpu.memory_space<hbm>>
          %dma_start3A_131 = tpu.memref_squeeze %dma_start3A_130 : memref<1x1x1x128xi32, #tpu.memory_space<hbm>> -> memref<128xi32, #tpu.memory_space<hbm>>
          tpu.enqueue_dma source(%dma_start3A_131 : memref<128xi32, #tpu.memory_space<hbm>>) target(%arg10 : memref<128xi32, #tpu.memory_space<vmem>>) target_semaphore(%run_scoped3A_125 : memref<!tpu.dma_semaphore, #tpu.memory_space<semaphore_mem>>)
          %dma_wait3A_132 = arith.constant 0 : i32
          %dma_wait3A_133 = tpu.memref_slice %arg4[%arg1, %run_scoped3A_109, %add3A_108, %dma_wait3A_132] : memref<16x2x80x128xi32, #tpu.memory_space<hbm>> -> memref<1x1x1x128xi32, #tpu.memory_space<hbm>>
          %dma_wait3A_134 = tpu.memref_squeeze %dma_wait3A_133 : memref<1x1x1x128xi32, #tpu.memory_space<hbm>> -> memref<128xi32, #tpu.memory_space<hbm>>
          %dma_wait3A_135 = arith.constant 0 : i32
          %dma_wait3A_136 = tpu.memref_slice %arg4[%arg1, %run_scoped3A_109, %add3A_108, %dma_wait3A_135] : memref<16x2x80x128xi32, #tpu.memory_space<hbm>> -> memref<1x1x1x128xi32, #tpu.memory_space<hbm>>
          %dma_wait3A_137 = tpu.memref_squeeze %dma_wait3A_136 : memref<1x1x1x128xi32, #tpu.memory_space<hbm>> -> memref<128xi32, #tpu.memory_space<hbm>>
          tpu.wait_dma2 semaphore(%run_scoped3A_125 : memref<!tpu.dma_semaphore, #tpu.memory_space<semaphore_mem>>) src(%dma_wait3A_137 : memref<128xi32, #tpu.memory_space<hbm>>) dst(%arg10 : memref<128xi32, #tpu.memory_space<vmem>>)
          tpu.yield
        }) : () -> ()
        %add3A_110 = arith.constant 1 : i32
        %add3A_111 = arith.addi %mul3A_106, %add3A_110 : i32
        %run_scoped3A_112 = arith.constant 0 : i32
        "tpu.region"() ({
          %run_scoped3A_125 = tpu.sem_alloc : memref<!tpu.dma_semaphore, #tpu.memory_space<semaphore_mem>>
          %dma_start3A_126 = arith.constant 0 : i32
          %dma_start3A_127 = tpu.memref_slice %arg5[%arg1, %run_scoped3A_112, %add3A_111, %dma_start3A_126] : memref<16x2x80x128xi32, #tpu.memory_space<hbm>> -> memref<1x1x1x128xi32, #tpu.memory_space<hbm>>
          %dma_start3A_128 = tpu.memref_squeeze %dma_start3A_127 : memref<1x1x1x128xi32, #tpu.memory_space<hbm>> -> memref<128xi32, #tpu.memory_space<hbm>>
          %dma_start3A_129 = arith.constant 0 : i32
          %dma_start3A_130 = tpu.memref_slice %arg5[%arg1, %run_scoped3A_112, %add3A_111, %dma_start3A_129] : memref<16x2x80x128xi32, #tpu.memory_space<hbm>> -> memref<1x1x1x128xi32, #tpu.memory_space<hbm>>
          %dma_start3A_131 = tpu.memref_squeeze %dma_start3A_130 : memref<1x1x1x128xi32, #tpu.memory_space<hbm>> -> memref<128xi32, #tpu.memory_space<hbm>>
          tpu.enqueue_dma source(%dma_start3A_131 : memref<128xi32, #tpu.memory_space<hbm>>) target(%arg11 : memref<128xi32, #tpu.memory_space<vmem>>) target_semaphore(%run_scoped3A_125 : memref<!tpu.dma_semaphore, #tpu.memory_space<semaphore_mem>>)
          %dma_wait3A_132 = arith.constant 0 : i32
          %dma_wait3A_133 = tpu.memref_slice %arg5[%arg1, %run_scoped3A_112, %add3A_111, %dma_wait3A_132] : memref<16x2x80x128xi32, #tpu.memory_space<hbm>> -> memref<1x1x1x128xi32, #tpu.memory_space<hbm>>
          %dma_wait3A_134 = tpu.memref_squeeze %dma_wait3A_133 : memref<1x1x1x128xi32, #tpu.memory_space<hbm>> -> memref<128xi32, #tpu.memory_space<hbm>>
          %dma_wait3A_135 = arith.constant 0 : i32
          %dma_wait3A_136 = tpu.memref_slice %arg5[%arg1, %run_scoped3A_112, %add3A_111, %dma_wait3A_135] : memref<16x2x80x128xi32, #tpu.memory_space<hbm>> -> memref<1x1x1x128xi32, #tpu.memory_space<hbm>>
          %dma_wait3A_137 = tpu.memref_squeeze %dma_wait3A_136 : memref<1x1x1x128xi32, #tpu.memory_space<hbm>> -> memref<128xi32, #tpu.memory_space<hbm>>
          tpu.wait_dma2 semaphore(%run_scoped3A_125 : memref<!tpu.dma_semaphore, #tpu.memory_space<semaphore_mem>>) src(%dma_wait3A_137 : memref<128xi32, #tpu.memory_space<hbm>>) dst(%arg11 : memref<128xi32, #tpu.memory_space<vmem>>)
          tpu.yield
        }) : () -> ()
        %dma_start3A_113 = arith.constant 0 : i32
        %dma_start3A_114 = arith.constant 0 : i32
        %dma_start3A_115 = tpu.memref_slice %arg2[%dma_start3A_113, %dma_start3A_114] : memref<10000x128xf32, #tpu.memory_space<hbm>> -> memref<10000x128xf32, #tpu.memory_space<hbm>>
        tpu.enqueue_indirect_dma source(%dma_start3A_115 : memref<10000x128xf32, #tpu.memory_space<hbm>>) target(%arg13 : memref<128x128xf32, #tpu.memory_space<vmem>>) offsets(%arg10 : memref<128xi32, #tpu.memory_space<vmem>>) semaphore(%arg16 : memref<!tpu.dma_semaphore, #tpu.memory_space<semaphore_mem>>)
        %dma_wait3A = arith.constant 0 : i32
        %dma_wait3A_116 = arith.constant 0 : i32
        %dma_wait3A_117 = tpu.memref_slice %arg2[%dma_wait3A, %dma_wait3A_116] : memref<10000x128xf32, #tpu.memory_space<hbm>> -> memref<10000x128xf32, #tpu.memory_space<hbm>>
        tpu.wait_indirect_dma semaphore(%arg15 : memref<!tpu.dma_semaphore, #tpu.memory_space<semaphore_mem>>) src(%dma_wait3A_117 : memref<10000x128xf32, #tpu.memory_space<hbm>>) dst(%arg12 : memref<128x128xf32, #tpu.memory_space<vmem>>)
        "tpu.region"() ({
          %run_scoped3A_125 = tpu.sem_alloc : memref<!tpu.dma_semaphore, #tpu.memory_space<semaphore_mem>>
          %dma_start3A_126 = arith.constant 0 : i32
          %dma_start3A_127 = arith.constant 0 : i32
          %dma_start3A_128 = tpu.memref_slice %arg14[%dma_start3A_126, %dma_start3A_127] : memref<10240x128xf32, #tpu.memory_space<vmem_shared>> -> memref<10240x128xf32, #tpu.memory_space<vmem_shared>>
          tpu.enqueue_indirect_dma source(%arg12 : memref<128x128xf32, #tpu.memory_space<vmem>>) target(%dma_start3A_128 : memref<10240x128xf32, #tpu.memory_space<vmem_shared>>) offsets(%arg9 : memref<128xi32, #tpu.memory_space<vmem>>) semaphore(%run_scoped3A_125 : memref<!tpu.dma_semaphore, #tpu.memory_space<semaphore_mem>>) {add = true}
          %dma_wait3A_129 = arith.constant 0 : i32
          %dma_wait3A_130 = arith.constant 0 : i32
          %dma_wait3A_131 = tpu.memref_slice %arg14[%dma_wait3A_129, %dma_wait3A_130] : memref<10240x128xf32, #tpu.memory_space<vmem_shared>> -> memref<10240x128xf32, #tpu.memory_space<vmem_shared>>
          tpu.wait_indirect_dma semaphore(%run_scoped3A_125 : memref<!tpu.dma_semaphore, #tpu.memory_space<semaphore_mem>>) src(%arg12 : memref<128x128xf32, #tpu.memory_space<vmem>>) dst(%dma_wait3A_131 : memref<10240x128xf32, #tpu.memory_space<vmem_shared>>)
          tpu.yield
        }) : () -> ()
        %lt3A = arith.constant 39 : i32
        %lt3A_118 = arith.cmpi slt, %scan3A_104, %lt3A : i32
        %convert_element_type3A_119 = arith.extui %lt3A_118 : i1 to i32
        %cond3A_120 = arith.constant 0 : i32
        %cond3A_121 = arith.cmpi ne, %convert_element_type3A_119, %cond3A_120 : i32
        scf.if %cond3A_121 {
          %add3A_125 = arith.constant 2 : i32
          %add3A_126 = arith.addi %mul3A_106, %add3A_125 : i32
          %run_scoped3A_127 = arith.constant 0 : i32
          "tpu.region"() ({
            %run_scoped3A_134 = tpu.sem_alloc : memref<!tpu.dma_semaphore, #tpu.memory_space<semaphore_mem>>
            %dma_start3A_135 = arith.constant 0 : i32
            %dma_start3A_136 = tpu.memref_slice %arg4[%arg1, %run_scoped3A_127, %add3A_126, %dma_start3A_135] : memref<16x2x80x128xi32, #tpu.memory_space<hbm>> -> memref<1x1x1x128xi32, #tpu.memory_space<hbm>>
            %dma_start3A_137 = tpu.memref_squeeze %dma_start3A_136 : memref<1x1x1x128xi32, #tpu.memory_space<hbm>> -> memref<128xi32, #tpu.memory_space<hbm>>
            %dma_start3A_138 = arith.constant 0 : i32
            %dma_start3A_139 = tpu.memref_slice %arg4[%arg1, %run_scoped3A_127, %add3A_126, %dma_start3A_138] : memref<16x2x80x128xi32, #tpu.memory_space<hbm>> -> memref<1x1x1x128xi32, #tpu.memory_space<hbm>>
            %dma_start3A_140 = tpu.memref_squeeze %dma_start3A_139 : memref<1x1x1x128xi32, #tpu.memory_space<hbm>> -> memref<128xi32, #tpu.memory_space<hbm>>
            tpu.enqueue_dma source(%dma_start3A_140 : memref<128xi32, #tpu.memory_space<hbm>>) target(%arg8 : memref<128xi32, #tpu.memory_space<vmem>>) target_semaphore(%run_scoped3A_134 : memref<!tpu.dma_semaphore, #tpu.memory_space<semaphore_mem>>)
            %dma_wait3A_141 = arith.constant 0 : i32
            %dma_wait3A_142 = tpu.memref_slice %arg4[%arg1, %run_scoped3A_127, %add3A_126, %dma_wait3A_141] : memref<16x2x80x128xi32, #tpu.memory_space<hbm>> -> memref<1x1x1x128xi32, #tpu.memory_space<hbm>>
            %dma_wait3A_143 = tpu.memref_squeeze %dma_wait3A_142 : memref<1x1x1x128xi32, #tpu.memory_space<hbm>> -> memref<128xi32, #tpu.memory_space<hbm>>
            %dma_wait3A_144 = arith.constant 0 : i32
            %dma_wait3A_145 = tpu.memref_slice %arg4[%arg1, %run_scoped3A_127, %add3A_126, %dma_wait3A_144] : memref<16x2x80x128xi32, #tpu.memory_space<hbm>> -> memref<1x1x1x128xi32, #tpu.memory_space<hbm>>
            %dma_wait3A_146 = tpu.memref_squeeze %dma_wait3A_145 : memref<1x1x1x128xi32, #tpu.memory_space<hbm>> -> memref<128xi32, #tpu.memory_space<hbm>>
            tpu.wait_dma2 semaphore(%run_scoped3A_134 : memref<!tpu.dma_semaphore, #tpu.memory_space<semaphore_mem>>) src(%dma_wait3A_146 : memref<128xi32, #tpu.memory_space<hbm>>) dst(%arg8 : memref<128xi32, #tpu.memory_space<vmem>>)
            tpu.yield
          }) : () -> ()
          %add3A_128 = arith.constant 2 : i32
          %add3A_129 = arith.addi %mul3A_106, %add3A_128 : i32
          %run_scoped3A_130 = arith.constant 0 : i32
          "tpu.region"() ({
            %run_scoped3A_134 = tpu.sem_alloc : memref<!tpu.dma_semaphore, #tpu.memory_space<semaphore_mem>>
            %dma_start3A_135 = arith.constant 0 : i32
            %dma_start3A_136 = tpu.memref_slice %arg5[%arg1, %run_scoped3A_130, %add3A_129, %dma_start3A_135] : memref<16x2x80x128xi32, #tpu.memory_space<hbm>> -> memref<1x1x1x128xi32, #tpu.memory_space<hbm>>
            %dma_start3A_137 = tpu.memref_squeeze %dma_start3A_136 : memref<1x1x1x128xi32, #tpu.memory_space<hbm>> -> memref<128xi32, #tpu.memory_space<hbm>>
            %dma_start3A_138 = arith.constant 0 : i32
            %dma_start3A_139 = tpu.memref_slice %arg5[%arg1, %run_scoped3A_130, %add3A_129, %dma_start3A_138] : memref<16x2x80x128xi32, #tpu.memory_space<hbm>> -> memref<1x1x1x128xi32, #tpu.memory_space<hbm>>
            %dma_start3A_140 = tpu.memref_squeeze %dma_start3A_139 : memref<1x1x1x128xi32, #tpu.memory_space<hbm>> -> memref<128xi32, #tpu.memory_space<hbm>>
            tpu.enqueue_dma source(%dma_start3A_140 : memref<128xi32, #tpu.memory_space<hbm>>) target(%arg9 : memref<128xi32, #tpu.memory_space<vmem>>) target_semaphore(%run_scoped3A_134 : memref<!tpu.dma_semaphore, #tpu.memory_space<semaphore_mem>>)
            %dma_wait3A_141 = arith.constant 0 : i32
            %dma_wait3A_142 = tpu.memref_slice %arg5[%arg1, %run_scoped3A_130, %add3A_129, %dma_wait3A_141] : memref<16x2x80x128xi32, #tpu.memory_space<hbm>> -> memref<1x1x1x128xi32, #tpu.memory_space<hbm>>
            %dma_wait3A_143 = tpu.memref_squeeze %dma_wait3A_142 : memref<1x1x1x128xi32, #tpu.memory_space<hbm>> -> memref<128xi32, #tpu.memory_space<hbm>>
            %dma_wait3A_144 = arith.constant 0 : i32
            %dma_wait3A_145 = tpu.memref_slice %arg5[%arg1, %run_scoped3A_130, %add3A_129, %dma_wait3A_144] : memref<16x2x80x128xi32, #tpu.memory_space<hbm>> -> memref<1x1x1x128xi32, #tpu.memory_space<hbm>>
            %dma_wait3A_146 = tpu.memref_squeeze %dma_wait3A_145 : memref<1x1x1x128xi32, #tpu.memory_space<hbm>> -> memref<128xi32, #tpu.memory_space<hbm>>
            tpu.wait_dma2 semaphore(%run_scoped3A_134 : memref<!tpu.dma_semaphore, #tpu.memory_space<semaphore_mem>>) src(%dma_wait3A_146 : memref<128xi32, #tpu.memory_space<hbm>>) dst(%arg9 : memref<128xi32, #tpu.memory_space<vmem>>)
            tpu.yield
          }) : () -> ()
          %dma_start3A_131 = arith.constant 0 : i32
          %dma_start3A_132 = arith.constant 0 : i32
          %dma_start3A_133 = tpu.memref_slice %arg2[%dma_start3A_131, %dma_start3A_132] : memref<10000x128xf32, #tpu.memory_space<hbm>> -> memref<10000x128xf32, #tpu.memory_space<hbm>>
          tpu.enqueue_indirect_dma source(%dma_start3A_133 : memref<10000x128xf32, #tpu.memory_space<hbm>>) target(%arg12 : memref<128x128xf32, #tpu.memory_space<vmem>>) offsets(%arg8 : memref<128xi32, #tpu.memory_space<vmem>>) semaphore(%arg15 : memref<!tpu.dma_semaphore, #tpu.memory_space<semaphore_mem>>)
        } else {
        }
        %dma_wait3A_122 = arith.constant 0 : i32
        %dma_wait3A_123 = arith.constant 0 : i32
        %dma_wait3A_124 = tpu.memref_slice %arg2[%dma_wait3A_122, %dma_wait3A_123] : memref<10000x128xf32, #tpu.memory_space<hbm>> -> memref<10000x128xf32, #tpu.memory_space<hbm>>
        tpu.wait_indirect_dma semaphore(%arg16 : memref<!tpu.dma_semaphore, #tpu.memory_space<semaphore_mem>>) src(%dma_wait3A_124 : memref<10000x128xf32, #tpu.memory_space<hbm>>) dst(%arg13 : memref<128x128xf32, #tpu.memory_space<vmem>>)
        "tpu.region"() ({
          %run_scoped3A_125 = tpu.sem_alloc : memref<!tpu.dma_semaphore, #tpu.memory_space<semaphore_mem>>
          %dma_start3A_126 = arith.constant 0 : i32
          %dma_start3A_127 = arith.constant 0 : i32
          %dma_start3A_128 = tpu.memref_slice %arg14[%dma_start3A_126, %dma_start3A_127] : memref<10240x128xf32, #tpu.memory_space<vmem_shared>> -> memref<10240x128xf32, #tpu.memory_space<vmem_shared>>
          tpu.enqueue_indirect_dma source(%arg13 : memref<128x128xf32, #tpu.memory_space<vmem>>) target(%dma_start3A_128 : memref<10240x128xf32, #tpu.memory_space<vmem_shared>>) offsets(%arg11 : memref<128xi32, #tpu.memory_space<vmem>>) semaphore(%run_scoped3A_125 : memref<!tpu.dma_semaphore, #tpu.memory_space<semaphore_mem>>) {add = true}
          %dma_wait3A_129 = arith.constant 0 : i32
          %dma_wait3A_130 = arith.constant 0 : i32
          %dma_wait3A_131 = tpu.memref_slice %arg14[%dma_wait3A_129, %dma_wait3A_130] : memref<10240x128xf32, #tpu.memory_space<vmem_shared>> -> memref<10240x128xf32, #tpu.memory_space<vmem_shared>>
          tpu.wait_indirect_dma semaphore(%run_scoped3A_125 : memref<!tpu.dma_semaphore, #tpu.memory_space<semaphore_mem>>) src(%arg13 : memref<128x128xf32, #tpu.memory_space<vmem>>) dst(%dma_wait3A_131 : memref<10240x128xf32, #tpu.memory_space<vmem_shared>>)
          tpu.yield
        }) : () -> ()
      }
      %scan3A_90 = arith.constant 40 : i32
      %run_scoped3A_91 = arith.constant 1 : i32
      %run_scoped3A_92 = arith.constant 0 : i32
      "tpu.region"() ({
        %run_scoped3A_104 = tpu.sem_alloc : memref<!tpu.dma_semaphore, #tpu.memory_space<semaphore_mem>>
        %dma_start3A_105 = arith.constant 0 : i32
        %dma_start3A_106 = tpu.memref_slice %arg4[%arg1, %run_scoped3A_91, %run_scoped3A_92, %dma_start3A_105] : memref<16x2x80x128xi32, #tpu.memory_space<hbm>> -> memref<1x1x1x128xi32, #tpu.memory_space<hbm>>
        %dma_start3A_107 = tpu.memref_squeeze %dma_start3A_106 : memref<1x1x1x128xi32, #tpu.memory_space<hbm>> -> memref<128xi32, #tpu.memory_space<hbm>>
        %dma_start3A_108 = arith.constant 0 : i32
        %dma_start3A_109 = tpu.memref_slice %arg4[%arg1, %run_scoped3A_91, %run_scoped3A_92, %dma_start3A_108] : memref<16x2x80x128xi32, #tpu.memory_space<hbm>> -> memref<1x1x1x128xi32, #tpu.memory_space<hbm>>
        %dma_start3A_110 = tpu.memref_squeeze %dma_start3A_109 : memref<1x1x1x128xi32, #tpu.memory_space<hbm>> -> memref<128xi32, #tpu.memory_space<hbm>>
        tpu.enqueue_dma source(%dma_start3A_110 : memref<128xi32, #tpu.memory_space<hbm>>) target(%arg8 : memref<128xi32, #tpu.memory_space<vmem>>) target_semaphore(%run_scoped3A_104 : memref<!tpu.dma_semaphore, #tpu.memory_space<semaphore_mem>>)
        %dma_wait3A = arith.constant 0 : i32
        %dma_wait3A_111 = tpu.memref_slice %arg4[%arg1, %run_scoped3A_91, %run_scoped3A_92, %dma_wait3A] : memref<16x2x80x128xi32, #tpu.memory_space<hbm>> -> memref<1x1x1x128xi32, #tpu.memory_space<hbm>>
        %dma_wait3A_112 = tpu.memref_squeeze %dma_wait3A_111 : memref<1x1x1x128xi32, #tpu.memory_space<hbm>> -> memref<128xi32, #tpu.memory_space<hbm>>
        %dma_wait3A_113 = arith.constant 0 : i32
        %dma_wait3A_114 = tpu.memref_slice %arg4[%arg1, %run_scoped3A_91, %run_scoped3A_92, %dma_wait3A_113] : memref<16x2x80x128xi32, #tpu.memory_space<hbm>> -> memref<1x1x1x128xi32, #tpu.memory_space<hbm>>
        %dma_wait3A_115 = tpu.memref_squeeze %dma_wait3A_114 : memref<1x1x1x128xi32, #tpu.memory_space<hbm>> -> memref<128xi32, #tpu.memory_space<hbm>>
        tpu.wait_dma2 semaphore(%run_scoped3A_104 : memref<!tpu.dma_semaphore, #tpu.memory_space<semaphore_mem>>) src(%dma_wait3A_115 : memref<128xi32, #tpu.memory_space<hbm>>) dst(%arg8 : memref<128xi32, #tpu.memory_space<vmem>>)
        tpu.yield
      }) : () -> ()
      %run_scoped3A_93 = arith.constant 1 : i32
      %run_scoped3A_94 = arith.constant 0 : i32
      "tpu.region"() ({
        %run_scoped3A_104 = tpu.sem_alloc : memref<!tpu.dma_semaphore, #tpu.memory_space<semaphore_mem>>
        %dma_start3A_105 = arith.constant 0 : i32
        %dma_start3A_106 = tpu.memref_slice %arg5[%arg1, %run_scoped3A_93, %run_scoped3A_94, %dma_start3A_105] : memref<16x2x80x128xi32, #tpu.memory_space<hbm>> -> memref<1x1x1x128xi32, #tpu.memory_space<hbm>>
        %dma_start3A_107 = tpu.memref_squeeze %dma_start3A_106 : memref<1x1x1x128xi32, #tpu.memory_space<hbm>> -> memref<128xi32, #tpu.memory_space<hbm>>
        %dma_start3A_108 = arith.constant 0 : i32
        %dma_start3A_109 = tpu.memref_slice %arg5[%arg1, %run_scoped3A_93, %run_scoped3A_94, %dma_start3A_108] : memref<16x2x80x128xi32, #tpu.memory_space<hbm>> -> memref<1x1x1x128xi32, #tpu.memory_space<hbm>>
        %dma_start3A_110 = tpu.memref_squeeze %dma_start3A_109 : memref<1x1x1x128xi32, #tpu.memory_space<hbm>> -> memref<128xi32, #tpu.memory_space<hbm>>
        tpu.enqueue_dma source(%dma_start3A_110 : memref<128xi32, #tpu.memory_space<hbm>>) target(%arg9 : memref<128xi32, #tpu.memory_space<vmem>>) target_semaphore(%run_scoped3A_104 : memref<!tpu.dma_semaphore, #tpu.memory_space<semaphore_mem>>)
        %dma_wait3A = arith.constant 0 : i32
        %dma_wait3A_111 = tpu.memref_slice %arg5[%arg1, %run_scoped3A_93, %run_scoped3A_94, %dma_wait3A] : memref<16x2x80x128xi32, #tpu.memory_space<hbm>> -> memref<1x1x1x128xi32, #tpu.memory_space<hbm>>
        %dma_wait3A_112 = tpu.memref_squeeze %dma_wait3A_111 : memref<1x1x1x128xi32, #tpu.memory_space<hbm>> -> memref<128xi32, #tpu.memory_space<hbm>>
        %dma_wait3A_113 = arith.constant 0 : i32
        %dma_wait3A_114 = tpu.memref_slice %arg5[%arg1, %run_scoped3A_93, %run_scoped3A_94, %dma_wait3A_113] : memref<16x2x80x128xi32, #tpu.memory_space<hbm>> -> memref<1x1x1x128xi32, #tpu.memory_space<hbm>>
        %dma_wait3A_115 = tpu.memref_squeeze %dma_wait3A_114 : memref<1x1x1x128xi32, #tpu.memory_space<hbm>> -> memref<128xi32, #tpu.memory_space<hbm>>
        tpu.wait_dma2 semaphore(%run_scoped3A_104 : memref<!tpu.dma_semaphore, #tpu.memory_space<semaphore_mem>>) src(%dma_wait3A_115 : memref<128xi32, #tpu.memory_space<hbm>>) dst(%arg9 : memref<128xi32, #tpu.memory_space<vmem>>)
        tpu.yield
      }) : () -> ()
      %dma_start3A_95 = arith.constant 0 : i32
      %dma_start3A_96 = arith.constant 0 : i32
      %dma_start3A_97 = tpu.memref_slice %arg2[%dma_start3A_95, %dma_start3A_96] : memref<10000x128xf32, #tpu.memory_space<hbm>> -> memref<10000x128xf32, #tpu.memory_space<hbm>>
      tpu.enqueue_indirect_dma source(%dma_start3A_97 : memref<10000x128xf32, #tpu.memory_space<hbm>>) target(%arg12 : memref<128x128xf32, #tpu.memory_space<vmem>>) offsets(%arg8 : memref<128xi32, #tpu.memory_space<vmem>>) semaphore(%arg15 : memref<!tpu.dma_semaphore, #tpu.memory_space<semaphore_mem>>)
      %scan3A_98 = arith.constant 0 : i32
      %scan3A_99 = arith.constant 0 : i32
      %scan3A_100 = arith.constant 40 : i32
      %scan3A_101 = arith.addi %scan3A_99, %scan3A_100 : i32
      %scan3A_102 = arith.constant 1 : i32
      scf.for %scan3A_104 = %scan3A_99 to %scan3A_101 step %scan3A_102  : i32 {
        %mul3A_105 = arith.constant 2 : i32
        %mul3A_106 = arith.muli %mul3A_105, %scan3A_104 : i32
        %add3A_107 = arith.constant 1 : i32
        %add3A_108 = arith.addi %mul3A_106, %add3A_107 : i32
        %run_scoped3A_109 = arith.constant 1 : i32
        "tpu.region"() ({
          %run_scoped3A_125 = tpu.sem_alloc : memref<!tpu.dma_semaphore, #tpu.memory_space<semaphore_mem>>
          %dma_start3A_126 = arith.constant 0 : i32
          %dma_start3A_127 = tpu.memref_slice %arg4[%arg1, %run_scoped3A_109, %add3A_108, %dma_start3A_126] : memref<16x2x80x128xi32, #tpu.memory_space<hbm>> -> memref<1x1x1x128xi32, #tpu.memory_space<hbm>>
          %dma_start3A_128 = tpu.memref_squeeze %dma_start3A_127 : memref<1x1x1x128xi32, #tpu.memory_space<hbm>> -> memref<128xi32, #tpu.memory_space<hbm>>
          %dma_start3A_129 = arith.constant 0 : i32
          %dma_start3A_130 = tpu.memref_slice %arg4[%arg1, %run_scoped3A_109, %add3A_108, %dma_start3A_129] : memref<16x2x80x128xi32, #tpu.memory_space<hbm>> -> memref<1x1x1x128xi32, #tpu.memory_space<hbm>>
          %dma_start3A_131 = tpu.memref_squeeze %dma_start3A_130 : memref<1x1x1x128xi32, #tpu.memory_space<hbm>> -> memref<128xi32, #tpu.memory_space<hbm>>
          tpu.enqueue_dma source(%dma_start3A_131 : memref<128xi32, #tpu.memory_space<hbm>>) target(%arg10 : memref<128xi32, #tpu.memory_space<vmem>>) target_semaphore(%run_scoped3A_125 : memref<!tpu.dma_semaphore, #tpu.memory_space<semaphore_mem>>)
          %dma_wait3A_132 = arith.constant 0 : i32
          %dma_wait3A_133 = tpu.memref_slice %arg4[%arg1, %run_scoped3A_109, %add3A_108, %dma_wait3A_132] : memref<16x2x80x128xi32, #tpu.memory_space<hbm>> -> memref<1x1x1x128xi32, #tpu.memory_space<hbm>>
          %dma_wait3A_134 = tpu.memref_squeeze %dma_wait3A_133 : memref<1x1x1x128xi32, #tpu.memory_space<hbm>> -> memref<128xi32, #tpu.memory_space<hbm>>
          %dma_wait3A_135 = arith.constant 0 : i32
          %dma_wait3A_136 = tpu.memref_slice %arg4[%arg1, %run_scoped3A_109, %add3A_108, %dma_wait3A_135] : memref<16x2x80x128xi32, #tpu.memory_space<hbm>> -> memref<1x1x1x128xi32, #tpu.memory_space<hbm>>
          %dma_wait3A_137 = tpu.memref_squeeze %dma_wait3A_136 : memref<1x1x1x128xi32, #tpu.memory_space<hbm>> -> memref<128xi32, #tpu.memory_space<hbm>>
          tpu.wait_dma2 semaphore(%run_scoped3A_125 : memref<!tpu.dma_semaphore, #tpu.memory_space<semaphore_mem>>) src(%dma_wait3A_137 : memref<128xi32, #tpu.memory_space<hbm>>) dst(%arg10 : memref<128xi32, #tpu.memory_space<vmem>>)
          tpu.yield
        }) : () -> ()
        %add3A_110 = arith.constant 1 : i32
        %add3A_111 = arith.addi %mul3A_106, %add3A_110 : i32
        %run_scoped3A_112 = arith.constant 1 : i32
        "tpu.region"() ({
          %run_scoped3A_125 = tpu.sem_alloc : memref<!tpu.dma_semaphore, #tpu.memory_space<semaphore_mem>>
          %dma_start3A_126 = arith.constant 0 : i32
          %dma_start3A_127 = tpu.memref_slice %arg5[%arg1, %run_scoped3A_112, %add3A_111, %dma_start3A_126] : memref<16x2x80x128xi32, #tpu.memory_space<hbm>> -> memref<1x1x1x128xi32, #tpu.memory_space<hbm>>
          %dma_start3A_128 = tpu.memref_squeeze %dma_start3A_127 : memref<1x1x1x128xi32, #tpu.memory_space<hbm>> -> memref<128xi32, #tpu.memory_space<hbm>>
          %dma_start3A_129 = arith.constant 0 : i32
          %dma_start3A_130 = tpu.memref_slice %arg5[%arg1, %run_scoped3A_112, %add3A_111, %dma_start3A_129] : memref<16x2x80x128xi32, #tpu.memory_space<hbm>> -> memref<1x1x1x128xi32, #tpu.memory_space<hbm>>
          %dma_start3A_131 = tpu.memref_squeeze %dma_start3A_130 : memref<1x1x1x128xi32, #tpu.memory_space<hbm>> -> memref<128xi32, #tpu.memory_space<hbm>>
          tpu.enqueue_dma source(%dma_start3A_131 : memref<128xi32, #tpu.memory_space<hbm>>) target(%arg11 : memref<128xi32, #tpu.memory_space<vmem>>) target_semaphore(%run_scoped3A_125 : memref<!tpu.dma_semaphore, #tpu.memory_space<semaphore_mem>>)
          %dma_wait3A_132 = arith.constant 0 : i32
          %dma_wait3A_133 = tpu.memref_slice %arg5[%arg1, %run_scoped3A_112, %add3A_111, %dma_wait3A_132] : memref<16x2x80x128xi32, #tpu.memory_space<hbm>> -> memref<1x1x1x128xi32, #tpu.memory_space<hbm>>
          %dma_wait3A_134 = tpu.memref_squeeze %dma_wait3A_133 : memref<1x1x1x128xi32, #tpu.memory_space<hbm>> -> memref<128xi32, #tpu.memory_space<hbm>>
          %dma_wait3A_135 = arith.constant 0 : i32
          %dma_wait3A_136 = tpu.memref_slice %arg5[%arg1, %run_scoped3A_112, %add3A_111, %dma_wait3A_135] : memref<16x2x80x128xi32, #tpu.memory_space<hbm>> -> memref<1x1x1x128xi32, #tpu.memory_space<hbm>>
          %dma_wait3A_137 = tpu.memref_squeeze %dma_wait3A_136 : memref<1x1x1x128xi32, #tpu.memory_space<hbm>> -> memref<128xi32, #tpu.memory_space<hbm>>
          tpu.wait_dma2 semaphore(%run_scoped3A_125 : memref<!tpu.dma_semaphore, #tpu.memory_space<semaphore_mem>>) src(%dma_wait3A_137 : memref<128xi32, #tpu.memory_space<hbm>>) dst(%arg11 : memref<128xi32, #tpu.memory_space<vmem>>)
          tpu.yield
        }) : () -> ()
        %dma_start3A_113 = arith.constant 0 : i32
        %dma_start3A_114 = arith.constant 0 : i32
        %dma_start3A_115 = tpu.memref_slice %arg2[%dma_start3A_113, %dma_start3A_114] : memref<10000x128xf32, #tpu.memory_space<hbm>> -> memref<10000x128xf32, #tpu.memory_space<hbm>>
        tpu.enqueue_indirect_dma source(%dma_start3A_115 : memref<10000x128xf32, #tpu.memory_space<hbm>>) target(%arg13 : memref<128x128xf32, #tpu.memory_space<vmem>>) offsets(%arg10 : memref<128xi32, #tpu.memory_space<vmem>>) semaphore(%arg16 : memref<!tpu.dma_semaphore, #tpu.memory_space<semaphore_mem>>)
        %dma_wait3A = arith.constant 0 : i32
        %dma_wait3A_116 = arith.constant 0 : i32
        %dma_wait3A_117 = tpu.memref_slice %arg2[%dma_wait3A, %dma_wait3A_116] : memref<10000x128xf32, #tpu.memory_space<hbm>> -> memref<10000x128xf32, #tpu.memory_space<hbm>>
        tpu.wait_indirect_dma semaphore(%arg15 : memref<!tpu.dma_semaphore, #tpu.memory_space<semaphore_mem>>) src(%dma_wait3A_117 : memref<10000x128xf32, #tpu.memory_space<hbm>>) dst(%arg12 : memref<128x128xf32, #tpu.memory_space<vmem>>)
        "tpu.region"() ({
          %run_scoped3A_125 = tpu.sem_alloc : memref<!tpu.dma_semaphore, #tpu.memory_space<semaphore_mem>>
          %dma_start3A_126 = arith.constant 0 : i32
          %dma_start3A_127 = arith.constant 0 : i32
          %dma_start3A_128 = tpu.memref_slice %arg14[%dma_start3A_126, %dma_start3A_127] : memref<10240x128xf32, #tpu.memory_space<vmem_shared>> -> memref<10240x128xf32, #tpu.memory_space<vmem_shared>>
          tpu.enqueue_indirect_dma source(%arg12 : memref<128x128xf32, #tpu.memory_space<vmem>>) target(%dma_start3A_128 : memref<10240x128xf32, #tpu.memory_space<vmem_shared>>) offsets(%arg9 : memref<128xi32, #tpu.memory_space<vmem>>) semaphore(%run_scoped3A_125 : memref<!tpu.dma_semaphore, #tpu.memory_space<semaphore_mem>>) {add = true}
          %dma_wait3A_129 = arith.constant 0 : i32
          %dma_wait3A_130 = arith.constant 0 : i32
          %dma_wait3A_131 = tpu.memref_slice %arg14[%dma_wait3A_129, %dma_wait3A_130] : memref<10240x128xf32, #tpu.memory_space<vmem_shared>> -> memref<10240x128xf32, #tpu.memory_space<vmem_shared>>
          tpu.wait_indirect_dma semaphore(%run_scoped3A_125 : memref<!tpu.dma_semaphore, #tpu.memory_space<semaphore_mem>>) src(%arg12 : memref<128x128xf32, #tpu.memory_space<vmem>>) dst(%dma_wait3A_131 : memref<10240x128xf32, #tpu.memory_space<vmem_shared>>)
          tpu.yield
        }) : () -> ()
        %lt3A = arith.constant 39 : i32
        %lt3A_118 = arith.cmpi slt, %scan3A_104, %lt3A : i32
        %convert_element_type3A_119 = arith.extui %lt3A_118 : i1 to i32
        %cond3A_120 = arith.constant 0 : i32
        %cond3A_121 = arith.cmpi ne, %convert_element_type3A_119, %cond3A_120 : i32
        scf.if %cond3A_121 {
          %add3A_125 = arith.constant 2 : i32
          %add3A_126 = arith.addi %mul3A_106, %add3A_125 : i32
          %run_scoped3A_127 = arith.constant 1 : i32
          "tpu.region"() ({
            %run_scoped3A_134 = tpu.sem_alloc : memref<!tpu.dma_semaphore, #tpu.memory_space<semaphore_mem>>
            %dma_start3A_135 = arith.constant 0 : i32
            %dma_start3A_136 = tpu.memref_slice %arg4[%arg1, %run_scoped3A_127, %add3A_126, %dma_start3A_135] : memref<16x2x80x128xi32, #tpu.memory_space<hbm>> -> memref<1x1x1x128xi32, #tpu.memory_space<hbm>>
            %dma_start3A_137 = tpu.memref_squeeze %dma_start3A_136 : memref<1x1x1x128xi32, #tpu.memory_space<hbm>> -> memref<128xi32, #tpu.memory_space<hbm>>
            %dma_start3A_138 = arith.constant 0 : i32
            %dma_start3A_139 = tpu.memref_slice %arg4[%arg1, %run_scoped3A_127, %add3A_126, %dma_start3A_138] : memref<16x2x80x128xi32, #tpu.memory_space<hbm>> -> memref<1x1x1x128xi32, #tpu.memory_space<hbm>>
            %dma_start3A_140 = tpu.memref_squeeze %dma_start3A_139 : memref<1x1x1x128xi32, #tpu.memory_space<hbm>> -> memref<128xi32, #tpu.memory_space<hbm>>
            tpu.enqueue_dma source(%dma_start3A_140 : memref<128xi32, #tpu.memory_space<hbm>>) target(%arg8 : memref<128xi32, #tpu.memory_space<vmem>>) target_semaphore(%run_scoped3A_134 : memref<!tpu.dma_semaphore, #tpu.memory_space<semaphore_mem>>)
            %dma_wait3A_141 = arith.constant 0 : i32
            %dma_wait3A_142 = tpu.memref_slice %arg4[%arg1, %run_scoped3A_127, %add3A_126, %dma_wait3A_141] : memref<16x2x80x128xi32, #tpu.memory_space<hbm>> -> memref<1x1x1x128xi32, #tpu.memory_space<hbm>>
            %dma_wait3A_143 = tpu.memref_squeeze %dma_wait3A_142 : memref<1x1x1x128xi32, #tpu.memory_space<hbm>> -> memref<128xi32, #tpu.memory_space<hbm>>
            %dma_wait3A_144 = arith.constant 0 : i32
            %dma_wait3A_145 = tpu.memref_slice %arg4[%arg1, %run_scoped3A_127, %add3A_126, %dma_wait3A_144] : memref<16x2x80x128xi32, #tpu.memory_space<hbm>> -> memref<1x1x1x128xi32, #tpu.memory_space<hbm>>
            %dma_wait3A_146 = tpu.memref_squeeze %dma_wait3A_145 : memref<1x1x1x128xi32, #tpu.memory_space<hbm>> -> memref<128xi32, #tpu.memory_space<hbm>>
            tpu.wait_dma2 semaphore(%run_scoped3A_134 : memref<!tpu.dma_semaphore, #tpu.memory_space<semaphore_mem>>) src(%dma_wait3A_146 : memref<128xi32, #tpu.memory_space<hbm>>) dst(%arg8 : memref<128xi32, #tpu.memory_space<vmem>>)
            tpu.yield
          }) : () -> ()
          %add3A_128 = arith.constant 2 : i32
          %add3A_129 = arith.addi %mul3A_106, %add3A_128 : i32
          %run_scoped3A_130 = arith.constant 1 : i32
          "tpu.region"() ({
            %run_scoped3A_134 = tpu.sem_alloc : memref<!tpu.dma_semaphore, #tpu.memory_space<semaphore_mem>>
            %dma_start3A_135 = arith.constant 0 : i32
            %dma_start3A_136 = tpu.memref_slice %arg5[%arg1, %run_scoped3A_130, %add3A_129, %dma_start3A_135] : memref<16x2x80x128xi32, #tpu.memory_space<hbm>> -> memref<1x1x1x128xi32, #tpu.memory_space<hbm>>
            %dma_start3A_137 = tpu.memref_squeeze %dma_start3A_136 : memref<1x1x1x128xi32, #tpu.memory_space<hbm>> -> memref<128xi32, #tpu.memory_space<hbm>>
            %dma_start3A_138 = arith.constant 0 : i32
            %dma_start3A_139 = tpu.memref_slice %arg5[%arg1, %run_scoped3A_130, %add3A_129, %dma_start3A_138] : memref<16x2x80x128xi32, #tpu.memory_space<hbm>> -> memref<1x1x1x128xi32, #tpu.memory_space<hbm>>
            %dma_start3A_140 = tpu.memref_squeeze %dma_start3A_139 : memref<1x1x1x128xi32, #tpu.memory_space<hbm>> -> memref<128xi32, #tpu.memory_space<hbm>>
            tpu.enqueue_dma source(%dma_start3A_140 : memref<128xi32, #tpu.memory_space<hbm>>) target(%arg9 : memref<128xi32, #tpu.memory_space<vmem>>) target_semaphore(%run_scoped3A_134 : memref<!tpu.dma_semaphore, #tpu.memory_space<semaphore_mem>>)
            %dma_wait3A_141 = arith.constant 0 : i32
            %dma_wait3A_142 = tpu.memref_slice %arg5[%arg1, %run_scoped3A_130, %add3A_129, %dma_wait3A_141] : memref<16x2x80x128xi32, #tpu.memory_space<hbm>> -> memref<1x1x1x128xi32, #tpu.memory_space<hbm>>
            %dma_wait3A_143 = tpu.memref_squeeze %dma_wait3A_142 : memref<1x1x1x128xi32, #tpu.memory_space<hbm>> -> memref<128xi32, #tpu.memory_space<hbm>>
            %dma_wait3A_144 = arith.constant 0 : i32
            %dma_wait3A_145 = tpu.memref_slice %arg5[%arg1, %run_scoped3A_130, %add3A_129, %dma_wait3A_144] : memref<16x2x80x128xi32, #tpu.memory_space<hbm>> -> memref<1x1x1x128xi32, #tpu.memory_space<hbm>>
            %dma_wait3A_146 = tpu.memref_squeeze %dma_wait3A_145 : memref<1x1x1x128xi32, #tpu.memory_space<hbm>> -> memref<128xi32, #tpu.memory_space<hbm>>
            tpu.wait_dma2 semaphore(%run_scoped3A_134 : memref<!tpu.dma_semaphore, #tpu.memory_space<semaphore_mem>>) src(%dma_wait3A_146 : memref<128xi32, #tpu.memory_space<hbm>>) dst(%arg9 : memref<128xi32, #tpu.memory_space<vmem>>)
            tpu.yield
          }) : () -> ()
          %dma_start3A_131 = arith.constant 0 : i32
          %dma_start3A_132 = arith.constant 0 : i32
          %dma_start3A_133 = tpu.memref_slice %arg2[%dma_start3A_131, %dma_start3A_132] : memref<10000x128xf32, #tpu.memory_space<hbm>> -> memref<10000x128xf32, #tpu.memory_space<hbm>>
          tpu.enqueue_indirect_dma source(%dma_start3A_133 : memref<10000x128xf32, #tpu.memory_space<hbm>>) target(%arg12 : memref<128x128xf32, #tpu.memory_space<vmem>>) offsets(%arg8 : memref<128xi32, #tpu.memory_space<vmem>>) semaphore(%arg15 : memref<!tpu.dma_semaphore, #tpu.memory_space<semaphore_mem>>)
        } else {
        }
        %dma_wait3A_122 = arith.constant 0 : i32
        %dma_wait3A_123 = arith.constant 0 : i32
        %dma_wait3A_124 = tpu.memref_slice %arg2[%dma_wait3A_122, %dma_wait3A_123] : memref<10000x128xf32, #tpu.memory_space<hbm>> -> memref<10000x128xf32, #tpu.memory_space<hbm>>
        tpu.wait_indirect_dma semaphore(%arg16 : memref<!tpu.dma_semaphore, #tpu.memory_space<semaphore_mem>>) src(%dma_wait3A_124 : memref<10000x128xf32, #tpu.memory_space<hbm>>) dst(%arg13 : memref<128x128xf32, #tpu.memory_space<vmem>>)
        "tpu.region"() ({
          %run_scoped3A_125 = tpu.sem_alloc : memref<!tpu.dma_semaphore, #tpu.memory_space<semaphore_mem>>
          %dma_start3A_126 = arith.constant 0 : i32
          %dma_start3A_127 = arith.constant 0 : i32
          %dma_start3A_128 = tpu.memref_slice %arg14[%dma_start3A_126, %dma_start3A_127] : memref<10240x128xf32, #tpu.memory_space<vmem_shared>> -> memref<10240x128xf32, #tpu.memory_space<vmem_shared>>
          tpu.enqueue_indirect_dma source(%arg13 : memref<128x128xf32, #tpu.memory_space<vmem>>) target(%dma_start3A_128 : memref<10240x128xf32, #tpu.memory_space<vmem_shared>>) offsets(%arg11 : memref<128xi32, #tpu.memory_space<vmem>>) semaphore(%run_scoped3A_125 : memref<!tpu.dma_semaphore, #tpu.memory_space<semaphore_mem>>) {add = true}
          %dma_wait3A_129 = arith.constant 0 : i32
          %dma_wait3A_130 = arith.constant 0 : i32
          %dma_wait3A_131 = tpu.memref_slice %arg14[%dma_wait3A_129, %dma_wait3A_130] : memref<10240x128xf32, #tpu.memory_space<vmem_shared>> -> memref<10240x128xf32, #tpu.memory_space<vmem_shared>>
          tpu.wait_indirect_dma semaphore(%run_scoped3A_125 : memref<!tpu.dma_semaphore, #tpu.memory_space<semaphore_mem>>) src(%arg13 : memref<128x128xf32, #tpu.memory_space<vmem>>) dst(%dma_wait3A_131 : memref<10240x128xf32, #tpu.memory_space<vmem_shared>>)
          tpu.yield
        }) : () -> ()
      }
      %scan3A_103 = arith.constant 40 : i32
    } else {
    }
    %eq3A_20 = arith.constant 1 : i32
    %eq3A_21 = arith.cmpi eq, %arg0, %eq3A_20 : i32
    %convert_element_type3A_22 = arith.extui %eq3A_21 : i1 to i32
    %cond3A_23 = arith.constant 0 : i32
    %cond3A_24 = arith.cmpi ne, %convert_element_type3A_22, %cond3A_23 : i32
    scf.if %cond3A_24 {
      %run_scoped3A = arith.constant 0 : i32
      %run_scoped3A_81 = arith.constant 0 : i32
      "tpu.region"() ({
        %run_scoped3A_104 = tpu.sem_alloc : memref<!tpu.dma_semaphore, #tpu.memory_space<semaphore_mem>>
        %dma_start3A_105 = arith.constant 0 : i32
        %dma_start3A_106 = tpu.memref_slice %arg4[%arg1, %run_scoped3A, %run_scoped3A_81, %dma_start3A_105] : memref<16x2x80x128xi32, #tpu.memory_space<hbm>> -> memref<1x1x1x128xi32, #tpu.memory_space<hbm>>
        %dma_start3A_107 = tpu.memref_squeeze %dma_start3A_106 : memref<1x1x1x128xi32, #tpu.memory_space<hbm>> -> memref<128xi32, #tpu.memory_space<hbm>>
        %dma_start3A_108 = arith.constant 0 : i32
        %dma_start3A_109 = tpu.memref_slice %arg4[%arg1, %run_scoped3A, %run_scoped3A_81, %dma_start3A_108] : memref<16x2x80x128xi32, #tpu.memory_space<hbm>> -> memref<1x1x1x128xi32, #tpu.memory_space<hbm>>
        %dma_start3A_110 = tpu.memref_squeeze %dma_start3A_109 : memref<1x1x1x128xi32, #tpu.memory_space<hbm>> -> memref<128xi32, #tpu.memory_space<hbm>>
        tpu.enqueue_dma source(%dma_start3A_110 : memref<128xi32, #tpu.memory_space<hbm>>) target(%arg8 : memref<128xi32, #tpu.memory_space<vmem>>) target_semaphore(%run_scoped3A_104 : memref<!tpu.dma_semaphore, #tpu.memory_space<semaphore_mem>>)
        %dma_wait3A = arith.constant 0 : i32
        %dma_wait3A_111 = tpu.memref_slice %arg4[%arg1, %run_scoped3A, %run_scoped3A_81, %dma_wait3A] : memref<16x2x80x128xi32, #tpu.memory_space<hbm>> -> memref<1x1x1x128xi32, #tpu.memory_space<hbm>>
        %dma_wait3A_112 = tpu.memref_squeeze %dma_wait3A_111 : memref<1x1x1x128xi32, #tpu.memory_space<hbm>> -> memref<128xi32, #tpu.memory_space<hbm>>
        %dma_wait3A_113 = arith.constant 0 : i32
        %dma_wait3A_114 = tpu.memref_slice %arg4[%arg1, %run_scoped3A, %run_scoped3A_81, %dma_wait3A_113] : memref<16x2x80x128xi32, #tpu.memory_space<hbm>> -> memref<1x1x1x128xi32, #tpu.memory_space<hbm>>
        %dma_wait3A_115 = tpu.memref_squeeze %dma_wait3A_114 : memref<1x1x1x128xi32, #tpu.memory_space<hbm>> -> memref<128xi32, #tpu.memory_space<hbm>>
        tpu.wait_dma2 semaphore(%run_scoped3A_104 : memref<!tpu.dma_semaphore, #tpu.memory_space<semaphore_mem>>) src(%dma_wait3A_115 : memref<128xi32, #tpu.memory_space<hbm>>) dst(%arg8 : memref<128xi32, #tpu.memory_space<vmem>>)
        tpu.yield
      }) : () -> ()
      %run_scoped3A_82 = arith.constant 0 : i32
      %run_scoped3A_83 = arith.constant 0 : i32
      "tpu.region"() ({
        %run_scoped3A_104 = tpu.sem_alloc : memref<!tpu.dma_semaphore, #tpu.memory_space<semaphore_mem>>
        %dma_start3A_105 = arith.constant 0 : i32
        %dma_start3A_106 = tpu.memref_slice %arg5[%arg1, %run_scoped3A_82, %run_scoped3A_83, %dma_start3A_105] : memref<16x2x80x128xi32, #tpu.memory_space<hbm>> -> memref<1x1x1x128xi32, #tpu.memory_space<hbm>>
        %dma_start3A_107 = tpu.memref_squeeze %dma_start3A_106 : memref<1x1x1x128xi32, #tpu.memory_space<hbm>> -> memref<128xi32, #tpu.memory_space<hbm>>
        %dma_start3A_108 = arith.constant 0 : i32
        %dma_start3A_109 = tpu.memref_slice %arg5[%arg1, %run_scoped3A_82, %run_scoped3A_83, %dma_start3A_108] : memref<16x2x80x128xi32, #tpu.memory_space<hbm>> -> memref<1x1x1x128xi32, #tpu.memory_space<hbm>>
        %dma_start3A_110 = tpu.memref_squeeze %dma_start3A_109 : memref<1x1x1x128xi32, #tpu.memory_space<hbm>> -> memref<128xi32, #tpu.memory_space<hbm>>
        tpu.enqueue_dma source(%dma_start3A_110 : memref<128xi32, #tpu.memory_space<hbm>>) target(%arg9 : memref<128xi32, #tpu.memory_space<vmem>>) target_semaphore(%run_scoped3A_104 : memref<!tpu.dma_semaphore, #tpu.memory_space<semaphore_mem>>)
        %dma_wait3A = arith.constant 0 : i32
        %dma_wait3A_111 = tpu.memref_slice %arg5[%arg1, %run_scoped3A_82, %run_scoped3A_83, %dma_wait3A] : memref<16x2x80x128xi32, #tpu.memory_space<hbm>> -> memref<1x1x1x128xi32, #tpu.memory_space<hbm>>
        %dma_wait3A_112 = tpu.memref_squeeze %dma_wait3A_111 : memref<1x1x1x128xi32, #tpu.memory_space<hbm>> -> memref<128xi32, #tpu.memory_space<hbm>>
        %dma_wait3A_113 = arith.constant 0 : i32
        %dma_wait3A_114 = tpu.memref_slice %arg5[%arg1, %run_scoped3A_82, %run_scoped3A_83, %dma_wait3A_113] : memref<16x2x80x128xi32, #tpu.memory_space<hbm>> -> memref<1x1x1x128xi32, #tpu.memory_space<hbm>>
        %dma_wait3A_115 = tpu.memref_squeeze %dma_wait3A_114 : memref<1x1x1x128xi32, #tpu.memory_space<hbm>> -> memref<128xi32, #tpu.memory_space<hbm>>
        tpu.wait_dma2 semaphore(%run_scoped3A_104 : memref<!tpu.dma_semaphore, #tpu.memory_space<semaphore_mem>>) src(%dma_wait3A_115 : memref<128xi32, #tpu.memory_space<hbm>>) dst(%arg9 : memref<128xi32, #tpu.memory_space<vmem>>)
        tpu.yield
      }) : () -> ()
      %dma_start3A = arith.constant 0 : i32
      %dma_start3A_84 = arith.constant 0 : i32
      %dma_start3A_85 = tpu.memref_slice %arg3[%dma_start3A, %dma_start3A_84] : memref<10000x128xf32, #tpu.memory_space<hbm>> -> memref<10000x128xf32, #tpu.memory_space<hbm>>
      tpu.enqueue_indirect_dma source(%dma_start3A_85 : memref<10000x128xf32, #tpu.memory_space<hbm>>) target(%arg12 : memref<128x128xf32, #tpu.memory_space<vmem>>) offsets(%arg8 : memref<128xi32, #tpu.memory_space<vmem>>) semaphore(%arg15 : memref<!tpu.dma_semaphore, #tpu.memory_space<semaphore_mem>>)
      %scan3A = arith.constant 0 : i32
      %scan3A_86 = arith.constant 0 : i32
      %scan3A_87 = arith.constant 40 : i32
      %scan3A_88 = arith.addi %scan3A_86, %scan3A_87 : i32
      %scan3A_89 = arith.constant 1 : i32
      scf.for %scan3A_104 = %scan3A_86 to %scan3A_88 step %scan3A_89  : i32 {
        %mul3A_105 = arith.constant 2 : i32
        %mul3A_106 = arith.muli %mul3A_105, %scan3A_104 : i32
        %add3A_107 = arith.constant 1 : i32
        %add3A_108 = arith.addi %mul3A_106, %add3A_107 : i32
        %run_scoped3A_109 = arith.constant 0 : i32
        "tpu.region"() ({
          %run_scoped3A_125 = tpu.sem_alloc : memref<!tpu.dma_semaphore, #tpu.memory_space<semaphore_mem>>
          %dma_start3A_126 = arith.constant 0 : i32
          %dma_start3A_127 = tpu.memref_slice %arg4[%arg1, %run_scoped3A_109, %add3A_108, %dma_start3A_126] : memref<16x2x80x128xi32, #tpu.memory_space<hbm>> -> memref<1x1x1x128xi32, #tpu.memory_space<hbm>>
          %dma_start3A_128 = tpu.memref_squeeze %dma_start3A_127 : memref<1x1x1x128xi32, #tpu.memory_space<hbm>> -> memref<128xi32, #tpu.memory_space<hbm>>
          %dma_start3A_129 = arith.constant 0 : i32
          %dma_start3A_130 = tpu.memref_slice %arg4[%arg1, %run_scoped3A_109, %add3A_108, %dma_start3A_129] : memref<16x2x80x128xi32, #tpu.memory_space<hbm>> -> memref<1x1x1x128xi32, #tpu.memory_space<hbm>>
          %dma_start3A_131 = tpu.memref_squeeze %dma_start3A_130 : memref<1x1x1x128xi32, #tpu.memory_space<hbm>> -> memref<128xi32, #tpu.memory_space<hbm>>
          tpu.enqueue_dma source(%dma_start3A_131 : memref<128xi32, #tpu.memory_space<hbm>>) target(%arg10 : memref<128xi32, #tpu.memory_space<vmem>>) target_semaphore(%run_scoped3A_125 : memref<!tpu.dma_semaphore, #tpu.memory_space<semaphore_mem>>)
          %dma_wait3A_132 = arith.constant 0 : i32
          %dma_wait3A_133 = tpu.memref_slice %arg4[%arg1, %run_scoped3A_109, %add3A_108, %dma_wait3A_132] : memref<16x2x80x128xi32, #tpu.memory_space<hbm>> -> memref<1x1x1x128xi32, #tpu.memory_space<hbm>>
          %dma_wait3A_134 = tpu.memref_squeeze %dma_wait3A_133 : memref<1x1x1x128xi32, #tpu.memory_space<hbm>> -> memref<128xi32, #tpu.memory_space<hbm>>
          %dma_wait3A_135 = arith.constant 0 : i32
          %dma_wait3A_136 = tpu.memref_slice %arg4[%arg1, %run_scoped3A_109, %add3A_108, %dma_wait3A_135] : memref<16x2x80x128xi32, #tpu.memory_space<hbm>> -> memref<1x1x1x128xi32, #tpu.memory_space<hbm>>
          %dma_wait3A_137 = tpu.memref_squeeze %dma_wait3A_136 : memref<1x1x1x128xi32, #tpu.memory_space<hbm>> -> memref<128xi32, #tpu.memory_space<hbm>>
          tpu.wait_dma2 semaphore(%run_scoped3A_125 : memref<!tpu.dma_semaphore, #tpu.memory_space<semaphore_mem>>) src(%dma_wait3A_137 : memref<128xi32, #tpu.memory_space<hbm>>) dst(%arg10 : memref<128xi32, #tpu.memory_space<vmem>>)
          tpu.yield
        }) : () -> ()
        %add3A_110 = arith.constant 1 : i32
        %add3A_111 = arith.addi %mul3A_106, %add3A_110 : i32
        %run_scoped3A_112 = arith.constant 0 : i32
        "tpu.region"() ({
          %run_scoped3A_125 = tpu.sem_alloc : memref<!tpu.dma_semaphore, #tpu.memory_space<semaphore_mem>>
          %dma_start3A_126 = arith.constant 0 : i32
          %dma_start3A_127 = tpu.memref_slice %arg5[%arg1, %run_scoped3A_112, %add3A_111, %dma_start3A_126] : memref<16x2x80x128xi32, #tpu.memory_space<hbm>> -> memref<1x1x1x128xi32, #tpu.memory_space<hbm>>
          %dma_start3A_128 = tpu.memref_squeeze %dma_start3A_127 : memref<1x1x1x128xi32, #tpu.memory_space<hbm>> -> memref<128xi32, #tpu.memory_space<hbm>>
          %dma_start3A_129 = arith.constant 0 : i32
          %dma_start3A_130 = tpu.memref_slice %arg5[%arg1, %run_scoped3A_112, %add3A_111, %dma_start3A_129] : memref<16x2x80x128xi32, #tpu.memory_space<hbm>> -> memref<1x1x1x128xi32, #tpu.memory_space<hbm>>
          %dma_start3A_131 = tpu.memref_squeeze %dma_start3A_130 : memref<1x1x1x128xi32, #tpu.memory_space<hbm>> -> memref<128xi32, #tpu.memory_space<hbm>>
          tpu.enqueue_dma source(%dma_start3A_131 : memref<128xi32, #tpu.memory_space<hbm>>) target(%arg11 : memref<128xi32, #tpu.memory_space<vmem>>) target_semaphore(%run_scoped3A_125 : memref<!tpu.dma_semaphore, #tpu.memory_space<semaphore_mem>>)
          %dma_wait3A_132 = arith.constant 0 : i32
          %dma_wait3A_133 = tpu.memref_slice %arg5[%arg1, %run_scoped3A_112, %add3A_111, %dma_wait3A_132] : memref<16x2x80x128xi32, #tpu.memory_space<hbm>> -> memref<1x1x1x128xi32, #tpu.memory_space<hbm>>
          %dma_wait3A_134 = tpu.memref_squeeze %dma_wait3A_133 : memref<1x1x1x128xi32, #tpu.memory_space<hbm>> -> memref<128xi32, #tpu.memory_space<hbm>>
          %dma_wait3A_135 = arith.constant 0 : i32
          %dma_wait3A_136 = tpu.memref_slice %arg5[%arg1, %run_scoped3A_112, %add3A_111, %dma_wait3A_135] : memref<16x2x80x128xi32, #tpu.memory_space<hbm>> -> memref<1x1x1x128xi32, #tpu.memory_space<hbm>>
          %dma_wait3A_137 = tpu.memref_squeeze %dma_wait3A_136 : memref<1x1x1x128xi32, #tpu.memory_space<hbm>> -> memref<128xi32, #tpu.memory_space<hbm>>
          tpu.wait_dma2 semaphore(%run_scoped3A_125 : memref<!tpu.dma_semaphore, #tpu.memory_space<semaphore_mem>>) src(%dma_wait3A_137 : memref<128xi32, #tpu.memory_space<hbm>>) dst(%arg11 : memref<128xi32, #tpu.memory_space<vmem>>)
          tpu.yield
        }) : () -> ()
        %dma_start3A_113 = arith.constant 0 : i32
        %dma_start3A_114 = arith.constant 0 : i32
        %dma_start3A_115 = tpu.memref_slice %arg3[%dma_start3A_113, %dma_start3A_114] : memref<10000x128xf32, #tpu.memory_space<hbm>> -> memref<10000x128xf32, #tpu.memory_space<hbm>>
        tpu.enqueue_indirect_dma source(%dma_start3A_115 : memref<10000x128xf32, #tpu.memory_space<hbm>>) target(%arg13 : memref<128x128xf32, #tpu.memory_space<vmem>>) offsets(%arg10 : memref<128xi32, #tpu.memory_space<vmem>>) semaphore(%arg16 : memref<!tpu.dma_semaphore, #tpu.memory_space<semaphore_mem>>)
        %dma_wait3A = arith.constant 0 : i32
        %dma_wait3A_116 = arith.constant 0 : i32
        %dma_wait3A_117 = tpu.memref_slice %arg3[%dma_wait3A, %dma_wait3A_116] : memref<10000x128xf32, #tpu.memory_space<hbm>> -> memref<10000x128xf32, #tpu.memory_space<hbm>>
        tpu.wait_indirect_dma semaphore(%arg15 : memref<!tpu.dma_semaphore, #tpu.memory_space<semaphore_mem>>) src(%dma_wait3A_117 : memref<10000x128xf32, #tpu.memory_space<hbm>>) dst(%arg12 : memref<128x128xf32, #tpu.memory_space<vmem>>)
        "tpu.region"() ({
          %run_scoped3A_125 = tpu.sem_alloc : memref<!tpu.dma_semaphore, #tpu.memory_space<semaphore_mem>>
          %dma_start3A_126 = arith.constant 0 : i32
          %dma_start3A_127 = arith.constant 0 : i32
          %dma_start3A_128 = tpu.memref_slice %arg14[%dma_start3A_126, %dma_start3A_127] : memref<10240x128xf32, #tpu.memory_space<vmem_shared>> -> memref<10240x128xf32, #tpu.memory_space<vmem_shared>>
          tpu.enqueue_indirect_dma source(%arg12 : memref<128x128xf32, #tpu.memory_space<vmem>>) target(%dma_start3A_128 : memref<10240x128xf32, #tpu.memory_space<vmem_shared>>) offsets(%arg9 : memref<128xi32, #tpu.memory_space<vmem>>) semaphore(%run_scoped3A_125 : memref<!tpu.dma_semaphore, #tpu.memory_space<semaphore_mem>>) {add = true}
          %dma_wait3A_129 = arith.constant 0 : i32
          %dma_wait3A_130 = arith.constant 0 : i32
          %dma_wait3A_131 = tpu.memref_slice %arg14[%dma_wait3A_129, %dma_wait3A_130] : memref<10240x128xf32, #tpu.memory_space<vmem_shared>> -> memref<10240x128xf32, #tpu.memory_space<vmem_shared>>
          tpu.wait_indirect_dma semaphore(%run_scoped3A_125 : memref<!tpu.dma_semaphore, #tpu.memory_space<semaphore_mem>>) src(%arg12 : memref<128x128xf32, #tpu.memory_space<vmem>>) dst(%dma_wait3A_131 : memref<10240x128xf32, #tpu.memory_space<vmem_shared>>)
          tpu.yield
        }) : () -> ()
        %lt3A = arith.constant 39 : i32
        %lt3A_118 = arith.cmpi slt, %scan3A_104, %lt3A : i32
        %convert_element_type3A_119 = arith.extui %lt3A_118 : i1 to i32
        %cond3A_120 = arith.constant 0 : i32
        %cond3A_121 = arith.cmpi ne, %convert_element_type3A_119, %cond3A_120 : i32
        scf.if %cond3A_121 {
          %add3A_125 = arith.constant 2 : i32
          %add3A_126 = arith.addi %mul3A_106, %add3A_125 : i32
          %run_scoped3A_127 = arith.constant 0 : i32
          "tpu.region"() ({
            %run_scoped3A_134 = tpu.sem_alloc : memref<!tpu.dma_semaphore, #tpu.memory_space<semaphore_mem>>
            %dma_start3A_135 = arith.constant 0 : i32
            %dma_start3A_136 = tpu.memref_slice %arg4[%arg1, %run_scoped3A_127, %add3A_126, %dma_start3A_135] : memref<16x2x80x128xi32, #tpu.memory_space<hbm>> -> memref<1x1x1x128xi32, #tpu.memory_space<hbm>>
            %dma_start3A_137 = tpu.memref_squeeze %dma_start3A_136 : memref<1x1x1x128xi32, #tpu.memory_space<hbm>> -> memref<128xi32, #tpu.memory_space<hbm>>
            %dma_start3A_138 = arith.constant 0 : i32
            %dma_start3A_139 = tpu.memref_slice %arg4[%arg1, %run_scoped3A_127, %add3A_126, %dma_start3A_138] : memref<16x2x80x128xi32, #tpu.memory_space<hbm>> -> memref<1x1x1x128xi32, #tpu.memory_space<hbm>>
            %dma_start3A_140 = tpu.memref_squeeze %dma_start3A_139 : memref<1x1x1x128xi32, #tpu.memory_space<hbm>> -> memref<128xi32, #tpu.memory_space<hbm>>
            tpu.enqueue_dma source(%dma_start3A_140 : memref<128xi32, #tpu.memory_space<hbm>>) target(%arg8 : memref<128xi32, #tpu.memory_space<vmem>>) target_semaphore(%run_scoped3A_134 : memref<!tpu.dma_semaphore, #tpu.memory_space<semaphore_mem>>)
            %dma_wait3A_141 = arith.constant 0 : i32
            %dma_wait3A_142 = tpu.memref_slice %arg4[%arg1, %run_scoped3A_127, %add3A_126, %dma_wait3A_141] : memref<16x2x80x128xi32, #tpu.memory_space<hbm>> -> memref<1x1x1x128xi32, #tpu.memory_space<hbm>>
            %dma_wait3A_143 = tpu.memref_squeeze %dma_wait3A_142 : memref<1x1x1x128xi32, #tpu.memory_space<hbm>> -> memref<128xi32, #tpu.memory_space<hbm>>
            %dma_wait3A_144 = arith.constant 0 : i32
            %dma_wait3A_145 = tpu.memref_slice %arg4[%arg1, %run_scoped3A_127, %add3A_126, %dma_wait3A_144] : memref<16x2x80x128xi32, #tpu.memory_space<hbm>> -> memref<1x1x1x128xi32, #tpu.memory_space<hbm>>
            %dma_wait3A_146 = tpu.memref_squeeze %dma_wait3A_145 : memref<1x1x1x128xi32, #tpu.memory_space<hbm>> -> memref<128xi32, #tpu.memory_space<hbm>>
            tpu.wait_dma2 semaphore(%run_scoped3A_134 : memref<!tpu.dma_semaphore, #tpu.memory_space<semaphore_mem>>) src(%dma_wait3A_146 : memref<128xi32, #tpu.memory_space<hbm>>) dst(%arg8 : memref<128xi32, #tpu.memory_space<vmem>>)
            tpu.yield
          }) : () -> ()
          %add3A_128 = arith.constant 2 : i32
          %add3A_129 = arith.addi %mul3A_106, %add3A_128 : i32
          %run_scoped3A_130 = arith.constant 0 : i32
          "tpu.region"() ({
            %run_scoped3A_134 = tpu.sem_alloc : memref<!tpu.dma_semaphore, #tpu.memory_space<semaphore_mem>>
            %dma_start3A_135 = arith.constant 0 : i32
            %dma_start3A_136 = tpu.memref_slice %arg5[%arg1, %run_scoped3A_130, %add3A_129, %dma_start3A_135] : memref<16x2x80x128xi32, #tpu.memory_space<hbm>> -> memref<1x1x1x128xi32, #tpu.memory_space<hbm>>
            %dma_start3A_137 = tpu.memref_squeeze %dma_start3A_136 : memref<1x1x1x128xi32, #tpu.memory_space<hbm>> -> memref<128xi32, #tpu.memory_space<hbm>>
            %dma_start3A_138 = arith.constant 0 : i32
            %dma_start3A_139 = tpu.memref_slice %arg5[%arg1, %run_scoped3A_130, %add3A_129, %dma_start3A_138] : memref<16x2x80x128xi32, #tpu.memory_space<hbm>> -> memref<1x1x1x128xi32, #tpu.memory_space<hbm>>
            %dma_start3A_140 = tpu.memref_squeeze %dma_start3A_139 : memref<1x1x1x128xi32, #tpu.memory_space<hbm>> -> memref<128xi32, #tpu.memory_space<hbm>>
            tpu.enqueue_dma source(%dma_start3A_140 : memref<128xi32, #tpu.memory_space<hbm>>) target(%arg9 : memref<128xi32, #tpu.memory_space<vmem>>) target_semaphore(%run_scoped3A_134 : memref<!tpu.dma_semaphore, #tpu.memory_space<semaphore_mem>>)
            %dma_wait3A_141 = arith.constant 0 : i32
            %dma_wait3A_142 = tpu.memref_slice %arg5[%arg1, %run_scoped3A_130, %add3A_129, %dma_wait3A_141] : memref<16x2x80x128xi32, #tpu.memory_space<hbm>> -> memref<1x1x1x128xi32, #tpu.memory_space<hbm>>
            %dma_wait3A_143 = tpu.memref_squeeze %dma_wait3A_142 : memref<1x1x1x128xi32, #tpu.memory_space<hbm>> -> memref<128xi32, #tpu.memory_space<hbm>>
            %dma_wait3A_144 = arith.constant 0 : i32
            %dma_wait3A_145 = tpu.memref_slice %arg5[%arg1, %run_scoped3A_130, %add3A_129, %dma_wait3A_144] : memref<16x2x80x128xi32, #tpu.memory_space<hbm>> -> memref<1x1x1x128xi32, #tpu.memory_space<hbm>>
            %dma_wait3A_146 = tpu.memref_squeeze %dma_wait3A_145 : memref<1x1x1x128xi32, #tpu.memory_space<hbm>> -> memref<128xi32, #tpu.memory_space<hbm>>
            tpu.wait_dma2 semaphore(%run_scoped3A_134 : memref<!tpu.dma_semaphore, #tpu.memory_space<semaphore_mem>>) src(%dma_wait3A_146 : memref<128xi32, #tpu.memory_space<hbm>>) dst(%arg9 : memref<128xi32, #tpu.memory_space<vmem>>)
            tpu.yield
          }) : () -> ()
          %dma_start3A_131 = arith.constant 0 : i32
          %dma_start3A_132 = arith.constant 0 : i32
          %dma_start3A_133 = tpu.memref_slice %arg3[%dma_start3A_131, %dma_start3A_132] : memref<10000x128xf32, #tpu.memory_space<hbm>> -> memref<10000x128xf32, #tpu.memory_space<hbm>>
          tpu.enqueue_indirect_dma source(%dma_start3A_133 : memref<10000x128xf32, #tpu.memory_space<hbm>>) target(%arg12 : memref<128x128xf32, #tpu.memory_space<vmem>>) offsets(%arg8 : memref<128xi32, #tpu.memory_space<vmem>>) semaphore(%arg15 : memref<!tpu.dma_semaphore, #tpu.memory_space<semaphore_mem>>)
        } else {
        }
        %dma_wait3A_122 = arith.constant 0 : i32
        %dma_wait3A_123 = arith.constant 0 : i32
        %dma_wait3A_124 = tpu.memref_slice %arg3[%dma_wait3A_122, %dma_wait3A_123] : memref<10000x128xf32, #tpu.memory_space<hbm>> -> memref<10000x128xf32, #tpu.memory_space<hbm>>
        tpu.wait_indirect_dma semaphore(%arg16 : memref<!tpu.dma_semaphore, #tpu.memory_space<semaphore_mem>>) src(%dma_wait3A_124 : memref<10000x128xf32, #tpu.memory_space<hbm>>) dst(%arg13 : memref<128x128xf32, #tpu.memory_space<vmem>>)
        "tpu.region"() ({
          %run_scoped3A_125 = tpu.sem_alloc : memref<!tpu.dma_semaphore, #tpu.memory_space<semaphore_mem>>
          %dma_start3A_126 = arith.constant 0 : i32
          %dma_start3A_127 = arith.constant 0 : i32
          %dma_start3A_128 = tpu.memref_slice %arg14[%dma_start3A_126, %dma_start3A_127] : memref<10240x128xf32, #tpu.memory_space<vmem_shared>> -> memref<10240x128xf32, #tpu.memory_space<vmem_shared>>
          tpu.enqueue_indirect_dma source(%arg13 : memref<128x128xf32, #tpu.memory_space<vmem>>) target(%dma_start3A_128 : memref<10240x128xf32, #tpu.memory_space<vmem_shared>>) offsets(%arg11 : memref<128xi32, #tpu.memory_space<vmem>>) semaphore(%run_scoped3A_125 : memref<!tpu.dma_semaphore, #tpu.memory_space<semaphore_mem>>) {add = true}
          %dma_wait3A_129 = arith.constant 0 : i32
          %dma_wait3A_130 = arith.constant 0 : i32
          %dma_wait3A_131 = tpu.memref_slice %arg14[%dma_wait3A_129, %dma_wait3A_130] : memref<10240x128xf32, #tpu.memory_space<vmem_shared>> -> memref<10240x128xf32, #tpu.memory_space<vmem_shared>>
          tpu.wait_indirect_dma semaphore(%run_scoped3A_125 : memref<!tpu.dma_semaphore, #tpu.memory_space<semaphore_mem>>) src(%arg13 : memref<128x128xf32, #tpu.memory_space<vmem>>) dst(%dma_wait3A_131 : memref<10240x128xf32, #tpu.memory_space<vmem_shared>>)
          tpu.yield
        }) : () -> ()
      }
      %scan3A_90 = arith.constant 40 : i32
      %run_scoped3A_91 = arith.constant 1 : i32
      %run_scoped3A_92 = arith.constant 0 : i32
      "tpu.region"() ({
        %run_scoped3A_104 = tpu.sem_alloc : memref<!tpu.dma_semaphore, #tpu.memory_space<semaphore_mem>>
        %dma_start3A_105 = arith.constant 0 : i32
        %dma_start3A_106 = tpu.memref_slice %arg4[%arg1, %run_scoped3A_91, %run_scoped3A_92, %dma_start3A_105] : memref<16x2x80x128xi32, #tpu.memory_space<hbm>> -> memref<1x1x1x128xi32, #tpu.memory_space<hbm>>
        %dma_start3A_107 = tpu.memref_squeeze %dma_start3A_106 : memref<1x1x1x128xi32, #tpu.memory_space<hbm>> -> memref<128xi32, #tpu.memory_space<hbm>>
        %dma_start3A_108 = arith.constant 0 : i32
        %dma_start3A_109 = tpu.memref_slice %arg4[%arg1, %run_scoped3A_91, %run_scoped3A_92, %dma_start3A_108] : memref<16x2x80x128xi32, #tpu.memory_space<hbm>> -> memref<1x1x1x128xi32, #tpu.memory_space<hbm>>
        %dma_start3A_110 = tpu.memref_squeeze %dma_start3A_109 : memref<1x1x1x128xi32, #tpu.memory_space<hbm>> -> memref<128xi32, #tpu.memory_space<hbm>>
        tpu.enqueue_dma source(%dma_start3A_110 : memref<128xi32, #tpu.memory_space<hbm>>) target(%arg8 : memref<128xi32, #tpu.memory_space<vmem>>) target_semaphore(%run_scoped3A_104 : memref<!tpu.dma_semaphore, #tpu.memory_space<semaphore_mem>>)
        %dma_wait3A = arith.constant 0 : i32
        %dma_wait3A_111 = tpu.memref_slice %arg4[%arg1, %run_scoped3A_91, %run_scoped3A_92, %dma_wait3A] : memref<16x2x80x128xi32, #tpu.memory_space<hbm>> -> memref<1x1x1x128xi32, #tpu.memory_space<hbm>>
        %dma_wait3A_112 = tpu.memref_squeeze %dma_wait3A_111 : memref<1x1x1x128xi32, #tpu.memory_space<hbm>> -> memref<128xi32, #tpu.memory_space<hbm>>
        %dma_wait3A_113 = arith.constant 0 : i32
        %dma_wait3A_114 = tpu.memref_slice %arg4[%arg1, %run_scoped3A_91, %run_scoped3A_92, %dma_wait3A_113] : memref<16x2x80x128xi32, #tpu.memory_space<hbm>> -> memref<1x1x1x128xi32, #tpu.memory_space<hbm>>
        %dma_wait3A_115 = tpu.memref_squeeze %dma_wait3A_114 : memref<1x1x1x128xi32, #tpu.memory_space<hbm>> -> memref<128xi32, #tpu.memory_space<hbm>>
        tpu.wait_dma2 semaphore(%run_scoped3A_104 : memref<!tpu.dma_semaphore, #tpu.memory_space<semaphore_mem>>) src(%dma_wait3A_115 : memref<128xi32, #tpu.memory_space<hbm>>) dst(%arg8 : memref<128xi32, #tpu.memory_space<vmem>>)
        tpu.yield
      }) : () -> ()
      %run_scoped3A_93 = arith.constant 1 : i32
      %run_scoped3A_94 = arith.constant 0 : i32
      "tpu.region"() ({
        %run_scoped3A_104 = tpu.sem_alloc : memref<!tpu.dma_semaphore, #tpu.memory_space<semaphore_mem>>
        %dma_start3A_105 = arith.constant 0 : i32
        %dma_start3A_106 = tpu.memref_slice %arg5[%arg1, %run_scoped3A_93, %run_scoped3A_94, %dma_start3A_105] : memref<16x2x80x128xi32, #tpu.memory_space<hbm>> -> memref<1x1x1x128xi32, #tpu.memory_space<hbm>>
        %dma_start3A_107 = tpu.memref_squeeze %dma_start3A_106 : memref<1x1x1x128xi32, #tpu.memory_space<hbm>> -> memref<128xi32, #tpu.memory_space<hbm>>
        %dma_start3A_108 = arith.constant 0 : i32
        %dma_start3A_109 = tpu.memref_slice %arg5[%arg1, %run_scoped3A_93, %run_scoped3A_94, %dma_start3A_108] : memref<16x2x80x128xi32, #tpu.memory_space<hbm>> -> memref<1x1x1x128xi32, #tpu.memory_space<hbm>>
        %dma_start3A_110 = tpu.memref_squeeze %dma_start3A_109 : memref<1x1x1x128xi32, #tpu.memory_space<hbm>> -> memref<128xi32, #tpu.memory_space<hbm>>
        tpu.enqueue_dma source(%dma_start3A_110 : memref<128xi32, #tpu.memory_space<hbm>>) target(%arg9 : memref<128xi32, #tpu.memory_space<vmem>>) target_semaphore(%run_scoped3A_104 : memref<!tpu.dma_semaphore, #tpu.memory_space<semaphore_mem>>)
        %dma_wait3A = arith.constant 0 : i32
        %dma_wait3A_111 = tpu.memref_slice %arg5[%arg1, %run_scoped3A_93, %run_scoped3A_94, %dma_wait3A] : memref<16x2x80x128xi32, #tpu.memory_space<hbm>> -> memref<1x1x1x128xi32, #tpu.memory_space<hbm>>
        %dma_wait3A_112 = tpu.memref_squeeze %dma_wait3A_111 : memref<1x1x1x128xi32, #tpu.memory_space<hbm>> -> memref<128xi32, #tpu.memory_space<hbm>>
        %dma_wait3A_113 = arith.constant 0 : i32
        %dma_wait3A_114 = tpu.memref_slice %arg5[%arg1, %run_scoped3A_93, %run_scoped3A_94, %dma_wait3A_113] : memref<16x2x80x128xi32, #tpu.memory_space<hbm>> -> memref<1x1x1x128xi32, #tpu.memory_space<hbm>>
        %dma_wait3A_115 = tpu.memref_squeeze %dma_wait3A_114 : memref<1x1x1x128xi32, #tpu.memory_space<hbm>> -> memref<128xi32, #tpu.memory_space<hbm>>
        tpu.wait_dma2 semaphore(%run_scoped3A_104 : memref<!tpu.dma_semaphore, #tpu.memory_space<semaphore_mem>>) src(%dma_wait3A_115 : memref<128xi32, #tpu.memory_space<hbm>>) dst(%arg9 : memref<128xi32, #tpu.memory_space<vmem>>)
        tpu.yield
      }) : () -> ()
      %dma_start3A_95 = arith.constant 0 : i32
      %dma_start3A_96 = arith.constant 0 : i32
      %dma_start3A_97 = tpu.memref_slice %arg3[%dma_start3A_95, %dma_start3A_96] : memref<10000x128xf32, #tpu.memory_space<hbm>> -> memref<10000x128xf32, #tpu.memory_space<hbm>>
      tpu.enqueue_indirect_dma source(%dma_start3A_97 : memref<10000x128xf32, #tpu.memory_space<hbm>>) target(%arg12 : memref<128x128xf32, #tpu.memory_space<vmem>>) offsets(%arg8 : memref<128xi32, #tpu.memory_space<vmem>>) semaphore(%arg15 : memref<!tpu.dma_semaphore, #tpu.memory_space<semaphore_mem>>)
      %scan3A_98 = arith.constant 0 : i32
      %scan3A_99 = arith.constant 0 : i32
      %scan3A_100 = arith.constant 40 : i32
      %scan3A_101 = arith.addi %scan3A_99, %scan3A_100 : i32
      %scan3A_102 = arith.constant 1 : i32
      scf.for %scan3A_104 = %scan3A_99 to %scan3A_101 step %scan3A_102  : i32 {
        %mul3A_105 = arith.constant 2 : i32
        %mul3A_106 = arith.muli %mul3A_105, %scan3A_104 : i32
        %add3A_107 = arith.constant 1 : i32
        %add3A_108 = arith.addi %mul3A_106, %add3A_107 : i32
        %run_scoped3A_109 = arith.constant 1 : i32
        "tpu.region"() ({
          %run_scoped3A_125 = tpu.sem_alloc : memref<!tpu.dma_semaphore, #tpu.memory_space<semaphore_mem>>
          %dma_start3A_126 = arith.constant 0 : i32
          %dma_start3A_127 = tpu.memref_slice %arg4[%arg1, %run_scoped3A_109, %add3A_108, %dma_start3A_126] : memref<16x2x80x128xi32, #tpu.memory_space<hbm>> -> memref<1x1x1x128xi32, #tpu.memory_space<hbm>>
          %dma_start3A_128 = tpu.memref_squeeze %dma_start3A_127 : memref<1x1x1x128xi32, #tpu.memory_space<hbm>> -> memref<128xi32, #tpu.memory_space<hbm>>
          %dma_start3A_129 = arith.constant 0 : i32
          %dma_start3A_130 = tpu.memref_slice %arg4[%arg1, %run_scoped3A_109, %add3A_108, %dma_start3A_129] : memref<16x2x80x128xi32, #tpu.memory_space<hbm>> -> memref<1x1x1x128xi32, #tpu.memory_space<hbm>>
          %dma_start3A_131 = tpu.memref_squeeze %dma_start3A_130 : memref<1x1x1x128xi32, #tpu.memory_space<hbm>> -> memref<128xi32, #tpu.memory_space<hbm>>
          tpu.enqueue_dma source(%dma_start3A_131 : memref<128xi32, #tpu.memory_space<hbm>>) target(%arg10 : memref<128xi32, #tpu.memory_space<vmem>>) target_semaphore(%run_scoped3A_125 : memref<!tpu.dma_semaphore, #tpu.memory_space<semaphore_mem>>)
          %dma_wait3A_132 = arith.constant 0 : i32
          %dma_wait3A_133 = tpu.memref_slice %arg4[%arg1, %run_scoped3A_109, %add3A_108, %dma_wait3A_132] : memref<16x2x80x128xi32, #tpu.memory_space<hbm>> -> memref<1x1x1x128xi32, #tpu.memory_space<hbm>>
          %dma_wait3A_134 = tpu.memref_squeeze %dma_wait3A_133 : memref<1x1x1x128xi32, #tpu.memory_space<hbm>> -> memref<128xi32, #tpu.memory_space<hbm>>
          %dma_wait3A_135 = arith.constant 0 : i32
          %dma_wait3A_136 = tpu.memref_slice %arg4[%arg1, %run_scoped3A_109, %add3A_108, %dma_wait3A_135] : memref<16x2x80x128xi32, #tpu.memory_space<hbm>> -> memref<1x1x1x128xi32, #tpu.memory_space<hbm>>
          %dma_wait3A_137 = tpu.memref_squeeze %dma_wait3A_136 : memref<1x1x1x128xi32, #tpu.memory_space<hbm>> -> memref<128xi32, #tpu.memory_space<hbm>>
          tpu.wait_dma2 semaphore(%run_scoped3A_125 : memref<!tpu.dma_semaphore, #tpu.memory_space<semaphore_mem>>) src(%dma_wait3A_137 : memref<128xi32, #tpu.memory_space<hbm>>) dst(%arg10 : memref<128xi32, #tpu.memory_space<vmem>>)
          tpu.yield
        }) : () -> ()
        %add3A_110 = arith.constant 1 : i32
        %add3A_111 = arith.addi %mul3A_106, %add3A_110 : i32
        %run_scoped3A_112 = arith.constant 1 : i32
        "tpu.region"() ({
          %run_scoped3A_125 = tpu.sem_alloc : memref<!tpu.dma_semaphore, #tpu.memory_space<semaphore_mem>>
          %dma_start3A_126 = arith.constant 0 : i32
          %dma_start3A_127 = tpu.memref_slice %arg5[%arg1, %run_scoped3A_112, %add3A_111, %dma_start3A_126] : memref<16x2x80x128xi32, #tpu.memory_space<hbm>> -> memref<1x1x1x128xi32, #tpu.memory_space<hbm>>
          %dma_start3A_128 = tpu.memref_squeeze %dma_start3A_127 : memref<1x1x1x128xi32, #tpu.memory_space<hbm>> -> memref<128xi32, #tpu.memory_space<hbm>>
          %dma_start3A_129 = arith.constant 0 : i32
          %dma_start3A_130 = tpu.memref_slice %arg5[%arg1, %run_scoped3A_112, %add3A_111, %dma_start3A_129] : memref<16x2x80x128xi32, #tpu.memory_space<hbm>> -> memref<1x1x1x128xi32, #tpu.memory_space<hbm>>
          %dma_start3A_131 = tpu.memref_squeeze %dma_start3A_130 : memref<1x1x1x128xi32, #tpu.memory_space<hbm>> -> memref<128xi32, #tpu.memory_space<hbm>>
          tpu.enqueue_dma source(%dma_start3A_131 : memref<128xi32, #tpu.memory_space<hbm>>) target(%arg11 : memref<128xi32, #tpu.memory_space<vmem>>) target_semaphore(%run_scoped3A_125 : memref<!tpu.dma_semaphore, #tpu.memory_space<semaphore_mem>>)
          %dma_wait3A_132 = arith.constant 0 : i32
          %dma_wait3A_133 = tpu.memref_slice %arg5[%arg1, %run_scoped3A_112, %add3A_111, %dma_wait3A_132] : memref<16x2x80x128xi32, #tpu.memory_space<hbm>> -> memref<1x1x1x128xi32, #tpu.memory_space<hbm>>
          %dma_wait3A_134 = tpu.memref_squeeze %dma_wait3A_133 : memref<1x1x1x128xi32, #tpu.memory_space<hbm>> -> memref<128xi32, #tpu.memory_space<hbm>>
          %dma_wait3A_135 = arith.constant 0 : i32
          %dma_wait3A_136 = tpu.memref_slice %arg5[%arg1, %run_scoped3A_112, %add3A_111, %dma_wait3A_135] : memref<16x2x80x128xi32, #tpu.memory_space<hbm>> -> memref<1x1x1x128xi32, #tpu.memory_space<hbm>>
          %dma_wait3A_137 = tpu.memref_squeeze %dma_wait3A_136 : memref<1x1x1x128xi32, #tpu.memory_space<hbm>> -> memref<128xi32, #tpu.memory_space<hbm>>
          tpu.wait_dma2 semaphore(%run_scoped3A_125 : memref<!tpu.dma_semaphore, #tpu.memory_space<semaphore_mem>>) src(%dma_wait3A_137 : memref<128xi32, #tpu.memory_space<hbm>>) dst(%arg11 : memref<128xi32, #tpu.memory_space<vmem>>)
          tpu.yield
        }) : () -> ()
        %dma_start3A_113 = arith.constant 0 : i32
        %dma_start3A_114 = arith.constant 0 : i32
        %dma_start3A_115 = tpu.memref_slice %arg3[%dma_start3A_113, %dma_start3A_114] : memref<10000x128xf32, #tpu.memory_space<hbm>> -> memref<10000x128xf32, #tpu.memory_space<hbm>>
        tpu.enqueue_indirect_dma source(%dma_start3A_115 : memref<10000x128xf32, #tpu.memory_space<hbm>>) target(%arg13 : memref<128x128xf32, #tpu.memory_space<vmem>>) offsets(%arg10 : memref<128xi32, #tpu.memory_space<vmem>>) semaphore(%arg16 : memref<!tpu.dma_semaphore, #tpu.memory_space<semaphore_mem>>)
        %dma_wait3A = arith.constant 0 : i32
        %dma_wait3A_116 = arith.constant 0 : i32
        %dma_wait3A_117 = tpu.memref_slice %arg3[%dma_wait3A, %dma_wait3A_116] : memref<10000x128xf32, #tpu.memory_space<hbm>> -> memref<10000x128xf32, #tpu.memory_space<hbm>>
        tpu.wait_indirect_dma semaphore(%arg15 : memref<!tpu.dma_semaphore, #tpu.memory_space<semaphore_mem>>) src(%dma_wait3A_117 : memref<10000x128xf32, #tpu.memory_space<hbm>>) dst(%arg12 : memref<128x128xf32, #tpu.memory_space<vmem>>)
        "tpu.region"() ({
          %run_scoped3A_125 = tpu.sem_alloc : memref<!tpu.dma_semaphore, #tpu.memory_space<semaphore_mem>>
          %dma_start3A_126 = arith.constant 0 : i32
          %dma_start3A_127 = arith.constant 0 : i32
          %dma_start3A_128 = tpu.memref_slice %arg14[%dma_start3A_126, %dma_start3A_127] : memref<10240x128xf32, #tpu.memory_space<vmem_shared>> -> memref<10240x128xf32, #tpu.memory_space<vmem_shared>>
          tpu.enqueue_indirect_dma source(%arg12 : memref<128x128xf32, #tpu.memory_space<vmem>>) target(%dma_start3A_128 : memref<10240x128xf32, #tpu.memory_space<vmem_shared>>) offsets(%arg9 : memref<128xi32, #tpu.memory_space<vmem>>) semaphore(%run_scoped3A_125 : memref<!tpu.dma_semaphore, #tpu.memory_space<semaphore_mem>>) {add = true}
          %dma_wait3A_129 = arith.constant 0 : i32
          %dma_wait3A_130 = arith.constant 0 : i32
          %dma_wait3A_131 = tpu.memref_slice %arg14[%dma_wait3A_129, %dma_wait3A_130] : memref<10240x128xf32, #tpu.memory_space<vmem_shared>> -> memref<10240x128xf32, #tpu.memory_space<vmem_shared>>
          tpu.wait_indirect_dma semaphore(%run_scoped3A_125 : memref<!tpu.dma_semaphore, #tpu.memory_space<semaphore_mem>>) src(%arg12 : memref<128x128xf32, #tpu.memory_space<vmem>>) dst(%dma_wait3A_131 : memref<10240x128xf32, #tpu.memory_space<vmem_shared>>)
          tpu.yield
        }) : () -> ()
        %lt3A = arith.constant 39 : i32
        %lt3A_118 = arith.cmpi slt, %scan3A_104, %lt3A : i32
        %convert_element_type3A_119 = arith.extui %lt3A_118 : i1 to i32
        %cond3A_120 = arith.constant 0 : i32
        %cond3A_121 = arith.cmpi ne, %convert_element_type3A_119, %cond3A_120 : i32
        scf.if %cond3A_121 {
          %add3A_125 = arith.constant 2 : i32
          %add3A_126 = arith.addi %mul3A_106, %add3A_125 : i32
          %run_scoped3A_127 = arith.constant 1 : i32
          "tpu.region"() ({
            %run_scoped3A_134 = tpu.sem_alloc : memref<!tpu.dma_semaphore, #tpu.memory_space<semaphore_mem>>
            %dma_start3A_135 = arith.constant 0 : i32
            %dma_start3A_136 = tpu.memref_slice %arg4[%arg1, %run_scoped3A_127, %add3A_126, %dma_start3A_135] : memref<16x2x80x128xi32, #tpu.memory_space<hbm>> -> memref<1x1x1x128xi32, #tpu.memory_space<hbm>>
            %dma_start3A_137 = tpu.memref_squeeze %dma_start3A_136 : memref<1x1x1x128xi32, #tpu.memory_space<hbm>> -> memref<128xi32, #tpu.memory_space<hbm>>
            %dma_start3A_138 = arith.constant 0 : i32
            %dma_start3A_139 = tpu.memref_slice %arg4[%arg1, %run_scoped3A_127, %add3A_126, %dma_start3A_138] : memref<16x2x80x128xi32, #tpu.memory_space<hbm>> -> memref<1x1x1x128xi32, #tpu.memory_space<hbm>>
            %dma_start3A_140 = tpu.memref_squeeze %dma_start3A_139 : memref<1x1x1x128xi32, #tpu.memory_space<hbm>> -> memref<128xi32, #tpu.memory_space<hbm>>
            tpu.enqueue_dma source(%dma_start3A_140 : memref<128xi32, #tpu.memory_space<hbm>>) target(%arg8 : memref<128xi32, #tpu.memory_space<vmem>>) target_semaphore(%run_scoped3A_134 : memref<!tpu.dma_semaphore, #tpu.memory_space<semaphore_mem>>)
            %dma_wait3A_141 = arith.constant 0 : i32
            %dma_wait3A_142 = tpu.memref_slice %arg4[%arg1, %run_scoped3A_127, %add3A_126, %dma_wait3A_141] : memref<16x2x80x128xi32, #tpu.memory_space<hbm>> -> memref<1x1x1x128xi32, #tpu.memory_space<hbm>>
            %dma_wait3A_143 = tpu.memref_squeeze %dma_wait3A_142 : memref<1x1x1x128xi32, #tpu.memory_space<hbm>> -> memref<128xi32, #tpu.memory_space<hbm>>
            %dma_wait3A_144 = arith.constant 0 : i32
            %dma_wait3A_145 = tpu.memref_slice %arg4[%arg1, %run_scoped3A_127, %add3A_126, %dma_wait3A_144] : memref<16x2x80x128xi32, #tpu.memory_space<hbm>> -> memref<1x1x1x128xi32, #tpu.memory_space<hbm>>
            %dma_wait3A_146 = tpu.memref_squeeze %dma_wait3A_145 : memref<1x1x1x128xi32, #tpu.memory_space<hbm>> -> memref<128xi32, #tpu.memory_space<hbm>>
            tpu.wait_dma2 semaphore(%run_scoped3A_134 : memref<!tpu.dma_semaphore, #tpu.memory_space<semaphore_mem>>) src(%dma_wait3A_146 : memref<128xi32, #tpu.memory_space<hbm>>) dst(%arg8 : memref<128xi32, #tpu.memory_space<vmem>>)
            tpu.yield
          }) : () -> ()
          %add3A_128 = arith.constant 2 : i32
          %add3A_129 = arith.addi %mul3A_106, %add3A_128 : i32
          %run_scoped3A_130 = arith.constant 1 : i32
          "tpu.region"() ({
            %run_scoped3A_134 = tpu.sem_alloc : memref<!tpu.dma_semaphore, #tpu.memory_space<semaphore_mem>>
            %dma_start3A_135 = arith.constant 0 : i32
            %dma_start3A_136 = tpu.memref_slice %arg5[%arg1, %run_scoped3A_130, %add3A_129, %dma_start3A_135] : memref<16x2x80x128xi32, #tpu.memory_space<hbm>> -> memref<1x1x1x128xi32, #tpu.memory_space<hbm>>
            %dma_start3A_137 = tpu.memref_squeeze %dma_start3A_136 : memref<1x1x1x128xi32, #tpu.memory_space<hbm>> -> memref<128xi32, #tpu.memory_space<hbm>>
            %dma_start3A_138 = arith.constant 0 : i32
            %dma_start3A_139 = tpu.memref_slice %arg5[%arg1, %run_scoped3A_130, %add3A_129, %dma_start3A_138] : memref<16x2x80x128xi32, #tpu.memory_space<hbm>> -> memref<1x1x1x128xi32, #tpu.memory_space<hbm>>
            %dma_start3A_140 = tpu.memref_squeeze %dma_start3A_139 : memref<1x1x1x128xi32, #tpu.memory_space<hbm>> -> memref<128xi32, #tpu.memory_space<hbm>>
            tpu.enqueue_dma source(%dma_start3A_140 : memref<128xi32, #tpu.memory_space<hbm>>) target(%arg9 : memref<128xi32, #tpu.memory_space<vmem>>) target_semaphore(%run_scoped3A_134 : memref<!tpu.dma_semaphore, #tpu.memory_space<semaphore_mem>>)
            %dma_wait3A_141 = arith.constant 0 : i32
            %dma_wait3A_142 = tpu.memref_slice %arg5[%arg1, %run_scoped3A_130, %add3A_129, %dma_wait3A_141] : memref<16x2x80x128xi32, #tpu.memory_space<hbm>> -> memref<1x1x1x128xi32, #tpu.memory_space<hbm>>
            %dma_wait3A_143 = tpu.memref_squeeze %dma_wait3A_142 : memref<1x1x1x128xi32, #tpu.memory_space<hbm>> -> memref<128xi32, #tpu.memory_space<hbm>>
            %dma_wait3A_144 = arith.constant 0 : i32
            %dma_wait3A_145 = tpu.memref_slice %arg5[%arg1, %run_scoped3A_130, %add3A_129, %dma_wait3A_144] : memref<16x2x80x128xi32, #tpu.memory_space<hbm>> -> memref<1x1x1x128xi32, #tpu.memory_space<hbm>>
            %dma_wait3A_146 = tpu.memref_squeeze %dma_wait3A_145 : memref<1x1x1x128xi32, #tpu.memory_space<hbm>> -> memref<128xi32, #tpu.memory_space<hbm>>
            tpu.wait_dma2 semaphore(%run_scoped3A_134 : memref<!tpu.dma_semaphore, #tpu.memory_space<semaphore_mem>>) src(%dma_wait3A_146 : memref<128xi32, #tpu.memory_space<hbm>>) dst(%arg9 : memref<128xi32, #tpu.memory_space<vmem>>)
            tpu.yield
          }) : () -> ()
          %dma_start3A_131 = arith.constant 0 : i32
          %dma_start3A_132 = arith.constant 0 : i32
          %dma_start3A_133 = tpu.memref_slice %arg3[%dma_start3A_131, %dma_start3A_132] : memref<10000x128xf32, #tpu.memory_space<hbm>> -> memref<10000x128xf32, #tpu.memory_space<hbm>>
          tpu.enqueue_indirect_dma source(%dma_start3A_133 : memref<10000x128xf32, #tpu.memory_space<hbm>>) target(%arg12 : memref<128x128xf32, #tpu.memory_space<vmem>>) offsets(%arg8 : memref<128xi32, #tpu.memory_space<vmem>>) semaphore(%arg15 : memref<!tpu.dma_semaphore, #tpu.memory_space<semaphore_mem>>)
        } else {
        }
        %dma_wait3A_122 = arith.constant 0 : i32
        %dma_wait3A_123 = arith.constant 0 : i32
        %dma_wait3A_124 = tpu.memref_slice %arg3[%dma_wait3A_122, %dma_wait3A_123] : memref<10000x128xf32, #tpu.memory_space<hbm>> -> memref<10000x128xf32, #tpu.memory_space<hbm>>
        tpu.wait_indirect_dma semaphore(%arg16 : memref<!tpu.dma_semaphore, #tpu.memory_space<semaphore_mem>>) src(%dma_wait3A_124 : memref<10000x128xf32, #tpu.memory_space<hbm>>) dst(%arg13 : memref<128x128xf32, #tpu.memory_space<vmem>>)
        "tpu.region"() ({
          %run_scoped3A_125 = tpu.sem_alloc : memref<!tpu.dma_semaphore, #tpu.memory_space<semaphore_mem>>
          %dma_start3A_126 = arith.constant 0 : i32
          %dma_start3A_127 = arith.constant 0 : i32
          %dma_start3A_128 = tpu.memref_slice %arg14[%dma_start3A_126, %dma_start3A_127] : memref<10240x128xf32, #tpu.memory_space<vmem_shared>> -> memref<10240x128xf32, #tpu.memory_space<vmem_shared>>
          tpu.enqueue_indirect_dma source(%arg13 : memref<128x128xf32, #tpu.memory_space<vmem>>) target(%dma_start3A_128 : memref<10240x128xf32, #tpu.memory_space<vmem_shared>>) offsets(%arg11 : memref<128xi32, #tpu.memory_space<vmem>>) semaphore(%run_scoped3A_125 : memref<!tpu.dma_semaphore, #tpu.memory_space<semaphore_mem>>) {add = true}
          %dma_wait3A_129 = arith.constant 0 : i32
          %dma_wait3A_130 = arith.constant 0 : i32
          %dma_wait3A_131 = tpu.memref_slice %arg14[%dma_wait3A_129, %dma_wait3A_130] : memref<10240x128xf32, #tpu.memory_space<vmem_shared>> -> memref<10240x128xf32, #tpu.memory_space<vmem_shared>>
          tpu.wait_indirect_dma semaphore(%run_scoped3A_125 : memref<!tpu.dma_semaphore, #tpu.memory_space<semaphore_mem>>) src(%arg13 : memref<128x128xf32, #tpu.memory_space<vmem>>) dst(%dma_wait3A_131 : memref<10240x128xf32, #tpu.memory_space<vmem_shared>>)
          tpu.yield
        }) : () -> ()
      }
      %scan3A_103 = arith.constant 40 : i32
    } else {
    }
    %barrier3A_25 = arith.constant 0 : index
    tpu.barrier barrier_id(%barrier3A_25)
    %mul3A_26 = arith.constant 640 : i32
    %mul3A_27 = arith.muli %arg1, %mul3A_26 : i32
    %add3A_28 = arith.constant 0 : i32
    %add3A_29 = arith.addi %mul3A_27, %add3A_28 : i32
    "tpu.region"() ({
      %run_scoped3A = tpu.sem_alloc : memref<!tpu.dma_semaphore, #tpu.memory_space<semaphore_mem>>
      %dma_start3A = arith.constant 0 : i32
      %dma_start3A_81 = tpu.memref_slice %arg14[%add3A_29, %dma_start3A] : memref<10240x128xf32, #tpu.memory_space<vmem_shared>> -> memref<128x128xf32, #tpu.memory_space<vmem_shared>>
      %dma_start3A_82 = arith.constant 0 : i32
      %dma_start3A_83 = tpu.memref_slice %arg14[%add3A_29, %dma_start3A_82] : memref<10240x128xf32, #tpu.memory_space<vmem_shared>> -> memref<128x128xf32, #tpu.memory_space<vmem_shared>>
      tpu.enqueue_dma source(%dma_start3A_83 : memref<128x128xf32, #tpu.memory_space<vmem_shared>>) target(%arg12 : memref<128x128xf32, #tpu.memory_space<vmem>>) target_semaphore(%run_scoped3A : memref<!tpu.dma_semaphore, #tpu.memory_space<semaphore_mem>>)
      %dma_wait3A = arith.constant 0 : i32
      %dma_wait3A_84 = tpu.memref_slice %arg14[%add3A_29, %dma_wait3A] : memref<10240x128xf32, #tpu.memory_space<vmem_shared>> -> memref<128x128xf32, #tpu.memory_space<vmem_shared>>
      %dma_wait3A_85 = arith.constant 0 : i32
      %dma_wait3A_86 = tpu.memref_slice %arg14[%add3A_29, %dma_wait3A_85] : memref<10240x128xf32, #tpu.memory_space<vmem_shared>> -> memref<128x128xf32, #tpu.memory_space<vmem_shared>>
      tpu.wait_dma2 semaphore(%run_scoped3A : memref<!tpu.dma_semaphore, #tpu.memory_space<semaphore_mem>>) src(%dma_wait3A_86 : memref<128x128xf32, #tpu.memory_space<vmem_shared>>) dst(%arg12 : memref<128x128xf32, #tpu.memory_space<vmem>>)
      tpu.yield
    }) : () -> ()
    %mul3A_30 = arith.constant 10240 : i32
    %mul3A_31 = arith.muli %arg0, %mul3A_30 : i32
    %mul3A_32 = arith.constant 640 : i32
    %mul3A_33 = arith.muli %arg1, %mul3A_32 : i32
    %add3A_34 = arith.addi %mul3A_31, %mul3A_33 : i32
    %add3A_35 = arith.constant 0 : i32
    %add3A_36 = arith.addi %add3A_34, %add3A_35 : i32
    "tpu.region"() ({
      %run_scoped3A = tpu.sem_alloc : memref<!tpu.dma_semaphore, #tpu.memory_space<semaphore_mem>>
      %dma_start3A = arith.constant 0 : i32
      %dma_start3A_81 = tpu.memref_slice %arg7[%add3A_36, %dma_start3A] : memref<20480x128xf32, #tpu.memory_space<hbm>> -> memref<128x128xf32, #tpu.memory_space<hbm>>
      %dma_start3A_82 = arith.constant 0 : i32
      %dma_start3A_83 = tpu.memref_slice %arg7[%add3A_36, %dma_start3A_82] : memref<20480x128xf32, #tpu.memory_space<hbm>> -> memref<128x128xf32, #tpu.memory_space<hbm>>
      tpu.enqueue_dma source(%arg12 : memref<128x128xf32, #tpu.memory_space<vmem>>) target(%dma_start3A_83 : memref<128x128xf32, #tpu.memory_space<hbm>>) target_semaphore(%run_scoped3A : memref<!tpu.dma_semaphore, #tpu.memory_space<semaphore_mem>>)
      %dma_wait3A = arith.constant 0 : i32
      %dma_wait3A_84 = tpu.memref_slice %arg7[%add3A_36, %dma_wait3A] : memref<20480x128xf32, #tpu.memory_space<hbm>> -> memref<128x128xf32, #tpu.memory_space<hbm>>
      %dma_wait3A_85 = arith.constant 0 : i32
      %dma_wait3A_86 = tpu.memref_slice %arg7[%add3A_36, %dma_wait3A_85] : memref<20480x128xf32, #tpu.memory_space<hbm>> -> memref<128x128xf32, #tpu.memory_space<hbm>>
      tpu.wait_dma2 semaphore(%run_scoped3A : memref<!tpu.dma_semaphore, #tpu.memory_space<semaphore_mem>>) src(%arg12 : memref<128x128xf32, #tpu.memory_space<vmem>>) dst(%dma_wait3A_86 : memref<128x128xf32, #tpu.memory_space<hbm>>)
      tpu.yield
    }) : () -> ()
    %mul3A_37 = arith.constant 640 : i32
    %mul3A_38 = arith.muli %arg1, %mul3A_37 : i32
    %add3A_39 = arith.constant 128 : i32
    %add3A_40 = arith.addi %mul3A_38, %add3A_39 : i32
    "tpu.region"() ({
      %run_scoped3A = tpu.sem_alloc : memref<!tpu.dma_semaphore, #tpu.memory_space<semaphore_mem>>
      %dma_start3A = arith.constant 0 : i32
      %dma_start3A_81 = tpu.memref_slice %arg14[%add3A_40, %dma_start3A] : memref<10240x128xf32, #tpu.memory_space<vmem_shared>> -> memref<128x128xf32, #tpu.memory_space<vmem_shared>>
      %dma_start3A_82 = arith.constant 0 : i32
      %dma_start3A_83 = tpu.memref_slice %arg14[%add3A_40, %dma_start3A_82] : memref<10240x128xf32, #tpu.memory_space<vmem_shared>> -> memref<128x128xf32, #tpu.memory_space<vmem_shared>>
      tpu.enqueue_dma source(%dma_start3A_83 : memref<128x128xf32, #tpu.memory_space<vmem_shared>>) target(%arg12 : memref<128x128xf32, #tpu.memory_space<vmem>>) target_semaphore(%run_scoped3A : memref<!tpu.dma_semaphore, #tpu.memory_space<semaphore_mem>>)
      %dma_wait3A = arith.constant 0 : i32
      %dma_wait3A_84 = tpu.memref_slice %arg14[%add3A_40, %dma_wait3A] : memref<10240x128xf32, #tpu.memory_space<vmem_shared>> -> memref<128x128xf32, #tpu.memory_space<vmem_shared>>
      %dma_wait3A_85 = arith.constant 0 : i32
      %dma_wait3A_86 = tpu.memref_slice %arg14[%add3A_40, %dma_wait3A_85] : memref<10240x128xf32, #tpu.memory_space<vmem_shared>> -> memref<128x128xf32, #tpu.memory_space<vmem_shared>>
      tpu.wait_dma2 semaphore(%run_scoped3A : memref<!tpu.dma_semaphore, #tpu.memory_space<semaphore_mem>>) src(%dma_wait3A_86 : memref<128x128xf32, #tpu.memory_space<vmem_shared>>) dst(%arg12 : memref<128x128xf32, #tpu.memory_space<vmem>>)
      tpu.yield
    }) : () -> ()
    %mul3A_41 = arith.constant 10240 : i32
    %mul3A_42 = arith.muli %arg0, %mul3A_41 : i32
    %mul3A_43 = arith.constant 640 : i32
    %mul3A_44 = arith.muli %arg1, %mul3A_43 : i32
    %add3A_45 = arith.addi %mul3A_42, %mul3A_44 : i32
    %add3A_46 = arith.constant 128 : i32
    %add3A_47 = arith.addi %add3A_45, %add3A_46 : i32
    "tpu.region"() ({
      %run_scoped3A = tpu.sem_alloc : memref<!tpu.dma_semaphore, #tpu.memory_space<semaphore_mem>>
      %dma_start3A = arith.constant 0 : i32
      %dma_start3A_81 = tpu.memref_slice %arg7[%add3A_47, %dma_start3A] : memref<20480x128xf32, #tpu.memory_space<hbm>> -> memref<128x128xf32, #tpu.memory_space<hbm>>
      %dma_start3A_82 = arith.constant 0 : i32
      %dma_start3A_83 = tpu.memref_slice %arg7[%add3A_47, %dma_start3A_82] : memref<20480x128xf32, #tpu.memory_space<hbm>> -> memref<128x128xf32, #tpu.memory_space<hbm>>
      tpu.enqueue_dma source(%arg12 : memref<128x128xf32, #tpu.memory_space<vmem>>) target(%dma_start3A_83 : memref<128x128xf32, #tpu.memory_space<hbm>>) target_semaphore(%run_scoped3A : memref<!tpu.dma_semaphore, #tpu.memory_space<semaphore_mem>>)
      %dma_wait3A = arith.constant 0 : i32
      %dma_wait3A_84 = tpu.memref_slice %arg7[%add3A_47, %dma_wait3A] : memref<20480x128xf32, #tpu.memory_space<hbm>> -> memref<128x128xf32, #tpu.memory_space<hbm>>
      %dma_wait3A_85 = arith.constant 0 : i32
      %dma_wait3A_86 = tpu.memref_slice %arg7[%add3A_47, %dma_wait3A_85] : memref<20480x128xf32, #tpu.memory_space<hbm>> -> memref<128x128xf32, #tpu.memory_space<hbm>>
      tpu.wait_dma2 semaphore(%run_scoped3A : memref<!tpu.dma_semaphore, #tpu.memory_space<semaphore_mem>>) src(%arg12 : memref<128x128xf32, #tpu.memory_space<vmem>>) dst(%dma_wait3A_86 : memref<128x128xf32, #tpu.memory_space<hbm>>)
      tpu.yield
    }) : () -> ()
    %mul3A_48 = arith.constant 640 : i32
    %mul3A_49 = arith.muli %arg1, %mul3A_48 : i32
    %add3A_50 = arith.constant 256 : i32
    %add3A_51 = arith.addi %mul3A_49, %add3A_50 : i32
    "tpu.region"() ({
      %run_scoped3A = tpu.sem_alloc : memref<!tpu.dma_semaphore, #tpu.memory_space<semaphore_mem>>
      %dma_start3A = arith.constant 0 : i32
      %dma_start3A_81 = tpu.memref_slice %arg14[%add3A_51, %dma_start3A] : memref<10240x128xf32, #tpu.memory_space<vmem_shared>> -> memref<128x128xf32, #tpu.memory_space<vmem_shared>>
      %dma_start3A_82 = arith.constant 0 : i32
      %dma_start3A_83 = tpu.memref_slice %arg14[%add3A_51, %dma_start3A_82] : memref<10240x128xf32, #tpu.memory_space<vmem_shared>> -> memref<128x128xf32, #tpu.memory_space<vmem_shared>>
      tpu.enqueue_dma source(%dma_start3A_83 : memref<128x128xf32, #tpu.memory_space<vmem_shared>>) target(%arg12 : memref<128x128xf32, #tpu.memory_space<vmem>>) target_semaphore(%run_scoped3A : memref<!tpu.dma_semaphore, #tpu.memory_space<semaphore_mem>>)
      %dma_wait3A = arith.constant 0 : i32
      %dma_wait3A_84 = tpu.memref_slice %arg14[%add3A_51, %dma_wait3A] : memref<10240x128xf32, #tpu.memory_space<vmem_shared>> -> memref<128x128xf32, #tpu.memory_space<vmem_shared>>
      %dma_wait3A_85 = arith.constant 0 : i32
      %dma_wait3A_86 = tpu.memref_slice %arg14[%add3A_51, %dma_wait3A_85] : memref<10240x128xf32, #tpu.memory_space<vmem_shared>> -> memref<128x128xf32, #tpu.memory_space<vmem_shared>>
      tpu.wait_dma2 semaphore(%run_scoped3A : memref<!tpu.dma_semaphore, #tpu.memory_space<semaphore_mem>>) src(%dma_wait3A_86 : memref<128x128xf32, #tpu.memory_space<vmem_shared>>) dst(%arg12 : memref<128x128xf32, #tpu.memory_space<vmem>>)
      tpu.yield
    }) : () -> ()
    %mul3A_52 = arith.constant 10240 : i32
    %mul3A_53 = arith.muli %arg0, %mul3A_52 : i32
    %mul3A_54 = arith.constant 640 : i32
    %mul3A_55 = arith.muli %arg1, %mul3A_54 : i32
    %add3A_56 = arith.addi %mul3A_53, %mul3A_55 : i32
    %add3A_57 = arith.constant 256 : i32
    %add3A_58 = arith.addi %add3A_56, %add3A_57 : i32
    "tpu.region"() ({
      %run_scoped3A = tpu.sem_alloc : memref<!tpu.dma_semaphore, #tpu.memory_space<semaphore_mem>>
      %dma_start3A = arith.constant 0 : i32
      %dma_start3A_81 = tpu.memref_slice %arg7[%add3A_58, %dma_start3A] : memref<20480x128xf32, #tpu.memory_space<hbm>> -> memref<128x128xf32, #tpu.memory_space<hbm>>
      %dma_start3A_82 = arith.constant 0 : i32
      %dma_start3A_83 = tpu.memref_slice %arg7[%add3A_58, %dma_start3A_82] : memref<20480x128xf32, #tpu.memory_space<hbm>> -> memref<128x128xf32, #tpu.memory_space<hbm>>
      tpu.enqueue_dma source(%arg12 : memref<128x128xf32, #tpu.memory_space<vmem>>) target(%dma_start3A_83 : memref<128x128xf32, #tpu.memory_space<hbm>>) target_semaphore(%run_scoped3A : memref<!tpu.dma_semaphore, #tpu.memory_space<semaphore_mem>>)
      %dma_wait3A = arith.constant 0 : i32
      %dma_wait3A_84 = tpu.memref_slice %arg7[%add3A_58, %dma_wait3A] : memref<20480x128xf32, #tpu.memory_space<hbm>> -> memref<128x128xf32, #tpu.memory_space<hbm>>
      %dma_wait3A_85 = arith.constant 0 : i32
      %dma_wait3A_86 = tpu.memref_slice %arg7[%add3A_58, %dma_wait3A_85] : memref<20480x128xf32, #tpu.memory_space<hbm>> -> memref<128x128xf32, #tpu.memory_space<hbm>>
      tpu.wait_dma2 semaphore(%run_scoped3A : memref<!tpu.dma_semaphore, #tpu.memory_space<semaphore_mem>>) src(%arg12 : memref<128x128xf32, #tpu.memory_space<vmem>>) dst(%dma_wait3A_86 : memref<128x128xf32, #tpu.memory_space<hbm>>)
      tpu.yield
    }) : () -> ()
    %mul3A_59 = arith.constant 640 : i32
    %mul3A_60 = arith.muli %arg1, %mul3A_59 : i32
    %add3A_61 = arith.constant 384 : i32
    %add3A_62 = arith.addi %mul3A_60, %add3A_61 : i32
    "tpu.region"() ({
      %run_scoped3A = tpu.sem_alloc : memref<!tpu.dma_semaphore, #tpu.memory_space<semaphore_mem>>
      %dma_start3A = arith.constant 0 : i32
      %dma_start3A_81 = tpu.memref_slice %arg14[%add3A_62, %dma_start3A] : memref<10240x128xf32, #tpu.memory_space<vmem_shared>> -> memref<128x128xf32, #tpu.memory_space<vmem_shared>>
      %dma_start3A_82 = arith.constant 0 : i32
      %dma_start3A_83 = tpu.memref_slice %arg14[%add3A_62, %dma_start3A_82] : memref<10240x128xf32, #tpu.memory_space<vmem_shared>> -> memref<128x128xf32, #tpu.memory_space<vmem_shared>>
      tpu.enqueue_dma source(%dma_start3A_83 : memref<128x128xf32, #tpu.memory_space<vmem_shared>>) target(%arg12 : memref<128x128xf32, #tpu.memory_space<vmem>>) target_semaphore(%run_scoped3A : memref<!tpu.dma_semaphore, #tpu.memory_space<semaphore_mem>>)
      %dma_wait3A = arith.constant 0 : i32
      %dma_wait3A_84 = tpu.memref_slice %arg14[%add3A_62, %dma_wait3A] : memref<10240x128xf32, #tpu.memory_space<vmem_shared>> -> memref<128x128xf32, #tpu.memory_space<vmem_shared>>
      %dma_wait3A_85 = arith.constant 0 : i32
      %dma_wait3A_86 = tpu.memref_slice %arg14[%add3A_62, %dma_wait3A_85] : memref<10240x128xf32, #tpu.memory_space<vmem_shared>> -> memref<128x128xf32, #tpu.memory_space<vmem_shared>>
      tpu.wait_dma2 semaphore(%run_scoped3A : memref<!tpu.dma_semaphore, #tpu.memory_space<semaphore_mem>>) src(%dma_wait3A_86 : memref<128x128xf32, #tpu.memory_space<vmem_shared>>) dst(%arg12 : memref<128x128xf32, #tpu.memory_space<vmem>>)
      tpu.yield
    }) : () -> ()
    %mul3A_63 = arith.constant 10240 : i32
    %mul3A_64 = arith.muli %arg0, %mul3A_63 : i32
    %mul3A_65 = arith.constant 640 : i32
    %mul3A_66 = arith.muli %arg1, %mul3A_65 : i32
    %add3A_67 = arith.addi %mul3A_64, %mul3A_66 : i32
    %add3A_68 = arith.constant 384 : i32
    %add3A_69 = arith.addi %add3A_67, %add3A_68 : i32
    "tpu.region"() ({
      %run_scoped3A = tpu.sem_alloc : memref<!tpu.dma_semaphore, #tpu.memory_space<semaphore_mem>>
      %dma_start3A = arith.constant 0 : i32
      %dma_start3A_81 = tpu.memref_slice %arg7[%add3A_69, %dma_start3A] : memref<20480x128xf32, #tpu.memory_space<hbm>> -> memref<128x128xf32, #tpu.memory_space<hbm>>
      %dma_start3A_82 = arith.constant 0 : i32
      %dma_start3A_83 = tpu.memref_slice %arg7[%add3A_69, %dma_start3A_82] : memref<20480x128xf32, #tpu.memory_space<hbm>> -> memref<128x128xf32, #tpu.memory_space<hbm>>
      tpu.enqueue_dma source(%arg12 : memref<128x128xf32, #tpu.memory_space<vmem>>) target(%dma_start3A_83 : memref<128x128xf32, #tpu.memory_space<hbm>>) target_semaphore(%run_scoped3A : memref<!tpu.dma_semaphore, #tpu.memory_space<semaphore_mem>>)
      %dma_wait3A = arith.constant 0 : i32
      %dma_wait3A_84 = tpu.memref_slice %arg7[%add3A_69, %dma_wait3A] : memref<20480x128xf32, #tpu.memory_space<hbm>> -> memref<128x128xf32, #tpu.memory_space<hbm>>
      %dma_wait3A_85 = arith.constant 0 : i32
      %dma_wait3A_86 = tpu.memref_slice %arg7[%add3A_69, %dma_wait3A_85] : memref<20480x128xf32, #tpu.memory_space<hbm>> -> memref<128x128xf32, #tpu.memory_space<hbm>>
      tpu.wait_dma2 semaphore(%run_scoped3A : memref<!tpu.dma_semaphore, #tpu.memory_space<semaphore_mem>>) src(%arg12 : memref<128x128xf32, #tpu.memory_space<vmem>>) dst(%dma_wait3A_86 : memref<128x128xf32, #tpu.memory_space<hbm>>)
      tpu.yield
    }) : () -> ()
    %mul3A_70 = arith.constant 640 : i32
    %mul3A_71 = arith.muli %arg1, %mul3A_70 : i32
    %add3A_72 = arith.constant 512 : i32
    %add3A_73 = arith.addi %mul3A_71, %add3A_72 : i32
    "tpu.region"() ({
      %run_scoped3A = tpu.sem_alloc : memref<!tpu.dma_semaphore, #tpu.memory_space<semaphore_mem>>
      %dma_start3A = arith.constant 0 : i32
      %dma_start3A_81 = tpu.memref_slice %arg14[%add3A_73, %dma_start3A] : memref<10240x128xf32, #tpu.memory_space<vmem_shared>> -> memref<128x128xf32, #tpu.memory_space<vmem_shared>>
      %dma_start3A_82 = arith.constant 0 : i32
      %dma_start3A_83 = tpu.memref_slice %arg14[%add3A_73, %dma_start3A_82] : memref<10240x128xf32, #tpu.memory_space<vmem_shared>> -> memref<128x128xf32, #tpu.memory_space<vmem_shared>>
      tpu.enqueue_dma source(%dma_start3A_83 : memref<128x128xf32, #tpu.memory_space<vmem_shared>>) target(%arg12 : memref<128x128xf32, #tpu.memory_space<vmem>>) target_semaphore(%run_scoped3A : memref<!tpu.dma_semaphore, #tpu.memory_space<semaphore_mem>>)
      %dma_wait3A = arith.constant 0 : i32
      %dma_wait3A_84 = tpu.memref_slice %arg14[%add3A_73, %dma_wait3A] : memref<10240x128xf32, #tpu.memory_space<vmem_shared>> -> memref<128x128xf32, #tpu.memory_space<vmem_shared>>
      %dma_wait3A_85 = arith.constant 0 : i32
      %dma_wait3A_86 = tpu.memref_slice %arg14[%add3A_73, %dma_wait3A_85] : memref<10240x128xf32, #tpu.memory_space<vmem_shared>> -> memref<128x128xf32, #tpu.memory_space<vmem_shared>>
      tpu.wait_dma2 semaphore(%run_scoped3A : memref<!tpu.dma_semaphore, #tpu.memory_space<semaphore_mem>>) src(%dma_wait3A_86 : memref<128x128xf32, #tpu.memory_space<vmem_shared>>) dst(%arg12 : memref<128x128xf32, #tpu.memory_space<vmem>>)
      tpu.yield
    }) : () -> ()
    %mul3A_74 = arith.constant 10240 : i32
    %mul3A_75 = arith.muli %arg0, %mul3A_74 : i32
    %mul3A_76 = arith.constant 640 : i32
    %mul3A_77 = arith.muli %arg1, %mul3A_76 : i32
    %add3A_78 = arith.addi %mul3A_75, %mul3A_77 : i32
    %add3A_79 = arith.constant 512 : i32
    %add3A_80 = arith.addi %add3A_78, %add3A_79 : i32
    "tpu.region"() ({
      %run_scoped3A = tpu.sem_alloc : memref<!tpu.dma_semaphore, #tpu.memory_space<semaphore_mem>>
      %dma_start3A = arith.constant 0 : i32
      %dma_start3A_81 = tpu.memref_slice %arg7[%add3A_80, %dma_start3A] : memref<20480x128xf32, #tpu.memory_space<hbm>> -> memref<128x128xf32, #tpu.memory_space<hbm>>
      %dma_start3A_82 = arith.constant 0 : i32
      %dma_start3A_83 = tpu.memref_slice %arg7[%add3A_80, %dma_start3A_82] : memref<20480x128xf32, #tpu.memory_space<hbm>> -> memref<128x128xf32, #tpu.memory_space<hbm>>
      tpu.enqueue_dma source(%arg12 : memref<128x128xf32, #tpu.memory_space<vmem>>) target(%dma_start3A_83 : memref<128x128xf32, #tpu.memory_space<hbm>>) target_semaphore(%run_scoped3A : memref<!tpu.dma_semaphore, #tpu.memory_space<semaphore_mem>>)
      %dma_wait3A = arith.constant 0 : i32
      %dma_wait3A_84 = tpu.memref_slice %arg7[%add3A_80, %dma_wait3A] : memref<20480x128xf32, #tpu.memory_space<hbm>> -> memref<128x128xf32, #tpu.memory_space<hbm>>
      %dma_wait3A_85 = arith.constant 0 : i32
      %dma_wait3A_86 = tpu.memref_slice %arg7[%add3A_80, %dma_wait3A_85] : memref<20480x128xf32, #tpu.memory_space<hbm>> -> memref<128x128xf32, #tpu.memory_space<hbm>>
      tpu.wait_dma2 semaphore(%run_scoped3A : memref<!tpu.dma_semaphore, #tpu.memory_space<semaphore_mem>>) src(%arg12 : memref<128x128xf32, #tpu.memory_space<vmem>>) dst(%dma_wait3A_86 : memref<128x128xf32, #tpu.memory_space<hbm>>)
      tpu.yield
    }) : () -> ()
    return
  }
}

#map = affine_map<(d0, d1) -> (0, 0)>
#map1 = affine_map<(d0, d1) -> (0, 0, 0)>
module attributes {stable_mosaic.version = 14 : i64} {
  func.func @k(%arg0: i32, %arg1: i32, %arg2: memref<10000x128xf32, #tpu.memory_space<hbm>>, %arg3: memref<32x80x128xi32, #tpu.memory_space<hbm>>, %arg4: memref<32x80x128xi32, #tpu.memory_space<hbm>>, %arg5: memref<128x128xf32, #tpu.memory_space<hbm>>, %arg6: memref<20480x128xf32, #tpu.memory_space<hbm>>, %arg7: memref<128xi32, #tpu.memory_space<vmem>>, %arg8: memref<128xi32, #tpu.memory_space<vmem>>, %arg9: memref<128xi32, #tpu.memory_space<vmem>>, %arg10: memref<128xi32, #tpu.memory_space<vmem>>, %arg11: memref<128x128xf32, #tpu.memory_space<vmem>>, %arg12: memref<128x128xf32, #tpu.memory_space<vmem>>, %arg13: memref<10240x128xf32, #tpu.memory_space<vmem_shared>>, %arg14: memref<!tpu.dma_semaphore, #tpu.memory_space<semaphore_mem>>, %arg15: memref<!tpu.dma_semaphore, #tpu.memory_space<semaphore_mem>>) attributes {dimension_semantics = [#tpu.dimension_semantics<core_parallel>, #tpu.dimension_semantics<subcore_parallel>], iteration_bounds = array<i64: 2, 16>, scalar_prefetch = 0 : i64, scratch_operands = 9 : i64, tpu.core_type = #tpu.core_type<sc_vector_subcore>, window_params = [{transform_indices = #map}, {transform_indices = #map1}, {transform_indices = #map1}, {transform_indices = #map}, {transform_indices = #map}]} {
    %mul3A = arith.constant 2 : i32
    %mul3A_0 = arith.muli %arg1, %mul3A : i32
    %add3A = arith.addi %mul3A_0, %arg0 : i32
    "tpu.region"() ({
      %run_scoped3A_85 = tpu.sem_alloc : memref<!tpu.dma_semaphore, #tpu.memory_space<semaphore_mem>>
      tpu.enqueue_dma source(%arg5 : memref<128x128xf32, #tpu.memory_space<hbm>>) target(%arg11 : memref<128x128xf32, #tpu.memory_space<vmem>>) target_semaphore(%run_scoped3A_85 : memref<!tpu.dma_semaphore, #tpu.memory_space<semaphore_mem>>)
      tpu.wait_dma2 semaphore(%run_scoped3A_85 : memref<!tpu.dma_semaphore, #tpu.memory_space<semaphore_mem>>) src(%arg5 : memref<128x128xf32, #tpu.memory_space<hbm>>) dst(%arg11 : memref<128x128xf32, #tpu.memory_space<vmem>>)
      tpu.yield
    }) : () -> ()
    %mul3A_1 = arith.constant 640 : i32
    %mul3A_2 = arith.muli %arg1, %mul3A_1 : i32
    %add3A_3 = arith.constant 0 : i32
    %add3A_4 = arith.addi %mul3A_2, %add3A_3 : i32
    "tpu.region"() ({
      %run_scoped3A_85 = tpu.sem_alloc : memref<!tpu.dma_semaphore, #tpu.memory_space<semaphore_mem>>
      %dma_start3A_86 = arith.constant 0 : i32
      %dma_start3A_87 = tpu.memref_slice %arg13[%add3A_4, %dma_start3A_86] : memref<10240x128xf32, #tpu.memory_space<vmem_shared>> -> memref<128x128xf32, #tpu.memory_space<vmem_shared>>
      %dma_start3A_88 = arith.constant 0 : i32
      %dma_start3A_89 = tpu.memref_slice %arg13[%add3A_4, %dma_start3A_88] : memref<10240x128xf32, #tpu.memory_space<vmem_shared>> -> memref<128x128xf32, #tpu.memory_space<vmem_shared>>
      tpu.enqueue_dma source(%arg11 : memref<128x128xf32, #tpu.memory_space<vmem>>) target(%dma_start3A_89 : memref<128x128xf32, #tpu.memory_space<vmem_shared>>) target_semaphore(%run_scoped3A_85 : memref<!tpu.dma_semaphore, #tpu.memory_space<semaphore_mem>>)
      %dma_wait3A = arith.constant 0 : i32
      %dma_wait3A_90 = tpu.memref_slice %arg13[%add3A_4, %dma_wait3A] : memref<10240x128xf32, #tpu.memory_space<vmem_shared>> -> memref<128x128xf32, #tpu.memory_space<vmem_shared>>
      %dma_wait3A_91 = arith.constant 0 : i32
      %dma_wait3A_92 = tpu.memref_slice %arg13[%add3A_4, %dma_wait3A_91] : memref<10240x128xf32, #tpu.memory_space<vmem_shared>> -> memref<128x128xf32, #tpu.memory_space<vmem_shared>>
      tpu.wait_dma2 semaphore(%run_scoped3A_85 : memref<!tpu.dma_semaphore, #tpu.memory_space<semaphore_mem>>) src(%arg11 : memref<128x128xf32, #tpu.memory_space<vmem>>) dst(%dma_wait3A_92 : memref<128x128xf32, #tpu.memory_space<vmem_shared>>)
      tpu.yield
    }) : () -> ()
    %mul3A_5 = arith.constant 640 : i32
    %mul3A_6 = arith.muli %arg1, %mul3A_5 : i32
    %add3A_7 = arith.constant 128 : i32
    %add3A_8 = arith.addi %mul3A_6, %add3A_7 : i32
    "tpu.region"() ({
      %run_scoped3A_85 = tpu.sem_alloc : memref<!tpu.dma_semaphore, #tpu.memory_space<semaphore_mem>>
      %dma_start3A_86 = arith.constant 0 : i32
      %dma_start3A_87 = tpu.memref_slice %arg13[%add3A_8, %dma_start3A_86] : memref<10240x128xf32, #tpu.memory_space<vmem_shared>> -> memref<128x128xf32, #tpu.memory_space<vmem_shared>>
      %dma_start3A_88 = arith.constant 0 : i32
      %dma_start3A_89 = tpu.memref_slice %arg13[%add3A_8, %dma_start3A_88] : memref<10240x128xf32, #tpu.memory_space<vmem_shared>> -> memref<128x128xf32, #tpu.memory_space<vmem_shared>>
      tpu.enqueue_dma source(%arg11 : memref<128x128xf32, #tpu.memory_space<vmem>>) target(%dma_start3A_89 : memref<128x128xf32, #tpu.memory_space<vmem_shared>>) target_semaphore(%run_scoped3A_85 : memref<!tpu.dma_semaphore, #tpu.memory_space<semaphore_mem>>)
      %dma_wait3A = arith.constant 0 : i32
      %dma_wait3A_90 = tpu.memref_slice %arg13[%add3A_8, %dma_wait3A] : memref<10240x128xf32, #tpu.memory_space<vmem_shared>> -> memref<128x128xf32, #tpu.memory_space<vmem_shared>>
      %dma_wait3A_91 = arith.constant 0 : i32
      %dma_wait3A_92 = tpu.memref_slice %arg13[%add3A_8, %dma_wait3A_91] : memref<10240x128xf32, #tpu.memory_space<vmem_shared>> -> memref<128x128xf32, #tpu.memory_space<vmem_shared>>
      tpu.wait_dma2 semaphore(%run_scoped3A_85 : memref<!tpu.dma_semaphore, #tpu.memory_space<semaphore_mem>>) src(%arg11 : memref<128x128xf32, #tpu.memory_space<vmem>>) dst(%dma_wait3A_92 : memref<128x128xf32, #tpu.memory_space<vmem_shared>>)
      tpu.yield
    }) : () -> ()
    %mul3A_9 = arith.constant 640 : i32
    %mul3A_10 = arith.muli %arg1, %mul3A_9 : i32
    %add3A_11 = arith.constant 256 : i32
    %add3A_12 = arith.addi %mul3A_10, %add3A_11 : i32
    "tpu.region"() ({
      %run_scoped3A_85 = tpu.sem_alloc : memref<!tpu.dma_semaphore, #tpu.memory_space<semaphore_mem>>
      %dma_start3A_86 = arith.constant 0 : i32
      %dma_start3A_87 = tpu.memref_slice %arg13[%add3A_12, %dma_start3A_86] : memref<10240x128xf32, #tpu.memory_space<vmem_shared>> -> memref<128x128xf32, #tpu.memory_space<vmem_shared>>
      %dma_start3A_88 = arith.constant 0 : i32
      %dma_start3A_89 = tpu.memref_slice %arg13[%add3A_12, %dma_start3A_88] : memref<10240x128xf32, #tpu.memory_space<vmem_shared>> -> memref<128x128xf32, #tpu.memory_space<vmem_shared>>
      tpu.enqueue_dma source(%arg11 : memref<128x128xf32, #tpu.memory_space<vmem>>) target(%dma_start3A_89 : memref<128x128xf32, #tpu.memory_space<vmem_shared>>) target_semaphore(%run_scoped3A_85 : memref<!tpu.dma_semaphore, #tpu.memory_space<semaphore_mem>>)
      %dma_wait3A = arith.constant 0 : i32
      %dma_wait3A_90 = tpu.memref_slice %arg13[%add3A_12, %dma_wait3A] : memref<10240x128xf32, #tpu.memory_space<vmem_shared>> -> memref<128x128xf32, #tpu.memory_space<vmem_shared>>
      %dma_wait3A_91 = arith.constant 0 : i32
      %dma_wait3A_92 = tpu.memref_slice %arg13[%add3A_12, %dma_wait3A_91] : memref<10240x128xf32, #tpu.memory_space<vmem_shared>> -> memref<128x128xf32, #tpu.memory_space<vmem_shared>>
      tpu.wait_dma2 semaphore(%run_scoped3A_85 : memref<!tpu.dma_semaphore, #tpu.memory_space<semaphore_mem>>) src(%arg11 : memref<128x128xf32, #tpu.memory_space<vmem>>) dst(%dma_wait3A_92 : memref<128x128xf32, #tpu.memory_space<vmem_shared>>)
      tpu.yield
    }) : () -> ()
    %mul3A_13 = arith.constant 640 : i32
    %mul3A_14 = arith.muli %arg1, %mul3A_13 : i32
    %add3A_15 = arith.constant 384 : i32
    %add3A_16 = arith.addi %mul3A_14, %add3A_15 : i32
    "tpu.region"() ({
      %run_scoped3A_85 = tpu.sem_alloc : memref<!tpu.dma_semaphore, #tpu.memory_space<semaphore_mem>>
      %dma_start3A_86 = arith.constant 0 : i32
      %dma_start3A_87 = tpu.memref_slice %arg13[%add3A_16, %dma_start3A_86] : memref<10240x128xf32, #tpu.memory_space<vmem_shared>> -> memref<128x128xf32, #tpu.memory_space<vmem_shared>>
      %dma_start3A_88 = arith.constant 0 : i32
      %dma_start3A_89 = tpu.memref_slice %arg13[%add3A_16, %dma_start3A_88] : memref<10240x128xf32, #tpu.memory_space<vmem_shared>> -> memref<128x128xf32, #tpu.memory_space<vmem_shared>>
      tpu.enqueue_dma source(%arg11 : memref<128x128xf32, #tpu.memory_space<vmem>>) target(%dma_start3A_89 : memref<128x128xf32, #tpu.memory_space<vmem_shared>>) target_semaphore(%run_scoped3A_85 : memref<!tpu.dma_semaphore, #tpu.memory_space<semaphore_mem>>)
      %dma_wait3A = arith.constant 0 : i32
      %dma_wait3A_90 = tpu.memref_slice %arg13[%add3A_16, %dma_wait3A] : memref<10240x128xf32, #tpu.memory_space<vmem_shared>> -> memref<128x128xf32, #tpu.memory_space<vmem_shared>>
      %dma_wait3A_91 = arith.constant 0 : i32
      %dma_wait3A_92 = tpu.memref_slice %arg13[%add3A_16, %dma_wait3A_91] : memref<10240x128xf32, #tpu.memory_space<vmem_shared>> -> memref<128x128xf32, #tpu.memory_space<vmem_shared>>
      tpu.wait_dma2 semaphore(%run_scoped3A_85 : memref<!tpu.dma_semaphore, #tpu.memory_space<semaphore_mem>>) src(%arg11 : memref<128x128xf32, #tpu.memory_space<vmem>>) dst(%dma_wait3A_92 : memref<128x128xf32, #tpu.memory_space<vmem_shared>>)
      tpu.yield
    }) : () -> ()
    %mul3A_17 = arith.constant 640 : i32
    %mul3A_18 = arith.muli %arg1, %mul3A_17 : i32
    %add3A_19 = arith.constant 512 : i32
    %add3A_20 = arith.addi %mul3A_18, %add3A_19 : i32
    "tpu.region"() ({
      %run_scoped3A_85 = tpu.sem_alloc : memref<!tpu.dma_semaphore, #tpu.memory_space<semaphore_mem>>
      %dma_start3A_86 = arith.constant 0 : i32
      %dma_start3A_87 = tpu.memref_slice %arg13[%add3A_20, %dma_start3A_86] : memref<10240x128xf32, #tpu.memory_space<vmem_shared>> -> memref<128x128xf32, #tpu.memory_space<vmem_shared>>
      %dma_start3A_88 = arith.constant 0 : i32
      %dma_start3A_89 = tpu.memref_slice %arg13[%add3A_20, %dma_start3A_88] : memref<10240x128xf32, #tpu.memory_space<vmem_shared>> -> memref<128x128xf32, #tpu.memory_space<vmem_shared>>
      tpu.enqueue_dma source(%arg11 : memref<128x128xf32, #tpu.memory_space<vmem>>) target(%dma_start3A_89 : memref<128x128xf32, #tpu.memory_space<vmem_shared>>) target_semaphore(%run_scoped3A_85 : memref<!tpu.dma_semaphore, #tpu.memory_space<semaphore_mem>>)
      %dma_wait3A = arith.constant 0 : i32
      %dma_wait3A_90 = tpu.memref_slice %arg13[%add3A_20, %dma_wait3A] : memref<10240x128xf32, #tpu.memory_space<vmem_shared>> -> memref<128x128xf32, #tpu.memory_space<vmem_shared>>
      %dma_wait3A_91 = arith.constant 0 : i32
      %dma_wait3A_92 = tpu.memref_slice %arg13[%add3A_20, %dma_wait3A_91] : memref<10240x128xf32, #tpu.memory_space<vmem_shared>> -> memref<128x128xf32, #tpu.memory_space<vmem_shared>>
      tpu.wait_dma2 semaphore(%run_scoped3A_85 : memref<!tpu.dma_semaphore, #tpu.memory_space<semaphore_mem>>) src(%arg11 : memref<128x128xf32, #tpu.memory_space<vmem>>) dst(%dma_wait3A_92 : memref<128x128xf32, #tpu.memory_space<vmem_shared>>)
      tpu.yield
    }) : () -> ()
    %barrier3A = arith.constant 0 : index
    tpu.barrier barrier_id(%barrier3A)
    %run_scoped3A = arith.constant 0 : i32
    "tpu.region"() ({
      %run_scoped3A_85 = tpu.sem_alloc : memref<!tpu.dma_semaphore, #tpu.memory_space<semaphore_mem>>
      %dma_start3A_86 = arith.constant 0 : i32
      %dma_start3A_87 = tpu.memref_slice %arg3[%add3A, %run_scoped3A, %dma_start3A_86] : memref<32x80x128xi32, #tpu.memory_space<hbm>> -> memref<1x1x128xi32, #tpu.memory_space<hbm>>
      %dma_start3A_88 = tpu.memref_squeeze %dma_start3A_87 : memref<1x1x128xi32, #tpu.memory_space<hbm>> -> memref<128xi32, #tpu.memory_space<hbm>>
      %dma_start3A_89 = arith.constant 0 : i32
      %dma_start3A_90 = tpu.memref_slice %arg3[%add3A, %run_scoped3A, %dma_start3A_89] : memref<32x80x128xi32, #tpu.memory_space<hbm>> -> memref<1x1x128xi32, #tpu.memory_space<hbm>>
      %dma_start3A_91 = tpu.memref_squeeze %dma_start3A_90 : memref<1x1x128xi32, #tpu.memory_space<hbm>> -> memref<128xi32, #tpu.memory_space<hbm>>
      tpu.enqueue_dma source(%dma_start3A_91 : memref<128xi32, #tpu.memory_space<hbm>>) target(%arg7 : memref<128xi32, #tpu.memory_space<vmem>>) target_semaphore(%run_scoped3A_85 : memref<!tpu.dma_semaphore, #tpu.memory_space<semaphore_mem>>)
      %dma_wait3A = arith.constant 0 : i32
      %dma_wait3A_92 = tpu.memref_slice %arg3[%add3A, %run_scoped3A, %dma_wait3A] : memref<32x80x128xi32, #tpu.memory_space<hbm>> -> memref<1x1x128xi32, #tpu.memory_space<hbm>>
      %dma_wait3A_93 = tpu.memref_squeeze %dma_wait3A_92 : memref<1x1x128xi32, #tpu.memory_space<hbm>> -> memref<128xi32, #tpu.memory_space<hbm>>
      %dma_wait3A_94 = arith.constant 0 : i32
      %dma_wait3A_95 = tpu.memref_slice %arg3[%add3A, %run_scoped3A, %dma_wait3A_94] : memref<32x80x128xi32, #tpu.memory_space<hbm>> -> memref<1x1x128xi32, #tpu.memory_space<hbm>>
      %dma_wait3A_96 = tpu.memref_squeeze %dma_wait3A_95 : memref<1x1x128xi32, #tpu.memory_space<hbm>> -> memref<128xi32, #tpu.memory_space<hbm>>
      tpu.wait_dma2 semaphore(%run_scoped3A_85 : memref<!tpu.dma_semaphore, #tpu.memory_space<semaphore_mem>>) src(%dma_wait3A_96 : memref<128xi32, #tpu.memory_space<hbm>>) dst(%arg7 : memref<128xi32, #tpu.memory_space<vmem>>)
      tpu.yield
    }) : () -> ()
    %run_scoped3A_21 = arith.constant 0 : i32
    "tpu.region"() ({
      %run_scoped3A_85 = tpu.sem_alloc : memref<!tpu.dma_semaphore, #tpu.memory_space<semaphore_mem>>
      %dma_start3A_86 = arith.constant 0 : i32
      %dma_start3A_87 = tpu.memref_slice %arg4[%add3A, %run_scoped3A_21, %dma_start3A_86] : memref<32x80x128xi32, #tpu.memory_space<hbm>> -> memref<1x1x128xi32, #tpu.memory_space<hbm>>
      %dma_start3A_88 = tpu.memref_squeeze %dma_start3A_87 : memref<1x1x128xi32, #tpu.memory_space<hbm>> -> memref<128xi32, #tpu.memory_space<hbm>>
      %dma_start3A_89 = arith.constant 0 : i32
      %dma_start3A_90 = tpu.memref_slice %arg4[%add3A, %run_scoped3A_21, %dma_start3A_89] : memref<32x80x128xi32, #tpu.memory_space<hbm>> -> memref<1x1x128xi32, #tpu.memory_space<hbm>>
      %dma_start3A_91 = tpu.memref_squeeze %dma_start3A_90 : memref<1x1x128xi32, #tpu.memory_space<hbm>> -> memref<128xi32, #tpu.memory_space<hbm>>
      tpu.enqueue_dma source(%dma_start3A_91 : memref<128xi32, #tpu.memory_space<hbm>>) target(%arg8 : memref<128xi32, #tpu.memory_space<vmem>>) target_semaphore(%run_scoped3A_85 : memref<!tpu.dma_semaphore, #tpu.memory_space<semaphore_mem>>)
      %dma_wait3A = arith.constant 0 : i32
      %dma_wait3A_92 = tpu.memref_slice %arg4[%add3A, %run_scoped3A_21, %dma_wait3A] : memref<32x80x128xi32, #tpu.memory_space<hbm>> -> memref<1x1x128xi32, #tpu.memory_space<hbm>>
      %dma_wait3A_93 = tpu.memref_squeeze %dma_wait3A_92 : memref<1x1x128xi32, #tpu.memory_space<hbm>> -> memref<128xi32, #tpu.memory_space<hbm>>
      %dma_wait3A_94 = arith.constant 0 : i32
      %dma_wait3A_95 = tpu.memref_slice %arg4[%add3A, %run_scoped3A_21, %dma_wait3A_94] : memref<32x80x128xi32, #tpu.memory_space<hbm>> -> memref<1x1x128xi32, #tpu.memory_space<hbm>>
      %dma_wait3A_96 = tpu.memref_squeeze %dma_wait3A_95 : memref<1x1x128xi32, #tpu.memory_space<hbm>> -> memref<128xi32, #tpu.memory_space<hbm>>
      tpu.wait_dma2 semaphore(%run_scoped3A_85 : memref<!tpu.dma_semaphore, #tpu.memory_space<semaphore_mem>>) src(%dma_wait3A_96 : memref<128xi32, #tpu.memory_space<hbm>>) dst(%arg8 : memref<128xi32, #tpu.memory_space<vmem>>)
      tpu.yield
    }) : () -> ()
    %dma_start3A = arith.constant 0 : i32
    %dma_start3A_22 = arith.constant 0 : i32
    %dma_start3A_23 = tpu.memref_slice %arg2[%dma_start3A, %dma_start3A_22] : memref<10000x128xf32, #tpu.memory_space<hbm>> -> memref<10000x128xf32, #tpu.memory_space<hbm>>
    tpu.enqueue_indirect_dma source(%dma_start3A_23 : memref<10000x128xf32, #tpu.memory_space<hbm>>) target(%arg11 : memref<128x128xf32, #tpu.memory_space<vmem>>) offsets(%arg7 : memref<128xi32, #tpu.memory_space<vmem>>) semaphore(%arg14 : memref<!tpu.dma_semaphore, #tpu.memory_space<semaphore_mem>>)
    %scan3A = arith.constant 0 : i32
    %scan3A_24 = arith.constant 0 : i32
    %scan3A_25 = arith.constant 40 : i32
    %scan3A_26 = arith.addi %scan3A_24, %scan3A_25 : i32
    %scan3A_27 = arith.constant 1 : i32
    scf.for %scan3A_85 = %scan3A_24 to %scan3A_26 step %scan3A_27  : i32 {
      %mul3A_86 = arith.constant 2 : i32
      %mul3A_87 = arith.muli %mul3A_86, %scan3A_85 : i32
      %add3A_88 = arith.constant 1 : i32
      %add3A_89 = arith.addi %mul3A_87, %add3A_88 : i32
      "tpu.region"() ({
        %run_scoped3A_102 = tpu.sem_alloc : memref<!tpu.dma_semaphore, #tpu.memory_space<semaphore_mem>>
        %dma_start3A_103 = arith.constant 0 : i32
        %dma_start3A_104 = tpu.memref_slice %arg3[%add3A, %add3A_89, %dma_start3A_103] : memref<32x80x128xi32, #tpu.memory_space<hbm>> -> memref<1x1x128xi32, #tpu.memory_space<hbm>>
        %dma_start3A_105 = tpu.memref_squeeze %dma_start3A_104 : memref<1x1x128xi32, #tpu.memory_space<hbm>> -> memref<128xi32, #tpu.memory_space<hbm>>
        %dma_start3A_106 = arith.constant 0 : i32
        %dma_start3A_107 = tpu.memref_slice %arg3[%add3A, %add3A_89, %dma_start3A_106] : memref<32x80x128xi32, #tpu.memory_space<hbm>> -> memref<1x1x128xi32, #tpu.memory_space<hbm>>
        %dma_start3A_108 = tpu.memref_squeeze %dma_start3A_107 : memref<1x1x128xi32, #tpu.memory_space<hbm>> -> memref<128xi32, #tpu.memory_space<hbm>>
        tpu.enqueue_dma source(%dma_start3A_108 : memref<128xi32, #tpu.memory_space<hbm>>) target(%arg9 : memref<128xi32, #tpu.memory_space<vmem>>) target_semaphore(%run_scoped3A_102 : memref<!tpu.dma_semaphore, #tpu.memory_space<semaphore_mem>>)
        %dma_wait3A_109 = arith.constant 0 : i32
        %dma_wait3A_110 = tpu.memref_slice %arg3[%add3A, %add3A_89, %dma_wait3A_109] : memref<32x80x128xi32, #tpu.memory_space<hbm>> -> memref<1x1x128xi32, #tpu.memory_space<hbm>>
        %dma_wait3A_111 = tpu.memref_squeeze %dma_wait3A_110 : memref<1x1x128xi32, #tpu.memory_space<hbm>> -> memref<128xi32, #tpu.memory_space<hbm>>
        %dma_wait3A_112 = arith.constant 0 : i32
        %dma_wait3A_113 = tpu.memref_slice %arg3[%add3A, %add3A_89, %dma_wait3A_112] : memref<32x80x128xi32, #tpu.memory_space<hbm>> -> memref<1x1x128xi32, #tpu.memory_space<hbm>>
        %dma_wait3A_114 = tpu.memref_squeeze %dma_wait3A_113 : memref<1x1x128xi32, #tpu.memory_space<hbm>> -> memref<128xi32, #tpu.memory_space<hbm>>
        tpu.wait_dma2 semaphore(%run_scoped3A_102 : memref<!tpu.dma_semaphore, #tpu.memory_space<semaphore_mem>>) src(%dma_wait3A_114 : memref<128xi32, #tpu.memory_space<hbm>>) dst(%arg9 : memref<128xi32, #tpu.memory_space<vmem>>)
        tpu.yield
      }) : () -> ()
      %add3A_90 = arith.constant 1 : i32
      %add3A_91 = arith.addi %mul3A_87, %add3A_90 : i32
      "tpu.region"() ({
        %run_scoped3A_102 = tpu.sem_alloc : memref<!tpu.dma_semaphore, #tpu.memory_space<semaphore_mem>>
        %dma_start3A_103 = arith.constant 0 : i32
        %dma_start3A_104 = tpu.memref_slice %arg4[%add3A, %add3A_91, %dma_start3A_103] : memref<32x80x128xi32, #tpu.memory_space<hbm>> -> memref<1x1x128xi32, #tpu.memory_space<hbm>>
        %dma_start3A_105 = tpu.memref_squeeze %dma_start3A_104 : memref<1x1x128xi32, #tpu.memory_space<hbm>> -> memref<128xi32, #tpu.memory_space<hbm>>
        %dma_start3A_106 = arith.constant 0 : i32
        %dma_start3A_107 = tpu.memref_slice %arg4[%add3A, %add3A_91, %dma_start3A_106] : memref<32x80x128xi32, #tpu.memory_space<hbm>> -> memref<1x1x128xi32, #tpu.memory_space<hbm>>
        %dma_start3A_108 = tpu.memref_squeeze %dma_start3A_107 : memref<1x1x128xi32, #tpu.memory_space<hbm>> -> memref<128xi32, #tpu.memory_space<hbm>>
        tpu.enqueue_dma source(%dma_start3A_108 : memref<128xi32, #tpu.memory_space<hbm>>) target(%arg10 : memref<128xi32, #tpu.memory_space<vmem>>) target_semaphore(%run_scoped3A_102 : memref<!tpu.dma_semaphore, #tpu.memory_space<semaphore_mem>>)
        %dma_wait3A_109 = arith.constant 0 : i32
        %dma_wait3A_110 = tpu.memref_slice %arg4[%add3A, %add3A_91, %dma_wait3A_109] : memref<32x80x128xi32, #tpu.memory_space<hbm>> -> memref<1x1x128xi32, #tpu.memory_space<hbm>>
        %dma_wait3A_111 = tpu.memref_squeeze %dma_wait3A_110 : memref<1x1x128xi32, #tpu.memory_space<hbm>> -> memref<128xi32, #tpu.memory_space<hbm>>
        %dma_wait3A_112 = arith.constant 0 : i32
        %dma_wait3A_113 = tpu.memref_slice %arg4[%add3A, %add3A_91, %dma_wait3A_112] : memref<32x80x128xi32, #tpu.memory_space<hbm>> -> memref<1x1x128xi32, #tpu.memory_space<hbm>>
        %dma_wait3A_114 = tpu.memref_squeeze %dma_wait3A_113 : memref<1x1x128xi32, #tpu.memory_space<hbm>> -> memref<128xi32, #tpu.memory_space<hbm>>
        tpu.wait_dma2 semaphore(%run_scoped3A_102 : memref<!tpu.dma_semaphore, #tpu.memory_space<semaphore_mem>>) src(%dma_wait3A_114 : memref<128xi32, #tpu.memory_space<hbm>>) dst(%arg10 : memref<128xi32, #tpu.memory_space<vmem>>)
        tpu.yield
      }) : () -> ()
      %dma_start3A_92 = arith.constant 0 : i32
      %dma_start3A_93 = arith.constant 0 : i32
      %dma_start3A_94 = tpu.memref_slice %arg2[%dma_start3A_92, %dma_start3A_93] : memref<10000x128xf32, #tpu.memory_space<hbm>> -> memref<10000x128xf32, #tpu.memory_space<hbm>>
      tpu.enqueue_indirect_dma source(%dma_start3A_94 : memref<10000x128xf32, #tpu.memory_space<hbm>>) target(%arg12 : memref<128x128xf32, #tpu.memory_space<vmem>>) offsets(%arg9 : memref<128xi32, #tpu.memory_space<vmem>>) semaphore(%arg15 : memref<!tpu.dma_semaphore, #tpu.memory_space<semaphore_mem>>)
      %dma_wait3A = arith.constant 0 : i32
      %dma_wait3A_95 = arith.constant 0 : i32
      %dma_wait3A_96 = tpu.memref_slice %arg2[%dma_wait3A, %dma_wait3A_95] : memref<10000x128xf32, #tpu.memory_space<hbm>> -> memref<10000x128xf32, #tpu.memory_space<hbm>>
      tpu.wait_indirect_dma semaphore(%arg14 : memref<!tpu.dma_semaphore, #tpu.memory_space<semaphore_mem>>) src(%dma_wait3A_96 : memref<10000x128xf32, #tpu.memory_space<hbm>>) dst(%arg11 : memref<128x128xf32, #tpu.memory_space<vmem>>)
      "tpu.region"() ({
        %run_scoped3A_102 = tpu.sem_alloc : memref<!tpu.dma_semaphore, #tpu.memory_space<semaphore_mem>>
        %dma_start3A_103 = arith.constant 0 : i32
        %dma_start3A_104 = arith.constant 0 : i32
        %dma_start3A_105 = tpu.memref_slice %arg13[%dma_start3A_103, %dma_start3A_104] : memref<10240x128xf32, #tpu.memory_space<vmem_shared>> -> memref<10240x128xf32, #tpu.memory_space<vmem_shared>>
        tpu.enqueue_indirect_dma source(%arg11 : memref<128x128xf32, #tpu.memory_space<vmem>>) target(%dma_start3A_105 : memref<10240x128xf32, #tpu.memory_space<vmem_shared>>) offsets(%arg8 : memref<128xi32, #tpu.memory_space<vmem>>) semaphore(%run_scoped3A_102 : memref<!tpu.dma_semaphore, #tpu.memory_space<semaphore_mem>>) {add = true}
        %dma_wait3A_106 = arith.constant 0 : i32
        %dma_wait3A_107 = arith.constant 0 : i32
        %dma_wait3A_108 = tpu.memref_slice %arg13[%dma_wait3A_106, %dma_wait3A_107] : memref<10240x128xf32, #tpu.memory_space<vmem_shared>> -> memref<10240x128xf32, #tpu.memory_space<vmem_shared>>
        tpu.wait_indirect_dma semaphore(%run_scoped3A_102 : memref<!tpu.dma_semaphore, #tpu.memory_space<semaphore_mem>>) src(%arg11 : memref<128x128xf32, #tpu.memory_space<vmem>>) dst(%dma_wait3A_108 : memref<10240x128xf32, #tpu.memory_space<vmem_shared>>)
        tpu.yield
      }) : () -> ()
      %lt3A = arith.constant 39 : i32
      %lt3A_97 = arith.cmpi slt, %scan3A_85, %lt3A : i32
      %convert_element_type3A = arith.extui %lt3A_97 : i1 to i32
      %cond3A = arith.constant 0 : i32
      %cond3A_98 = arith.cmpi ne, %convert_element_type3A, %cond3A : i32
      scf.if %cond3A_98 {
        %add3A_102 = arith.constant 2 : i32
        %add3A_103 = arith.addi %mul3A_87, %add3A_102 : i32
        "tpu.region"() ({
          %run_scoped3A_109 = tpu.sem_alloc : memref<!tpu.dma_semaphore, #tpu.memory_space<semaphore_mem>>
          %dma_start3A_110 = arith.constant 0 : i32
          %dma_start3A_111 = tpu.memref_slice %arg3[%add3A, %add3A_103, %dma_start3A_110] : memref<32x80x128xi32, #tpu.memory_space<hbm>> -> memref<1x1x128xi32, #tpu.memory_space<hbm>>
          %dma_start3A_112 = tpu.memref_squeeze %dma_start3A_111 : memref<1x1x128xi32, #tpu.memory_space<hbm>> -> memref<128xi32, #tpu.memory_space<hbm>>
          %dma_start3A_113 = arith.constant 0 : i32
          %dma_start3A_114 = tpu.memref_slice %arg3[%add3A, %add3A_103, %dma_start3A_113] : memref<32x80x128xi32, #tpu.memory_space<hbm>> -> memref<1x1x128xi32, #tpu.memory_space<hbm>>
          %dma_start3A_115 = tpu.memref_squeeze %dma_start3A_114 : memref<1x1x128xi32, #tpu.memory_space<hbm>> -> memref<128xi32, #tpu.memory_space<hbm>>
          tpu.enqueue_dma source(%dma_start3A_115 : memref<128xi32, #tpu.memory_space<hbm>>) target(%arg7 : memref<128xi32, #tpu.memory_space<vmem>>) target_semaphore(%run_scoped3A_109 : memref<!tpu.dma_semaphore, #tpu.memory_space<semaphore_mem>>)
          %dma_wait3A_116 = arith.constant 0 : i32
          %dma_wait3A_117 = tpu.memref_slice %arg3[%add3A, %add3A_103, %dma_wait3A_116] : memref<32x80x128xi32, #tpu.memory_space<hbm>> -> memref<1x1x128xi32, #tpu.memory_space<hbm>>
          %dma_wait3A_118 = tpu.memref_squeeze %dma_wait3A_117 : memref<1x1x128xi32, #tpu.memory_space<hbm>> -> memref<128xi32, #tpu.memory_space<hbm>>
          %dma_wait3A_119 = arith.constant 0 : i32
          %dma_wait3A_120 = tpu.memref_slice %arg3[%add3A, %add3A_103, %dma_wait3A_119] : memref<32x80x128xi32, #tpu.memory_space<hbm>> -> memref<1x1x128xi32, #tpu.memory_space<hbm>>
          %dma_wait3A_121 = tpu.memref_squeeze %dma_wait3A_120 : memref<1x1x128xi32, #tpu.memory_space<hbm>> -> memref<128xi32, #tpu.memory_space<hbm>>
          tpu.wait_dma2 semaphore(%run_scoped3A_109 : memref<!tpu.dma_semaphore, #tpu.memory_space<semaphore_mem>>) src(%dma_wait3A_121 : memref<128xi32, #tpu.memory_space<hbm>>) dst(%arg7 : memref<128xi32, #tpu.memory_space<vmem>>)
          tpu.yield
        }) : () -> ()
        %add3A_104 = arith.constant 2 : i32
        %add3A_105 = arith.addi %mul3A_87, %add3A_104 : i32
        "tpu.region"() ({
          %run_scoped3A_109 = tpu.sem_alloc : memref<!tpu.dma_semaphore, #tpu.memory_space<semaphore_mem>>
          %dma_start3A_110 = arith.constant 0 : i32
          %dma_start3A_111 = tpu.memref_slice %arg4[%add3A, %add3A_105, %dma_start3A_110] : memref<32x80x128xi32, #tpu.memory_space<hbm>> -> memref<1x1x128xi32, #tpu.memory_space<hbm>>
          %dma_start3A_112 = tpu.memref_squeeze %dma_start3A_111 : memref<1x1x128xi32, #tpu.memory_space<hbm>> -> memref<128xi32, #tpu.memory_space<hbm>>
          %dma_start3A_113 = arith.constant 0 : i32
          %dma_start3A_114 = tpu.memref_slice %arg4[%add3A, %add3A_105, %dma_start3A_113] : memref<32x80x128xi32, #tpu.memory_space<hbm>> -> memref<1x1x128xi32, #tpu.memory_space<hbm>>
          %dma_start3A_115 = tpu.memref_squeeze %dma_start3A_114 : memref<1x1x128xi32, #tpu.memory_space<hbm>> -> memref<128xi32, #tpu.memory_space<hbm>>
          tpu.enqueue_dma source(%dma_start3A_115 : memref<128xi32, #tpu.memory_space<hbm>>) target(%arg8 : memref<128xi32, #tpu.memory_space<vmem>>) target_semaphore(%run_scoped3A_109 : memref<!tpu.dma_semaphore, #tpu.memory_space<semaphore_mem>>)
          %dma_wait3A_116 = arith.constant 0 : i32
          %dma_wait3A_117 = tpu.memref_slice %arg4[%add3A, %add3A_105, %dma_wait3A_116] : memref<32x80x128xi32, #tpu.memory_space<hbm>> -> memref<1x1x128xi32, #tpu.memory_space<hbm>>
          %dma_wait3A_118 = tpu.memref_squeeze %dma_wait3A_117 : memref<1x1x128xi32, #tpu.memory_space<hbm>> -> memref<128xi32, #tpu.memory_space<hbm>>
          %dma_wait3A_119 = arith.constant 0 : i32
          %dma_wait3A_120 = tpu.memref_slice %arg4[%add3A, %add3A_105, %dma_wait3A_119] : memref<32x80x128xi32, #tpu.memory_space<hbm>> -> memref<1x1x128xi32, #tpu.memory_space<hbm>>
          %dma_wait3A_121 = tpu.memref_squeeze %dma_wait3A_120 : memref<1x1x128xi32, #tpu.memory_space<hbm>> -> memref<128xi32, #tpu.memory_space<hbm>>
          tpu.wait_dma2 semaphore(%run_scoped3A_109 : memref<!tpu.dma_semaphore, #tpu.memory_space<semaphore_mem>>) src(%dma_wait3A_121 : memref<128xi32, #tpu.memory_space<hbm>>) dst(%arg8 : memref<128xi32, #tpu.memory_space<vmem>>)
          tpu.yield
        }) : () -> ()
        %dma_start3A_106 = arith.constant 0 : i32
        %dma_start3A_107 = arith.constant 0 : i32
        %dma_start3A_108 = tpu.memref_slice %arg2[%dma_start3A_106, %dma_start3A_107] : memref<10000x128xf32, #tpu.memory_space<hbm>> -> memref<10000x128xf32, #tpu.memory_space<hbm>>
        tpu.enqueue_indirect_dma source(%dma_start3A_108 : memref<10000x128xf32, #tpu.memory_space<hbm>>) target(%arg11 : memref<128x128xf32, #tpu.memory_space<vmem>>) offsets(%arg7 : memref<128xi32, #tpu.memory_space<vmem>>) semaphore(%arg14 : memref<!tpu.dma_semaphore, #tpu.memory_space<semaphore_mem>>)
      } else {
      }
      %dma_wait3A_99 = arith.constant 0 : i32
      %dma_wait3A_100 = arith.constant 0 : i32
      %dma_wait3A_101 = tpu.memref_slice %arg2[%dma_wait3A_99, %dma_wait3A_100] : memref<10000x128xf32, #tpu.memory_space<hbm>> -> memref<10000x128xf32, #tpu.memory_space<hbm>>
      tpu.wait_indirect_dma semaphore(%arg15 : memref<!tpu.dma_semaphore, #tpu.memory_space<semaphore_mem>>) src(%dma_wait3A_101 : memref<10000x128xf32, #tpu.memory_space<hbm>>) dst(%arg12 : memref<128x128xf32, #tpu.memory_space<vmem>>)
      "tpu.region"() ({
        %run_scoped3A_102 = tpu.sem_alloc : memref<!tpu.dma_semaphore, #tpu.memory_space<semaphore_mem>>
        %dma_start3A_103 = arith.constant 0 : i32
        %dma_start3A_104 = arith.constant 0 : i32
        %dma_start3A_105 = tpu.memref_slice %arg13[%dma_start3A_103, %dma_start3A_104] : memref<10240x128xf32, #tpu.memory_space<vmem_shared>> -> memref<10240x128xf32, #tpu.memory_space<vmem_shared>>
        tpu.enqueue_indirect_dma source(%arg12 : memref<128x128xf32, #tpu.memory_space<vmem>>) target(%dma_start3A_105 : memref<10240x128xf32, #tpu.memory_space<vmem_shared>>) offsets(%arg10 : memref<128xi32, #tpu.memory_space<vmem>>) semaphore(%run_scoped3A_102 : memref<!tpu.dma_semaphore, #tpu.memory_space<semaphore_mem>>) {add = true}
        %dma_wait3A_106 = arith.constant 0 : i32
        %dma_wait3A_107 = arith.constant 0 : i32
        %dma_wait3A_108 = tpu.memref_slice %arg13[%dma_wait3A_106, %dma_wait3A_107] : memref<10240x128xf32, #tpu.memory_space<vmem_shared>> -> memref<10240x128xf32, #tpu.memory_space<vmem_shared>>
        tpu.wait_indirect_dma semaphore(%run_scoped3A_102 : memref<!tpu.dma_semaphore, #tpu.memory_space<semaphore_mem>>) src(%arg12 : memref<128x128xf32, #tpu.memory_space<vmem>>) dst(%dma_wait3A_108 : memref<10240x128xf32, #tpu.memory_space<vmem_shared>>)
        tpu.yield
      }) : () -> ()
    }
    %scan3A_28 = arith.constant 40 : i32
    %barrier3A_29 = arith.constant 0 : index
    tpu.barrier barrier_id(%barrier3A_29)
    %mul3A_30 = arith.constant 640 : i32
    %mul3A_31 = arith.muli %arg1, %mul3A_30 : i32
    %add3A_32 = arith.constant 0 : i32
    %add3A_33 = arith.addi %mul3A_31, %add3A_32 : i32
    "tpu.region"() ({
      %run_scoped3A_85 = tpu.sem_alloc : memref<!tpu.dma_semaphore, #tpu.memory_space<semaphore_mem>>
      %dma_start3A_86 = arith.constant 0 : i32
      %dma_start3A_87 = tpu.memref_slice %arg13[%add3A_33, %dma_start3A_86] : memref<10240x128xf32, #tpu.memory_space<vmem_shared>> -> memref<128x128xf32, #tpu.memory_space<vmem_shared>>
      %dma_start3A_88 = arith.constant 0 : i32
      %dma_start3A_89 = tpu.memref_slice %arg13[%add3A_33, %dma_start3A_88] : memref<10240x128xf32, #tpu.memory_space<vmem_shared>> -> memref<128x128xf32, #tpu.memory_space<vmem_shared>>
      tpu.enqueue_dma source(%dma_start3A_89 : memref<128x128xf32, #tpu.memory_space<vmem_shared>>) target(%arg11 : memref<128x128xf32, #tpu.memory_space<vmem>>) target_semaphore(%run_scoped3A_85 : memref<!tpu.dma_semaphore, #tpu.memory_space<semaphore_mem>>)
      %dma_wait3A = arith.constant 0 : i32
      %dma_wait3A_90 = tpu.memref_slice %arg13[%add3A_33, %dma_wait3A] : memref<10240x128xf32, #tpu.memory_space<vmem_shared>> -> memref<128x128xf32, #tpu.memory_space<vmem_shared>>
      %dma_wait3A_91 = arith.constant 0 : i32
      %dma_wait3A_92 = tpu.memref_slice %arg13[%add3A_33, %dma_wait3A_91] : memref<10240x128xf32, #tpu.memory_space<vmem_shared>> -> memref<128x128xf32, #tpu.memory_space<vmem_shared>>
      tpu.wait_dma2 semaphore(%run_scoped3A_85 : memref<!tpu.dma_semaphore, #tpu.memory_space<semaphore_mem>>) src(%dma_wait3A_92 : memref<128x128xf32, #tpu.memory_space<vmem_shared>>) dst(%arg11 : memref<128x128xf32, #tpu.memory_space<vmem>>)
      tpu.yield
    }) : () -> ()
    %mul3A_34 = arith.constant 10240 : i32
    %mul3A_35 = arith.muli %arg0, %mul3A_34 : i32
    %mul3A_36 = arith.constant 640 : i32
    %mul3A_37 = arith.muli %arg1, %mul3A_36 : i32
    %add3A_38 = arith.addi %mul3A_35, %mul3A_37 : i32
    %add3A_39 = arith.constant 0 : i32
    %add3A_40 = arith.addi %add3A_38, %add3A_39 : i32
    "tpu.region"() ({
      %run_scoped3A_85 = tpu.sem_alloc : memref<!tpu.dma_semaphore, #tpu.memory_space<semaphore_mem>>
      %dma_start3A_86 = arith.constant 0 : i32
      %dma_start3A_87 = tpu.memref_slice %arg6[%add3A_40, %dma_start3A_86] : memref<20480x128xf32, #tpu.memory_space<hbm>> -> memref<128x128xf32, #tpu.memory_space<hbm>>
      %dma_start3A_88 = arith.constant 0 : i32
      %dma_start3A_89 = tpu.memref_slice %arg6[%add3A_40, %dma_start3A_88] : memref<20480x128xf32, #tpu.memory_space<hbm>> -> memref<128x128xf32, #tpu.memory_space<hbm>>
      tpu.enqueue_dma source(%arg11 : memref<128x128xf32, #tpu.memory_space<vmem>>) target(%dma_start3A_89 : memref<128x128xf32, #tpu.memory_space<hbm>>) target_semaphore(%run_scoped3A_85 : memref<!tpu.dma_semaphore, #tpu.memory_space<semaphore_mem>>)
      %dma_wait3A = arith.constant 0 : i32
      %dma_wait3A_90 = tpu.memref_slice %arg6[%add3A_40, %dma_wait3A] : memref<20480x128xf32, #tpu.memory_space<hbm>> -> memref<128x128xf32, #tpu.memory_space<hbm>>
      %dma_wait3A_91 = arith.constant 0 : i32
      %dma_wait3A_92 = tpu.memref_slice %arg6[%add3A_40, %dma_wait3A_91] : memref<20480x128xf32, #tpu.memory_space<hbm>> -> memref<128x128xf32, #tpu.memory_space<hbm>>
      tpu.wait_dma2 semaphore(%run_scoped3A_85 : memref<!tpu.dma_semaphore, #tpu.memory_space<semaphore_mem>>) src(%arg11 : memref<128x128xf32, #tpu.memory_space<vmem>>) dst(%dma_wait3A_92 : memref<128x128xf32, #tpu.memory_space<hbm>>)
      tpu.yield
    }) : () -> ()
    %mul3A_41 = arith.constant 640 : i32
    %mul3A_42 = arith.muli %arg1, %mul3A_41 : i32
    %add3A_43 = arith.constant 128 : i32
    %add3A_44 = arith.addi %mul3A_42, %add3A_43 : i32
    "tpu.region"() ({
      %run_scoped3A_85 = tpu.sem_alloc : memref<!tpu.dma_semaphore, #tpu.memory_space<semaphore_mem>>
      %dma_start3A_86 = arith.constant 0 : i32
      %dma_start3A_87 = tpu.memref_slice %arg13[%add3A_44, %dma_start3A_86] : memref<10240x128xf32, #tpu.memory_space<vmem_shared>> -> memref<128x128xf32, #tpu.memory_space<vmem_shared>>
      %dma_start3A_88 = arith.constant 0 : i32
      %dma_start3A_89 = tpu.memref_slice %arg13[%add3A_44, %dma_start3A_88] : memref<10240x128xf32, #tpu.memory_space<vmem_shared>> -> memref<128x128xf32, #tpu.memory_space<vmem_shared>>
      tpu.enqueue_dma source(%dma_start3A_89 : memref<128x128xf32, #tpu.memory_space<vmem_shared>>) target(%arg11 : memref<128x128xf32, #tpu.memory_space<vmem>>) target_semaphore(%run_scoped3A_85 : memref<!tpu.dma_semaphore, #tpu.memory_space<semaphore_mem>>)
      %dma_wait3A = arith.constant 0 : i32
      %dma_wait3A_90 = tpu.memref_slice %arg13[%add3A_44, %dma_wait3A] : memref<10240x128xf32, #tpu.memory_space<vmem_shared>> -> memref<128x128xf32, #tpu.memory_space<vmem_shared>>
      %dma_wait3A_91 = arith.constant 0 : i32
      %dma_wait3A_92 = tpu.memref_slice %arg13[%add3A_44, %dma_wait3A_91] : memref<10240x128xf32, #tpu.memory_space<vmem_shared>> -> memref<128x128xf32, #tpu.memory_space<vmem_shared>>
      tpu.wait_dma2 semaphore(%run_scoped3A_85 : memref<!tpu.dma_semaphore, #tpu.memory_space<semaphore_mem>>) src(%dma_wait3A_92 : memref<128x128xf32, #tpu.memory_space<vmem_shared>>) dst(%arg11 : memref<128x128xf32, #tpu.memory_space<vmem>>)
      tpu.yield
    }) : () -> ()
    %mul3A_45 = arith.constant 10240 : i32
    %mul3A_46 = arith.muli %arg0, %mul3A_45 : i32
    %mul3A_47 = arith.constant 640 : i32
    %mul3A_48 = arith.muli %arg1, %mul3A_47 : i32
    %add3A_49 = arith.addi %mul3A_46, %mul3A_48 : i32
    %add3A_50 = arith.constant 128 : i32
    %add3A_51 = arith.addi %add3A_49, %add3A_50 : i32
    "tpu.region"() ({
      %run_scoped3A_85 = tpu.sem_alloc : memref<!tpu.dma_semaphore, #tpu.memory_space<semaphore_mem>>
      %dma_start3A_86 = arith.constant 0 : i32
      %dma_start3A_87 = tpu.memref_slice %arg6[%add3A_51, %dma_start3A_86] : memref<20480x128xf32, #tpu.memory_space<hbm>> -> memref<128x128xf32, #tpu.memory_space<hbm>>
      %dma_start3A_88 = arith.constant 0 : i32
      %dma_start3A_89 = tpu.memref_slice %arg6[%add3A_51, %dma_start3A_88] : memref<20480x128xf32, #tpu.memory_space<hbm>> -> memref<128x128xf32, #tpu.memory_space<hbm>>
      tpu.enqueue_dma source(%arg11 : memref<128x128xf32, #tpu.memory_space<vmem>>) target(%dma_start3A_89 : memref<128x128xf32, #tpu.memory_space<hbm>>) target_semaphore(%run_scoped3A_85 : memref<!tpu.dma_semaphore, #tpu.memory_space<semaphore_mem>>)
      %dma_wait3A = arith.constant 0 : i32
      %dma_wait3A_90 = tpu.memref_slice %arg6[%add3A_51, %dma_wait3A] : memref<20480x128xf32, #tpu.memory_space<hbm>> -> memref<128x128xf32, #tpu.memory_space<hbm>>
      %dma_wait3A_91 = arith.constant 0 : i32
      %dma_wait3A_92 = tpu.memref_slice %arg6[%add3A_51, %dma_wait3A_91] : memref<20480x128xf32, #tpu.memory_space<hbm>> -> memref<128x128xf32, #tpu.memory_space<hbm>>
      tpu.wait_dma2 semaphore(%run_scoped3A_85 : memref<!tpu.dma_semaphore, #tpu.memory_space<semaphore_mem>>) src(%arg11 : memref<128x128xf32, #tpu.memory_space<vmem>>) dst(%dma_wait3A_92 : memref<128x128xf32, #tpu.memory_space<hbm>>)
      tpu.yield
    }) : () -> ()
    %mul3A_52 = arith.constant 640 : i32
    %mul3A_53 = arith.muli %arg1, %mul3A_52 : i32
    %add3A_54 = arith.constant 256 : i32
    %add3A_55 = arith.addi %mul3A_53, %add3A_54 : i32
    "tpu.region"() ({
      %run_scoped3A_85 = tpu.sem_alloc : memref<!tpu.dma_semaphore, #tpu.memory_space<semaphore_mem>>
      %dma_start3A_86 = arith.constant 0 : i32
      %dma_start3A_87 = tpu.memref_slice %arg13[%add3A_55, %dma_start3A_86] : memref<10240x128xf32, #tpu.memory_space<vmem_shared>> -> memref<128x128xf32, #tpu.memory_space<vmem_shared>>
      %dma_start3A_88 = arith.constant 0 : i32
      %dma_start3A_89 = tpu.memref_slice %arg13[%add3A_55, %dma_start3A_88] : memref<10240x128xf32, #tpu.memory_space<vmem_shared>> -> memref<128x128xf32, #tpu.memory_space<vmem_shared>>
      tpu.enqueue_dma source(%dma_start3A_89 : memref<128x128xf32, #tpu.memory_space<vmem_shared>>) target(%arg11 : memref<128x128xf32, #tpu.memory_space<vmem>>) target_semaphore(%run_scoped3A_85 : memref<!tpu.dma_semaphore, #tpu.memory_space<semaphore_mem>>)
      %dma_wait3A = arith.constant 0 : i32
      %dma_wait3A_90 = tpu.memref_slice %arg13[%add3A_55, %dma_wait3A] : memref<10240x128xf32, #tpu.memory_space<vmem_shared>> -> memref<128x128xf32, #tpu.memory_space<vmem_shared>>
      %dma_wait3A_91 = arith.constant 0 : i32
      %dma_wait3A_92 = tpu.memref_slice %arg13[%add3A_55, %dma_wait3A_91] : memref<10240x128xf32, #tpu.memory_space<vmem_shared>> -> memref<128x128xf32, #tpu.memory_space<vmem_shared>>
      tpu.wait_dma2 semaphore(%run_scoped3A_85 : memref<!tpu.dma_semaphore, #tpu.memory_space<semaphore_mem>>) src(%dma_wait3A_92 : memref<128x128xf32, #tpu.memory_space<vmem_shared>>) dst(%arg11 : memref<128x128xf32, #tpu.memory_space<vmem>>)
      tpu.yield
    }) : () -> ()
    %mul3A_56 = arith.constant 10240 : i32
    %mul3A_57 = arith.muli %arg0, %mul3A_56 : i32
    %mul3A_58 = arith.constant 640 : i32
    %mul3A_59 = arith.muli %arg1, %mul3A_58 : i32
    %add3A_60 = arith.addi %mul3A_57, %mul3A_59 : i32
    %add3A_61 = arith.constant 256 : i32
    %add3A_62 = arith.addi %add3A_60, %add3A_61 : i32
    "tpu.region"() ({
      %run_scoped3A_85 = tpu.sem_alloc : memref<!tpu.dma_semaphore, #tpu.memory_space<semaphore_mem>>
      %dma_start3A_86 = arith.constant 0 : i32
      %dma_start3A_87 = tpu.memref_slice %arg6[%add3A_62, %dma_start3A_86] : memref<20480x128xf32, #tpu.memory_space<hbm>> -> memref<128x128xf32, #tpu.memory_space<hbm>>
      %dma_start3A_88 = arith.constant 0 : i32
      %dma_start3A_89 = tpu.memref_slice %arg6[%add3A_62, %dma_start3A_88] : memref<20480x128xf32, #tpu.memory_space<hbm>> -> memref<128x128xf32, #tpu.memory_space<hbm>>
      tpu.enqueue_dma source(%arg11 : memref<128x128xf32, #tpu.memory_space<vmem>>) target(%dma_start3A_89 : memref<128x128xf32, #tpu.memory_space<hbm>>) target_semaphore(%run_scoped3A_85 : memref<!tpu.dma_semaphore, #tpu.memory_space<semaphore_mem>>)
      %dma_wait3A = arith.constant 0 : i32
      %dma_wait3A_90 = tpu.memref_slice %arg6[%add3A_62, %dma_wait3A] : memref<20480x128xf32, #tpu.memory_space<hbm>> -> memref<128x128xf32, #tpu.memory_space<hbm>>
      %dma_wait3A_91 = arith.constant 0 : i32
      %dma_wait3A_92 = tpu.memref_slice %arg6[%add3A_62, %dma_wait3A_91] : memref<20480x128xf32, #tpu.memory_space<hbm>> -> memref<128x128xf32, #tpu.memory_space<hbm>>
      tpu.wait_dma2 semaphore(%run_scoped3A_85 : memref<!tpu.dma_semaphore, #tpu.memory_space<semaphore_mem>>) src(%arg11 : memref<128x128xf32, #tpu.memory_space<vmem>>) dst(%dma_wait3A_92 : memref<128x128xf32, #tpu.memory_space<hbm>>)
      tpu.yield
    }) : () -> ()
    %mul3A_63 = arith.constant 640 : i32
    %mul3A_64 = arith.muli %arg1, %mul3A_63 : i32
    %add3A_65 = arith.constant 384 : i32
    %add3A_66 = arith.addi %mul3A_64, %add3A_65 : i32
    "tpu.region"() ({
      %run_scoped3A_85 = tpu.sem_alloc : memref<!tpu.dma_semaphore, #tpu.memory_space<semaphore_mem>>
      %dma_start3A_86 = arith.constant 0 : i32
      %dma_start3A_87 = tpu.memref_slice %arg13[%add3A_66, %dma_start3A_86] : memref<10240x128xf32, #tpu.memory_space<vmem_shared>> -> memref<128x128xf32, #tpu.memory_space<vmem_shared>>
      %dma_start3A_88 = arith.constant 0 : i32
      %dma_start3A_89 = tpu.memref_slice %arg13[%add3A_66, %dma_start3A_88] : memref<10240x128xf32, #tpu.memory_space<vmem_shared>> -> memref<128x128xf32, #tpu.memory_space<vmem_shared>>
      tpu.enqueue_dma source(%dma_start3A_89 : memref<128x128xf32, #tpu.memory_space<vmem_shared>>) target(%arg11 : memref<128x128xf32, #tpu.memory_space<vmem>>) target_semaphore(%run_scoped3A_85 : memref<!tpu.dma_semaphore, #tpu.memory_space<semaphore_mem>>)
      %dma_wait3A = arith.constant 0 : i32
      %dma_wait3A_90 = tpu.memref_slice %arg13[%add3A_66, %dma_wait3A] : memref<10240x128xf32, #tpu.memory_space<vmem_shared>> -> memref<128x128xf32, #tpu.memory_space<vmem_shared>>
      %dma_wait3A_91 = arith.constant 0 : i32
      %dma_wait3A_92 = tpu.memref_slice %arg13[%add3A_66, %dma_wait3A_91] : memref<10240x128xf32, #tpu.memory_space<vmem_shared>> -> memref<128x128xf32, #tpu.memory_space<vmem_shared>>
      tpu.wait_dma2 semaphore(%run_scoped3A_85 : memref<!tpu.dma_semaphore, #tpu.memory_space<semaphore_mem>>) src(%dma_wait3A_92 : memref<128x128xf32, #tpu.memory_space<vmem_shared>>) dst(%arg11 : memref<128x128xf32, #tpu.memory_space<vmem>>)
      tpu.yield
    }) : () -> ()
    %mul3A_67 = arith.constant 10240 : i32
    %mul3A_68 = arith.muli %arg0, %mul3A_67 : i32
    %mul3A_69 = arith.constant 640 : i32
    %mul3A_70 = arith.muli %arg1, %mul3A_69 : i32
    %add3A_71 = arith.addi %mul3A_68, %mul3A_70 : i32
    %add3A_72 = arith.constant 384 : i32
    %add3A_73 = arith.addi %add3A_71, %add3A_72 : i32
    "tpu.region"() ({
      %run_scoped3A_85 = tpu.sem_alloc : memref<!tpu.dma_semaphore, #tpu.memory_space<semaphore_mem>>
      %dma_start3A_86 = arith.constant 0 : i32
      %dma_start3A_87 = tpu.memref_slice %arg6[%add3A_73, %dma_start3A_86] : memref<20480x128xf32, #tpu.memory_space<hbm>> -> memref<128x128xf32, #tpu.memory_space<hbm>>
      %dma_start3A_88 = arith.constant 0 : i32
      %dma_start3A_89 = tpu.memref_slice %arg6[%add3A_73, %dma_start3A_88] : memref<20480x128xf32, #tpu.memory_space<hbm>> -> memref<128x128xf32, #tpu.memory_space<hbm>>
      tpu.enqueue_dma source(%arg11 : memref<128x128xf32, #tpu.memory_space<vmem>>) target(%dma_start3A_89 : memref<128x128xf32, #tpu.memory_space<hbm>>) target_semaphore(%run_scoped3A_85 : memref<!tpu.dma_semaphore, #tpu.memory_space<semaphore_mem>>)
      %dma_wait3A = arith.constant 0 : i32
      %dma_wait3A_90 = tpu.memref_slice %arg6[%add3A_73, %dma_wait3A] : memref<20480x128xf32, #tpu.memory_space<hbm>> -> memref<128x128xf32, #tpu.memory_space<hbm>>
      %dma_wait3A_91 = arith.constant 0 : i32
      %dma_wait3A_92 = tpu.memref_slice %arg6[%add3A_73, %dma_wait3A_91] : memref<20480x128xf32, #tpu.memory_space<hbm>> -> memref<128x128xf32, #tpu.memory_space<hbm>>
      tpu.wait_dma2 semaphore(%run_scoped3A_85 : memref<!tpu.dma_semaphore, #tpu.memory_space<semaphore_mem>>) src(%arg11 : memref<128x128xf32, #tpu.memory_space<vmem>>) dst(%dma_wait3A_92 : memref<128x128xf32, #tpu.memory_space<hbm>>)
      tpu.yield
    }) : () -> ()
    %mul3A_74 = arith.constant 640 : i32
    %mul3A_75 = arith.muli %arg1, %mul3A_74 : i32
    %add3A_76 = arith.constant 512 : i32
    %add3A_77 = arith.addi %mul3A_75, %add3A_76 : i32
    "tpu.region"() ({
      %run_scoped3A_85 = tpu.sem_alloc : memref<!tpu.dma_semaphore, #tpu.memory_space<semaphore_mem>>
      %dma_start3A_86 = arith.constant 0 : i32
      %dma_start3A_87 = tpu.memref_slice %arg13[%add3A_77, %dma_start3A_86] : memref<10240x128xf32, #tpu.memory_space<vmem_shared>> -> memref<128x128xf32, #tpu.memory_space<vmem_shared>>
      %dma_start3A_88 = arith.constant 0 : i32
      %dma_start3A_89 = tpu.memref_slice %arg13[%add3A_77, %dma_start3A_88] : memref<10240x128xf32, #tpu.memory_space<vmem_shared>> -> memref<128x128xf32, #tpu.memory_space<vmem_shared>>
      tpu.enqueue_dma source(%dma_start3A_89 : memref<128x128xf32, #tpu.memory_space<vmem_shared>>) target(%arg11 : memref<128x128xf32, #tpu.memory_space<vmem>>) target_semaphore(%run_scoped3A_85 : memref<!tpu.dma_semaphore, #tpu.memory_space<semaphore_mem>>)
      %dma_wait3A = arith.constant 0 : i32
      %dma_wait3A_90 = tpu.memref_slice %arg13[%add3A_77, %dma_wait3A] : memref<10240x128xf32, #tpu.memory_space<vmem_shared>> -> memref<128x128xf32, #tpu.memory_space<vmem_shared>>
      %dma_wait3A_91 = arith.constant 0 : i32
      %dma_wait3A_92 = tpu.memref_slice %arg13[%add3A_77, %dma_wait3A_91] : memref<10240x128xf32, #tpu.memory_space<vmem_shared>> -> memref<128x128xf32, #tpu.memory_space<vmem_shared>>
      tpu.wait_dma2 semaphore(%run_scoped3A_85 : memref<!tpu.dma_semaphore, #tpu.memory_space<semaphore_mem>>) src(%dma_wait3A_92 : memref<128x128xf32, #tpu.memory_space<vmem_shared>>) dst(%arg11 : memref<128x128xf32, #tpu.memory_space<vmem>>)
      tpu.yield
    }) : () -> ()
    %mul3A_78 = arith.constant 10240 : i32
    %mul3A_79 = arith.muli %arg0, %mul3A_78 : i32
    %mul3A_80 = arith.constant 640 : i32
    %mul3A_81 = arith.muli %arg1, %mul3A_80 : i32
    %add3A_82 = arith.addi %mul3A_79, %mul3A_81 : i32
    %add3A_83 = arith.constant 512 : i32
    %add3A_84 = arith.addi %add3A_82, %add3A_83 : i32
    "tpu.region"() ({
      %run_scoped3A_85 = tpu.sem_alloc : memref<!tpu.dma_semaphore, #tpu.memory_space<semaphore_mem>>
      %dma_start3A_86 = arith.constant 0 : i32
      %dma_start3A_87 = tpu.memref_slice %arg6[%add3A_84, %dma_start3A_86] : memref<20480x128xf32, #tpu.memory_space<hbm>> -> memref<128x128xf32, #tpu.memory_space<hbm>>
      %dma_start3A_88 = arith.constant 0 : i32
      %dma_start3A_89 = tpu.memref_slice %arg6[%add3A_84, %dma_start3A_88] : memref<20480x128xf32, #tpu.memory_space<hbm>> -> memref<128x128xf32, #tpu.memory_space<hbm>>
      tpu.enqueue_dma source(%arg11 : memref<128x128xf32, #tpu.memory_space<vmem>>) target(%dma_start3A_89 : memref<128x128xf32, #tpu.memory_space<hbm>>) target_semaphore(%run_scoped3A_85 : memref<!tpu.dma_semaphore, #tpu.memory_space<semaphore_mem>>)
      %dma_wait3A = arith.constant 0 : i32
      %dma_wait3A_90 = tpu.memref_slice %arg6[%add3A_84, %dma_wait3A] : memref<20480x128xf32, #tpu.memory_space<hbm>> -> memref<128x128xf32, #tpu.memory_space<hbm>>
      %dma_wait3A_91 = arith.constant 0 : i32
      %dma_wait3A_92 = tpu.memref_slice %arg6[%add3A_84, %dma_wait3A_91] : memref<20480x128xf32, #tpu.memory_space<hbm>> -> memref<128x128xf32, #tpu.memory_space<hbm>>
      tpu.wait_dma2 semaphore(%run_scoped3A_85 : memref<!tpu.dma_semaphore, #tpu.memory_space<semaphore_mem>>) src(%arg11 : memref<128x128xf32, #tpu.memory_space<vmem>>) dst(%dma_wait3A_92 : memref<128x128xf32, #tpu.memory_space<hbm>>)
      tpu.yield
    }) : () -> ()
    return
  }
}

#map = affine_map<(d0, d1) -> (0, 0)>
#map1 = affine_map<(d0, d1) -> (0, 0, 0)>
module attributes {stable_mosaic.version = 14 : i64} {
  func.func @k(%arg0: i32, %arg1: i32, %arg2: memref<10000x128xf32, #tpu.memory_space<hbm>>, %arg3: memref<32x80x128xi32, #tpu.memory_space<hbm>>, %arg4: memref<32x80x128xi32, #tpu.memory_space<hbm>>, %arg5: memref<128x128xf32, #tpu.memory_space<hbm>>, %arg6: memref<20480x128xf32, #tpu.memory_space<hbm>>, %arg7: memref<128xi32, #tpu.memory_space<vmem>>, %arg8: memref<128xi32, #tpu.memory_space<vmem>>, %arg9: memref<128xi32, #tpu.memory_space<vmem>>, %arg10: memref<128xi32, #tpu.memory_space<vmem>>, %arg11: memref<128x128xf32, #tpu.memory_space<vmem>>, %arg12: memref<128x128xf32, #tpu.memory_space<vmem>>, %arg13: memref<10240x128xf32, #tpu.memory_space<vmem_shared>>, %arg14: memref<!tpu.dma_semaphore, #tpu.memory_space<semaphore_mem>>, %arg15: memref<!tpu.dma_semaphore, #tpu.memory_space<semaphore_mem>>) attributes {dimension_semantics = [#tpu.dimension_semantics<core_parallel>, #tpu.dimension_semantics<subcore_parallel>], iteration_bounds = array<i64: 2, 16>, scalar_prefetch = 0 : i64, scratch_operands = 9 : i64, tpu.core_type = #tpu.core_type<sc_vector_subcore>, window_params = [{transform_indices = #map}, {transform_indices = #map1}, {transform_indices = #map1}, {transform_indices = #map}, {transform_indices = #map}]} {
    %mul3A = arith.constant 2 : i32
    %mul3A_0 = arith.muli %arg1, %mul3A : i32
    %add3A = arith.addi %mul3A_0, %arg0 : i32
    "tpu.region"() ({
      %run_scoped3A_85 = tpu.sem_alloc : memref<!tpu.dma_semaphore, #tpu.memory_space<semaphore_mem>>
      tpu.enqueue_dma source(%arg5 : memref<128x128xf32, #tpu.memory_space<hbm>>) target(%arg11 : memref<128x128xf32, #tpu.memory_space<vmem>>) target_semaphore(%run_scoped3A_85 : memref<!tpu.dma_semaphore, #tpu.memory_space<semaphore_mem>>)
      tpu.wait_dma2 semaphore(%run_scoped3A_85 : memref<!tpu.dma_semaphore, #tpu.memory_space<semaphore_mem>>) src(%arg5 : memref<128x128xf32, #tpu.memory_space<hbm>>) dst(%arg11 : memref<128x128xf32, #tpu.memory_space<vmem>>)
      tpu.yield
    }) : () -> ()
    %mul3A_1 = arith.constant 640 : i32
    %mul3A_2 = arith.muli %arg1, %mul3A_1 : i32
    %add3A_3 = arith.constant 0 : i32
    %add3A_4 = arith.addi %mul3A_2, %add3A_3 : i32
    "tpu.region"() ({
      %run_scoped3A_85 = tpu.sem_alloc : memref<!tpu.dma_semaphore, #tpu.memory_space<semaphore_mem>>
      %dma_start3A_86 = arith.constant 0 : i32
      %dma_start3A_87 = tpu.memref_slice %arg13[%add3A_4, %dma_start3A_86] : memref<10240x128xf32, #tpu.memory_space<vmem_shared>> -> memref<128x128xf32, #tpu.memory_space<vmem_shared>>
      %dma_start3A_88 = arith.constant 0 : i32
      %dma_start3A_89 = tpu.memref_slice %arg13[%add3A_4, %dma_start3A_88] : memref<10240x128xf32, #tpu.memory_space<vmem_shared>> -> memref<128x128xf32, #tpu.memory_space<vmem_shared>>
      tpu.enqueue_dma source(%arg11 : memref<128x128xf32, #tpu.memory_space<vmem>>) target(%dma_start3A_89 : memref<128x128xf32, #tpu.memory_space<vmem_shared>>) target_semaphore(%run_scoped3A_85 : memref<!tpu.dma_semaphore, #tpu.memory_space<semaphore_mem>>)
      %dma_wait3A = arith.constant 0 : i32
      %dma_wait3A_90 = tpu.memref_slice %arg13[%add3A_4, %dma_wait3A] : memref<10240x128xf32, #tpu.memory_space<vmem_shared>> -> memref<128x128xf32, #tpu.memory_space<vmem_shared>>
      %dma_wait3A_91 = arith.constant 0 : i32
      %dma_wait3A_92 = tpu.memref_slice %arg13[%add3A_4, %dma_wait3A_91] : memref<10240x128xf32, #tpu.memory_space<vmem_shared>> -> memref<128x128xf32, #tpu.memory_space<vmem_shared>>
      tpu.wait_dma2 semaphore(%run_scoped3A_85 : memref<!tpu.dma_semaphore, #tpu.memory_space<semaphore_mem>>) src(%arg11 : memref<128x128xf32, #tpu.memory_space<vmem>>) dst(%dma_wait3A_92 : memref<128x128xf32, #tpu.memory_space<vmem_shared>>)
      tpu.yield
    }) : () -> ()
    %mul3A_5 = arith.constant 640 : i32
    %mul3A_6 = arith.muli %arg1, %mul3A_5 : i32
    %add3A_7 = arith.constant 128 : i32
    %add3A_8 = arith.addi %mul3A_6, %add3A_7 : i32
    "tpu.region"() ({
      %run_scoped3A_85 = tpu.sem_alloc : memref<!tpu.dma_semaphore, #tpu.memory_space<semaphore_mem>>
      %dma_start3A_86 = arith.constant 0 : i32
      %dma_start3A_87 = tpu.memref_slice %arg13[%add3A_8, %dma_start3A_86] : memref<10240x128xf32, #tpu.memory_space<vmem_shared>> -> memref<128x128xf32, #tpu.memory_space<vmem_shared>>
      %dma_start3A_88 = arith.constant 0 : i32
      %dma_start3A_89 = tpu.memref_slice %arg13[%add3A_8, %dma_start3A_88] : memref<10240x128xf32, #tpu.memory_space<vmem_shared>> -> memref<128x128xf32, #tpu.memory_space<vmem_shared>>
      tpu.enqueue_dma source(%arg11 : memref<128x128xf32, #tpu.memory_space<vmem>>) target(%dma_start3A_89 : memref<128x128xf32, #tpu.memory_space<vmem_shared>>) target_semaphore(%run_scoped3A_85 : memref<!tpu.dma_semaphore, #tpu.memory_space<semaphore_mem>>)
      %dma_wait3A = arith.constant 0 : i32
      %dma_wait3A_90 = tpu.memref_slice %arg13[%add3A_8, %dma_wait3A] : memref<10240x128xf32, #tpu.memory_space<vmem_shared>> -> memref<128x128xf32, #tpu.memory_space<vmem_shared>>
      %dma_wait3A_91 = arith.constant 0 : i32
      %dma_wait3A_92 = tpu.memref_slice %arg13[%add3A_8, %dma_wait3A_91] : memref<10240x128xf32, #tpu.memory_space<vmem_shared>> -> memref<128x128xf32, #tpu.memory_space<vmem_shared>>
      tpu.wait_dma2 semaphore(%run_scoped3A_85 : memref<!tpu.dma_semaphore, #tpu.memory_space<semaphore_mem>>) src(%arg11 : memref<128x128xf32, #tpu.memory_space<vmem>>) dst(%dma_wait3A_92 : memref<128x128xf32, #tpu.memory_space<vmem_shared>>)
      tpu.yield
    }) : () -> ()
    %mul3A_9 = arith.constant 640 : i32
    %mul3A_10 = arith.muli %arg1, %mul3A_9 : i32
    %add3A_11 = arith.constant 256 : i32
    %add3A_12 = arith.addi %mul3A_10, %add3A_11 : i32
    "tpu.region"() ({
      %run_scoped3A_85 = tpu.sem_alloc : memref<!tpu.dma_semaphore, #tpu.memory_space<semaphore_mem>>
      %dma_start3A_86 = arith.constant 0 : i32
      %dma_start3A_87 = tpu.memref_slice %arg13[%add3A_12, %dma_start3A_86] : memref<10240x128xf32, #tpu.memory_space<vmem_shared>> -> memref<128x128xf32, #tpu.memory_space<vmem_shared>>
      %dma_start3A_88 = arith.constant 0 : i32
      %dma_start3A_89 = tpu.memref_slice %arg13[%add3A_12, %dma_start3A_88] : memref<10240x128xf32, #tpu.memory_space<vmem_shared>> -> memref<128x128xf32, #tpu.memory_space<vmem_shared>>
      tpu.enqueue_dma source(%arg11 : memref<128x128xf32, #tpu.memory_space<vmem>>) target(%dma_start3A_89 : memref<128x128xf32, #tpu.memory_space<vmem_shared>>) target_semaphore(%run_scoped3A_85 : memref<!tpu.dma_semaphore, #tpu.memory_space<semaphore_mem>>)
      %dma_wait3A = arith.constant 0 : i32
      %dma_wait3A_90 = tpu.memref_slice %arg13[%add3A_12, %dma_wait3A] : memref<10240x128xf32, #tpu.memory_space<vmem_shared>> -> memref<128x128xf32, #tpu.memory_space<vmem_shared>>
      %dma_wait3A_91 = arith.constant 0 : i32
      %dma_wait3A_92 = tpu.memref_slice %arg13[%add3A_12, %dma_wait3A_91] : memref<10240x128xf32, #tpu.memory_space<vmem_shared>> -> memref<128x128xf32, #tpu.memory_space<vmem_shared>>
      tpu.wait_dma2 semaphore(%run_scoped3A_85 : memref<!tpu.dma_semaphore, #tpu.memory_space<semaphore_mem>>) src(%arg11 : memref<128x128xf32, #tpu.memory_space<vmem>>) dst(%dma_wait3A_92 : memref<128x128xf32, #tpu.memory_space<vmem_shared>>)
      tpu.yield
    }) : () -> ()
    %mul3A_13 = arith.constant 640 : i32
    %mul3A_14 = arith.muli %arg1, %mul3A_13 : i32
    %add3A_15 = arith.constant 384 : i32
    %add3A_16 = arith.addi %mul3A_14, %add3A_15 : i32
    "tpu.region"() ({
      %run_scoped3A_85 = tpu.sem_alloc : memref<!tpu.dma_semaphore, #tpu.memory_space<semaphore_mem>>
      %dma_start3A_86 = arith.constant 0 : i32
      %dma_start3A_87 = tpu.memref_slice %arg13[%add3A_16, %dma_start3A_86] : memref<10240x128xf32, #tpu.memory_space<vmem_shared>> -> memref<128x128xf32, #tpu.memory_space<vmem_shared>>
      %dma_start3A_88 = arith.constant 0 : i32
      %dma_start3A_89 = tpu.memref_slice %arg13[%add3A_16, %dma_start3A_88] : memref<10240x128xf32, #tpu.memory_space<vmem_shared>> -> memref<128x128xf32, #tpu.memory_space<vmem_shared>>
      tpu.enqueue_dma source(%arg11 : memref<128x128xf32, #tpu.memory_space<vmem>>) target(%dma_start3A_89 : memref<128x128xf32, #tpu.memory_space<vmem_shared>>) target_semaphore(%run_scoped3A_85 : memref<!tpu.dma_semaphore, #tpu.memory_space<semaphore_mem>>)
      %dma_wait3A = arith.constant 0 : i32
      %dma_wait3A_90 = tpu.memref_slice %arg13[%add3A_16, %dma_wait3A] : memref<10240x128xf32, #tpu.memory_space<vmem_shared>> -> memref<128x128xf32, #tpu.memory_space<vmem_shared>>
      %dma_wait3A_91 = arith.constant 0 : i32
      %dma_wait3A_92 = tpu.memref_slice %arg13[%add3A_16, %dma_wait3A_91] : memref<10240x128xf32, #tpu.memory_space<vmem_shared>> -> memref<128x128xf32, #tpu.memory_space<vmem_shared>>
      tpu.wait_dma2 semaphore(%run_scoped3A_85 : memref<!tpu.dma_semaphore, #tpu.memory_space<semaphore_mem>>) src(%arg11 : memref<128x128xf32, #tpu.memory_space<vmem>>) dst(%dma_wait3A_92 : memref<128x128xf32, #tpu.memory_space<vmem_shared>>)
      tpu.yield
    }) : () -> ()
    %mul3A_17 = arith.constant 640 : i32
    %mul3A_18 = arith.muli %arg1, %mul3A_17 : i32
    %add3A_19 = arith.constant 512 : i32
    %add3A_20 = arith.addi %mul3A_18, %add3A_19 : i32
    "tpu.region"() ({
      %run_scoped3A_85 = tpu.sem_alloc : memref<!tpu.dma_semaphore, #tpu.memory_space<semaphore_mem>>
      %dma_start3A_86 = arith.constant 0 : i32
      %dma_start3A_87 = tpu.memref_slice %arg13[%add3A_20, %dma_start3A_86] : memref<10240x128xf32, #tpu.memory_space<vmem_shared>> -> memref<128x128xf32, #tpu.memory_space<vmem_shared>>
      %dma_start3A_88 = arith.constant 0 : i32
      %dma_start3A_89 = tpu.memref_slice %arg13[%add3A_20, %dma_start3A_88] : memref<10240x128xf32, #tpu.memory_space<vmem_shared>> -> memref<128x128xf32, #tpu.memory_space<vmem_shared>>
      tpu.enqueue_dma source(%arg11 : memref<128x128xf32, #tpu.memory_space<vmem>>) target(%dma_start3A_89 : memref<128x128xf32, #tpu.memory_space<vmem_shared>>) target_semaphore(%run_scoped3A_85 : memref<!tpu.dma_semaphore, #tpu.memory_space<semaphore_mem>>)
      %dma_wait3A = arith.constant 0 : i32
      %dma_wait3A_90 = tpu.memref_slice %arg13[%add3A_20, %dma_wait3A] : memref<10240x128xf32, #tpu.memory_space<vmem_shared>> -> memref<128x128xf32, #tpu.memory_space<vmem_shared>>
      %dma_wait3A_91 = arith.constant 0 : i32
      %dma_wait3A_92 = tpu.memref_slice %arg13[%add3A_20, %dma_wait3A_91] : memref<10240x128xf32, #tpu.memory_space<vmem_shared>> -> memref<128x128xf32, #tpu.memory_space<vmem_shared>>
      tpu.wait_dma2 semaphore(%run_scoped3A_85 : memref<!tpu.dma_semaphore, #tpu.memory_space<semaphore_mem>>) src(%arg11 : memref<128x128xf32, #tpu.memory_space<vmem>>) dst(%dma_wait3A_92 : memref<128x128xf32, #tpu.memory_space<vmem_shared>>)
      tpu.yield
    }) : () -> ()
    %barrier3A = arith.constant 0 : index
    tpu.barrier barrier_id(%barrier3A)
    %run_scoped3A = arith.constant 0 : i32
    "tpu.region"() ({
      %run_scoped3A_85 = tpu.sem_alloc : memref<!tpu.dma_semaphore, #tpu.memory_space<semaphore_mem>>
      %dma_start3A_86 = arith.constant 0 : i32
      %dma_start3A_87 = tpu.memref_slice %arg3[%add3A, %run_scoped3A, %dma_start3A_86] : memref<32x80x128xi32, #tpu.memory_space<hbm>> -> memref<1x1x128xi32, #tpu.memory_space<hbm>>
      %dma_start3A_88 = tpu.memref_squeeze %dma_start3A_87 : memref<1x1x128xi32, #tpu.memory_space<hbm>> -> memref<128xi32, #tpu.memory_space<hbm>>
      %dma_start3A_89 = arith.constant 0 : i32
      %dma_start3A_90 = tpu.memref_slice %arg3[%add3A, %run_scoped3A, %dma_start3A_89] : memref<32x80x128xi32, #tpu.memory_space<hbm>> -> memref<1x1x128xi32, #tpu.memory_space<hbm>>
      %dma_start3A_91 = tpu.memref_squeeze %dma_start3A_90 : memref<1x1x128xi32, #tpu.memory_space<hbm>> -> memref<128xi32, #tpu.memory_space<hbm>>
      tpu.enqueue_dma source(%dma_start3A_91 : memref<128xi32, #tpu.memory_space<hbm>>) target(%arg7 : memref<128xi32, #tpu.memory_space<vmem>>) target_semaphore(%run_scoped3A_85 : memref<!tpu.dma_semaphore, #tpu.memory_space<semaphore_mem>>)
      %dma_wait3A = arith.constant 0 : i32
      %dma_wait3A_92 = tpu.memref_slice %arg3[%add3A, %run_scoped3A, %dma_wait3A] : memref<32x80x128xi32, #tpu.memory_space<hbm>> -> memref<1x1x128xi32, #tpu.memory_space<hbm>>
      %dma_wait3A_93 = tpu.memref_squeeze %dma_wait3A_92 : memref<1x1x128xi32, #tpu.memory_space<hbm>> -> memref<128xi32, #tpu.memory_space<hbm>>
      %dma_wait3A_94 = arith.constant 0 : i32
      %dma_wait3A_95 = tpu.memref_slice %arg3[%add3A, %run_scoped3A, %dma_wait3A_94] : memref<32x80x128xi32, #tpu.memory_space<hbm>> -> memref<1x1x128xi32, #tpu.memory_space<hbm>>
      %dma_wait3A_96 = tpu.memref_squeeze %dma_wait3A_95 : memref<1x1x128xi32, #tpu.memory_space<hbm>> -> memref<128xi32, #tpu.memory_space<hbm>>
      tpu.wait_dma2 semaphore(%run_scoped3A_85 : memref<!tpu.dma_semaphore, #tpu.memory_space<semaphore_mem>>) src(%dma_wait3A_96 : memref<128xi32, #tpu.memory_space<hbm>>) dst(%arg7 : memref<128xi32, #tpu.memory_space<vmem>>)
      tpu.yield
    }) : () -> ()
    %run_scoped3A_21 = arith.constant 0 : i32
    "tpu.region"() ({
      %run_scoped3A_85 = tpu.sem_alloc : memref<!tpu.dma_semaphore, #tpu.memory_space<semaphore_mem>>
      %dma_start3A_86 = arith.constant 0 : i32
      %dma_start3A_87 = tpu.memref_slice %arg4[%add3A, %run_scoped3A_21, %dma_start3A_86] : memref<32x80x128xi32, #tpu.memory_space<hbm>> -> memref<1x1x128xi32, #tpu.memory_space<hbm>>
      %dma_start3A_88 = tpu.memref_squeeze %dma_start3A_87 : memref<1x1x128xi32, #tpu.memory_space<hbm>> -> memref<128xi32, #tpu.memory_space<hbm>>
      %dma_start3A_89 = arith.constant 0 : i32
      %dma_start3A_90 = tpu.memref_slice %arg4[%add3A, %run_scoped3A_21, %dma_start3A_89] : memref<32x80x128xi32, #tpu.memory_space<hbm>> -> memref<1x1x128xi32, #tpu.memory_space<hbm>>
      %dma_start3A_91 = tpu.memref_squeeze %dma_start3A_90 : memref<1x1x128xi32, #tpu.memory_space<hbm>> -> memref<128xi32, #tpu.memory_space<hbm>>
      tpu.enqueue_dma source(%dma_start3A_91 : memref<128xi32, #tpu.memory_space<hbm>>) target(%arg8 : memref<128xi32, #tpu.memory_space<vmem>>) target_semaphore(%run_scoped3A_85 : memref<!tpu.dma_semaphore, #tpu.memory_space<semaphore_mem>>)
      %dma_wait3A = arith.constant 0 : i32
      %dma_wait3A_92 = tpu.memref_slice %arg4[%add3A, %run_scoped3A_21, %dma_wait3A] : memref<32x80x128xi32, #tpu.memory_space<hbm>> -> memref<1x1x128xi32, #tpu.memory_space<hbm>>
      %dma_wait3A_93 = tpu.memref_squeeze %dma_wait3A_92 : memref<1x1x128xi32, #tpu.memory_space<hbm>> -> memref<128xi32, #tpu.memory_space<hbm>>
      %dma_wait3A_94 = arith.constant 0 : i32
      %dma_wait3A_95 = tpu.memref_slice %arg4[%add3A, %run_scoped3A_21, %dma_wait3A_94] : memref<32x80x128xi32, #tpu.memory_space<hbm>> -> memref<1x1x128xi32, #tpu.memory_space<hbm>>
      %dma_wait3A_96 = tpu.memref_squeeze %dma_wait3A_95 : memref<1x1x128xi32, #tpu.memory_space<hbm>> -> memref<128xi32, #tpu.memory_space<hbm>>
      tpu.wait_dma2 semaphore(%run_scoped3A_85 : memref<!tpu.dma_semaphore, #tpu.memory_space<semaphore_mem>>) src(%dma_wait3A_96 : memref<128xi32, #tpu.memory_space<hbm>>) dst(%arg8 : memref<128xi32, #tpu.memory_space<vmem>>)
      tpu.yield
    }) : () -> ()
    %dma_start3A = arith.constant 0 : i32
    %dma_start3A_22 = arith.constant 0 : i32
    %dma_start3A_23 = tpu.memref_slice %arg2[%dma_start3A, %dma_start3A_22] : memref<10000x128xf32, #tpu.memory_space<hbm>> -> memref<10000x128xf32, #tpu.memory_space<hbm>>
    tpu.enqueue_indirect_dma source(%dma_start3A_23 : memref<10000x128xf32, #tpu.memory_space<hbm>>) target(%arg11 : memref<128x128xf32, #tpu.memory_space<vmem>>) offsets(%arg7 : memref<128xi32, #tpu.memory_space<vmem>>) semaphore(%arg14 : memref<!tpu.dma_semaphore, #tpu.memory_space<semaphore_mem>>)
    %scan3A = arith.constant 0 : i32
    %scan3A_24 = arith.constant 0 : i32
    %scan3A_25 = arith.constant 40 : i32
    %scan3A_26 = arith.addi %scan3A_24, %scan3A_25 : i32
    %scan3A_27 = arith.constant 1 : i32
    scf.for %scan3A_85 = %scan3A_24 to %scan3A_26 step %scan3A_27  : i32 {
      %mul3A_86 = arith.constant 2 : i32
      %mul3A_87 = arith.muli %mul3A_86, %scan3A_85 : i32
      %add3A_88 = arith.constant 1 : i32
      %add3A_89 = arith.addi %mul3A_87, %add3A_88 : i32
      "tpu.region"() ({
        %run_scoped3A_102 = tpu.sem_alloc : memref<!tpu.dma_semaphore, #tpu.memory_space<semaphore_mem>>
        %dma_start3A_103 = arith.constant 0 : i32
        %dma_start3A_104 = tpu.memref_slice %arg3[%add3A, %add3A_89, %dma_start3A_103] : memref<32x80x128xi32, #tpu.memory_space<hbm>> -> memref<1x1x128xi32, #tpu.memory_space<hbm>>
        %dma_start3A_105 = tpu.memref_squeeze %dma_start3A_104 : memref<1x1x128xi32, #tpu.memory_space<hbm>> -> memref<128xi32, #tpu.memory_space<hbm>>
        %dma_start3A_106 = arith.constant 0 : i32
        %dma_start3A_107 = tpu.memref_slice %arg3[%add3A, %add3A_89, %dma_start3A_106] : memref<32x80x128xi32, #tpu.memory_space<hbm>> -> memref<1x1x128xi32, #tpu.memory_space<hbm>>
        %dma_start3A_108 = tpu.memref_squeeze %dma_start3A_107 : memref<1x1x128xi32, #tpu.memory_space<hbm>> -> memref<128xi32, #tpu.memory_space<hbm>>
        tpu.enqueue_dma source(%dma_start3A_108 : memref<128xi32, #tpu.memory_space<hbm>>) target(%arg9 : memref<128xi32, #tpu.memory_space<vmem>>) target_semaphore(%run_scoped3A_102 : memref<!tpu.dma_semaphore, #tpu.memory_space<semaphore_mem>>)
        %dma_wait3A_109 = arith.constant 0 : i32
        %dma_wait3A_110 = tpu.memref_slice %arg3[%add3A, %add3A_89, %dma_wait3A_109] : memref<32x80x128xi32, #tpu.memory_space<hbm>> -> memref<1x1x128xi32, #tpu.memory_space<hbm>>
        %dma_wait3A_111 = tpu.memref_squeeze %dma_wait3A_110 : memref<1x1x128xi32, #tpu.memory_space<hbm>> -> memref<128xi32, #tpu.memory_space<hbm>>
        %dma_wait3A_112 = arith.constant 0 : i32
        %dma_wait3A_113 = tpu.memref_slice %arg3[%add3A, %add3A_89, %dma_wait3A_112] : memref<32x80x128xi32, #tpu.memory_space<hbm>> -> memref<1x1x128xi32, #tpu.memory_space<hbm>>
        %dma_wait3A_114 = tpu.memref_squeeze %dma_wait3A_113 : memref<1x1x128xi32, #tpu.memory_space<hbm>> -> memref<128xi32, #tpu.memory_space<hbm>>
        tpu.wait_dma2 semaphore(%run_scoped3A_102 : memref<!tpu.dma_semaphore, #tpu.memory_space<semaphore_mem>>) src(%dma_wait3A_114 : memref<128xi32, #tpu.memory_space<hbm>>) dst(%arg9 : memref<128xi32, #tpu.memory_space<vmem>>)
        tpu.yield
      }) : () -> ()
      %add3A_90 = arith.constant 1 : i32
      %add3A_91 = arith.addi %mul3A_87, %add3A_90 : i32
      "tpu.region"() ({
        %run_scoped3A_102 = tpu.sem_alloc : memref<!tpu.dma_semaphore, #tpu.memory_space<semaphore_mem>>
        %dma_start3A_103 = arith.constant 0 : i32
        %dma_start3A_104 = tpu.memref_slice %arg4[%add3A, %add3A_91, %dma_start3A_103] : memref<32x80x128xi32, #tpu.memory_space<hbm>> -> memref<1x1x128xi32, #tpu.memory_space<hbm>>
        %dma_start3A_105 = tpu.memref_squeeze %dma_start3A_104 : memref<1x1x128xi32, #tpu.memory_space<hbm>> -> memref<128xi32, #tpu.memory_space<hbm>>
        %dma_start3A_106 = arith.constant 0 : i32
        %dma_start3A_107 = tpu.memref_slice %arg4[%add3A, %add3A_91, %dma_start3A_106] : memref<32x80x128xi32, #tpu.memory_space<hbm>> -> memref<1x1x128xi32, #tpu.memory_space<hbm>>
        %dma_start3A_108 = tpu.memref_squeeze %dma_start3A_107 : memref<1x1x128xi32, #tpu.memory_space<hbm>> -> memref<128xi32, #tpu.memory_space<hbm>>
        tpu.enqueue_dma source(%dma_start3A_108 : memref<128xi32, #tpu.memory_space<hbm>>) target(%arg10 : memref<128xi32, #tpu.memory_space<vmem>>) target_semaphore(%run_scoped3A_102 : memref<!tpu.dma_semaphore, #tpu.memory_space<semaphore_mem>>)
        %dma_wait3A_109 = arith.constant 0 : i32
        %dma_wait3A_110 = tpu.memref_slice %arg4[%add3A, %add3A_91, %dma_wait3A_109] : memref<32x80x128xi32, #tpu.memory_space<hbm>> -> memref<1x1x128xi32, #tpu.memory_space<hbm>>
        %dma_wait3A_111 = tpu.memref_squeeze %dma_wait3A_110 : memref<1x1x128xi32, #tpu.memory_space<hbm>> -> memref<128xi32, #tpu.memory_space<hbm>>
        %dma_wait3A_112 = arith.constant 0 : i32
        %dma_wait3A_113 = tpu.memref_slice %arg4[%add3A, %add3A_91, %dma_wait3A_112] : memref<32x80x128xi32, #tpu.memory_space<hbm>> -> memref<1x1x128xi32, #tpu.memory_space<hbm>>
        %dma_wait3A_114 = tpu.memref_squeeze %dma_wait3A_113 : memref<1x1x128xi32, #tpu.memory_space<hbm>> -> memref<128xi32, #tpu.memory_space<hbm>>
        tpu.wait_dma2 semaphore(%run_scoped3A_102 : memref<!tpu.dma_semaphore, #tpu.memory_space<semaphore_mem>>) src(%dma_wait3A_114 : memref<128xi32, #tpu.memory_space<hbm>>) dst(%arg10 : memref<128xi32, #tpu.memory_space<vmem>>)
        tpu.yield
      }) : () -> ()
      %dma_start3A_92 = arith.constant 0 : i32
      %dma_start3A_93 = arith.constant 0 : i32
      %dma_start3A_94 = tpu.memref_slice %arg2[%dma_start3A_92, %dma_start3A_93] : memref<10000x128xf32, #tpu.memory_space<hbm>> -> memref<10000x128xf32, #tpu.memory_space<hbm>>
      tpu.enqueue_indirect_dma source(%dma_start3A_94 : memref<10000x128xf32, #tpu.memory_space<hbm>>) target(%arg12 : memref<128x128xf32, #tpu.memory_space<vmem>>) offsets(%arg9 : memref<128xi32, #tpu.memory_space<vmem>>) semaphore(%arg15 : memref<!tpu.dma_semaphore, #tpu.memory_space<semaphore_mem>>)
      %dma_wait3A = arith.constant 0 : i32
      %dma_wait3A_95 = arith.constant 0 : i32
      %dma_wait3A_96 = tpu.memref_slice %arg2[%dma_wait3A, %dma_wait3A_95] : memref<10000x128xf32, #tpu.memory_space<hbm>> -> memref<10000x128xf32, #tpu.memory_space<hbm>>
      tpu.wait_indirect_dma semaphore(%arg14 : memref<!tpu.dma_semaphore, #tpu.memory_space<semaphore_mem>>) src(%dma_wait3A_96 : memref<10000x128xf32, #tpu.memory_space<hbm>>) dst(%arg11 : memref<128x128xf32, #tpu.memory_space<vmem>>)
      "tpu.region"() ({
        %run_scoped3A_102 = tpu.sem_alloc : memref<!tpu.dma_semaphore, #tpu.memory_space<semaphore_mem>>
        %dma_start3A_103 = arith.constant 0 : i32
        %dma_start3A_104 = arith.constant 0 : i32
        %dma_start3A_105 = tpu.memref_slice %arg13[%dma_start3A_103, %dma_start3A_104] : memref<10240x128xf32, #tpu.memory_space<vmem_shared>> -> memref<10240x128xf32, #tpu.memory_space<vmem_shared>>
        tpu.enqueue_indirect_dma source(%arg11 : memref<128x128xf32, #tpu.memory_space<vmem>>) target(%dma_start3A_105 : memref<10240x128xf32, #tpu.memory_space<vmem_shared>>) offsets(%arg8 : memref<128xi32, #tpu.memory_space<vmem>>) semaphore(%run_scoped3A_102 : memref<!tpu.dma_semaphore, #tpu.memory_space<semaphore_mem>>) {add = true}
        %dma_wait3A_106 = arith.constant 0 : i32
        %dma_wait3A_107 = arith.constant 0 : i32
        %dma_wait3A_108 = tpu.memref_slice %arg13[%dma_wait3A_106, %dma_wait3A_107] : memref<10240x128xf32, #tpu.memory_space<vmem_shared>> -> memref<10240x128xf32, #tpu.memory_space<vmem_shared>>
        tpu.wait_indirect_dma semaphore(%run_scoped3A_102 : memref<!tpu.dma_semaphore, #tpu.memory_space<semaphore_mem>>) src(%arg11 : memref<128x128xf32, #tpu.memory_space<vmem>>) dst(%dma_wait3A_108 : memref<10240x128xf32, #tpu.memory_space<vmem_shared>>)
        tpu.yield
      }) : () -> ()
      %lt3A = arith.constant 39 : i32
      %lt3A_97 = arith.cmpi slt, %scan3A_85, %lt3A : i32
      %convert_element_type3A = arith.extui %lt3A_97 : i1 to i32
      %cond3A = arith.constant 0 : i32
      %cond3A_98 = arith.cmpi ne, %convert_element_type3A, %cond3A : i32
      scf.if %cond3A_98 {
        %add3A_102 = arith.constant 2 : i32
        %add3A_103 = arith.addi %mul3A_87, %add3A_102 : i32
        "tpu.region"() ({
          %run_scoped3A_109 = tpu.sem_alloc : memref<!tpu.dma_semaphore, #tpu.memory_space<semaphore_mem>>
          %dma_start3A_110 = arith.constant 0 : i32
          %dma_start3A_111 = tpu.memref_slice %arg3[%add3A, %add3A_103, %dma_start3A_110] : memref<32x80x128xi32, #tpu.memory_space<hbm>> -> memref<1x1x128xi32, #tpu.memory_space<hbm>>
          %dma_start3A_112 = tpu.memref_squeeze %dma_start3A_111 : memref<1x1x128xi32, #tpu.memory_space<hbm>> -> memref<128xi32, #tpu.memory_space<hbm>>
          %dma_start3A_113 = arith.constant 0 : i32
          %dma_start3A_114 = tpu.memref_slice %arg3[%add3A, %add3A_103, %dma_start3A_113] : memref<32x80x128xi32, #tpu.memory_space<hbm>> -> memref<1x1x128xi32, #tpu.memory_space<hbm>>
          %dma_start3A_115 = tpu.memref_squeeze %dma_start3A_114 : memref<1x1x128xi32, #tpu.memory_space<hbm>> -> memref<128xi32, #tpu.memory_space<hbm>>
          tpu.enqueue_dma source(%dma_start3A_115 : memref<128xi32, #tpu.memory_space<hbm>>) target(%arg7 : memref<128xi32, #tpu.memory_space<vmem>>) target_semaphore(%run_scoped3A_109 : memref<!tpu.dma_semaphore, #tpu.memory_space<semaphore_mem>>)
          %dma_wait3A_116 = arith.constant 0 : i32
          %dma_wait3A_117 = tpu.memref_slice %arg3[%add3A, %add3A_103, %dma_wait3A_116] : memref<32x80x128xi32, #tpu.memory_space<hbm>> -> memref<1x1x128xi32, #tpu.memory_space<hbm>>
          %dma_wait3A_118 = tpu.memref_squeeze %dma_wait3A_117 : memref<1x1x128xi32, #tpu.memory_space<hbm>> -> memref<128xi32, #tpu.memory_space<hbm>>
          %dma_wait3A_119 = arith.constant 0 : i32
          %dma_wait3A_120 = tpu.memref_slice %arg3[%add3A, %add3A_103, %dma_wait3A_119] : memref<32x80x128xi32, #tpu.memory_space<hbm>> -> memref<1x1x128xi32, #tpu.memory_space<hbm>>
          %dma_wait3A_121 = tpu.memref_squeeze %dma_wait3A_120 : memref<1x1x128xi32, #tpu.memory_space<hbm>> -> memref<128xi32, #tpu.memory_space<hbm>>
          tpu.wait_dma2 semaphore(%run_scoped3A_109 : memref<!tpu.dma_semaphore, #tpu.memory_space<semaphore_mem>>) src(%dma_wait3A_121 : memref<128xi32, #tpu.memory_space<hbm>>) dst(%arg7 : memref<128xi32, #tpu.memory_space<vmem>>)
          tpu.yield
        }) : () -> ()
        %add3A_104 = arith.constant 2 : i32
        %add3A_105 = arith.addi %mul3A_87, %add3A_104 : i32
        "tpu.region"() ({
          %run_scoped3A_109 = tpu.sem_alloc : memref<!tpu.dma_semaphore, #tpu.memory_space<semaphore_mem>>
          %dma_start3A_110 = arith.constant 0 : i32
          %dma_start3A_111 = tpu.memref_slice %arg4[%add3A, %add3A_105, %dma_start3A_110] : memref<32x80x128xi32, #tpu.memory_space<hbm>> -> memref<1x1x128xi32, #tpu.memory_space<hbm>>
          %dma_start3A_112 = tpu.memref_squeeze %dma_start3A_111 : memref<1x1x128xi32, #tpu.memory_space<hbm>> -> memref<128xi32, #tpu.memory_space<hbm>>
          %dma_start3A_113 = arith.constant 0 : i32
          %dma_start3A_114 = tpu.memref_slice %arg4[%add3A, %add3A_105, %dma_start3A_113] : memref<32x80x128xi32, #tpu.memory_space<hbm>> -> memref<1x1x128xi32, #tpu.memory_space<hbm>>
          %dma_start3A_115 = tpu.memref_squeeze %dma_start3A_114 : memref<1x1x128xi32, #tpu.memory_space<hbm>> -> memref<128xi32, #tpu.memory_space<hbm>>
          tpu.enqueue_dma source(%dma_start3A_115 : memref<128xi32, #tpu.memory_space<hbm>>) target(%arg8 : memref<128xi32, #tpu.memory_space<vmem>>) target_semaphore(%run_scoped3A_109 : memref<!tpu.dma_semaphore, #tpu.memory_space<semaphore_mem>>)
          %dma_wait3A_116 = arith.constant 0 : i32
          %dma_wait3A_117 = tpu.memref_slice %arg4[%add3A, %add3A_105, %dma_wait3A_116] : memref<32x80x128xi32, #tpu.memory_space<hbm>> -> memref<1x1x128xi32, #tpu.memory_space<hbm>>
          %dma_wait3A_118 = tpu.memref_squeeze %dma_wait3A_117 : memref<1x1x128xi32, #tpu.memory_space<hbm>> -> memref<128xi32, #tpu.memory_space<hbm>>
          %dma_wait3A_119 = arith.constant 0 : i32
          %dma_wait3A_120 = tpu.memref_slice %arg4[%add3A, %add3A_105, %dma_wait3A_119] : memref<32x80x128xi32, #tpu.memory_space<hbm>> -> memref<1x1x128xi32, #tpu.memory_space<hbm>>
          %dma_wait3A_121 = tpu.memref_squeeze %dma_wait3A_120 : memref<1x1x128xi32, #tpu.memory_space<hbm>> -> memref<128xi32, #tpu.memory_space<hbm>>
          tpu.wait_dma2 semaphore(%run_scoped3A_109 : memref<!tpu.dma_semaphore, #tpu.memory_space<semaphore_mem>>) src(%dma_wait3A_121 : memref<128xi32, #tpu.memory_space<hbm>>) dst(%arg8 : memref<128xi32, #tpu.memory_space<vmem>>)
          tpu.yield
        }) : () -> ()
        %dma_start3A_106 = arith.constant 0 : i32
        %dma_start3A_107 = arith.constant 0 : i32
        %dma_start3A_108 = tpu.memref_slice %arg2[%dma_start3A_106, %dma_start3A_107] : memref<10000x128xf32, #tpu.memory_space<hbm>> -> memref<10000x128xf32, #tpu.memory_space<hbm>>
        tpu.enqueue_indirect_dma source(%dma_start3A_108 : memref<10000x128xf32, #tpu.memory_space<hbm>>) target(%arg11 : memref<128x128xf32, #tpu.memory_space<vmem>>) offsets(%arg7 : memref<128xi32, #tpu.memory_space<vmem>>) semaphore(%arg14 : memref<!tpu.dma_semaphore, #tpu.memory_space<semaphore_mem>>)
      } else {
      }
      %dma_wait3A_99 = arith.constant 0 : i32
      %dma_wait3A_100 = arith.constant 0 : i32
      %dma_wait3A_101 = tpu.memref_slice %arg2[%dma_wait3A_99, %dma_wait3A_100] : memref<10000x128xf32, #tpu.memory_space<hbm>> -> memref<10000x128xf32, #tpu.memory_space<hbm>>
      tpu.wait_indirect_dma semaphore(%arg15 : memref<!tpu.dma_semaphore, #tpu.memory_space<semaphore_mem>>) src(%dma_wait3A_101 : memref<10000x128xf32, #tpu.memory_space<hbm>>) dst(%arg12 : memref<128x128xf32, #tpu.memory_space<vmem>>)
      "tpu.region"() ({
        %run_scoped3A_102 = tpu.sem_alloc : memref<!tpu.dma_semaphore, #tpu.memory_space<semaphore_mem>>
        %dma_start3A_103 = arith.constant 0 : i32
        %dma_start3A_104 = arith.constant 0 : i32
        %dma_start3A_105 = tpu.memref_slice %arg13[%dma_start3A_103, %dma_start3A_104] : memref<10240x128xf32, #tpu.memory_space<vmem_shared>> -> memref<10240x128xf32, #tpu.memory_space<vmem_shared>>
        tpu.enqueue_indirect_dma source(%arg12 : memref<128x128xf32, #tpu.memory_space<vmem>>) target(%dma_start3A_105 : memref<10240x128xf32, #tpu.memory_space<vmem_shared>>) offsets(%arg10 : memref<128xi32, #tpu.memory_space<vmem>>) semaphore(%run_scoped3A_102 : memref<!tpu.dma_semaphore, #tpu.memory_space<semaphore_mem>>) {add = true}
        %dma_wait3A_106 = arith.constant 0 : i32
        %dma_wait3A_107 = arith.constant 0 : i32
        %dma_wait3A_108 = tpu.memref_slice %arg13[%dma_wait3A_106, %dma_wait3A_107] : memref<10240x128xf32, #tpu.memory_space<vmem_shared>> -> memref<10240x128xf32, #tpu.memory_space<vmem_shared>>
        tpu.wait_indirect_dma semaphore(%run_scoped3A_102 : memref<!tpu.dma_semaphore, #tpu.memory_space<semaphore_mem>>) src(%arg12 : memref<128x128xf32, #tpu.memory_space<vmem>>) dst(%dma_wait3A_108 : memref<10240x128xf32, #tpu.memory_space<vmem_shared>>)
        tpu.yield
      }) : () -> ()
    }
    %scan3A_28 = arith.constant 40 : i32
    %barrier3A_29 = arith.constant 0 : index
    tpu.barrier barrier_id(%barrier3A_29)
    %mul3A_30 = arith.constant 640 : i32
    %mul3A_31 = arith.muli %arg1, %mul3A_30 : i32
    %add3A_32 = arith.constant 0 : i32
    %add3A_33 = arith.addi %mul3A_31, %add3A_32 : i32
    "tpu.region"() ({
      %run_scoped3A_85 = tpu.sem_alloc : memref<!tpu.dma_semaphore, #tpu.memory_space<semaphore_mem>>
      %dma_start3A_86 = arith.constant 0 : i32
      %dma_start3A_87 = tpu.memref_slice %arg13[%add3A_33, %dma_start3A_86] : memref<10240x128xf32, #tpu.memory_space<vmem_shared>> -> memref<128x128xf32, #tpu.memory_space<vmem_shared>>
      %dma_start3A_88 = arith.constant 0 : i32
      %dma_start3A_89 = tpu.memref_slice %arg13[%add3A_33, %dma_start3A_88] : memref<10240x128xf32, #tpu.memory_space<vmem_shared>> -> memref<128x128xf32, #tpu.memory_space<vmem_shared>>
      tpu.enqueue_dma source(%dma_start3A_89 : memref<128x128xf32, #tpu.memory_space<vmem_shared>>) target(%arg11 : memref<128x128xf32, #tpu.memory_space<vmem>>) target_semaphore(%run_scoped3A_85 : memref<!tpu.dma_semaphore, #tpu.memory_space<semaphore_mem>>)
      %dma_wait3A = arith.constant 0 : i32
      %dma_wait3A_90 = tpu.memref_slice %arg13[%add3A_33, %dma_wait3A] : memref<10240x128xf32, #tpu.memory_space<vmem_shared>> -> memref<128x128xf32, #tpu.memory_space<vmem_shared>>
      %dma_wait3A_91 = arith.constant 0 : i32
      %dma_wait3A_92 = tpu.memref_slice %arg13[%add3A_33, %dma_wait3A_91] : memref<10240x128xf32, #tpu.memory_space<vmem_shared>> -> memref<128x128xf32, #tpu.memory_space<vmem_shared>>
      tpu.wait_dma2 semaphore(%run_scoped3A_85 : memref<!tpu.dma_semaphore, #tpu.memory_space<semaphore_mem>>) src(%dma_wait3A_92 : memref<128x128xf32, #tpu.memory_space<vmem_shared>>) dst(%arg11 : memref<128x128xf32, #tpu.memory_space<vmem>>)
      tpu.yield
    }) : () -> ()
    %mul3A_34 = arith.constant 10240 : i32
    %mul3A_35 = arith.muli %arg0, %mul3A_34 : i32
    %mul3A_36 = arith.constant 640 : i32
    %mul3A_37 = arith.muli %arg1, %mul3A_36 : i32
    %add3A_38 = arith.addi %mul3A_35, %mul3A_37 : i32
    %add3A_39 = arith.constant 0 : i32
    %add3A_40 = arith.addi %add3A_38, %add3A_39 : i32
    "tpu.region"() ({
      %run_scoped3A_85 = tpu.sem_alloc : memref<!tpu.dma_semaphore, #tpu.memory_space<semaphore_mem>>
      %dma_start3A_86 = arith.constant 0 : i32
      %dma_start3A_87 = tpu.memref_slice %arg6[%add3A_40, %dma_start3A_86] : memref<20480x128xf32, #tpu.memory_space<hbm>> -> memref<128x128xf32, #tpu.memory_space<hbm>>
      %dma_start3A_88 = arith.constant 0 : i32
      %dma_start3A_89 = tpu.memref_slice %arg6[%add3A_40, %dma_start3A_88] : memref<20480x128xf32, #tpu.memory_space<hbm>> -> memref<128x128xf32, #tpu.memory_space<hbm>>
      tpu.enqueue_dma source(%arg11 : memref<128x128xf32, #tpu.memory_space<vmem>>) target(%dma_start3A_89 : memref<128x128xf32, #tpu.memory_space<hbm>>) target_semaphore(%run_scoped3A_85 : memref<!tpu.dma_semaphore, #tpu.memory_space<semaphore_mem>>)
      %dma_wait3A = arith.constant 0 : i32
      %dma_wait3A_90 = tpu.memref_slice %arg6[%add3A_40, %dma_wait3A] : memref<20480x128xf32, #tpu.memory_space<hbm>> -> memref<128x128xf32, #tpu.memory_space<hbm>>
      %dma_wait3A_91 = arith.constant 0 : i32
      %dma_wait3A_92 = tpu.memref_slice %arg6[%add3A_40, %dma_wait3A_91] : memref<20480x128xf32, #tpu.memory_space<hbm>> -> memref<128x128xf32, #tpu.memory_space<hbm>>
      tpu.wait_dma2 semaphore(%run_scoped3A_85 : memref<!tpu.dma_semaphore, #tpu.memory_space<semaphore_mem>>) src(%arg11 : memref<128x128xf32, #tpu.memory_space<vmem>>) dst(%dma_wait3A_92 : memref<128x128xf32, #tpu.memory_space<hbm>>)
      tpu.yield
    }) : () -> ()
    %mul3A_41 = arith.constant 640 : i32
    %mul3A_42 = arith.muli %arg1, %mul3A_41 : i32
    %add3A_43 = arith.constant 128 : i32
    %add3A_44 = arith.addi %mul3A_42, %add3A_43 : i32
    "tpu.region"() ({
      %run_scoped3A_85 = tpu.sem_alloc : memref<!tpu.dma_semaphore, #tpu.memory_space<semaphore_mem>>
      %dma_start3A_86 = arith.constant 0 : i32
      %dma_start3A_87 = tpu.memref_slice %arg13[%add3A_44, %dma_start3A_86] : memref<10240x128xf32, #tpu.memory_space<vmem_shared>> -> memref<128x128xf32, #tpu.memory_space<vmem_shared>>
      %dma_start3A_88 = arith.constant 0 : i32
      %dma_start3A_89 = tpu.memref_slice %arg13[%add3A_44, %dma_start3A_88] : memref<10240x128xf32, #tpu.memory_space<vmem_shared>> -> memref<128x128xf32, #tpu.memory_space<vmem_shared>>
      tpu.enqueue_dma source(%dma_start3A_89 : memref<128x128xf32, #tpu.memory_space<vmem_shared>>) target(%arg11 : memref<128x128xf32, #tpu.memory_space<vmem>>) target_semaphore(%run_scoped3A_85 : memref<!tpu.dma_semaphore, #tpu.memory_space<semaphore_mem>>)
      %dma_wait3A = arith.constant 0 : i32
      %dma_wait3A_90 = tpu.memref_slice %arg13[%add3A_44, %dma_wait3A] : memref<10240x128xf32, #tpu.memory_space<vmem_shared>> -> memref<128x128xf32, #tpu.memory_space<vmem_shared>>
      %dma_wait3A_91 = arith.constant 0 : i32
      %dma_wait3A_92 = tpu.memref_slice %arg13[%add3A_44, %dma_wait3A_91] : memref<10240x128xf32, #tpu.memory_space<vmem_shared>> -> memref<128x128xf32, #tpu.memory_space<vmem_shared>>
      tpu.wait_dma2 semaphore(%run_scoped3A_85 : memref<!tpu.dma_semaphore, #tpu.memory_space<semaphore_mem>>) src(%dma_wait3A_92 : memref<128x128xf32, #tpu.memory_space<vmem_shared>>) dst(%arg11 : memref<128x128xf32, #tpu.memory_space<vmem>>)
      tpu.yield
    }) : () -> ()
    %mul3A_45 = arith.constant 10240 : i32
    %mul3A_46 = arith.muli %arg0, %mul3A_45 : i32
    %mul3A_47 = arith.constant 640 : i32
    %mul3A_48 = arith.muli %arg1, %mul3A_47 : i32
    %add3A_49 = arith.addi %mul3A_46, %mul3A_48 : i32
    %add3A_50 = arith.constant 128 : i32
    %add3A_51 = arith.addi %add3A_49, %add3A_50 : i32
    "tpu.region"() ({
      %run_scoped3A_85 = tpu.sem_alloc : memref<!tpu.dma_semaphore, #tpu.memory_space<semaphore_mem>>
      %dma_start3A_86 = arith.constant 0 : i32
      %dma_start3A_87 = tpu.memref_slice %arg6[%add3A_51, %dma_start3A_86] : memref<20480x128xf32, #tpu.memory_space<hbm>> -> memref<128x128xf32, #tpu.memory_space<hbm>>
      %dma_start3A_88 = arith.constant 0 : i32
      %dma_start3A_89 = tpu.memref_slice %arg6[%add3A_51, %dma_start3A_88] : memref<20480x128xf32, #tpu.memory_space<hbm>> -> memref<128x128xf32, #tpu.memory_space<hbm>>
      tpu.enqueue_dma source(%arg11 : memref<128x128xf32, #tpu.memory_space<vmem>>) target(%dma_start3A_89 : memref<128x128xf32, #tpu.memory_space<hbm>>) target_semaphore(%run_scoped3A_85 : memref<!tpu.dma_semaphore, #tpu.memory_space<semaphore_mem>>)
      %dma_wait3A = arith.constant 0 : i32
      %dma_wait3A_90 = tpu.memref_slice %arg6[%add3A_51, %dma_wait3A] : memref<20480x128xf32, #tpu.memory_space<hbm>> -> memref<128x128xf32, #tpu.memory_space<hbm>>
      %dma_wait3A_91 = arith.constant 0 : i32
      %dma_wait3A_92 = tpu.memref_slice %arg6[%add3A_51, %dma_wait3A_91] : memref<20480x128xf32, #tpu.memory_space<hbm>> -> memref<128x128xf32, #tpu.memory_space<hbm>>
      tpu.wait_dma2 semaphore(%run_scoped3A_85 : memref<!tpu.dma_semaphore, #tpu.memory_space<semaphore_mem>>) src(%arg11 : memref<128x128xf32, #tpu.memory_space<vmem>>) dst(%dma_wait3A_92 : memref<128x128xf32, #tpu.memory_space<hbm>>)
      tpu.yield
    }) : () -> ()
    %mul3A_52 = arith.constant 640 : i32
    %mul3A_53 = arith.muli %arg1, %mul3A_52 : i32
    %add3A_54 = arith.constant 256 : i32
    %add3A_55 = arith.addi %mul3A_53, %add3A_54 : i32
    "tpu.region"() ({
      %run_scoped3A_85 = tpu.sem_alloc : memref<!tpu.dma_semaphore, #tpu.memory_space<semaphore_mem>>
      %dma_start3A_86 = arith.constant 0 : i32
      %dma_start3A_87 = tpu.memref_slice %arg13[%add3A_55, %dma_start3A_86] : memref<10240x128xf32, #tpu.memory_space<vmem_shared>> -> memref<128x128xf32, #tpu.memory_space<vmem_shared>>
      %dma_start3A_88 = arith.constant 0 : i32
      %dma_start3A_89 = tpu.memref_slice %arg13[%add3A_55, %dma_start3A_88] : memref<10240x128xf32, #tpu.memory_space<vmem_shared>> -> memref<128x128xf32, #tpu.memory_space<vmem_shared>>
      tpu.enqueue_dma source(%dma_start3A_89 : memref<128x128xf32, #tpu.memory_space<vmem_shared>>) target(%arg11 : memref<128x128xf32, #tpu.memory_space<vmem>>) target_semaphore(%run_scoped3A_85 : memref<!tpu.dma_semaphore, #tpu.memory_space<semaphore_mem>>)
      %dma_wait3A = arith.constant 0 : i32
      %dma_wait3A_90 = tpu.memref_slice %arg13[%add3A_55, %dma_wait3A] : memref<10240x128xf32, #tpu.memory_space<vmem_shared>> -> memref<128x128xf32, #tpu.memory_space<vmem_shared>>
      %dma_wait3A_91 = arith.constant 0 : i32
      %dma_wait3A_92 = tpu.memref_slice %arg13[%add3A_55, %dma_wait3A_91] : memref<10240x128xf32, #tpu.memory_space<vmem_shared>> -> memref<128x128xf32, #tpu.memory_space<vmem_shared>>
      tpu.wait_dma2 semaphore(%run_scoped3A_85 : memref<!tpu.dma_semaphore, #tpu.memory_space<semaphore_mem>>) src(%dma_wait3A_92 : memref<128x128xf32, #tpu.memory_space<vmem_shared>>) dst(%arg11 : memref<128x128xf32, #tpu.memory_space<vmem>>)
      tpu.yield
    }) : () -> ()
    %mul3A_56 = arith.constant 10240 : i32
    %mul3A_57 = arith.muli %arg0, %mul3A_56 : i32
    %mul3A_58 = arith.constant 640 : i32
    %mul3A_59 = arith.muli %arg1, %mul3A_58 : i32
    %add3A_60 = arith.addi %mul3A_57, %mul3A_59 : i32
    %add3A_61 = arith.constant 256 : i32
    %add3A_62 = arith.addi %add3A_60, %add3A_61 : i32
    "tpu.region"() ({
      %run_scoped3A_85 = tpu.sem_alloc : memref<!tpu.dma_semaphore, #tpu.memory_space<semaphore_mem>>
      %dma_start3A_86 = arith.constant 0 : i32
      %dma_start3A_87 = tpu.memref_slice %arg6[%add3A_62, %dma_start3A_86] : memref<20480x128xf32, #tpu.memory_space<hbm>> -> memref<128x128xf32, #tpu.memory_space<hbm>>
      %dma_start3A_88 = arith.constant 0 : i32
      %dma_start3A_89 = tpu.memref_slice %arg6[%add3A_62, %dma_start3A_88] : memref<20480x128xf32, #tpu.memory_space<hbm>> -> memref<128x128xf32, #tpu.memory_space<hbm>>
      tpu.enqueue_dma source(%arg11 : memref<128x128xf32, #tpu.memory_space<vmem>>) target(%dma_start3A_89 : memref<128x128xf32, #tpu.memory_space<hbm>>) target_semaphore(%run_scoped3A_85 : memref<!tpu.dma_semaphore, #tpu.memory_space<semaphore_mem>>)
      %dma_wait3A = arith.constant 0 : i32
      %dma_wait3A_90 = tpu.memref_slice %arg6[%add3A_62, %dma_wait3A] : memref<20480x128xf32, #tpu.memory_space<hbm>> -> memref<128x128xf32, #tpu.memory_space<hbm>>
      %dma_wait3A_91 = arith.constant 0 : i32
      %dma_wait3A_92 = tpu.memref_slice %arg6[%add3A_62, %dma_wait3A_91] : memref<20480x128xf32, #tpu.memory_space<hbm>> -> memref<128x128xf32, #tpu.memory_space<hbm>>
      tpu.wait_dma2 semaphore(%run_scoped3A_85 : memref<!tpu.dma_semaphore, #tpu.memory_space<semaphore_mem>>) src(%arg11 : memref<128x128xf32, #tpu.memory_space<vmem>>) dst(%dma_wait3A_92 : memref<128x128xf32, #tpu.memory_space<hbm>>)
      tpu.yield
    }) : () -> ()
    %mul3A_63 = arith.constant 640 : i32
    %mul3A_64 = arith.muli %arg1, %mul3A_63 : i32
    %add3A_65 = arith.constant 384 : i32
    %add3A_66 = arith.addi %mul3A_64, %add3A_65 : i32
    "tpu.region"() ({
      %run_scoped3A_85 = tpu.sem_alloc : memref<!tpu.dma_semaphore, #tpu.memory_space<semaphore_mem>>
      %dma_start3A_86 = arith.constant 0 : i32
      %dma_start3A_87 = tpu.memref_slice %arg13[%add3A_66, %dma_start3A_86] : memref<10240x128xf32, #tpu.memory_space<vmem_shared>> -> memref<128x128xf32, #tpu.memory_space<vmem_shared>>
      %dma_start3A_88 = arith.constant 0 : i32
      %dma_start3A_89 = tpu.memref_slice %arg13[%add3A_66, %dma_start3A_88] : memref<10240x128xf32, #tpu.memory_space<vmem_shared>> -> memref<128x128xf32, #tpu.memory_space<vmem_shared>>
      tpu.enqueue_dma source(%dma_start3A_89 : memref<128x128xf32, #tpu.memory_space<vmem_shared>>) target(%arg11 : memref<128x128xf32, #tpu.memory_space<vmem>>) target_semaphore(%run_scoped3A_85 : memref<!tpu.dma_semaphore, #tpu.memory_space<semaphore_mem>>)
      %dma_wait3A = arith.constant 0 : i32
      %dma_wait3A_90 = tpu.memref_slice %arg13[%add3A_66, %dma_wait3A] : memref<10240x128xf32, #tpu.memory_space<vmem_shared>> -> memref<128x128xf32, #tpu.memory_space<vmem_shared>>
      %dma_wait3A_91 = arith.constant 0 : i32
      %dma_wait3A_92 = tpu.memref_slice %arg13[%add3A_66, %dma_wait3A_91] : memref<10240x128xf32, #tpu.memory_space<vmem_shared>> -> memref<128x128xf32, #tpu.memory_space<vmem_shared>>
      tpu.wait_dma2 semaphore(%run_scoped3A_85 : memref<!tpu.dma_semaphore, #tpu.memory_space<semaphore_mem>>) src(%dma_wait3A_92 : memref<128x128xf32, #tpu.memory_space<vmem_shared>>) dst(%arg11 : memref<128x128xf32, #tpu.memory_space<vmem>>)
      tpu.yield
    }) : () -> ()
    %mul3A_67 = arith.constant 10240 : i32
    %mul3A_68 = arith.muli %arg0, %mul3A_67 : i32
    %mul3A_69 = arith.constant 640 : i32
    %mul3A_70 = arith.muli %arg1, %mul3A_69 : i32
    %add3A_71 = arith.addi %mul3A_68, %mul3A_70 : i32
    %add3A_72 = arith.constant 384 : i32
    %add3A_73 = arith.addi %add3A_71, %add3A_72 : i32
    "tpu.region"() ({
      %run_scoped3A_85 = tpu.sem_alloc : memref<!tpu.dma_semaphore, #tpu.memory_space<semaphore_mem>>
      %dma_start3A_86 = arith.constant 0 : i32
      %dma_start3A_87 = tpu.memref_slice %arg6[%add3A_73, %dma_start3A_86] : memref<20480x128xf32, #tpu.memory_space<hbm>> -> memref<128x128xf32, #tpu.memory_space<hbm>>
      %dma_start3A_88 = arith.constant 0 : i32
      %dma_start3A_89 = tpu.memref_slice %arg6[%add3A_73, %dma_start3A_88] : memref<20480x128xf32, #tpu.memory_space<hbm>> -> memref<128x128xf32, #tpu.memory_space<hbm>>
      tpu.enqueue_dma source(%arg11 : memref<128x128xf32, #tpu.memory_space<vmem>>) target(%dma_start3A_89 : memref<128x128xf32, #tpu.memory_space<hbm>>) target_semaphore(%run_scoped3A_85 : memref<!tpu.dma_semaphore, #tpu.memory_space<semaphore_mem>>)
      %dma_wait3A = arith.constant 0 : i32
      %dma_wait3A_90 = tpu.memref_slice %arg6[%add3A_73, %dma_wait3A] : memref<20480x128xf32, #tpu.memory_space<hbm>> -> memref<128x128xf32, #tpu.memory_space<hbm>>
      %dma_wait3A_91 = arith.constant 0 : i32
      %dma_wait3A_92 = tpu.memref_slice %arg6[%add3A_73, %dma_wait3A_91] : memref<20480x128xf32, #tpu.memory_space<hbm>> -> memref<128x128xf32, #tpu.memory_space<hbm>>
      tpu.wait_dma2 semaphore(%run_scoped3A_85 : memref<!tpu.dma_semaphore, #tpu.memory_space<semaphore_mem>>) src(%arg11 : memref<128x128xf32, #tpu.memory_space<vmem>>) dst(%dma_wait3A_92 : memref<128x128xf32, #tpu.memory_space<hbm>>)
      tpu.yield
    }) : () -> ()
    %mul3A_74 = arith.constant 640 : i32
    %mul3A_75 = arith.muli %arg1, %mul3A_74 : i32
    %add3A_76 = arith.constant 512 : i32
    %add3A_77 = arith.addi %mul3A_75, %add3A_76 : i32
    "tpu.region"() ({
      %run_scoped3A_85 = tpu.sem_alloc : memref<!tpu.dma_semaphore, #tpu.memory_space<semaphore_mem>>
      %dma_start3A_86 = arith.constant 0 : i32
      %dma_start3A_87 = tpu.memref_slice %arg13[%add3A_77, %dma_start3A_86] : memref<10240x128xf32, #tpu.memory_space<vmem_shared>> -> memref<128x128xf32, #tpu.memory_space<vmem_shared>>
      %dma_start3A_88 = arith.constant 0 : i32
      %dma_start3A_89 = tpu.memref_slice %arg13[%add3A_77, %dma_start3A_88] : memref<10240x128xf32, #tpu.memory_space<vmem_shared>> -> memref<128x128xf32, #tpu.memory_space<vmem_shared>>
      tpu.enqueue_dma source(%dma_start3A_89 : memref<128x128xf32, #tpu.memory_space<vmem_shared>>) target(%arg11 : memref<128x128xf32, #tpu.memory_space<vmem>>) target_semaphore(%run_scoped3A_85 : memref<!tpu.dma_semaphore, #tpu.memory_space<semaphore_mem>>)
      %dma_wait3A = arith.constant 0 : i32
      %dma_wait3A_90 = tpu.memref_slice %arg13[%add3A_77, %dma_wait3A] : memref<10240x128xf32, #tpu.memory_space<vmem_shared>> -> memref<128x128xf32, #tpu.memory_space<vmem_shared>>
      %dma_wait3A_91 = arith.constant 0 : i32
      %dma_wait3A_92 = tpu.memref_slice %arg13[%add3A_77, %dma_wait3A_91] : memref<10240x128xf32, #tpu.memory_space<vmem_shared>> -> memref<128x128xf32, #tpu.memory_space<vmem_shared>>
      tpu.wait_dma2 semaphore(%run_scoped3A_85 : memref<!tpu.dma_semaphore, #tpu.memory_space<semaphore_mem>>) src(%dma_wait3A_92 : memref<128x128xf32, #tpu.memory_space<vmem_shared>>) dst(%arg11 : memref<128x128xf32, #tpu.memory_space<vmem>>)
      tpu.yield
    }) : () -> ()
    %mul3A_78 = arith.constant 10240 : i32
    %mul3A_79 = arith.muli %arg0, %mul3A_78 : i32
    %mul3A_80 = arith.constant 640 : i32
    %mul3A_81 = arith.muli %arg1, %mul3A_80 : i32
    %add3A_82 = arith.addi %mul3A_79, %mul3A_81 : i32
    %add3A_83 = arith.constant 512 : i32
    %add3A_84 = arith.addi %add3A_82, %add3A_83 : i32
    "tpu.region"() ({
      %run_scoped3A_85 = tpu.sem_alloc : memref<!tpu.dma_semaphore, #tpu.memory_space<semaphore_mem>>
      %dma_start3A_86 = arith.constant 0 : i32
      %dma_start3A_87 = tpu.memref_slice %arg6[%add3A_84, %dma_start3A_86] : memref<20480x128xf32, #tpu.memory_space<hbm>> -> memref<128x128xf32, #tpu.memory_space<hbm>>
      %dma_start3A_88 = arith.constant 0 : i32
      %dma_start3A_89 = tpu.memref_slice %arg6[%add3A_84, %dma_start3A_88] : memref<20480x128xf32, #tpu.memory_space<hbm>> -> memref<128x128xf32, #tpu.memory_space<hbm>>
      tpu.enqueue_dma source(%arg11 : memref<128x128xf32, #tpu.memory_space<vmem>>) target(%dma_start3A_89 : memref<128x128xf32, #tpu.memory_space<hbm>>) target_semaphore(%run_scoped3A_85 : memref<!tpu.dma_semaphore, #tpu.memory_space<semaphore_mem>>)
      %dma_wait3A = arith.constant 0 : i32
      %dma_wait3A_90 = tpu.memref_slice %arg6[%add3A_84, %dma_wait3A] : memref<20480x128xf32, #tpu.memory_space<hbm>> -> memref<128x128xf32, #tpu.memory_space<hbm>>
      %dma_wait3A_91 = arith.constant 0 : i32
      %dma_wait3A_92 = tpu.memref_slice %arg6[%add3A_84, %dma_wait3A_91] : memref<20480x128xf32, #tpu.memory_space<hbm>> -> memref<128x128xf32, #tpu.memory_space<hbm>>
      tpu.wait_dma2 semaphore(%run_scoped3A_85 : memref<!tpu.dma_semaphore, #tpu.memory_space<semaphore_mem>>) src(%arg11 : memref<128x128xf32, #tpu.memory_space<vmem>>) dst(%dma_wait3A_92 : memref<128x128xf32, #tpu.memory_space<hbm>>)
      tpu.yield
    }) : () -> ()
    return
  }
}

module attributes {stable_mosaic.version = 14 : i64} {
  func.func @body(%arg0: i32, %arg1: memref<2000x128xf32, #tpu.memory_space<vmem>>, %arg2: memref<2000x128xf32, #tpu.memory_space<vmem>>, %arg3: memref<2000x128xf32, #tpu.memory_space<vmem>>, %arg4: memref<2000x128xf32, #tpu.memory_space<vmem>>, %arg5: memref<2000x128xf32, #tpu.memory_space<vmem>>, %arg6: memref<256x128xf32, #tpu.memory_space<vmem>>, %arg7: memref<1x256xf32, #tpu.memory_space<vmem>>, %arg8: memref<256x128xf32, #tpu.memory_space<vmem>>, %arg9: memref<2000x256xf32, #tpu.memory_space<vmem>>) attributes {dimension_semantics = [#tpu.dimension_semantics<arbitrary>], iteration_bounds = array<i64: 5>, scalar_prefetch = 0 : i64, scratch_operands = 0 : i64, tpu.core_type = #tpu.core_type<tc>, window_params = [{transform_indices = @transform_0, window_bounds = array<i64: 2000, 128>}, {transform_indices = @transform_1, window_bounds = array<i64: 2000, 128>}, {transform_indices = @transform_2, window_bounds = array<i64: 2000, 128>}, {transform_indices = @transform_3, window_bounds = array<i64: 2000, 128>}, {transform_indices = @transform_4, window_bounds = array<i64: 2000, 128>}, {pipeline_mode = #tpu.pipeline_mode<synchronous>, transform_indices = @transform_5, window_bounds = array<i64: 256, 128>}, {pipeline_mode = #tpu.pipeline_mode<synchronous>, transform_indices = @transform_6, window_bounds = array<i64: 1, 256>}, {pipeline_mode = #tpu.pipeline_mode<synchronous>, transform_indices = @transform_7, window_bounds = array<i64: 256, 128>}, {transform_indices = @transform_8, window_bounds = array<i64: 2000, 256>}]} {
    %get3A = arith.constant 0 : index
    %get3A_0 = arith.constant 0 : index
    %get3A_1 = vector.load %arg4[%get3A, %get3A_0] : memref<2000x128xf32, #tpu.memory_space<vmem>>, vector<2000x1xf32>
    %get3A_2 = arith.constant 0 : index
    %get3A_3 = arith.constant 0 : index
    %get3A_4 = vector.load %arg5[%get3A_2, %get3A_3] : memref<2000x128xf32, #tpu.memory_space<vmem>>, vector<2000x1xf32>
    %add3A = arith.addf %get3A_1, %get3A_4 : vector<2000x1xf32>
    %max3A = arith.constant 1.000000e+00 : f32
    %max3A_5 = vector.broadcast %max3A : f32 to vector<2000x1xf32>
    %max3A_6 = arith.maximumf %add3A, %max3A_5 : vector<2000x1xf32>
    %get3A_7 = arith.constant 0 : index
    %get3A_8 = arith.constant 0 : index
    %get3A_9 = vector.load %arg2[%get3A_7, %get3A_8] : memref<2000x128xf32, #tpu.memory_space<vmem>>, vector<2000x128xf32>
    %get3A_10 = arith.constant 0 : index
    %get3A_11 = arith.constant 0 : index
    %get3A_12 = vector.load %arg3[%get3A_10, %get3A_11] : memref<2000x128xf32, #tpu.memory_space<vmem>>, vector<2000x128xf32>
    %add3A_13 = arith.addf %get3A_9, %get3A_12 : vector<2000x128xf32>
    %div3A = vector.broadcast %max3A_6 : vector<2000x1xf32> to vector<2000x128xf32>
    %div3A_14 = arith.divf %add3A_13, %div3A : vector<2000x128xf32>
    %get3A_15 = arith.constant 0 : index
    %get3A_16 = arith.constant 0 : index
    %get3A_17 = vector.load %arg1[%get3A_15, %get3A_16] : memref<2000x128xf32, #tpu.memory_space<vmem>>, vector<2000x128xf32>
    %get3A_18 = arith.constant 0 : index
    %get3A_19 = arith.constant 0 : index
    %get3A_20 = vector.load %arg6[%get3A_18, %get3A_19] : memref<256x128xf32, #tpu.memory_space<vmem>>, vector<256x128xf32>
    %dot_general3A = arith.constant dense<0.000000e+00> : vector<2000x256xf32>
    %dot_general3A_21 = tpu.matmul %get3A_17, %get3A_20, %dot_general3A {dimension_numbers = #tpu.dot_dimension_numbers<[1], [1], [0], [0], [0, 0, 1, 0], [], []>, transpose_lhs_hint = false} : vector<2000x128xf32>, vector<256x128xf32>, vector<2000x256xf32> -> vector<2000x256xf32>
    %get3A_22 = arith.constant 0 : index
    %get3A_23 = arith.constant 0 : index
    %get3A_24 = vector.load %arg7[%get3A_22, %get3A_23] : memref<1x256xf32, #tpu.memory_space<vmem>>, vector<1x256xf32>
    %add3A_25 = vector.broadcast %get3A_24 : vector<1x256xf32> to vector<2000x256xf32>
    %add3A_26 = arith.addf %dot_general3A_21, %add3A_25 : vector<2000x256xf32>
    %get3A_27 = arith.constant 0 : index
    %get3A_28 = arith.constant 0 : index
    %get3A_29 = vector.load %arg8[%get3A_27, %get3A_28] : memref<256x128xf32, #tpu.memory_space<vmem>>, vector<256x128xf32>
    %dot_general3A_30 = arith.constant dense<0.000000e+00> : vector<2000x256xf32>
    %dot_general3A_31 = tpu.matmul %div3A_14, %get3A_29, %dot_general3A_30 {dimension_numbers = #tpu.dot_dimension_numbers<[1], [1], [0], [0], [0, 0, 1, 0], [], []>, transpose_lhs_hint = false} : vector<2000x128xf32>, vector<256x128xf32>, vector<2000x256xf32> -> vector<2000x256xf32>
    %add3A_32 = arith.addf %add3A_26, %dot_general3A_31 : vector<2000x256xf32>
    %max3A_33 = arith.constant 0.000000e+00 : f32
    %max3A_34 = vector.broadcast %max3A_33 : f32 to vector<2000x256xf32>
    %max3A_35 = arith.maximumf %add3A_32, %max3A_34 : vector<2000x256xf32>
    %swap3A = arith.constant 0 : index
    %swap3A_36 = arith.constant 0 : index
    %swap3A_37 = vector.load %arg9[%swap3A, %swap3A_36] : memref<2000x256xf32, #tpu.memory_space<vmem>>, vector<2000x256xf32>
    tpu.vector_store %arg9[%swap3A, %swap3A_36], %max3A_35 {strides = array<i32>} : memref<2000x256xf32, #tpu.memory_space<vmem>>, vector<2000x256xf32>,
    return
  }
  func.func @transform_0(%arg0: i32) -> (i32, i32) {
    %c0_i32 = arith.constant 0 : i32
    %c0_i32_0 = arith.constant 0 : i32
    return %arg0, %c0_i32 : i32, i32
  }
  func.func @transform_1(%arg0: i32) -> (i32, i32) {
    %c0_i32 = arith.constant 0 : i32
    %c0_i32_0 = arith.constant 0 : i32
    return %arg0, %c0_i32 : i32, i32
  }
  func.func @transform_2(%arg0: i32) -> (i32, i32) {
    %c0_i32 = arith.constant 0 : i32
    %c0_i32_0 = arith.constant 0 : i32
    return %arg0, %c0_i32 : i32, i32
  }
  func.func @transform_3(%arg0: i32) -> (i32, i32) {
    %c0_i32 = arith.constant 0 : i32
    %c0_i32_0 = arith.constant 0 : i32
    return %arg0, %c0_i32 : i32, i32
  }
  func.func @transform_4(%arg0: i32) -> (i32, i32) {
    %c0_i32 = arith.constant 0 : i32
    %c0_i32_0 = arith.constant 0 : i32
    return %arg0, %c0_i32 : i32, i32
  }
  func.func @transform_5(%arg0: i32) -> (i32, i32) {
    %c0_i32 = arith.constant 0 : i32
    %c0_i32_0 = arith.constant 0 : i32
    %c0_i32_1 = arith.constant 0 : i32
    return %c0_i32, %c0_i32_0 : i32, i32
  }
  func.func @transform_6(%arg0: i32) -> (i32, i32) {
    %c0_i32 = arith.constant 0 : i32
    %c0_i32_0 = arith.constant 0 : i32
    %c0_i32_1 = arith.constant 0 : i32
    return %c0_i32, %c0_i32_0 : i32, i32
  }
  func.func @transform_7(%arg0: i32) -> (i32, i32) {
    %c0_i32 = arith.constant 0 : i32
    %c0_i32_0 = arith.constant 0 : i32
    %c0_i32_1 = arith.constant 0 : i32
    return %c0_i32, %c0_i32_0 : i32, i32
  }
  func.func @transform_8(%arg0: i32) -> (i32, i32) {
    %c0_i32 = arith.constant 0 : i32
    %c0_i32_0 = arith.constant 0 : i32
    return %arg0, %c0_i32 : i32, i32
  }
}

module attributes {stable_mosaic.version = 14 : i64} {
  func.func @body(%arg0: i32, %arg1: memref<2000x256xf32, #tpu.memory_space<vmem>>, %arg2: memref<2000x128xf32, #tpu.memory_space<vmem>>, %arg3: memref<2000x128xf32, #tpu.memory_space<vmem>>, %arg4: memref<2000x128xf32, #tpu.memory_space<vmem>>, %arg5: memref<2000x128xf32, #tpu.memory_space<vmem>>, %arg6: memref<128x256xf32, #tpu.memory_space<vmem>>, %arg7: memref<1x128xf32, #tpu.memory_space<vmem>>, %arg8: memref<128x128xf32, #tpu.memory_space<vmem>>, %arg9: memref<128x128xf32, #tpu.memory_space<vmem>>, %arg10: memref<2000x128xf32, #tpu.memory_space<vmem>>) attributes {dimension_semantics = [#tpu.dimension_semantics<arbitrary>], iteration_bounds = array<i64: 5>, scalar_prefetch = 0 : i64, scratch_operands = 0 : i64, tpu.core_type = #tpu.core_type<tc>, window_params = [{transform_indices = @transform_0, window_bounds = array<i64: 2000, 256>}, {transform_indices = @transform_1, window_bounds = array<i64: 2000, 128>}, {transform_indices = @transform_2, window_bounds = array<i64: 2000, 128>}, {transform_indices = @transform_3, window_bounds = array<i64: 2000, 128>}, {transform_indices = @transform_4, window_bounds = array<i64: 2000, 128>}, {pipeline_mode = #tpu.pipeline_mode<synchronous>, transform_indices = @transform_5, window_bounds = array<i64: 128, 256>}, {pipeline_mode = #tpu.pipeline_mode<synchronous>, transform_indices = @transform_6, window_bounds = array<i64: 1, 128>}, {pipeline_mode = #tpu.pipeline_mode<synchronous>, transform_indices = @transform_7, window_bounds = array<i64: 128, 128>}, {pipeline_mode = #tpu.pipeline_mode<synchronous>, transform_indices = @transform_8, window_bounds = array<i64: 128, 128>}, {transform_indices = @transform_9, window_bounds = array<i64: 2000, 128>}]} {
    %get3A = arith.constant 0 : index
    %get3A_0 = arith.constant 0 : index
    %get3A_1 = vector.load %arg4[%get3A, %get3A_0] : memref<2000x128xf32, #tpu.memory_space<vmem>>, vector<2000x1xf32>
    %get3A_2 = arith.constant 0 : index
    %get3A_3 = arith.constant 0 : index
    %get3A_4 = vector.load %arg5[%get3A_2, %get3A_3] : memref<2000x128xf32, #tpu.memory_space<vmem>>, vector<2000x1xf32>
    %add3A = arith.addf %get3A_1, %get3A_4 : vector<2000x1xf32>
    %max3A = arith.constant 1.000000e+00 : f32
    %max3A_5 = vector.broadcast %max3A : f32 to vector<2000x1xf32>
    %max3A_6 = arith.maximumf %add3A, %max3A_5 : vector<2000x1xf32>
    %get3A_7 = arith.constant 0 : index
    %get3A_8 = arith.constant 0 : index
    %get3A_9 = vector.load %arg2[%get3A_7, %get3A_8] : memref<2000x128xf32, #tpu.memory_space<vmem>>, vector<2000x128xf32>
    %div3A = vector.broadcast %max3A_6 : vector<2000x1xf32> to vector<2000x128xf32>
    %div3A_10 = arith.divf %get3A_9, %div3A : vector<2000x128xf32>
    %get3A_11 = arith.constant 0 : index
    %get3A_12 = arith.constant 0 : index
    %get3A_13 = vector.load %arg8[%get3A_11, %get3A_12] : memref<128x128xf32, #tpu.memory_space<vmem>>, vector<128x128xf32>
    %dot_general3A = arith.constant dense<0.000000e+00> : vector<2000x128xf32>
    %dot_general3A_14 = tpu.matmul %div3A_10, %get3A_13, %dot_general3A {dimension_numbers = #tpu.dot_dimension_numbers<[1], [1], [0], [0], [0, 0, 1, 0], [], []>, transpose_lhs_hint = false} : vector<2000x128xf32>, vector<128x128xf32>, vector<2000x128xf32> -> vector<2000x128xf32>
    %get3A_15 = arith.constant 0 : index
    %get3A_16 = arith.constant 0 : index
    %get3A_17 = vector.load %arg3[%get3A_15, %get3A_16] : memref<2000x128xf32, #tpu.memory_space<vmem>>, vector<2000x128xf32>
    %div3A_18 = vector.broadcast %max3A_6 : vector<2000x1xf32> to vector<2000x128xf32>
    %div3A_19 = arith.divf %get3A_17, %div3A_18 : vector<2000x128xf32>
    %get3A_20 = arith.constant 0 : index
    %get3A_21 = arith.constant 0 : index
    %get3A_22 = vector.load %arg9[%get3A_20, %get3A_21] : memref<128x128xf32, #tpu.memory_space<vmem>>, vector<128x128xf32>
    %dot_general3A_23 = arith.constant dense<0.000000e+00> : vector<2000x128xf32>
    %dot_general3A_24 = tpu.matmul %div3A_19, %get3A_22, %dot_general3A_23 {dimension_numbers = #tpu.dot_dimension_numbers<[1], [1], [0], [0], [0, 0, 1, 0], [], []>, transpose_lhs_hint = false} : vector<2000x128xf32>, vector<128x128xf32>, vector<2000x128xf32> -> vector<2000x128xf32>
    %add3A_25 = arith.addf %dot_general3A_14, %dot_general3A_24 : vector<2000x128xf32>
    %get3A_26 = arith.constant 0 : index
    %get3A_27 = arith.constant 0 : index
    %get3A_28 = vector.load %arg1[%get3A_26, %get3A_27] : memref<2000x256xf32, #tpu.memory_space<vmem>>, vector<2000x256xf32>
    %get3A_29 = arith.constant 0 : index
    %get3A_30 = arith.constant 0 : index
    %get3A_31 = vector.load %arg6[%get3A_29, %get3A_30] : memref<128x256xf32, #tpu.memory_space<vmem>>, vector<128x256xf32>
    %dot_general3A_32 = arith.constant dense<0.000000e+00> : vector<2000x128xf32>
    %dot_general3A_33 = tpu.matmul %get3A_28, %get3A_31, %dot_general3A_32 {dimension_numbers = #tpu.dot_dimension_numbers<[1], [1], [0], [0], [0, 0, 1, 0], [], []>, transpose_lhs_hint = false} : vector<2000x256xf32>, vector<128x256xf32>, vector<2000x128xf32> -> vector<2000x128xf32>
    %get3A_34 = arith.constant 0 : index
    %get3A_35 = arith.constant 0 : index
    %get3A_36 = vector.load %arg7[%get3A_34, %get3A_35] : memref<1x128xf32, #tpu.memory_space<vmem>>, vector<1x128xf32>
    %add3A_37 = vector.broadcast %get3A_36 : vector<1x128xf32> to vector<2000x128xf32>
    %add3A_38 = arith.addf %dot_general3A_33, %add3A_37 : vector<2000x128xf32>
    %add3A_39 = arith.addf %add3A_38, %add3A_25 : vector<2000x128xf32>
    %max3A_40 = arith.constant 0.000000e+00 : f32
    %max3A_41 = vector.broadcast %max3A_40 : f32 to vector<2000x128xf32>
    %max3A_42 = arith.maximumf %add3A_39, %max3A_41 : vector<2000x128xf32>
    %swap3A = arith.constant 0 : index
    %swap3A_43 = arith.constant 0 : index
    %swap3A_44 = vector.load %arg10[%swap3A, %swap3A_43] : memref<2000x128xf32, #tpu.memory_space<vmem>>, vector<2000x128xf32>
    tpu.vector_store %arg10[%swap3A, %swap3A_43], %max3A_42 {strides = array<i32>} : memref<2000x128xf32, #tpu.memory_space<vmem>>, vector<2000x128xf32>,
    return
  }
  func.func @transform_0(%arg0: i32) -> (i32, i32) {
    %c0_i32 = arith.constant 0 : i32
    %c0_i32_0 = arith.constant 0 : i32
    return %arg0, %c0_i32 : i32, i32
  }
  func.func @transform_1(%arg0: i32) -> (i32, i32) {
    %c0_i32 = arith.constant 0 : i32
    %c0_i32_0 = arith.constant 0 : i32
    return %arg0, %c0_i32 : i32, i32
  }
  func.func @transform_2(%arg0: i32) -> (i32, i32) {
    %c0_i32 = arith.constant 0 : i32
    %c0_i32_0 = arith.constant 0 : i32
    return %arg0, %c0_i32 : i32, i32
  }
  func.func @transform_3(%arg0: i32) -> (i32, i32) {
    %c0_i32 = arith.constant 0 : i32
    %c0_i32_0 = arith.constant 0 : i32
    return %arg0, %c0_i32 : i32, i32
  }
  func.func @transform_4(%arg0: i32) -> (i32, i32) {
    %c0_i32 = arith.constant 0 : i32
    %c0_i32_0 = arith.constant 0 : i32
    return %arg0, %c0_i32 : i32, i32
  }
  func.func @transform_5(%arg0: i32) -> (i32, i32) {
    %c0_i32 = arith.constant 0 : i32
    %c0_i32_0 = arith.constant 0 : i32
    %c0_i32_1 = arith.constant 0 : i32
    return %c0_i32, %c0_i32_0 : i32, i32
  }
  func.func @transform_6(%arg0: i32) -> (i32, i32) {
    %c0_i32 = arith.constant 0 : i32
    %c0_i32_0 = arith.constant 0 : i32
    %c0_i32_1 = arith.constant 0 : i32
    return %c0_i32, %c0_i32_0 : i32, i32
  }
  func.func @transform_7(%arg0: i32) -> (i32, i32) {
    %c0_i32 = arith.constant 0 : i32
    %c0_i32_0 = arith.constant 0 : i32
    %c0_i32_1 = arith.constant 0 : i32
    return %c0_i32, %c0_i32_0 : i32, i32
  }
  func.func @transform_8(%arg0: i32) -> (i32, i32) {
    %c0_i32 = arith.constant 0 : i32
    %c0_i32_0 = arith.constant 0 : i32
    %c0_i32_1 = arith.constant 0 : i32
    return %c0_i32, %c0_i32_0 : i32, i32
  }
  func.func @transform_9(%arg0: i32) -> (i32, i32) {
    %c0_i32 = arith.constant 0 : i32
    %c0_i32_0 = arith.constant 0 : i32
    return %arg0, %c0_i32 : i32, i32
  }
}

module attributes {stable_mosaic.version = 14 : i64} {
  func.func @body(%arg0: i32, %arg1: memref<2000x128xf32, #tpu.memory_space<vmem>>, %arg2: memref<2000x128xf32, #tpu.memory_space<vmem>>, %arg3: memref<2000x128xf32, #tpu.memory_space<vmem>>, %arg4: memref<2000x128xf32, #tpu.memory_space<vmem>>, %arg5: memref<2000x128xf32, #tpu.memory_space<vmem>>, %arg6: memref<128x128xf32, #tpu.memory_space<vmem>>, %arg7: memref<1x128xf32, #tpu.memory_space<vmem>>, %arg8: memref<128x128xf32, #tpu.memory_space<vmem>>, %arg9: memref<2000x128xf32, #tpu.memory_space<vmem>>) attributes {dimension_semantics = [#tpu.dimension_semantics<arbitrary>], iteration_bounds = array<i64: 5>, scalar_prefetch = 0 : i64, scratch_operands = 0 : i64, tpu.core_type = #tpu.core_type<tc>, window_params = [{transform_indices = @transform_0, window_bounds = array<i64: 2000, 128>}, {transform_indices = @transform_1, window_bounds = array<i64: 2000, 128>}, {transform_indices = @transform_2, window_bounds = array<i64: 2000, 128>}, {transform_indices = @transform_3, window_bounds = array<i64: 2000, 128>}, {transform_indices = @transform_4, window_bounds = array<i64: 2000, 128>}, {pipeline_mode = #tpu.pipeline_mode<synchronous>, transform_indices = @transform_5, window_bounds = array<i64: 128, 128>}, {pipeline_mode = #tpu.pipeline_mode<synchronous>, transform_indices = @transform_6, window_bounds = array<i64: 1, 128>}, {pipeline_mode = #tpu.pipeline_mode<synchronous>, transform_indices = @transform_7, window_bounds = array<i64: 128, 128>}, {transform_indices = @transform_8, window_bounds = array<i64: 2000, 128>}]} {
    %get3A = arith.constant 0 : index
    %get3A_0 = arith.constant 0 : index
    %get3A_1 = vector.load %arg4[%get3A, %get3A_0] : memref<2000x128xf32, #tpu.memory_space<vmem>>, vector<2000x1xf32>
    %get3A_2 = arith.constant 0 : index
    %get3A_3 = arith.constant 0 : index
    %get3A_4 = vector.load %arg5[%get3A_2, %get3A_3] : memref<2000x128xf32, #tpu.memory_space<vmem>>, vector<2000x1xf32>
    %add3A = arith.addf %get3A_1, %get3A_4 : vector<2000x1xf32>
    %max3A = arith.constant 1.000000e+00 : f32
    %max3A_5 = vector.broadcast %max3A : f32 to vector<2000x1xf32>
    %max3A_6 = arith.maximumf %add3A, %max3A_5 : vector<2000x1xf32>
    %get3A_7 = arith.constant 0 : index
    %get3A_8 = arith.constant 0 : index
    %get3A_9 = vector.load %arg2[%get3A_7, %get3A_8] : memref<2000x128xf32, #tpu.memory_space<vmem>>, vector<2000x128xf32>
    %get3A_10 = arith.constant 0 : index
    %get3A_11 = arith.constant 0 : index
    %get3A_12 = vector.load %arg3[%get3A_10, %get3A_11] : memref<2000x128xf32, #tpu.memory_space<vmem>>, vector<2000x128xf32>
    %add3A_13 = arith.addf %get3A_9, %get3A_12 : vector<2000x128xf32>
    %div3A = vector.broadcast %max3A_6 : vector<2000x1xf32> to vector<2000x128xf32>
    %div3A_14 = arith.divf %add3A_13, %div3A : vector<2000x128xf32>
    %get3A_15 = arith.constant 0 : index
    %get3A_16 = arith.constant 0 : index
    %get3A_17 = vector.load %arg1[%get3A_15, %get3A_16] : memref<2000x128xf32, #tpu.memory_space<vmem>>, vector<2000x128xf32>
    %get3A_18 = arith.constant 0 : index
    %get3A_19 = arith.constant 0 : index
    %get3A_20 = vector.load %arg6[%get3A_18, %get3A_19] : memref<128x128xf32, #tpu.memory_space<vmem>>, vector<128x128xf32>
    %dot_general3A = arith.constant dense<0.000000e+00> : vector<2000x128xf32>
    %dot_general3A_21 = tpu.matmul %get3A_17, %get3A_20, %dot_general3A {dimension_numbers = #tpu.dot_dimension_numbers<[1], [1], [0], [0], [0, 0, 1, 0], [], []>, transpose_lhs_hint = false} : vector<2000x128xf32>, vector<128x128xf32>, vector<2000x128xf32> -> vector<2000x128xf32>
    %get3A_22 = arith.constant 0 : index
    %get3A_23 = arith.constant 0 : index
    %get3A_24 = vector.load %arg7[%get3A_22, %get3A_23] : memref<1x128xf32, #tpu.memory_space<vmem>>, vector<1x128xf32>
    %add3A_25 = vector.broadcast %get3A_24 : vector<1x128xf32> to vector<2000x128xf32>
    %add3A_26 = arith.addf %dot_general3A_21, %add3A_25 : vector<2000x128xf32>
    %get3A_27 = arith.constant 0 : index
    %get3A_28 = arith.constant 0 : index
    %get3A_29 = vector.load %arg8[%get3A_27, %get3A_28] : memref<128x128xf32, #tpu.memory_space<vmem>>, vector<128x128xf32>
    %dot_general3A_30 = arith.constant dense<0.000000e+00> : vector<2000x128xf32>
    %dot_general3A_31 = tpu.matmul %div3A_14, %get3A_29, %dot_general3A_30 {dimension_numbers = #tpu.dot_dimension_numbers<[1], [1], [0], [0], [0, 0, 1, 0], [], []>, transpose_lhs_hint = false} : vector<2000x128xf32>, vector<128x128xf32>, vector<2000x128xf32> -> vector<2000x128xf32>
    %add3A_32 = arith.addf %add3A_26, %dot_general3A_31 : vector<2000x128xf32>
    %max3A_33 = arith.constant 0.000000e+00 : f32
    %max3A_34 = vector.broadcast %max3A_33 : f32 to vector<2000x128xf32>
    %max3A_35 = arith.maximumf %add3A_32, %max3A_34 : vector<2000x128xf32>
    %swap3A = arith.constant 0 : index
    %swap3A_36 = arith.constant 0 : index
    %swap3A_37 = vector.load %arg9[%swap3A, %swap3A_36] : memref<2000x128xf32, #tpu.memory_space<vmem>>, vector<2000x128xf32>
    tpu.vector_store %arg9[%swap3A, %swap3A_36], %max3A_35 {strides = array<i32>} : memref<2000x128xf32, #tpu.memory_space<vmem>>, vector<2000x128xf32>,
    return
  }
  func.func @transform_0(%arg0: i32) -> (i32, i32) {
    %c0_i32 = arith.constant 0 : i32
    %c0_i32_0 = arith.constant 0 : i32
    return %arg0, %c0_i32 : i32, i32
  }
  func.func @transform_1(%arg0: i32) -> (i32, i32) {
    %c0_i32 = arith.constant 0 : i32
    %c0_i32_0 = arith.constant 0 : i32
    return %arg0, %c0_i32 : i32, i32
  }
  func.func @transform_2(%arg0: i32) -> (i32, i32) {
    %c0_i32 = arith.constant 0 : i32
    %c0_i32_0 = arith.constant 0 : i32
    return %arg0, %c0_i32 : i32, i32
  }
  func.func @transform_3(%arg0: i32) -> (i32, i32) {
    %c0_i32 = arith.constant 0 : i32
    %c0_i32_0 = arith.constant 0 : i32
    return %arg0, %c0_i32 : i32, i32
  }
  func.func @transform_4(%arg0: i32) -> (i32, i32) {
    %c0_i32 = arith.constant 0 : i32
    %c0_i32_0 = arith.constant 0 : i32
    return %arg0, %c0_i32 : i32, i32
  }
  func.func @transform_5(%arg0: i32) -> (i32, i32) {
    %c0_i32 = arith.constant 0 : i32
    %c0_i32_0 = arith.constant 0 : i32
    %c0_i32_1 = arith.constant 0 : i32
    return %c0_i32, %c0_i32_0 : i32, i32
  }
  func.func @transform_6(%arg0: i32) -> (i32, i32) {
    %c0_i32 = arith.constant 0 : i32
    %c0_i32_0 = arith.constant 0 : i32
    %c0_i32_1 = arith.constant 0 : i32
    return %c0_i32, %c0_i32_0 : i32, i32
  }
  func.func @transform_7(%arg0: i32) -> (i32, i32) {
    %c0_i32 = arith.constant 0 : i32
    %c0_i32_0 = arith.constant 0 : i32
    %c0_i32_1 = arith.constant 0 : i32
    return %c0_i32, %c0_i32_0 : i32, i32
  }
  func.func @transform_8(%arg0: i32) -> (i32, i32) {
    %c0_i32 = arith.constant 0 : i32
    %c0_i32_0 = arith.constant 0 : i32
    return %arg0, %c0_i32 : i32, i32
  }
}

module attributes {stable_mosaic.version = 14 : i64} {
  func.func @body(%arg0: i32, %arg1: memref<2000x128xf32, #tpu.memory_space<vmem>>, %arg2: memref<2000x1xi32, #tpu.memory_space<vmem>>, %arg3: memref<128x128xf32, #tpu.memory_space<vmem>>, %arg4: memref<1x128xf32, #tpu.memory_space<vmem>>, %arg5: memref<64x128xf32, #tpu.memory_space<vmem>>, %arg6: memref<1x64xf32, #tpu.memory_space<vmem>>, %arg7: memref<64x64xf32, #tpu.memory_space<vmem>>, %arg8: memref<1x64xf32, #tpu.memory_space<vmem>>, %arg9: memref<1x64xf32, #tpu.memory_space<vmem>>, %arg10: memref<1x1xf32, #tpu.memory_space<vmem>>, %arg11: memref<1x128xf32, #tpu.memory_space<vmem>>, %arg12: memref<128x128xf32, #tpu.memory_space<vmem>>, %arg13: memref<128x128xf32, #tpu.memory_space<vmem>>) attributes {dimension_semantics = [#tpu.dimension_semantics<arbitrary>], iteration_bounds = array<i64: 5>, scalar_prefetch = 0 : i64, scratch_operands = 2 : i64, tpu.core_type = #tpu.core_type<tc>, window_params = [{transform_indices = @transform_0, window_bounds = array<i64: 2000, 128>}, {transform_indices = @transform_1, window_bounds = array<i64: 2000, 1>}, {pipeline_mode = #tpu.pipeline_mode<synchronous>, transform_indices = @transform_2, window_bounds = array<i64: 128, 128>}, {pipeline_mode = #tpu.pipeline_mode<synchronous>, transform_indices = @transform_3, window_bounds = array<i64: 1, 128>}, {pipeline_mode = #tpu.pipeline_mode<synchronous>, transform_indices = @transform_4, window_bounds = array<i64: 64, 128>}, {pipeline_mode = #tpu.pipeline_mode<synchronous>, transform_indices = @transform_5, window_bounds = array<i64: 1, 64>}, {pipeline_mode = #tpu.pipeline_mode<synchronous>, transform_indices = @transform_6, window_bounds = array<i64: 64, 64>}, {pipeline_mode = #tpu.pipeline_mode<synchronous>, transform_indices = @transform_7, window_bounds = array<i64: 1, 64>}, {pipeline_mode = #tpu.pipeline_mode<synchronous>, transform_indices = @transform_8, window_bounds = array<i64: 1, 64>}, {pipeline_mode = #tpu.pipeline_mode<synchronous>, transform_indices = @transform_9, window_bounds = array<i64: 1, 1>}, {pipeline_mode = #tpu.pipeline_mode<synchronous>, transform_indices = @transform_10, window_bounds = array<i64: 1, 128>}]} {
    %eq3A = arith.constant 0 : i32
    %eq3A_0 = arith.cmpi eq, %arg0, %eq3A : i32
    %convert_element_type3A = arith.extui %eq3A_0 : i1 to i32
    %cond3A = arith.constant 0 : i32
    %cond3A_1 = arith.cmpi ne, %convert_element_type3A, %cond3A : i32
    scf.if %cond3A_1 {
      %broadcast_in_dim3A_32 = arith.constant 0.000000e+00 : f32
      %broadcast_in_dim3A_33 = vector.broadcast %broadcast_in_dim3A_32 : f32 to vector<128x128xf32>
      %swap3A_34 = arith.constant 0 : index
      %swap3A_35 = arith.constant 0 : index
      %swap3A_36 = vector.load %arg12[%swap3A_34, %swap3A_35] : memref<128x128xf32, #tpu.memory_space<vmem>>, vector<128x128xf32>
      tpu.vector_store %arg12[%swap3A_34, %swap3A_35], %broadcast_in_dim3A_33 {strides = array<i32>} : memref<128x128xf32, #tpu.memory_space<vmem>>, vector<128x128xf32>,
      %broadcast_in_dim3A_37 = arith.constant 0.000000e+00 : f32
      %broadcast_in_dim3A_38 = vector.broadcast %broadcast_in_dim3A_37 : f32 to vector<128x128xf32>
      %swap3A_39 = arith.constant 0 : index
      %swap3A_40 = arith.constant 0 : index
      %swap3A_41 = vector.load %arg13[%swap3A_39, %swap3A_40] : memref<128x128xf32, #tpu.memory_space<vmem>>, vector<128x128xf32>
      tpu.vector_store %arg13[%swap3A_39, %swap3A_40], %broadcast_in_dim3A_38 {strides = array<i32>} : memref<128x128xf32, #tpu.memory_space<vmem>>, vector<128x128xf32>,
    } else {
    }
    %get3A = arith.constant 0 : index
    %get3A_2 = arith.constant 0 : index
    %get3A_3 = vector.load %arg2[%get3A, %get3A_2] : memref<2000x1xi32, #tpu.memory_space<vmem>>, vector<2000x1xi32>
    %iota3A = tpu.iota {dimensions = array<i32: 1>} : vector<2000x128xi32>
    %eq3A_4 = vector.broadcast %get3A_3 : vector<2000x1xi32> to vector<2000x128xi32>
    %eq3A_5 = arith.cmpi eq, %eq3A_4, %iota3A : vector<2000x128xi32>
    %convert_element_type3A_6 = arith.extui %eq3A_5 : vector<2000x128xi1> to vector<2000x128xi32>
    %convert_element_type3A_7 = arith.sitofp %convert_element_type3A_6 : vector<2000x128xi32> to vector<2000x128xf32>
    %get3A_8 = arith.constant 0 : index
    %get3A_9 = arith.constant 0 : index
    %get3A_10 = vector.load %arg12[%get3A_8, %get3A_9] : memref<128x128xf32, #tpu.memory_space<vmem>>, vector<128x128xf32>
    %get3A_11 = arith.constant 0 : index
    %get3A_12 = arith.constant 0 : index
    %get3A_13 = vector.load %arg1[%get3A_11, %get3A_12] : memref<2000x128xf32, #tpu.memory_space<vmem>>, vector<2000x128xf32>
    %dot_general3A = arith.constant dense<0.000000e+00> : vector<128x128xf32>
    %dot_general3A_14 = tpu.matmul %convert_element_type3A_7, %get3A_13, %dot_general3A {dimension_numbers = #tpu.dot_dimension_numbers<[0], [0], [1], [1], [0, 1, 1, 1], [], []>, precision = #tpu.contract_precision<fp32>, transpose_lhs_hint = false} : vector<2000x128xf32>, vector<2000x128xf32>, vector<128x128xf32> -> vector<128x128xf32>
    %add3A = arith.addf %get3A_10, %dot_general3A_14 : vector<128x128xf32>
    %swap3A = arith.constant 0 : index
    %swap3A_15 = arith.constant 0 : index
    %swap3A_16 = vector.load %arg12[%swap3A, %swap3A_15] : memref<128x128xf32, #tpu.memory_space<vmem>>, vector<128x128xf32>
    tpu.vector_store %arg12[%swap3A, %swap3A_15], %add3A {strides = array<i32>} : memref<128x128xf32, #tpu.memory_space<vmem>>, vector<128x128xf32>,
    %get3A_17 = arith.constant 0 : index
    %get3A_18 = arith.constant 0 : index
    %get3A_19 = vector.load %arg13[%get3A_17, %get3A_18] : memref<128x128xf32, #tpu.memory_space<vmem>>, vector<128x128xf32>
    %broadcast_in_dim3A = arith.constant 1.000000e+00 : f32
    %broadcast_in_dim3A_20 = vector.broadcast %broadcast_in_dim3A : f32 to vector<2000x128xf32>
    %dot_general3A_21 = arith.constant dense<0.000000e+00> : vector<128x128xf32>
    %dot_general3A_22 = tpu.matmul %convert_element_type3A_7, %broadcast_in_dim3A_20, %dot_general3A_21 {dimension_numbers = #tpu.dot_dimension_numbers<[0], [0], [1], [1], [0, 1, 1, 1], [], []>, precision = #tpu.contract_precision<fp32>, transpose_lhs_hint = false} : vector<2000x128xf32>, vector<2000x128xf32>, vector<128x128xf32> -> vector<128x128xf32>
    %add3A_23 = arith.addf %get3A_19, %dot_general3A_22 : vector<128x128xf32>
    %swap3A_24 = arith.constant 0 : index
    %swap3A_25 = arith.constant 0 : index
    %swap3A_26 = vector.load %arg13[%swap3A_24, %swap3A_25] : memref<128x128xf32, #tpu.memory_space<vmem>>, vector<128x128xf32>
    tpu.vector_store %arg13[%swap3A_24, %swap3A_25], %add3A_23 {strides = array<i32>} : memref<128x128xf32, #tpu.memory_space<vmem>>, vector<128x128xf32>,
    %eq3A_27 = arith.constant 4 : i32
    %eq3A_28 = arith.cmpi eq, %arg0, %eq3A_27 : i32
    %convert_element_type3A_29 = arith.extui %eq3A_28 : i1 to i32
    %cond3A_30 = arith.constant 0 : i32
    %cond3A_31 = arith.cmpi ne, %convert_element_type3A_29, %cond3A_30 : i32
    scf.if %cond3A_31 {
      %get3A_32 = arith.constant 0 : index
      %get3A_33 = arith.constant 0 : index
      %get3A_34 = vector.load %arg12[%get3A_32, %get3A_33] : memref<128x128xf32, #tpu.memory_space<vmem>>, vector<128x128xf32>
      %get3A_35 = arith.constant 0 : index
      %get3A_36 = arith.constant 0 : index
      %get3A_37 = vector.load %arg13[%get3A_35, %get3A_36] : memref<128x128xf32, #tpu.memory_space<vmem>>, vector<128x128xf32>
      %max3A = arith.constant 1.000000e+00 : f32
      %max3A_38 = vector.broadcast %max3A : f32 to vector<128x128xf32>
      %max3A_39 = arith.maximumf %get3A_37, %max3A_38 : vector<128x128xf32>
      %div3A = arith.divf %get3A_34, %max3A_39 : vector<128x128xf32>
      %get3A_40 = arith.constant 0 : index
      %get3A_41 = arith.constant 0 : index
      %get3A_42 = vector.load %arg3[%get3A_40, %get3A_41] : memref<128x128xf32, #tpu.memory_space<vmem>>, vector<128x128xf32>
      %dot_general3A_43 = arith.constant dense<0.000000e+00> : vector<128x128xf32>
      %dot_general3A_44 = tpu.matmul %div3A, %get3A_42, %dot_general3A_43 {dimension_numbers = #tpu.dot_dimension_numbers<[1], [1], [0], [0], [0, 0, 1, 0], [], []>, transpose_lhs_hint = false} : vector<128x128xf32>, vector<128x128xf32>, vector<128x128xf32> -> vector<128x128xf32>
      %get3A_45 = arith.constant 0 : index
      %get3A_46 = arith.constant 0 : index
      %get3A_47 = vector.load %arg4[%get3A_45, %get3A_46] : memref<1x128xf32, #tpu.memory_space<vmem>>, vector<1x128xf32>
      %add3A_48 = vector.broadcast %get3A_47 : vector<1x128xf32> to vector<128x128xf32>
      %add3A_49 = arith.addf %dot_general3A_44, %add3A_48 : vector<128x128xf32>
      %max3A_50 = arith.constant 0.000000e+00 : f32
      %max3A_51 = vector.broadcast %max3A_50 : f32 to vector<128x128xf32>
      %max3A_52 = arith.maximumf %add3A_49, %max3A_51 : vector<128x128xf32>
      %get3A_53 = arith.constant 0 : index
      %get3A_54 = arith.constant 0 : index
      %get3A_55 = vector.load %arg5[%get3A_53, %get3A_54] : memref<64x128xf32, #tpu.memory_space<vmem>>, vector<64x128xf32>
      %dot_general3A_56 = arith.constant dense<0.000000e+00> : vector<128x64xf32>
      %dot_general3A_57 = tpu.matmul %max3A_52, %get3A_55, %dot_general3A_56 {dimension_numbers = #tpu.dot_dimension_numbers<[1], [1], [0], [0], [0, 0, 1, 0], [], []>, transpose_lhs_hint = false} : vector<128x128xf32>, vector<64x128xf32>, vector<128x64xf32> -> vector<128x64xf32>
      %get3A_58 = arith.constant 0 : index
      %get3A_59 = arith.constant 0 : index
      %get3A_60 = vector.load %arg6[%get3A_58, %get3A_59] : memref<1x64xf32, #tpu.memory_space<vmem>>, vector<1x64xf32>
      %add3A_61 = vector.broadcast %get3A_60 : vector<1x64xf32> to vector<128x64xf32>
      %add3A_62 = arith.addf %dot_general3A_57, %add3A_61 : vector<128x64xf32>
      %max3A_63 = arith.constant 0.000000e+00 : f32
      %max3A_64 = vector.broadcast %max3A_63 : f32 to vector<128x64xf32>
      %max3A_65 = arith.maximumf %add3A_62, %max3A_64 : vector<128x64xf32>
      %get3A_66 = arith.constant 0 : index
      %get3A_67 = arith.constant 0 : index
      %get3A_68 = vector.load %arg7[%get3A_66, %get3A_67] : memref<64x64xf32, #tpu.memory_space<vmem>>, vector<64x64xf32>
      %dot_general3A_69 = arith.constant dense<0.000000e+00> : vector<128x64xf32>
      %dot_general3A_70 = tpu.matmul %max3A_65, %get3A_68, %dot_general3A_69 {dimension_numbers = #tpu.dot_dimension_numbers<[1], [1], [0], [0], [0, 0, 1, 0], [], []>, transpose_lhs_hint = false} : vector<128x64xf32>, vector<64x64xf32>, vector<128x64xf32> -> vector<128x64xf32>
      %get3A_71 = arith.constant 0 : index
      %get3A_72 = arith.constant 0 : index
      %get3A_73 = vector.load %arg8[%get3A_71, %get3A_72] : memref<1x64xf32, #tpu.memory_space<vmem>>, vector<1x64xf32>
      %add3A_74 = vector.broadcast %get3A_73 : vector<1x64xf32> to vector<128x64xf32>
      %add3A_75 = arith.addf %dot_general3A_70, %add3A_74 : vector<128x64xf32>
      %max3A_76 = arith.constant 0.000000e+00 : f32
      %max3A_77 = vector.broadcast %max3A_76 : f32 to vector<128x64xf32>
      %max3A_78 = arith.maximumf %add3A_75, %max3A_77 : vector<128x64xf32>
      %get3A_79 = arith.constant 0 : index
      %get3A_80 = arith.constant 0 : index
      %get3A_81 = vector.load %arg9[%get3A_79, %get3A_80] : memref<1x64xf32, #tpu.memory_space<vmem>>, vector<1x64xf32>
      %dot_general3A_82 = arith.constant dense<0.000000e+00> : vector<1x128xf32>
      %dot_general3A_83 = tpu.matmul %get3A_81, %max3A_78, %dot_general3A_82 {dimension_numbers = #tpu.dot_dimension_numbers<[1], [1], [0], [0], [0, 0, 1, 0], [], []>, transpose_lhs_hint = false} : vector<1x64xf32>, vector<128x64xf32>, vector<1x128xf32> -> vector<1x128xf32>
      %get3A_84 = arith.constant 0 : index
      %get3A_85 = arith.constant 0 : index
      %get3A_86 = vector.load %arg10[%get3A_84, %get3A_85] : memref<1x1xf32, #tpu.memory_space<vmem>>, vector<1x1xf32>
      %add3A_87 = vector.broadcast %get3A_86 : vector<1x1xf32> to vector<1x128xf32>
      %add3A_88 = arith.addf %dot_general3A_83, %add3A_87 : vector<1x128xf32>
      %swap3A_89 = arith.constant 0 : index
      %swap3A_90 = arith.constant 0 : index
      %swap3A_91 = vector.load %arg11[%swap3A_89, %swap3A_90] : memref<1x128xf32, #tpu.memory_space<vmem>>, vector<1x128xf32>
      tpu.vector_store %arg11[%swap3A_89, %swap3A_90], %add3A_88 {strides = array<i32>} : memref<1x128xf32, #tpu.memory_space<vmem>>, vector<1x128xf32>,
    } else {
    }
    return
  }
  func.func @transform_0(%arg0: i32) -> (i32, i32) {
    %c0_i32 = arith.constant 0 : i32
    %c0_i32_0 = arith.constant 0 : i32
    return %arg0, %c0_i32 : i32, i32
  }
  func.func @transform_1(%arg0: i32) -> (i32, i32) {
    %c0_i32 = arith.constant 0 : i32
    %c0_i32_0 = arith.constant 0 : i32
    return %arg0, %c0_i32 : i32, i32
  }
  func.func @transform_2(%arg0: i32) -> (i32, i32) {
    %c0_i32 = arith.constant 0 : i32
    %c0_i32_0 = arith.constant 0 : i32
    %c0_i32_1 = arith.constant 0 : i32
    return %c0_i32, %c0_i32_0 : i32, i32
  }
  func.func @transform_3(%arg0: i32) -> (i32, i32) {
    %c0_i32 = arith.constant 0 : i32
    %c0_i32_0 = arith.constant 0 : i32
    %c0_i32_1 = arith.constant 0 : i32
    return %c0_i32, %c0_i32_0 : i32, i32
  }
  func.func @transform_4(%arg0: i32) -> (i32, i32) {
    %c0_i32 = arith.constant 0 : i32
    %c0_i32_0 = arith.constant 0 : i32
    %c0_i32_1 = arith.constant 0 : i32
    return %c0_i32, %c0_i32_0 : i32, i32
  }
  func.func @transform_5(%arg0: i32) -> (i32, i32) {
    %c0_i32 = arith.constant 0 : i32
    %c0_i32_0 = arith.constant 0 : i32
    %c0_i32_1 = arith.constant 0 : i32
    return %c0_i32, %c0_i32_0 : i32, i32
  }
  func.func @transform_6(%arg0: i32) -> (i32, i32) {
    %c0_i32 = arith.constant 0 : i32
    %c0_i32_0 = arith.constant 0 : i32
    %c0_i32_1 = arith.constant 0 : i32
    return %c0_i32, %c0_i32_0 : i32, i32
  }
  func.func @transform_7(%arg0: i32) -> (i32, i32) {
    %c0_i32 = arith.constant 0 : i32
    %c0_i32_0 = arith.constant 0 : i32
    %c0_i32_1 = arith.constant 0 : i32
    return %c0_i32, %c0_i32_0 : i32, i32
  }
  func.func @transform_8(%arg0: i32) -> (i32, i32) {
    %c0_i32 = arith.constant 0 : i32
    %c0_i32_0 = arith.constant 0 : i32
    %c0_i32_1 = arith.constant 0 : i32
    return %c0_i32, %c0_i32_0 : i32, i32
  }
  func.func @transform_9(%arg0: i32) -> (i32, i32) {
    %c0_i32 = arith.constant 0 : i32
    %c0_i32_0 = arith.constant 0 : i32
    %c0_i32_1 = arith.constant 0 : i32
    return %c0_i32, %c0_i32_0 : i32, i32
  }
  func.func @transform_10(%arg0: i32) -> (i32, i32) {
    %c0_i32 = arith.constant 0 : i32
    %c0_i32_0 = arith.constant 0 : i32
    %c0_i32_1 = arith.constant 0 : i32
    return %c0_i32, %c0_i32_0 : i32, i32
  }
}

</mosaic_0001>

<sc_bundles>
// kernel: kernel.12.cloned.1.call-start
scs
__scs_entry_jumppad:
0x0: {  	(pc) =	sbr.rel $0x88, $3  }
0x1: {  	(tag) =	ssettag $0x0;
	lr =	simm.s32 $0x1  }
0x2: {  	[smem:$0x3F8A] =	sst lr;
	_ =	strace $0xD0000000  }
0x3: {  	_ = 	snop  }
0x4: {  	_ = 	snop  }
0x5: {  	_ = 	snop  }
0x6: {  	_ = 	snop  }
0x7: {  	_ = 	snop  }
__scs_overlays_trampoline_lowered:
0x8: {  	[smem:$0x3F99] =	sst s0  }
0x9: {  	[smem:$0x3F9A] =	sst s1  }
0xa: {  	[smem:$0x3F9B] =	sst s2  }
0xb: {  	[smem:$0x3F9C] =	sst s3  }
0xc: {  	[smem:$0x3F9D] =	sst s4  }
0xd: {  	[smem:$0x3F9E] =	sst s5  }
0xe: {  	[smem:$0x3F9F] =	sst s6  }
0xf: {  	[smem:$0x3FA0] =	sst s7  }
0x10: {  	[smem:$0x3FA1] =	sst s8  }
0x11: {  	[smem:$0x3FA2] =	sst s9;
	s0 =	simm.s32 @!p0 $0x0  }
0x12: {  	s1 =	sld [smem:$0x3F88];
	s0 =	simm.s32 @p0 $0x1  }
0x13: {  	[smem:$0x3FA3] =	sst s0;
	s0 =	simm.s32 @!p1 $0x0  }
0x14: {  	s2 =	sld [smem:$0x3F87];
	s0 =	simm.s32 @p1 $0x1  }
0x15: {  	[smem:$0x3FA4] =	sst s0;
	s0 =	simm.s32 @!p2 $0x0  }
0x16: {  	s3 =	sld [smem:$0x3FDB];
	s0 =	simm.s32 @p2 $0x1  }
0x17: {  	s4 =	simm.s32 $0x1BF5;
	[smem:$0x3FA6] =	sst s0  }
0x18: {  	s0 =	sld [smem:$0x3F89];
	_ =	swait.ge [sflag:s4], $0x0  }
0x19: {  	s7 =	sld [smem:$0x3F8A]  }
0x1a: {  	s8 =	sadd.s32 $0xFFFFE003, lr  }
0x1b: {  	s9 =	sadd.s32 $0xFFFFFEF7, lr;
	s5 =	simm.s32 $0xFFFFFFFF;
	p2 =	slt.u32 s8, $0xFFFFF086  }
0x1c: {  	p1 =	slt.u32 s9, $0xF7A;
	s5 =	simm.s32 @!p2 $0x0  }
0x1d: {  	s5 =	simm.s32 @p1 $0x1;
	p0 =	seq.s32 s7, s2  }
0x1e: {  	s7 =	smul.u32 @!p0 $0xF7A, s2;
	p2 =	seq.s32 @!p0 s5, $0x0  }
0x1f: {  	s9 =	smul.u32 $0xF7A, s1;
	s8 =	simm.s32 @!p0 $0x1BF5;
	p2 =	por !p2, p0  }
0x20: {  	[sflag:s8] =	ssyncset.s32 @!p0 $0xFFFFF086;
	s6 =	sadd.s32 @!p0 s3, s7;
	s7 =	simm.s32 @!p0 $0x108  }
0x21: {  	s3 =	sadd.s32 s3, s9;
	s6 =	sadd.s32 @!p0 $0x88, s6;
	s7 =	simm.s32 @p2 $0x1082  }
0x22: {  	[simem:s7], [sflag:s8] =	dma.local @!p0 [hbm:s6], $0xF7A  }
0x23: {  	s9 =	sor.u32 $0xD0000000, s2;
	s6 =	simm.s32 $0x108;
	_ =	swait.ge @!p0 [sflag:s8], $0x0  }
0x24: {  	s3 =	sadd.s32 $0x88, s3;
	s6 =	simm.s32 @!p1 $0x1082;
	[sflag:s4] =	ssyncset.s32 $0xFFFFF086  }
0x25: {  	[simem:s6], [sflag:s4] =	dma.local [hbm:s3], $0xF7A  }
0x26: {  	[smem:$0x3F8A] =	sst s1;
	(tag) =	ssettag s2;
	_ =	strace s9  }
0x27: {  	s1 =	sld [smem:$0x3F9A]  }
0x28: {  	s2 =	sld [smem:$0x3F9B]  }
0x29: {  	s4 =	sld [smem:$0x3F9D]  }
0x2a: {  	p0 =	seq.s32 s5, $0x0;
	s5 =	sld [smem:$0x3F9E]  }
0x2b: {  	s6 =	sld [smem:$0x3F9F]  }
0x2c: {  	s7 =	sld [smem:$0x3FA0]  }
0x2d: {  	s3 =	simm.s32 $0x108;
	s8 =	sld [smem:$0x3FA1]  }
0x2e: {  	s3 =	simm.s32 @!p0 $0x1082;
	s9 =	sld [smem:$0x3FA2]  }
0x2f: {  	lr =	sadd.s32 s0, s3;
	s0 =	sld [smem:$0x3F99]  }
0x30: {  	s3 =	sld [smem:$0x3F9C]  }
0x31: {  	[smem:$0x3FA5] =	sst s10  }
0x32: {  	s10 =	sld [smem:$0x3FA3];
	_ =	sdelay $0x3  }
0x33: {  	p0 =	seq.s32 s10, $0x1;
	s10 =	sld [smem:$0x3FA5];
	_ =	sdelay $0x3  }
0x34: {  	[smem:$0x3FA5] =	sst s10  }
0x35: {  	s10 =	sld [smem:$0x3FA4];
	_ =	sdelay $0x3  }
0x36: {  	p1 =	seq.s32 s10, $0x1;
	s10 =	sld [smem:$0x3FA5];
	_ =	sdelay $0x3  }
0x37: {  	[smem:$0x3FA5] =	sst s10  }
0x38: {  	s10 =	sld [smem:$0x3FA6]  }
0x39: {  	_ = 	snop;
	(pc) =	sbr.ind lr, $3  }
0x3a: {  	_ = 	snop  }
0x3b: {  	_ = 	snop  }
0x3c: {  	p2 =	seq.s32 s10, $0x1;
	s10 =	sld [smem:$0x3FA5]  }
0x3d: {  	_ =	shalt  }
0x3e: {  	_ =	shalt  }
0x3f: {  	_ =	shalt  }
0x40: {  	_ =	shalt  }
0x41: {  	_ =	shalt  }
0x42: {  	_ =	shalt  }
0x43: {  	_ =	shalt  }
0x44: {  	_ =	shalt  }
0x45: {  	_ =	shalt  }
0x46: {  	_ =	shalt  }
0x47: {  	_ =	shalt  }
0x48: {  	_ =	shalt  }
0x49: {  	_ =	shalt  }
0x4a: {  	_ =	shalt  }
0x4b: {  	_ =	shalt  }
0x4c: {  	_ =	shalt  }
0x4d: {  	_ =	shalt  }
0x4e: {  	_ =	shalt  }
0x4f: {  	_ =	shalt  }
0x50: {  	_ =	shalt  }
0x51: {  	_ =	shalt  }
0x52: {  	_ =	shalt  }
0x53: {  	_ =	shalt  }
0x54: {  	_ =	shalt  }
0x55: {  	_ =	shalt  }
0x56: {  	_ =	shalt  }
0x57: {  	_ =	shalt  }
0x58: {  	_ =	shalt  }
0x59: {  	_ =	shalt  }
0x5a: {  	_ =	shalt  }
0x5b: {  	_ =	shalt  }
0x5c: {  	_ =	shalt  }
0x5d: {  	_ =	shalt  }
0x5e: {  	_ =	shalt  }
0x5f: {  	_ =	shalt  }
0x60: {  	_ =	shalt  }
0x61: {  	_ =	shalt  }
0x62: {  	_ =	shalt  }
0x63: {  	_ =	shalt  }
0x64: {  	_ =	shalt  }
0x65: {  	_ =	shalt  }
0x66: {  	_ =	shalt  }
0x67: {  	_ =	shalt  }
0x68: {  	_ =	shalt  }
0x69: {  	_ =	shalt  }
0x6a: {  	_ =	shalt  }
0x6b: {  	_ =	shalt  }
0x6c: {  	_ =	shalt  }
0x6d: {  	_ =	shalt  }
0x6e: {  	_ =	shalt  }
0x6f: {  	_ =	shalt  }
0x70: {  	_ =	shalt  }
0x71: {  	_ =	shalt  }
0x72: {  	_ =	shalt  }
0x73: {  	_ =	shalt  }
0x74: {  	_ =	shalt  }
0x75: {  	_ =	shalt  }
0x76: {  	_ =	shalt  }
0x77: {  	_ =	shalt  }
0x78: {  	_ =	shalt  }
0x79: {  	_ =	shalt  }
0x7a: {  	_ =	shalt  }
0x7b: {  	_ =	shalt  }
0x7c: {  	_ =	shalt  }
0x7d: {  	_ =	shalt  }
0x7e: {  	_ =	shalt  }
0x7f: {  	_ =	shalt  }
0x80: {  	_ =	shalt  }
0x81: {  	_ =	shalt  }
0x82: {  	_ =	shalt  }
0x83: {  	_ =	shalt  }
0x84: {  	_ =	shalt  }
0x85: {  	_ =	shalt  }
0x86: {  	_ =	shalt  }
0x87: {  	_ =	shalt  }
.Lfunc_end0:
.L_simem_size_0:
called_computation_lowered:
.L_overlay_start_0:
0x88: {  	s2 =	sld [smem:$0x3FD9]  }
0x89: {  	s3 =	sld [smem:$0x3FFE];
	_ =	sdelay $0x1  }
0x8a: {  	s1 =	srdreg.scid  }
0x8b: {  	s0 =	sand.u32 $0x1, s1  }
0x8c: {  	s16 =	sshll.u32 s0, $0xA;
	s2 =	sadd.s32 s3, s2  }
0x8d: {  	s2 =	sadd.s32 s2, s16  }
0x8e: {  	[smem:$0x3FB1] =	sst s2  }
0x8f: {  	_ = 	snop  }
0x90: {  	(tm) =	ssettm $0x1  }
0x91: {  	s17 =	sld [smem:$0x3FFB];
	_ =	sdelay $0x3  }
0x92: {  	_ =	strace s17  }
0x93: {  	s2 =	sld [smem:$0x3FFC];
	_ =	sdelay $0x3  }
0x94: {  	_ =	strace s2  }
0x95: {  	s2 =	sld [smem:$0x3FFD];
	_ =	sdelay $0x3  }
0x96: {  	_ =	strace s2  }
0x97: {  	_ =	strace $0x8FFFFFFF  }
0x98: {  	s18 =	sld [smem:$0x3FDB];
	_ =	sdelay $0x1  }
0x99: {  	s19 =	simm.s32 $_scs_section_size  }
0x9a: {  	s4 =	simm.s32 $_size__tile_overlayer_lowered;
	s5 =	simm.s32 $_tile_overlayer_lowered  }
0x9b: {  	s22 =	simm.s32 $0x1BFF;
	s21 =	sshll.u32 s5, $0x1;
	s2 =	sadd.s32 s19, s18  }
0x9c: {  	s6 =	simm.s32 $0x0;
	s20 =	sshll.u32 s4, $0x1;
	s4 =	sadd.s32 s21, s2  }
0x9d: {  	[timem:s6], [sflag:s22] =	dma.local [hbm:s4], s20  }
0x9e: {  	_ =	swait.ge [sflag:s22], s20  }
0x9f: {  	s3 =	ssub.s32 $0x0, s20;
	[sflag:s22] =	ssyncset.done $0x0  }
0xa0: {  	[sflag:s22] =	ssyncadd.s32 s3;
	_ =	sdelay $0x1  }
0xa1: {  	s23 =	simm.s32 $0x1B8B  }
0xa2: {  	_ =	swait.ge [sflag:s23], $0x1  }
0xa3: {  	[sflag:s23] =	ssyncset.done $0x0  }
0xa4: {  	s25 =	simm.s32 $0x1B8E;
	s24 =	sld [smem:$0x3FFE];
	[sflag:s23] =	ssyncadd.s32 $0xFFFFFFFF  }
0xa5: {  	s26 =	simm.s32 $execute0_lowered;
	[smem:$0x3FD2] =	sst s25  }
0xa6: {  	s4 =	sshll.u32 s26, $0x1;
	_ =	strace $0x80000046;
	[dreg:$0x1] =	wrdreg $0xFFFFFFFF  }
0xa7: {  	s28 =	simm.s32 $_size_execute0_lowered;
	s2 =	sadd.s32 s2, s4;
	[dreg:$0x0] =	wrdreg $0x0  }
0xa8: {  	s4 =	sshll.u32 s28, $0x1;
	[dreg:$0x2] =	wrdreg s2  }
0xa9: {  	[dreg:$0x3] =	wrdreg s4  }
0xaa: {  	[dreg:$0x4] =	wrdreg $0xC0  }
0xab: {  	_ =	task [dreg:s6], $0x5FFFF  }
0xac: {  	[dreg:$0x1] =	wrdreg $0xFFFFFFFF  }
0xad: {  	[dreg:$0x0] =	wrdreg $0x60  }
0xae: {  	[dreg:$0x2] =	wrdreg s24  }
0xaf: {  	[dreg:$0x3] =	wrdreg $0x68000  }
0xb0: {  	[dreg:$0x4] =	wrdreg $0x9  }
0xb1: {  	_ =	task.clear_ibuf [dreg:s6], $0x5FFFF;
	_ =	strace $0x90000046  }
0xb2: {  	s29 =	simm.s32 $0x9;
	_ =	strace $0x80000048  }
0xb3: {  	_ =	swait.ge [sflag:s29], $0x1  }
0xb4: {  	[sflag:s29] =	ssyncadd.s32 $0xFFFFFFFF  }
0xb5: {  	_ =	strace $0x90000048  }
0xb6: {  	_ =	sfence  }
0xb7: {  	s30 =	sld [smem:$0x0];
	_ =	sdelay $0x2  }
0xb8: {  	s31 =	sshll.u32 s1, $0xD;
	s1 =	sshrl.u32 s1, $0x2  }
0xb9: {  	s3 =	sand.u32 $0x4000, s31;
	s1 =	sadd.s32 s1, s30  }
0xba: {  	s0 =	sor.u32 s3, s0;
	s1 =	sshll.u32 s1, $0x11  }
0xbb: {  	s0 =	sor.u32 s1, s0  }
0xbc: {  	s0 =	sadd.s32 $0x8F2B, s0  }
0xbd: {  	[sflag:s0] =	ssyncadd.remote.s32 $0x1  }
0xbe: {  	_ =	sfence.sel $0xFFFF  }
0xbf: {  	[dreg:$0x0] =	wrdreg $0xFFFFFFFF;
	(pc) =	sbr.abs _section_cstart, $3  }
0xc0: {  	[dreg:$0x1] =	wrdreg $0xFFFFFFFF  }
0xc1: {  	_ =	task.clear_ibuf [dreg:s6], $0x2FFFF;
	_ =	strace $0x9FFFFFFF  }
0xc2: {  	(tm) =	ssettm $0x7FFFFFFF  }
0xc3: {  	_ =	shalt  }
tec
execute0_lowered:
.L_overlay_start_1:
0x0: {  	(tag) =	ssettag $0x1  }
0x1: {  	s1 =	srdreg.scid;
	s6 =	rddreg [dreg:$0x0]  }
0x2: {  	s0 =	stileid.u32;
	s2 =	rddreg [dreg:$0x1];
	s3 =	simm.s32 $0x0  }
0x3: {  	s18 =	simm.s32 $0x2800;
	s19 =	simm.s32 $0x1;
	s20 =	simm.s32 $0x80  }
0x4: {  	s21 =	simm.s32 $0x0;
	s7 =	sand.u32 $0x1, s1;
	s8 =	smul.u32 $0x280, s0  }
0x5: {  	s30 =	sshll.u32 s0, $0x1;
	s1 =	rddreg [dreg:$0x2];
	s10 =	smul.u32 $0x50000, s0  }
0x6: {  	[smem:$0x7FF] =	sst s3;
	s4 =	sor.u32 s7, s30;
	s9 =	smul.u32 $0x2800, s7  }
0x7: {  	s5 =	sadd.s32 $0x10A00, s6;
	s7 =	ssub.s32 $0x2, s7;
	s4 =	smul.u32 $0x500, s4  }
0x8: {  	_ =	strace $0x80000047;
	s31 =	sshrl.u32 s7, $0x1;
	s10 =	sshrl.u32 s10, $0x2  }
0x9: {  	s8 =	sadd.s32 s8, s9;
	s17 =	ssub.s32 s7, s31;
	s11 =	sadd.s32 s4, s6  }
0xa: {  	s4 =	sadd.s32 $0x11200, s6;
	s8 =	sshll.u32 s8, $0x4;
	s17 =	smax.u32 s17, $0x1  }
0xb: {  	s16 =	sadd.s32 s8, s6;
	s6 =	sadd.s32 s10, s2;
	s11 =	sadd.s32 $0x6A00, s11  }
0xc: {  	s7 =	sadd.s32 $0x4000, s6;
	s8 =	sadd.s32 $0x8000, s6;
	s9 =	sadd.s32 $0xC000, s6  }
0xd: {  	s10 =	sadd.s32 $0x10000, s6;
	s12 =	sadd.s32 $0x11A00, s16;
	s13 =	sadd.s32 $0x12200, s16  }
0xe: {  	s14 =	sadd.s32 $0x12A00, s16;
	s15 =	sadd.s32 $0x13200, s16;
	s16 =	sadd.s32 $0x13A00, s16  }
.LBB2_1:
0xf: {  	[tilespmem:s18], [sflag:$0x1] =	stream.linear.gather [hbm4b:s4+s3], $0x4000, $0x38;
	[tilespmem:$0x1A800] =	vst v63  }
0x10: {  	_ =	swait.ge [sflag:s19], $0x4000  }
0x11: {  	[sflag:s19] =	ssyncset.done $0x0  }
0x12: {  	[sflag:s19] =	ssyncadd.s32 $0xFFFFC000  }
0x13: {  	[spmem:s6] =	stream.linear.scatter [tilespmem:s18], [sflag:$0x1], $0x4000, $0x38;
	[tilespmem:$0x1A800] =	vst v63  }
0x14: {  	_ =	swait.ge [sflag:s19], $0x4000  }
0x15: {  	[sflag:s19] =	ssyncset.done $0x0  }
0x16: {  	[sflag:s19] =	ssyncadd.s32 $0xFFFFC000  }
0x17: {  	[spmem:s7] =	stream.linear.scatter [tilespmem:s18], [sflag:$0x1], $0x4000, $0x38;
	[tilespmem:$0x1A800] =	vst v63  }
0x18: {  	_ =	swait.ge [sflag:s19], $0x4000  }
0x19: {  	[sflag:s19] =	ssyncset.done $0x0  }
0x1a: {  	[sflag:s19] =	ssyncadd.s32 $0xFFFFC000  }
0x1b: {  	[spmem:s8] =	stream.linear.scatter [tilespmem:s18], [sflag:$0x1], $0x4000, $0x38;
	[tilespmem:$0x1A800] =	vst v63  }
0x1c: {  	_ =	swait.ge [sflag:s19], $0x4000  }
0x1d: {  	[sflag:s19] =	ssyncset.done $0x0  }
0x1e: {  	[sflag:s19] =	ssyncadd.s32 $0xFFFFC000  }
0x1f: {  	[spmem:s9] =	stream.linear.scatter [tilespmem:s18], [sflag:$0x1], $0x4000, $0x38;
	[tilespmem:$0x1A800] =	vst v63  }
0x20: {  	_ =	swait.ge [sflag:s19], $0x4000  }
0x21: {  	[sflag:s19] =	ssyncset.done $0x0  }
0x22: {  	[sflag:s19] =	ssyncadd.s32 $0xFFFFC000  }
0x23: {  	[spmem:s10] =	stream.linear.scatter [tilespmem:s18], [sflag:$0x1], $0x4000, $0x38;
	[tilespmem:$0x1A800] =	vst v63  }
0x24: {  	_ =	swait.ge [sflag:s19], $0x4000  }
0x25: {  	[sflag:s19] =	ssyncset.done $0x0  }
0x26: {  	[sflag:s19] =	ssyncadd.s32 $0xFFFFC000  }
0x27: {  	[tilespmem:s18], [sflag:$0x1] =	stream.linear.gather [hbm4b:s5+s3], $0x4000, $0x38;
	[tilespmem:$0x1A800] =	vst v63  }
0x28: {  	_ =	swait.ge [sflag:s19], $0x4000  }
0x29: {  	[sflag:s19] =	ssyncset.done $0x0  }
0x2a: {  	[sflag:s19] =	ssyncadd.s32 $0xFFFFC000  }
0x2b: {  	[tilespmem:s3], [sflag:$0x1] =	stream.linear.gather [hbm4b:s11+s3], $0x2800, $0x38;
	[tilespmem:$0x1A800] =	vst v63  }
0x2c: {  	_ =	swait.ge [sflag:s19], $0x2800  }
0x2d: {  	[sflag:s19] =	ssyncset.done $0x0  }
0x2e: {  	[sflag:s19] =	ssyncadd.s32 $0xFFFFD800  }
0x2f: {  	s22 =	simm.s32 $0x0;
	[bflag:$0x0] =	sbarrier.arrive $0xFFFF  }
0x30: {  	[spmem:s2] =	stream.indirect.scatter.add.f32 [tilespmem:s18], [sflag:$0x1], $0x80, s22, s20, $0xb8;
	[tilespmem:$0x1A800] =	vst v63  }
0x31: {  	_ =	swait.ge [sflag:s19], $0x4000  }
0x32: {  	s22 =	simm.s32 $0x200;
	[sflag:s19] =	ssyncset.done $0x0  }
.LBB2_2:
0x33: {  	s23 =	sshra.s32 s22, $0x2;
	[sflag:s19] =	ssyncadd.s32 $0xFFFFC000;
	p0 =	sne.s32 s22, $0x9E00  }
0x34: {  	[spmem:s2] =	stream.indirect.scatter.add.f32 [tilespmem:s18], [sflag:$0x1], $0x80, s23, s20, $0xb8;
	[tilespmem:$0x1A800] =	vst v63  }
.Ltmp0:
0x35: {  	_ = 	snop;
	(pc) =	sbr.rel @p0 .LBB2_2-.Ltmp0, $4  }
0x36: {  	_ = 	snop  }
0x37: {  	s22 =	sadd.s32 $0x200, s22  }
0x38: {  	_ =	swait.ge [sflag:s19], $0x4000  }
0x39: {  	[sflag:s19] =	ssyncset.done $0x0  }
0x3a: {  	[sflag:s19] =	ssyncadd.s32 $0xFFFFC000  }
0x3b: {  	[bflag:$0x0] =	sbarrier.arrive $0xFFFF  }
0x3c: {  	[tilespmem:s18], [sflag:$0x1] =	stream.linear.gather [spmem:s6], $0x4000, $0x38;
	[tilespmem:$0x1A800] =	vst v63  }
0x3d: {  	_ =	swait.ge [sflag:s19], $0x4000  }
0x3e: {  	[sflag:s19] =	ssyncset.done $0x0  }
0x3f: {  	[sflag:s19] =	ssyncadd.s32 $0xFFFFC000  }
0x40: {  	[hbm4b:s12+s3] =	stream.linear.scatter [tilespmem:s18], [sflag:$0x1], $0x4000, $0x38;
	[tilespmem:$0x1A800] =	vst v63  }
0x41: {  	_ =	swait.ge [sflag:s19], $0x4000  }
0x42: {  	[sflag:s19] =	ssyncset.done $0x0  }
0x43: {  	[sflag:s19] =	ssyncadd.s32 $0xFFFFC000  }
0x44: {  	[tilespmem:s18], [sflag:$0x1] =	stream.linear.gather [spmem:s7], $0x4000, $0x38;
	[tilespmem:$0x1A800] =	vst v63  }
0x45: {  	_ =	swait.ge [sflag:s19], $0x4000  }
0x46: {  	[sflag:s19] =	ssyncset.done $0x0  }
0x47: {  	[sflag:s19] =	ssyncadd.s32 $0xFFFFC000  }
0x48: {  	[hbm4b:s13+s3] =	stream.linear.scatter [tilespmem:s18], [sflag:$0x1], $0x4000, $0x38;
	[tilespmem:$0x1A800] =	vst v63  }
0x49: {  	_ =	swait.ge [sflag:s19], $0x4000  }
0x4a: {  	[sflag:s19] =	ssyncset.done $0x0  }
0x4b: {  	[sflag:s19] =	ssyncadd.s32 $0xFFFFC000  }
0x4c: {  	[tilespmem:s18], [sflag:$0x1] =	stream.linear.gather [spmem:s8], $0x4000, $0x38;
	[tilespmem:$0x1A800] =	vst v63  }
0x4d: {  	_ =	swait.ge [sflag:s19], $0x4000  }
0x4e: {  	[sflag:s19] =	ssyncset.done $0x0  }
0x4f: {  	[sflag:s19] =	ssyncadd.s32 $0xFFFFC000  }
0x50: {  	[hbm4b:s14+s3] =	stream.linear.scatter [tilespmem:s18], [sflag:$0x1], $0x4000, $0x38;
	[tilespmem:$0x1A800] =	vst v63  }
0x51: {  	_ =	swait.ge [sflag:s19], $0x4000  }
0x52: {  	[sflag:s19] =	ssyncset.done $0x0  }
0x53: {  	[sflag:s19] =	ssyncadd.s32 $0xFFFFC000  }
0x54: {  	[tilespmem:s18], [sflag:$0x1] =	stream.linear.gather [spmem:s9], $0x4000, $0x38;
	[tilespmem:$0x1A800] =	vst v63  }
0x55: {  	_ =	swait.ge [sflag:s19], $0x4000  }
0x56: {  	[sflag:s19] =	ssyncset.done $0x0  }
0x57: {  	[sflag:s19] =	ssyncadd.s32 $0xFFFFC000  }
0x58: {  	[hbm4b:s15+s3] =	stream.linear.scatter [tilespmem:s18], [sflag:$0x1], $0x4000, $0x38;
	[tilespmem:$0x1A800] =	vst v63  }
0x59: {  	_ =	swait.ge [sflag:s19], $0x4000  }
0x5a: {  	[sflag:s19] =	ssyncset.done $0x0  }
0x5b: {  	[sflag:s19] =	ssyncadd.s32 $0xFFFFC000  }
0x5c: {  	[tilespmem:s18], [sflag:$0x1] =	stream.linear.gather [spmem:s10], $0x4000, $0x38;
	[tilespmem:$0x1A800] =	vst v63  }
0x5d: {  	s21 =	sadd.s32 $0x1, s21;
	_ =	swait.ge [sflag:s19], $0x4000  }
0x5e: {  	p0 =	sne.s32 s21, s17;
	[sflag:s19] =	ssyncset.done $0x0  }
.Ltmp1:
0x5f: {  	[sflag:s19] =	ssyncadd.s32 $0xFFFFC000;
	(pc) =	sbr.rel @p0 .LBB2_1-.Ltmp1, $4  }
0x60: {  	[hbm4b:s16+s3] =	stream.linear.scatter [tilespmem:s18], [sflag:$0x1], $0x4000, $0x38;
	[tilespmem:$0x1A800] =	vst v63  }
0x61: {  	_ =	swait.ge [sflag:s19], $0x4000  }
0x62: {  	[sflag:s19] =	ssyncset.done $0x0  }
0x63: {  	[sflag:s19] =	ssyncadd.s32 $0xFFFFC000  }
0x64: {  	_ =	sfence.sel $0x180000  }
0x65: {  	[bflag:$0x0] =	sbarrier.arrive $0xFFFF  }
0x66: {  	p0 =	sne.s32 s0, $0x0;
	_ =	strace $0x90000047  }
0x67: {  	s0 =	sadd.s32 @!p0 $0x100000, s1;
	[bflag:$0x2] =	sbarrier.arrive $0xFFFF  }
0x68: {  	[sflag:s0] =	ssyncadd.tile.s32 @!p0 $0x1;
	_ =	shalt  }
.Lfunc_end2:
_tile_overlayer_lowered:
.L_overlay_start_2:
0x69: {  	(tag) =	ssettag $0x2  }
0x6a: {  	s0 =	rddreg [dreg:$0x0];
	s2 =	stileid.u32  }
0x6b: {  	s1 =	rddreg [dreg:$0x1];
	p0 =	sne.s32 s2, $0x0  }
0x6c: {  	s3 =	rddreg [dreg:$0x2];
	[bflag:$0x3] =	sbarrier.arrive $0xFFFF;
	s2 =	simm.s32 @!p0 $0x1C01  }
0x6d: {  	[timem:s3], [sflag:s2] =	dma.local @!p0 [hbm:s0], s1  }
0x6e: {  	s0 =	simm.s32 @!p0 $0x1  }
0x6f: {  	_ =	swait.ge @!p0 [sflag:s0], s1  }
0x70: {  	s1 =	ssub.s32 @!p0 $0x0, s1;
	[sflag:s0] =	ssyncset.done @!p0 $0x0  }
0x71: {  	[sflag:s0] =	ssyncadd.s32 @!p0 s1  }
0x72: {  	[bflag:$0x3] =	sbarrier.arrive $0xFFFF  }
0x73: {  	_ =	shalt  }

// kernel: kernel.15.cloned.1.call-start
scs
__scs_entry_jumppad:
0x0: {  	(pc) =	sbr.rel $0x88, $3  }
0x1: {  	(tag) =	ssettag $0x0;
	lr =	simm.s32 $0x1  }
0x2: {  	[smem:$0x3F8A] =	sst lr;
	_ =	strace $0xD0000000  }
0x3: {  	_ = 	snop  }
0x4: {  	_ = 	snop  }
0x5: {  	_ = 	snop  }
0x6: {  	_ = 	snop  }
0x7: {  	_ = 	snop  }
__scs_overlays_trampoline_lowered:
0x8: {  	[smem:$0x3F99] =	sst s0  }
0x9: {  	[smem:$0x3F9A] =	sst s1  }
0xa: {  	[smem:$0x3F9B] =	sst s2  }
0xb: {  	[smem:$0x3F9C] =	sst s3  }
0xc: {  	[smem:$0x3F9D] =	sst s4  }
0xd: {  	[smem:$0x3F9E] =	sst s5  }
0xe: {  	[smem:$0x3F9F] =	sst s6  }
0xf: {  	[smem:$0x3FA0] =	sst s7  }
0x10: {  	[smem:$0x3FA1] =	sst s8  }
0x11: {  	[smem:$0x3FA2] =	sst s9;
	s0 =	simm.s32 @!p0 $0x0  }
0x12: {  	s1 =	sld [smem:$0x3F88];
	s0 =	simm.s32 @p0 $0x1  }
0x13: {  	[smem:$0x3FA3] =	sst s0;
	s0 =	simm.s32 @!p1 $0x0  }
0x14: {  	s2 =	sld [smem:$0x3F87];
	s0 =	simm.s32 @p1 $0x1  }
0x15: {  	[smem:$0x3FA4] =	sst s0;
	s0 =	simm.s32 @!p2 $0x0  }
0x16: {  	s3 =	sld [smem:$0x3FDB];
	s0 =	simm.s32 @p2 $0x1  }
0x17: {  	s4 =	simm.s32 $0x1BF5;
	[smem:$0x3FA6] =	sst s0  }
0x18: {  	s0 =	sld [smem:$0x3F89];
	_ =	swait.ge [sflag:s4], $0x0  }
0x19: {  	s7 =	sld [smem:$0x3F8A]  }
0x1a: {  	s8 =	sadd.s32 $0xFFFFE003, lr  }
0x1b: {  	s9 =	sadd.s32 $0xFFFFFEF7, lr;
	s5 =	simm.s32 $0xFFFFFFFF;
	p2 =	slt.u32 s8, $0xFFFFF086  }
0x1c: {  	p1 =	slt.u32 s9, $0xF7A;
	s5 =	simm.s32 @!p2 $0x0  }
0x1d: {  	s5 =	simm.s32 @p1 $0x1;
	p0 =	seq.s32 s7, s2  }
0x1e: {  	s7 =	smul.u32 @!p0 $0xF7A, s2;
	p2 =	seq.s32 @!p0 s5, $0x0  }
0x1f: {  	s9 =	smul.u32 $0xF7A, s1;
	s8 =	simm.s32 @!p0 $0x1BF5;
	p2 =	por !p2, p0  }
0x20: {  	[sflag:s8] =	ssyncset.s32 @!p0 $0xFFFFF086;
	s6 =	sadd.s32 @!p0 s3, s7;
	s7 =	simm.s32 @!p0 $0x108  }
0x21: {  	s3 =	sadd.s32 s3, s9;
	s6 =	sadd.s32 @!p0 $0x88, s6;
	s7 =	simm.s32 @p2 $0x1082  }
0x22: {  	[simem:s7], [sflag:s8] =	dma.local @!p0 [hbm:s6], $0xF7A  }
0x23: {  	s9 =	sor.u32 $0xD0000000, s2;
	s6 =	simm.s32 $0x108;
	_ =	swait.ge @!p0 [sflag:s8], $0x0  }
0x24: {  	s3 =	sadd.s32 $0x88, s3;
	s6 =	simm.s32 @!p1 $0x1082;
	[sflag:s4] =	ssyncset.s32 $0xFFFFF086  }
0x25: {  	[simem:s6], [sflag:s4] =	dma.local [hbm:s3], $0xF7A  }
0x26: {  	[smem:$0x3F8A] =	sst s1;
	(tag) =	ssettag s2;
	_ =	strace s9  }
0x27: {  	s1 =	sld [smem:$0x3F9A]  }
0x28: {  	s2 =	sld [smem:$0x3F9B]  }
0x29: {  	s4 =	sld [smem:$0x3F9D]  }
0x2a: {  	p0 =	seq.s32 s5, $0x0;
	s5 =	sld [smem:$0x3F9E]  }
0x2b: {  	s6 =	sld [smem:$0x3F9F]  }
0x2c: {  	s7 =	sld [smem:$0x3FA0]  }
0x2d: {  	s3 =	simm.s32 $0x108;
	s8 =	sld [smem:$0x3FA1]  }
0x2e: {  	s3 =	simm.s32 @!p0 $0x1082;
	s9 =	sld [smem:$0x3FA2]  }
0x2f: {  	lr =	sadd.s32 s0, s3;
	s0 =	sld [smem:$0x3F99]  }
0x30: {  	s3 =	sld [smem:$0x3F9C]  }
0x31: {  	[smem:$0x3FA5] =	sst s10  }
0x32: {  	s10 =	sld [smem:$0x3FA3];
	_ =	sdelay $0x3  }
0x33: {  	p0 =	seq.s32 s10, $0x1;
	s10 =	sld [smem:$0x3FA5];
	_ =	sdelay $0x3  }
0x34: {  	[smem:$0x3FA5] =	sst s10  }
0x35: {  	s10 =	sld [smem:$0x3FA4];
	_ =	sdelay $0x3  }
0x36: {  	p1 =	seq.s32 s10, $0x1;
	s10 =	sld [smem:$0x3FA5];
	_ =	sdelay $0x3  }
0x37: {  	[smem:$0x3FA5] =	sst s10  }
0x38: {  	s10 =	sld [smem:$0x3FA6]  }
0x39: {  	_ = 	snop;
	(pc) =	sbr.ind lr, $3  }
0x3a: {  	_ = 	snop  }
0x3b: {  	_ = 	snop  }
0x3c: {  	p2 =	seq.s32 s10, $0x1;
	s10 =	sld [smem:$0x3FA5]  }
0x3d: {  	_ =	shalt  }
0x3e: {  	_ =	shalt  }
0x3f: {  	_ =	shalt  }
0x40: {  	_ =	shalt  }
0x41: {  	_ =	shalt  }
0x42: {  	_ =	shalt  }
0x43: {  	_ =	shalt  }
0x44: {  	_ =	shalt  }
0x45: {  	_ =	shalt  }
0x46: {  	_ =	shalt  }
0x47: {  	_ =	shalt  }
0x48: {  	_ =	shalt  }
0x49: {  	_ =	shalt  }
0x4a: {  	_ =	shalt  }
0x4b: {  	_ =	shalt  }
0x4c: {  	_ =	shalt  }
0x4d: {  	_ =	shalt  }
0x4e: {  	_ =	shalt  }
0x4f: {  	_ =	shalt  }
0x50: {  	_ =	shalt  }
0x51: {  	_ =	shalt  }
0x52: {  	_ =	shalt  }
0x53: {  	_ =	shalt  }
0x54: {  	_ =	shalt  }
0x55: {  	_ =	shalt  }
0x56: {  	_ =	shalt  }
0x57: {  	_ =	shalt  }
0x58: {  	_ =	shalt  }
0x59: {  	_ =	shalt  }
0x5a: {  	_ =	shalt  }
0x5b: {  	_ =	shalt  }
0x5c: {  	_ =	shalt  }
0x5d: {  	_ =	shalt  }
0x5e: {  	_ =	shalt  }
0x5f: {  	_ =	shalt  }
0x60: {  	_ =	shalt  }
0x61: {  	_ =	shalt  }
0x62: {  	_ =	shalt  }
0x63: {  	_ =	shalt  }
0x64: {  	_ =	shalt  }
0x65: {  	_ =	shalt  }
0x66: {  	_ =	shalt  }
0x67: {  	_ =	shalt  }
0x68: {  	_ =	shalt  }
0x69: {  	_ =	shalt  }
0x6a: {  	_ =	shalt  }
0x6b: {  	_ =	shalt  }
0x6c: {  	_ =	shalt  }
0x6d: {  	_ =	shalt  }
0x6e: {  	_ =	shalt  }
0x6f: {  	_ =	shalt  }
0x70: {  	_ =	shalt  }
0x71: {  	_ =	shalt  }
0x72: {  	_ =	shalt  }
0x73: {  	_ =	shalt  }
0x74: {  	_ =	shalt  }
0x75: {  	_ =	shalt  }
0x76: {  	_ =	shalt  }
0x77: {  	_ =	shalt  }
0x78: {  	_ =	shalt  }
0x79: {  	_ =	shalt  }
0x7a: {  	_ =	shalt  }
0x7b: {  	_ =	shalt  }
0x7c: {  	_ =	shalt  }
0x7d: {  	_ =	shalt  }
0x7e: {  	_ =	shalt  }
0x7f: {  	_ =	shalt  }
0x80: {  	_ =	shalt  }
0x81: {  	_ =	shalt  }
0x82: {  	_ =	shalt  }
0x83: {  	_ =	shalt  }
0x84: {  	_ =	shalt  }
0x85: {  	_ =	shalt  }
0x86: {  	_ =	shalt  }
0x87: {  	_ =	shalt  }
.Lfunc_end0:
.L_simem_size_0:
called_computation.1_lowered:
.L_overlay_start_0:
0x88: {  	s2 =	sld [smem:$0x3FD9]  }
0x89: {  	s3 =	sld [smem:$0x3FFE];
	_ =	sdelay $0x1  }
0x8a: {  	s1 =	srdreg.scid  }
0x8b: {  	s0 =	sand.u32 $0x1, s1  }
0x8c: {  	s17 =	sshll.u32 s0, $0xA;
	s2 =	sadd.s32 s3, s2  }
0x8d: {  	s2 =	sadd.s32 s2, s17  }
0x8e: {  	[smem:$0x3FB1] =	sst s2  }
0x8f: {  	_ = 	snop  }
0x90: {  	s2 =	sld [smem:$0x3FC9];
	(tm) =	ssettm $0x1  }
0x91: {  	s18 =	sld [smem:$0x3FFB];
	_ =	sdelay $0x3  }
0x92: {  	_ =	strace s18  }
0x93: {  	s3 =	sld [smem:$0x3FFC];
	_ =	sdelay $0x3  }
0x94: {  	_ =	strace s3  }
0x95: {  	s3 =	sld [smem:$0x3FFD];
	_ =	sdelay $0x3  }
0x96: {  	_ =	strace s3  }
0x97: {  	_ =	strace $0x8FFFFFFF  }
0x98: {  	s19 =	sld [smem:$0x3FDB];
	_ =	sdelay $0x1  }
0x99: {  	s4 =	simm.s32 $_scs_section_size  }
0x9a: {  	s5 =	simm.s32 $_size__tile_overlayer_lowered;
	s6 =	simm.s32 $_tile_overlayer_lowered  }
0x9b: {  	s22 =	simm.s32 $0x1BFF;
	s21 =	sshll.u32 s6, $0x1;
	s3 =	sadd.s32 s4, s19  }
0x9c: {  	s7 =	simm.s32 $0x0;
	s20 =	sshll.u32 s5, $0x1;
	s5 =	sadd.s32 s21, s3  }
0x9d: {  	[timem:s7], [sflag:s22] =	dma.local [hbm:s5], s20  }
0x9e: {  	_ =	swait.ge [sflag:s22], s20  }
0x9f: {  	s4 =	ssub.s32 $0x0, s20;
	[sflag:s22] =	ssyncset.done $0x0  }
0xa0: {  	[sflag:s22] =	ssyncadd.s32 s4;
	_ =	sdelay $0x1  }
0xa1: {  	s23 =	simm.s32 $0x1B8B  }
0xa2: {  	_ =	swait.ge [sflag:s23], $0x1  }
0xa3: {  	[sflag:s23] =	ssyncset.done $0x0  }
0xa4: {  	s25 =	simm.s32 $0x1B8E;
	s24 =	sld [smem:$0x3FFE];
	[sflag:s23] =	ssyncadd.s32 $0xFFFFFFFF  }
0xa5: {  	s26 =	simm.s32 $execute0_lowered;
	[smem:$0x3FD2] =	sst s25  }
0xa6: {  	s5 =	sshll.u32 s26, $0x1;
	_ =	strace $0x80000049;
	[dreg:$0x1] =	wrdreg $0xFFFFFFFF  }
0xa7: {  	s28 =	simm.s32 $_size_execute0_lowered;
	s3 =	sadd.s32 s3, s5;
	[dreg:$0x0] =	wrdreg $0x0  }
0xa8: {  	s5 =	sshll.u32 s28, $0x1;
	[dreg:$0x2] =	wrdreg s3  }
0xa9: {  	[dreg:$0x3] =	wrdreg s5  }
0xaa: {  	[dreg:$0x4] =	wrdreg $0xC0  }
0xab: {  	_ =	task [dreg:s7], $0x5FFFF  }
0xac: {  	[dreg:$0x1] =	wrdreg $0xFFFFFFFF  }
0xad: {  	[dreg:$0x0] =	wrdreg $0x60  }
0xae: {  	[dreg:$0x2] =	wrdreg s2  }
0xaf: {  	[dreg:$0x3] =	wrdreg s24  }
0xb0: {  	[dreg:$0x4] =	wrdreg $0x82000  }
0xb1: {  	[dreg:$0x5] =	wrdreg $0x9  }
0xb2: {  	_ =	task.clear_ibuf [dreg:s7], $0x6FFFF;
	_ =	strace $0x90000049  }
0xb3: {  	s29 =	simm.s32 $0x9;
	_ =	strace $0x8000004B  }
0xb4: {  	_ =	swait.ge [sflag:s29], $0x1  }
0xb5: {  	[sflag:s29] =	ssyncadd.s32 $0xFFFFFFFF  }
0xb6: {  	_ =	strace $0x9000004B  }
0xb7: {  	_ =	sfence  }
0xb8: {  	s30 =	sld [smem:$0x0];
	_ =	sdelay $0x2  }
0xb9: {  	s31 =	sshll.u32 s1, $0xD;
	s1 =	sshrl.u32 s1, $0x2  }
0xba: {  	s3 =	sand.u32 $0x4000, s31;
	s1 =	sadd.s32 s1, s30  }
0xbb: {  	s0 =	sor.u32 s3, s0;
	s1 =	sshll.u32 s1, $0x11  }
0xbc: {  	s0 =	sor.u32 s1, s0  }
0xbd: {  	s0 =	sadd.s32 $0x8F2B, s0  }
0xbe: {  	[sflag:s0] =	ssyncadd.remote.s32 $0x1  }
0xbf: {  	_ =	sfence.sel $0xFFFF  }
0xc0: {  	[dreg:$0x0] =	wrdreg $0xFFFFFFFF;
	(pc) =	sbr.abs _section_cstart, $3  }
0xc1: {  	[dreg:$0x1] =	wrdreg $0xFFFFFFFF  }
0xc2: {  	_ =	task.clear_ibuf [dreg:s7], $0x2FFFF;
	_ =	strace $0x9FFFFFFF  }
0xc3: {  	(tm) =	ssettm $0x7FFFFFFF  }
tec
execute0_lowered:
.L_overlay_start_1:
0x0: {  	(tag) =	ssettag $0x1  }
0x1: {  	s1 =	rddreg [dreg:$0x0]  }
0x2: {  	s0 =	rddreg [dreg:$0x1]  }
0x3: {  	s3 =	rddreg [dreg:$0x2]  }
0x4: {  	s2 =	srdreg.scid;
	s9 =	stileid.u32  }
0x5: {  	s4 =	simm.s32 $0x0;
	s28 =	simm.s32 $0x100;
	s29 =	simm.s32 $0x180  }
0x6: {  	s30 =	simm.s32 $0x4200;
	s31 =	simm.s32 $0x1;
	s2 =	sand.u32 $0x1, s2  }
0x7: {  	s7 =	smul.u32 $0x280, s9;
	[smem:$0x7FF] =	sst s4;
	s5 =	sadd.s32 $0x61A00, s0  }
0x8: {  	s6 =	sadd.s32 $0x6A00, s0;
	s19 =	smul.u32 $0x50000, s9;
	s10 =	sadd.s32 $0x10A00, s0  }
0x9: {  	s9 =	sshll.u32 s9, $0x1;
	s8 =	smul.u32 $0x2800, s2;
	_ =	strace $0x8000004A  }
0xa: {  	[dreg:$0x4] =	wrdreg s10;
	s20 =	ssub.s32 $0x2, s2;
	s2 =	sor.u32 s2, s9  }
0xb: {  	s11 =	sshrl.u32 s20, $0x1;
	s9 =	smul.u32 $0x2800, s2;
	s2 =	simm.s32 $0x0  }
0xc: {  	s7 =	sadd.s32 s7, s8;
	s8 =	sshrl.u32 s19, $0x2;
	s21 =	ssub.s32 s20, s11  }
0xd: {  	s7 =	sshll.u32 s7, $0x4;
	s8 =	sadd.s32 s8, s3;
	s22 =	sshrl.u32 s9, $0x3  }
0xe: {  	s21 =	smax.u32 s21, $0x1;
	s0 =	sadd.s32 s7, s0;
	s10 =	sadd.s32 $0x4000, s8  }
0xf: {  	s11 =	sadd.s32 $0x8000, s8;
	s12 =	sadd.s32 $0xC000, s8;
	s14 =	sadd.s32 s5, s22  }
0x10: {  	s13 =	sadd.s32 $0x10000, s8;
	s23 =	sadd.s32 s6, s22;
	[dreg:$0x5] =	wrdreg s14  }
0x11: {  	s26 =	sadd.s32 $0x4F0, s22;
	[dreg:$0x6] =	wrdreg s23;
	s24 =	sadd.s32 $0x6BA00, s0  }
0x12: {  	s25 =	sadd.s32 $0x6C200, s0;
	s18 =	sadd.s32 $0x6CA00, s0;
	s19 =	sadd.s32 $0x6D200, s0  }
0x13: {  	s20 =	sadd.s32 $0x6DA00, s0;
	s22 =	sadd.s32 s5, s26;
	s23 =	sadd.s32 s6, s26  }
0x14: {  	s26 =	simm.s32 $0x80;
	s0 =	simm.s32 $0x2;
	[dreg:$0x7] =	wrdreg s24  }
0x15: {  	[dreg:$0x8] =	wrdreg s25;
	s24 =	simm.s32 $0x200;
	s25 =	simm.s32 $0x3  }
.LBB2_1:
0x16: {  	s7 =	rddreg [dreg:$0x4]  }
0x17: {  	[tilespmem:s24], [sflag:$0x3] =	stream.linear.gather [hbm4b:s7+s4], $0x4000, $0x38;
	[tilespmem:$0x1C200] =	vst v63  }
0x18: {  	_ =	swait.ge [sflag:s25], $0x4000  }
0x19: {  	[sflag:s25] =	ssyncset.done $0x0  }
0x1a: {  	[sflag:s25] =	ssyncadd.s32 $0xFFFFC000  }
0x1b: {  	[spmem:s8] =	stream.linear.scatter [tilespmem:s24], [sflag:$0x3], $0x4000, $0x38;
	[tilespmem:$0x1C200] =	vst v63  }
0x1c: {  	_ =	swait.ge [sflag:s25], $0x4000  }
0x1d: {  	[sflag:s25] =	ssyncset.done $0x0  }
0x1e: {  	[sflag:s25] =	ssyncadd.s32 $0xFFFFC000  }
0x1f: {  	[spmem:s10] =	stream.linear.scatter [tilespmem:s24], [sflag:$0x3], $0x4000, $0x38;
	[tilespmem:$0x1C200] =	vst v63  }
0x20: {  	_ =	swait.ge [sflag:s25], $0x4000  }
0x21: {  	[sflag:s25] =	ssyncset.done $0x0  }
0x22: {  	[sflag:s25] =	ssyncadd.s32 $0xFFFFC000  }
0x23: {  	[spmem:s11] =	stream.linear.scatter [tilespmem:s24], [sflag:$0x3], $0x4000, $0x38;
	[tilespmem:$0x1C200] =	vst v63  }
0x24: {  	_ =	swait.ge [sflag:s25], $0x4000  }
0x25: {  	[sflag:s25] =	ssyncset.done $0x0  }
0x26: {  	[sflag:s25] =	ssyncadd.s32 $0xFFFFC000  }
0x27: {  	[spmem:s12] =	stream.linear.scatter [tilespmem:s24], [sflag:$0x3], $0x4000, $0x38;
	[tilespmem:$0x1C200] =	vst v63  }
0x28: {  	_ =	swait.ge [sflag:s25], $0x4000  }
0x29: {  	[sflag:s25] =	ssyncset.done $0x0  }
0x2a: {  	[sflag:s25] =	ssyncadd.s32 $0xFFFFC000  }
0x2b: {  	[spmem:s13] =	stream.linear.scatter [tilespmem:s24], [sflag:$0x3], $0x4000, $0x38;
	[tilespmem:$0x1C200] =	vst v63  }
0x2c: {  	_ =	swait.ge [sflag:s25], $0x4000  }
0x2d: {  	[sflag:s25] =	ssyncset.done $0x0  }
0x2e: {  	[sflag:s25] =	ssyncadd.s32 $0xFFFFC000  }
0x2f: {  	[bflag:$0x0] =	sbarrier.arrive $0xFFFF  }
0x30: {  	s14 =	rddreg [dreg:$0x5]  }
0x31: {  	[tilespmem:s4], [sflag:$0x3] =	stream.linear.gather [hbm4b:s14+s4], $0x80, $0x38;
	[tilespmem:$0x1C200] =	vst v63  }
0x32: {  	s16 =	simm.s32 $0x0;
	_ =	swait.ge [sflag:s25], $0x80  }
0x33: {  	s7 =	sand.u32 $0x300, s16;
	s14 =	sand.u32 $0x3C00, s16;
	[sflag:s25] =	ssyncset.done $0x0  }
0x34: {  	s14 =	sadd.s32 s9, s14;
	s15 =	rddreg [dreg:$0x6];
	[sflag:s25] =	ssyncadd.s32 $0xFFFFFF80  }
0x35: {  	[tilespmem:s26], [sflag:$0x3] =	stream.linear.gather [hbm4b:s15+s4], $0x80, $0x38;
	[tilespmem:$0x1C200] =	vst v63  }
0x36: {  	s7 =	sor.u32 s14, s7;
	_ =	swait.ge [sflag:s25], $0x80  }
0x37: {  	s7 =	sor.u32 $0x80, s7;
	[sflag:s25] =	ssyncset.done $0x0  }
0x38: {  	s7 =	sshrl.u32 s7, $0x3;
	[sflag:s25] =	ssyncadd.s32 $0xFFFFFF80  }
0x39: {  	[tilespmem:s24], [sflag:$0x1] =	stream.indirect.gather [hbm4b:s1+s26], $0x80, s4, s26, $0xb8;
	[tilespmem:$0x1C200] =	vst v63  }
0x3a: {  	s17 =	sadd.s32 s5, s7  }
0x3b: {  	[tilespmem:s28], [sflag:$0x3] =	stream.linear.gather [hbm4b:s17+s4], $0x80, $0x38;
	[tilespmem:$0x1C200] =	vst v63  }
0x3c: {  	_ =	swait.ge [sflag:s25], $0x80  }
0x3d: {  	[sflag:s25] =	ssyncset.done $0x0  }
0x3e: {  	s7 =	sadd.s32 s6, s7;
	[sflag:s25] =	ssyncadd.s32 $0xFFFFFF80  }
0x3f: {  	[tilespmem:s29], [sflag:$0x3] =	stream.linear.gather [hbm4b:s7+s4], $0x80, $0x38;
	[tilespmem:$0x1C200] =	vst v63  }
0x40: {  	_ =	swait.ge [sflag:s25], $0x80  }
0x41: {  	[sflag:s25] =	ssyncset.done $0x0  }
0x42: {  	[sflag:s25] =	ssyncadd.s32 $0xFFFFFF80  }
0x43: {  	[tilespmem:s30], [sflag:$0x2] =	stream.indirect.gather [hbm4b:s1+s26], $0x80, s28, s26, $0xb8;
	[tilespmem:$0x1C200] =	vst v63  }
0x44: {  	_ =	swait.ge [sflag:s31], $0x4000  }
0x45: {  	s14 =	sand.u32 $0x7C00, s28;
	[sflag:s31] =	ssyncset.done $0x0  }
0x46: {  	s15 =	sand.u32 $0x300, s28;
	s7 =	sadd.s32 s9, s14;
	[sflag:s31] =	ssyncadd.s32 $0xFFFFC000  }
0x47: {  	[spmem:s3] =	stream.indirect.scatter.add.f32 [tilespmem:s24], [sflag:$0x3], $0x80, s26, s26, $0xb8;
	[tilespmem:$0x1C200] =	vst v63  }
0x48: {  	s7 =	sor.u32 s15, s7;
	_ =	swait.ge [sflag:s25], $0x4000  }
0x49: {  	s7 =	sshrl.u32 s7, $0x3;
	[sflag:s25] =	ssyncset.done $0x0  }
0x4a: {  	s16 =	sadd.s32 s5, s7;
	[sflag:s25] =	ssyncadd.s32 $0xFFFFC000  }
0x4b: {  	[tilespmem:s4], [sflag:$0x3] =	stream.linear.gather [hbm4b:s16+s4], $0x80, $0x38;
	[tilespmem:$0x1C200] =	vst v63  }
0x4c: {  	_ =	swait.ge [sflag:s25], $0x80  }
0x4d: {  	[sflag:s25] =	ssyncset.done $0x0  }
0x4e: {  	s7 =	sadd.s32 s6, s7;
	[sflag:s25] =	ssyncadd.s32 $0xFFFFFF80  }
0x4f: {  	[tilespmem:s26], [sflag:$0x3] =	stream.linear.gather [hbm4b:s7+s4], $0x80, $0x38;
	[tilespmem:$0x1C200] =	vst v63  }
0x50: {  	s17 =	simm.s32 $0x100;
	_ =	swait.ge [sflag:s25], $0x80  }
0x51: {  	s14 =	simm.s32 $0x300;
	s15 =	sand.u32 $0x3C00, s17;
	[sflag:s25] =	ssyncset.done $0x0  }
0x52: {  	s15 =	sadd.s32 s9, s15;
	s16 =	sand.u32 $0x300, s17;
	[sflag:s25] =	ssyncadd.s32 $0xFFFFFF80  }
0x53: {  	[tilespmem:s24], [sflag:$0x1] =	stream.indirect.gather [hbm4b:s1+s26], $0x80, s4, s26, $0xb8;
	[tilespmem:$0x1C200] =	vst v63  }
0x54: {  	s15 =	sor.u32 s15, s16;
	s7 =	simm.s32 $0x200;
	_ =	swait.ge [sflag:s0], $0x4000  }
.LBB2_2:
0x55: {  	p0 =	sne.s32 s14, $0x2700  }
0x56: {  	[sflag:s0] =	ssyncset.done $0x0;
	s16 =	smov.u32 s14;
	s14 =	sadd.s32 $0x100, s14  }
0x57: {  	[sflag:s0] =	ssyncadd.s32 $0xFFFFC000  }
0x58: {  	[spmem:s3] =	stream.indirect.scatter.add.f32 [tilespmem:s30], [sflag:$0x3], $0x80, s29, s26, $0xb8;
	[tilespmem:$0x1C200] =	vst v63  }
0x59: {  	s15 =	sor.u32 $0x80, s15;
	_ =	swait.ge [sflag:s25], $0x4000  }
0x5a: {  	s15 =	sshrl.u32 s15, $0x3;
	[sflag:s25] =	ssyncset.done $0x0  }
0x5b: {  	s17 =	sadd.s32 s5, s15;
	[sflag:s25] =	ssyncadd.s32 $0xFFFFC000  }
0x5c: {  	[tilespmem:s28], [sflag:$0x3] =	stream.linear.gather [hbm4b:s17+s4], $0x80, $0x38;
	[tilespmem:$0x1C200] =	vst v63  }
0x5d: {  	_ =	swait.ge [sflag:s25], $0x80  }
0x5e: {  	[sflag:s25] =	ssyncset.done $0x0  }
0x5f: {  	s15 =	sadd.s32 s6, s15;
	[sflag:s25] =	ssyncadd.s32 $0xFFFFFF80  }
0x60: {  	[tilespmem:s29], [sflag:$0x3] =	stream.linear.gather [hbm4b:s15+s4], $0x80, $0x38;
	[tilespmem:$0x1C200] =	vst v63  }
0x61: {  	_ =	swait.ge [sflag:s25], $0x80  }
0x62: {  	[sflag:s25] =	ssyncset.done $0x0  }
0x63: {  	[sflag:s25] =	ssyncadd.s32 $0xFFFFFF80  }
0x64: {  	[tilespmem:s30], [sflag:$0x2] =	stream.indirect.gather [hbm4b:s1+s26], $0x80, s28, s26, $0xb8;
	[tilespmem:$0x1C200] =	vst v63  }
0x65: {  	_ =	swait.ge [sflag:s31], $0x4000  }
0x66: {  	[sflag:s31] =	ssyncset.done $0x0  }
0x67: {  	s17 =	sand.u32 $0x300, s7;
	s15 =	sand.u32 $0x7C00, s7;
	[sflag:s31] =	ssyncadd.s32 $0xFFFFC000  }
0x68: {  	[spmem:s3] =	stream.indirect.scatter.add.f32 [tilespmem:s24], [sflag:$0x3], $0x80, s26, s26, $0xb8;
	[tilespmem:$0x1C200] =	vst v63  }
0x69: {  	s7 =	smov.u32 s16;
	s15 =	sadd.s32 s9, s15;
	_ =	swait.ge [sflag:s25], $0x4000  }
0x6a: {  	s15 =	sor.u32 s17, s15;
	[sflag:s25] =	ssyncset.done $0x0  }
0x6b: {  	s15 =	sshrl.u32 s15, $0x3;
	[sflag:s25] =	ssyncadd.s32 $0xFFFFC000  }
0x6c: {  	s16 =	sadd.s32 s5, s15  }
0x6d: {  	[tilespmem:s4], [sflag:$0x3] =	stream.linear.gather [hbm4b:s16+s4], $0x80, $0x38;
	[tilespmem:$0x1C200] =	vst v63  }
0x6e: {  	_ =	swait.ge [sflag:s25], $0x80  }
0x6f: {  	s15 =	sadd.s32 s6, s15;
	[sflag:s25] =	ssyncset.done $0x0  }
0x70: {  	[sflag:s25] =	ssyncadd.s32 $0xFFFFFF80  }
0x71: {  	[tilespmem:s26], [sflag:$0x3] =	stream.linear.gather [hbm4b:s15+s4], $0x80, $0x38;
	[tilespmem:$0x1C200] =	vst v63  }
.Ltmp0:
0x72: {  	s15 =	sadd.s32 $0xFFFFFF00, s7;
	_ =	swait.ge [sflag:s25], $0x80;
	(pc) =	sbr.rel @p0 .LBB2_2-.Ltmp0, $4  }
0x73: {  	s16 =	sand.u32 $0x3C00, s15;
	[sflag:s25] =	ssyncset.done $0x0  }
0x74: {  	s15 =	sand.u32 $0x300, s15;
	s16 =	sadd.s32 s9, s16;
	[sflag:s25] =	ssyncadd.s32 $0xFFFFFF80  }
0x75: {  	[tilespmem:s24], [sflag:$0x1] =	stream.indirect.gather [hbm4b:s1+s26], $0x80, s4, s26, $0xb8;
	[tilespmem:$0x1C200] =	vst v63  }
0x76: {  	s15 =	sor.u32 s16, s15;
	_ =	swait.ge [sflag:s0], $0x4000  }
0x77: {  	[sflag:s0] =	ssyncset.done $0x0  }
0x78: {  	[sflag:s0] =	ssyncadd.s32 $0xFFFFC000  }
0x79: {  	[spmem:s3] =	stream.indirect.scatter.add.f32 [tilespmem:s30], [sflag:$0x3], $0x80, s29, s26, $0xb8;
	[tilespmem:$0x1C200] =	vst v63  }
0x7a: {  	s14 =	sor.u32 $0x80, s15;
	_ =	swait.ge [sflag:s25], $0x4000  }
0x7b: {  	s14 =	sshrl.u32 s14, $0x3;
	[sflag:s25] =	ssyncset.done $0x0  }
0x7c: {  	s17 =	sadd.s32 s5, s14;
	[sflag:s25] =	ssyncadd.s32 $0xFFFFC000  }
0x7d: {  	[tilespmem:s28], [sflag:$0x3] =	stream.linear.gather [hbm4b:s17+s4], $0x80, $0x38;
	[tilespmem:$0x1C200] =	vst v63  }
0x7e: {  	_ =	swait.ge [sflag:s25], $0x80  }
0x7f: {  	[sflag:s25] =	ssyncset.done $0x0  }
0x80: {  	s14 =	sadd.s32 s6, s14;
	[sflag:s25] =	ssyncadd.s32 $0xFFFFFF80  }
0x81: {  	[tilespmem:s29], [sflag:$0x3] =	stream.linear.gather [hbm4b:s14+s4], $0x80, $0x38;
	[tilespmem:$0x1C200] =	vst v63  }
0x82: {  	_ =	swait.ge [sflag:s25], $0x80  }
0x83: {  	[sflag:s25] =	ssyncset.done $0x0  }
0x84: {  	[sflag:s25] =	ssyncadd.s32 $0xFFFFFF80  }
0x85: {  	[tilespmem:s30], [sflag:$0x2] =	stream.indirect.gather [hbm4b:s1+s26], $0x80, s28, s26, $0xb8;
	[tilespmem:$0x1C200] =	vst v63  }
0x86: {  	_ =	swait.ge [sflag:s31], $0x4000  }
0x87: {  	s16 =	sand.u32 $0x7C00, s7;
	[sflag:s31] =	ssyncset.done $0x0  }
0x88: {  	s17 =	sand.u32 $0x300, s7;
	s14 =	sadd.s32 s9, s16;
	[sflag:s31] =	ssyncadd.s32 $0xFFFFC000  }
0x89: {  	[spmem:s3] =	stream.indirect.scatter.add.f32 [tilespmem:s24], [sflag:$0x3], $0x80, s26, s26, $0xb8;
	[tilespmem:$0x1C200] =	vst v63  }
0x8a: {  	s7 =	sor.u32 s17, s14;
	_ =	swait.ge [sflag:s25], $0x4000  }
0x8b: {  	s7 =	sshrl.u32 s7, $0x3;
	[sflag:s25] =	ssyncset.done $0x0  }
0x8c: {  	s15 =	sadd.s32 s5, s7;
	[sflag:s25] =	ssyncadd.s32 $0xFFFFC000  }
0x8d: {  	[tilespmem:s4], [sflag:$0x3] =	stream.linear.gather [hbm4b:s15+s4], $0x80, $0x38;
	[tilespmem:$0x1C200] =	vst v63  }
0x8e: {  	_ =	swait.ge [sflag:s25], $0x80  }
0x8f: {  	[sflag:s25] =	ssyncset.done $0x0  }
0x90: {  	s7 =	sadd.s32 s6, s7;
	[sflag:s25] =	ssyncadd.s32 $0xFFFFFF80  }
0x91: {  	[tilespmem:s26], [sflag:$0x3] =	stream.linear.gather [hbm4b:s7+s4], $0x80, $0x38;
	[tilespmem:$0x1C200] =	vst v63  }
0x92: {  	_ =	swait.ge [sflag:s25], $0x80  }
0x93: {  	[sflag:s25] =	ssyncset.done $0x0  }
0x94: {  	[sflag:s25] =	ssyncadd.s32 $0xFFFFFF80  }
0x95: {  	[tilespmem:s24], [sflag:$0x1] =	stream.indirect.gather [hbm4b:s1+s26], $0x80, s4, s26, $0xb8;
	[tilespmem:$0x1C200] =	vst v63  }
0x96: {  	_ =	swait.ge [sflag:s0], $0x4000  }
0x97: {  	[sflag:s0] =	ssyncset.done $0x0  }
0x98: {  	[sflag:s0] =	ssyncadd.s32 $0xFFFFC000  }
0x99: {  	[spmem:s3] =	stream.indirect.scatter.add.f32 [tilespmem:s30], [sflag:$0x3], $0x80, s29, s26, $0xb8;
	[tilespmem:$0x1C200] =	vst v63  }
0x9a: {  	_ =	swait.ge [sflag:s25], $0x4000  }
0x9b: {  	[sflag:s25] =	ssyncset.done $0x0  }
0x9c: {  	[sflag:s25] =	ssyncadd.s32 $0xFFFFC000  }
0x9d: {  	[tilespmem:s28], [sflag:$0x3] =	stream.linear.gather [hbm4b:s22+s4], $0x80, $0x38;
	[tilespmem:$0x1C200] =	vst v63  }
0x9e: {  	_ =	swait.ge [sflag:s25], $0x80  }
0x9f: {  	[sflag:s25] =	ssyncset.done $0x0  }
0xa0: {  	[sflag:s25] =	ssyncadd.s32 $0xFFFFFF80  }
0xa1: {  	[tilespmem:s29], [sflag:$0x3] =	stream.linear.gather [hbm4b:s23+s4], $0x80, $0x38;
	[tilespmem:$0x1C200] =	vst v63  }
0xa2: {  	_ =	swait.ge [sflag:s25], $0x80  }
0xa3: {  	[sflag:s25] =	ssyncset.done $0x0  }
0xa4: {  	[sflag:s25] =	ssyncadd.s32 $0xFFFFFF80  }
0xa5: {  	[tilespmem:s30], [sflag:$0x2] =	stream.indirect.gather [hbm4b:s1+s26], $0x80, s28, s26, $0xb8;
	[tilespmem:$0x1C200] =	vst v63  }
0xa6: {  	_ =	swait.ge [sflag:s31], $0x4000  }
0xa7: {  	[sflag:s31] =	ssyncset.done $0x0  }
0xa8: {  	[sflag:s31] =	ssyncadd.s32 $0xFFFFC000  }
0xa9: {  	[spmem:s3] =	stream.indirect.scatter.add.f32 [tilespmem:s24], [sflag:$0x3], $0x80, s26, s26, $0xb8;
	[tilespmem:$0x1C200] =	vst v63  }
0xaa: {  	_ =	swait.ge [sflag:s25], $0x4000  }
0xab: {  	[sflag:s25] =	ssyncset.done $0x0  }
0xac: {  	[sflag:s25] =	ssyncadd.s32 $0xFFFFC000  }
0xad: {  	_ =	swait.ge [sflag:s0], $0x4000  }
0xae: {  	[sflag:s0] =	ssyncset.done $0x0  }
0xaf: {  	[sflag:s0] =	ssyncadd.s32 $0xFFFFC000  }
0xb0: {  	[spmem:s3] =	stream.indirect.scatter.add.f32 [tilespmem:s30], [sflag:$0x3], $0x80, s29, s26, $0xb8;
	[tilespmem:$0x1C200] =	vst v63  }
0xb1: {  	_ =	swait.ge [sflag:s25], $0x4000  }
0xb2: {  	[sflag:s25] =	ssyncset.done $0x0  }
0xb3: {  	[sflag:s25] =	ssyncadd.s32 $0xFFFFC000  }
0xb4: {  	[bflag:$0x0] =	sbarrier.arrive $0xFFFF  }
0xb5: {  	[tilespmem:s24], [sflag:$0x3] =	stream.linear.gather [spmem:s8], $0x4000, $0x38;
	[tilespmem:$0x1C200] =	vst v63  }
0xb6: {  	_ =	swait.ge [sflag:s25], $0x4000  }
0xb7: {  	[sflag:s25] =	ssyncset.done $0x0  }
0xb8: {  	s16 =	rddreg [dreg:$0x7];
	[sflag:s25] =	ssyncadd.s32 $0xFFFFC000  }
0xb9: {  	[hbm4b:s16+s4] =	stream.linear.scatter [tilespmem:s24], [sflag:$0x3], $0x4000, $0x38;
	[tilespmem:$0x1C200] =	vst v63  }
0xba: {  	_ =	swait.ge [sflag:s25], $0x4000  }
0xbb: {  	[sflag:s25] =	ssyncset.done $0x0  }
0xbc: {  	[sflag:s25] =	ssyncadd.s32 $0xFFFFC000  }
0xbd: {  	[tilespmem:s24], [sflag:$0x3] =	stream.linear.gather [spmem:s10], $0x4000, $0x38;
	[tilespmem:$0x1C200] =	vst v63  }
0xbe: {  	_ =	swait.ge [sflag:s25], $0x4000  }
0xbf: {  	[sflag:s25] =	ssyncset.done $0x0  }
0xc0: {  	s17 =	rddreg [dreg:$0x8];
	[sflag:s25] =	ssyncadd.s32 $0xFFFFC000  }
0xc1: {  	[hbm4b:s17+s4] =	stream.linear.scatter [tilespmem:s24], [sflag:$0x3], $0x4000, $0x38;
	[tilespmem:$0x1C200] =	vst v63  }
0xc2: {  	_ =	swait.ge [sflag:s25], $0x4000  }
0xc3: {  	[sflag:s25] =	ssyncset.done $0x0  }
0xc4: {  	[sflag:s25] =	ssyncadd.s32 $0xFFFFC000  }
0xc5: {  	[tilespmem:s24], [sflag:$0x3] =	stream.linear.gather [spmem:s11], $0x4000, $0x38;
	[tilespmem:$0x1C200] =	vst v63  }
0xc6: {  	_ =	swait.ge [sflag:s25], $0x4000  }
0xc7: {  	[sflag:s25] =	ssyncset.done $0x0  }
0xc8: {  	[sflag:s25] =	ssyncadd.s32 $0xFFFFC000  }
0xc9: {  	[hbm4b:s18+s4] =	stream.linear.scatter [tilespmem:s24], [sflag:$0x3], $0x4000, $0x38;
	[tilespmem:$0x1C200] =	vst v63  }
0xca: {  	_ =	swait.ge [sflag:s25], $0x4000  }
0xcb: {  	[sflag:s25] =	ssyncset.done $0x0  }
0xcc: {  	[sflag:s25] =	ssyncadd.s32 $0xFFFFC000  }
0xcd: {  	[tilespmem:s24], [sflag:$0x3] =	stream.linear.gather [spmem:s12], $0x4000, $0x38;
	[tilespmem:$0x1C200] =	vst v63  }
0xce: {  	_ =	swait.ge [sflag:s25], $0x4000  }
0xcf: {  	[sflag:s25] =	ssyncset.done $0x0  }
0xd0: {  	[sflag:s25] =	ssyncadd.s32 $0xFFFFC000  }
0xd1: {  	[hbm4b:s19+s4] =	stream.linear.scatter [tilespmem:s24], [sflag:$0x3], $0x4000, $0x38;
	[tilespmem:$0x1C200] =	vst v63  }
0xd2: {  	_ =	swait.ge [sflag:s25], $0x4000  }
0xd3: {  	[sflag:s25] =	ssyncset.done $0x0  }
0xd4: {  	[sflag:s25] =	ssyncadd.s32 $0xFFFFC000  }
0xd5: {  	[tilespmem:s24], [sflag:$0x3] =	stream.linear.gather [spmem:s13], $0x4000, $0x38;
	[tilespmem:$0x1C200] =	vst v63  }
0xd6: {  	s2 =	sadd.s32 $0x1, s2;
	_ =	swait.ge [sflag:s25], $0x4000  }
0xd7: {  	p0 =	sne.s32 s2, s21;
	[sflag:s25] =	ssyncset.done $0x0  }
.Ltmp1:
0xd8: {  	[sflag:s25] =	ssyncadd.s32 $0xFFFFC000;
	(pc) =	sbr.rel @p0 .LBB2_1-.Ltmp1, $4  }
0xd9: {  	[hbm4b:s20+s4] =	stream.linear.scatter [tilespmem:s24], [sflag:$0x3], $0x4000, $0x38;
	[tilespmem:$0x1C200] =	vst v63  }
0xda: {  	_ =	swait.ge [sflag:s25], $0x4000  }
0xdb: {  	[sflag:s25] =	ssyncset.done $0x0  }
0xdc: {  	[sflag:s25] =	ssyncadd.s32 $0xFFFFC000  }
0xdd: {  	_ =	sfence.sel $0x180000  }
0xde: {  	[bflag:$0x0] =	sbarrier.arrive $0xFFFF  }
0xdf: {  	_ =	strace $0x9000004A  }
0xe0: {  	s0 =	stileid.u32;
	[bflag:$0x2] =	sbarrier.arrive $0xFFFF  }
0xe1: {  	p0 =	sne.s32 s0, $0x0;
	s0 =	rddreg [dreg:$0x3]  }
0xe2: {  	s0 =	sadd.s32 @!p0 $0x100000, s0  }
0xe3: {  	[sflag:s0] =	ssyncadd.tile.s32 @!p0 $0x1;
	_ =	shalt  }
.Lfunc_end2:
_tile_overlayer_lowered:
.L_overlay_start_2:
0xe4: {  	(tag) =	ssettag $0x2  }
0xe5: {  	s0 =	rddreg [dreg:$0x0];
	s2 =	stileid.u32  }
0xe6: {  	s1 =	rddreg [dreg:$0x1];
	p0 =	sne.s32 s2, $0x0  }
0xe7: {  	s3 =	rddreg [dreg:$0x2];
	[bflag:$0x3] =	sbarrier.arrive $0xFFFF;
	s2 =	simm.s32 @!p0 $0x1C03  }
0xe8: {  	[timem:s3], [sflag:s2] =	dma.local @!p0 [hbm:s0], s1  }
0xe9: {  	s0 =	simm.s32 @!p0 $0x3  }
0xea: {  	_ =	swait.ge @!p0 [sflag:s0], s1  }
0xeb: {  	s1 =	ssub.s32 @!p0 $0x0, s1;
	[sflag:s0] =	ssyncset.done @!p0 $0x0  }
0xec: {  	[sflag:s0] =	ssyncadd.s32 @!p0 s1  }
0xed: {  	[bflag:$0x3] =	sbarrier.arrive $0xFFFF  }
0xee: {  	_ =	shalt  }

// kernel: kernel.18.cloned.1.call-start
scs
__scs_entry_jumppad:
0x0: {  	(pc) =	sbr.rel $0x88, $3  }
0x1: {  	(tag) =	ssettag $0x0;
	lr =	simm.s32 $0x1  }
0x2: {  	[smem:$0x3F8A] =	sst lr;
	_ =	strace $0xD0000000  }
0x3: {  	_ = 	snop  }
0x4: {  	_ = 	snop  }
0x5: {  	_ = 	snop  }
0x6: {  	_ = 	snop  }
0x7: {  	_ = 	snop  }
__scs_overlays_trampoline_lowered:
0x8: {  	[smem:$0x3F99] =	sst s0  }
0x9: {  	[smem:$0x3F9A] =	sst s1  }
0xa: {  	[smem:$0x3F9B] =	sst s2  }
0xb: {  	[smem:$0x3F9C] =	sst s3  }
0xc: {  	[smem:$0x3F9D] =	sst s4  }
0xd: {  	[smem:$0x3F9E] =	sst s5  }
0xe: {  	[smem:$0x3F9F] =	sst s6  }
0xf: {  	[smem:$0x3FA0] =	sst s7  }
0x10: {  	[smem:$0x3FA1] =	sst s8  }
0x11: {  	[smem:$0x3FA2] =	sst s9;
	s0 =	simm.s32 @!p0 $0x0  }
0x12: {  	s1 =	sld [smem:$0x3F88];
	s0 =	simm.s32 @p0 $0x1  }
0x13: {  	[smem:$0x3FA3] =	sst s0;
	s0 =	simm.s32 @!p1 $0x0  }
0x14: {  	s2 =	sld [smem:$0x3F87];
	s0 =	simm.s32 @p1 $0x1  }
0x15: {  	[smem:$0x3FA4] =	sst s0;
	s0 =	simm.s32 @!p2 $0x0  }
0x16: {  	s3 =	sld [smem:$0x3FDB];
	s0 =	simm.s32 @p2 $0x1  }
0x17: {  	s4 =	simm.s32 $0x1BF5;
	[smem:$0x3FA6] =	sst s0  }
0x18: {  	s0 =	sld [smem:$0x3F89];
	_ =	swait.ge [sflag:s4], $0x0  }
0x19: {  	s7 =	sld [smem:$0x3F8A]  }
0x1a: {  	s8 =	sadd.s32 $0xFFFFE003, lr  }
0x1b: {  	s9 =	sadd.s32 $0xFFFFFEF7, lr;
	s5 =	simm.s32 $0xFFFFFFFF;
	p2 =	slt.u32 s8, $0xFFFFF086  }
0x1c: {  	p1 =	slt.u32 s9, $0xF7A;
	s5 =	simm.s32 @!p2 $0x0  }
0x1d: {  	s5 =	simm.s32 @p1 $0x1;
	p0 =	seq.s32 s7, s2  }
0x1e: {  	s7 =	smul.u32 @!p0 $0xF7A, s2;
	p2 =	seq.s32 @!p0 s5, $0x0  }
0x1f: {  	s9 =	smul.u32 $0xF7A, s1;
	s8 =	simm.s32 @!p0 $0x1BF5;
	p2 =	por !p2, p0  }
0x20: {  	[sflag:s8] =	ssyncset.s32 @!p0 $0xFFFFF086;
	s6 =	sadd.s32 @!p0 s3, s7;
	s7 =	simm.s32 @!p0 $0x108  }
0x21: {  	s3 =	sadd.s32 s3, s9;
	s6 =	sadd.s32 @!p0 $0x88, s6;
	s7 =	simm.s32 @p2 $0x1082  }
0x22: {  	[simem:s7], [sflag:s8] =	dma.local @!p0 [hbm:s6], $0xF7A  }
0x23: {  	s9 =	sor.u32 $0xD0000000, s2;
	s6 =	simm.s32 $0x108;
	_ =	swait.ge @!p0 [sflag:s8], $0x0  }
0x24: {  	s3 =	sadd.s32 $0x88, s3;
	s6 =	simm.s32 @!p1 $0x1082;
	[sflag:s4] =	ssyncset.s32 $0xFFFFF086  }
0x25: {  	[simem:s6], [sflag:s4] =	dma.local [hbm:s3], $0xF7A  }
0x26: {  	[smem:$0x3F8A] =	sst s1;
	(tag) =	ssettag s2;
	_ =	strace s9  }
0x27: {  	s1 =	sld [smem:$0x3F9A]  }
0x28: {  	s2 =	sld [smem:$0x3F9B]  }
0x29: {  	s4 =	sld [smem:$0x3F9D]  }
0x2a: {  	p0 =	seq.s32 s5, $0x0;
	s5 =	sld [smem:$0x3F9E]  }
0x2b: {  	s6 =	sld [smem:$0x3F9F]  }
0x2c: {  	s7 =	sld [smem:$0x3FA0]  }
0x2d: {  	s3 =	simm.s32 $0x108;
	s8 =	sld [smem:$0x3FA1]  }
0x2e: {  	s3 =	simm.s32 @!p0 $0x1082;
	s9 =	sld [smem:$0x3FA2]  }
0x2f: {  	lr =	sadd.s32 s0, s3;
	s0 =	sld [smem:$0x3F99]  }
0x30: {  	s3 =	sld [smem:$0x3F9C]  }
0x31: {  	[smem:$0x3FA5] =	sst s10  }
0x32: {  	s10 =	sld [smem:$0x3FA3];
	_ =	sdelay $0x3  }
0x33: {  	p0 =	seq.s32 s10, $0x1;
	s10 =	sld [smem:$0x3FA5];
	_ =	sdelay $0x3  }
0x34: {  	[smem:$0x3FA5] =	sst s10  }
0x35: {  	s10 =	sld [smem:$0x3FA4];
	_ =	sdelay $0x3  }
0x36: {  	p1 =	seq.s32 s10, $0x1;
	s10 =	sld [smem:$0x3FA5];
	_ =	sdelay $0x3  }
0x37: {  	[smem:$0x3FA5] =	sst s10  }
0x38: {  	s10 =	sld [smem:$0x3FA6]  }
0x39: {  	_ = 	snop;
	(pc) =	sbr.ind lr, $3  }
0x3a: {  	_ = 	snop  }
0x3b: {  	_ = 	snop  }
0x3c: {  	p2 =	seq.s32 s10, $0x1;
	s10 =	sld [smem:$0x3FA5]  }
0x3d: {  	_ =	shalt  }
0x3e: {  	_ =	shalt  }
0x3f: {  	_ =	shalt  }
0x40: {  	_ =	shalt  }
0x41: {  	_ =	shalt  }
0x42: {  	_ =	shalt  }
0x43: {  	_ =	shalt  }
0x44: {  	_ =	shalt  }
0x45: {  	_ =	shalt  }
0x46: {  	_ =	shalt  }
0x47: {  	_ =	shalt  }
0x48: {  	_ =	shalt  }
0x49: {  	_ =	shalt  }
0x4a: {  	_ =	shalt  }
0x4b: {  	_ =	shalt  }
0x4c: {  	_ =	shalt  }
0x4d: {  	_ =	shalt  }
0x4e: {  	_ =	shalt  }
0x4f: {  	_ =	shalt  }
0x50: {  	_ =	shalt  }
0x51: {  	_ =	shalt  }
0x52: {  	_ =	shalt  }
0x53: {  	_ =	shalt  }
0x54: {  	_ =	shalt  }
0x55: {  	_ =	shalt  }
0x56: {  	_ =	shalt  }
0x57: {  	_ =	shalt  }
0x58: {  	_ =	shalt  }
0x59: {  	_ =	shalt  }
0x5a: {  	_ =	shalt  }
0x5b: {  	_ =	shalt  }
0x5c: {  	_ =	shalt  }
0x5d: {  	_ =	shalt  }
0x5e: {  	_ =	shalt  }
0x5f: {  	_ =	shalt  }
0x60: {  	_ =	shalt  }
0x61: {  	_ =	shalt  }
0x62: {  	_ =	shalt  }
0x63: {  	_ =	shalt  }
0x64: {  	_ =	shalt  }
0x65: {  	_ =	shalt  }
0x66: {  	_ =	shalt  }
0x67: {  	_ =	shalt  }
0x68: {  	_ =	shalt  }
0x69: {  	_ =	shalt  }
0x6a: {  	_ =	shalt  }
0x6b: {  	_ =	shalt  }
0x6c: {  	_ =	shalt  }
0x6d: {  	_ =	shalt  }
0x6e: {  	_ =	shalt  }
0x6f: {  	_ =	shalt  }
0x70: {  	_ =	shalt  }
0x71: {  	_ =	shalt  }
0x72: {  	_ =	shalt  }
0x73: {  	_ =	shalt  }
0x74: {  	_ =	shalt  }
0x75: {  	_ =	shalt  }
0x76: {  	_ =	shalt  }
0x77: {  	_ =	shalt  }
0x78: {  	_ =	shalt  }
0x79: {  	_ =	shalt  }
0x7a: {  	_ =	shalt  }
0x7b: {  	_ =	shalt  }
0x7c: {  	_ =	shalt  }
0x7d: {  	_ =	shalt  }
0x7e: {  	_ =	shalt  }
0x7f: {  	_ =	shalt  }
0x80: {  	_ =	shalt  }
0x81: {  	_ =	shalt  }
0x82: {  	_ =	shalt  }
0x83: {  	_ =	shalt  }
0x84: {  	_ =	shalt  }
0x85: {  	_ =	shalt  }
0x86: {  	_ =	shalt  }
0x87: {  	_ =	shalt  }
.Lfunc_end0:
.L_simem_size_0:
called_computation.2_lowered:
.L_overlay_start_0:
0x88: {  	s2 =	sld [smem:$0x3FD9]  }
0x89: {  	s3 =	sld [smem:$0x3FFE];
	_ =	sdelay $0x1  }
0x8a: {  	s1 =	srdreg.scid  }
0x8b: {  	s0 =	sand.u32 $0x1, s1  }
0x8c: {  	s16 =	sshll.u32 s0, $0xA;
	s2 =	sadd.s32 s3, s2  }
0x8d: {  	s2 =	sadd.s32 s2, s16  }
0x8e: {  	[smem:$0x3FB1] =	sst s2  }
0x8f: {  	_ = 	snop  }
0x90: {  	(tm) =	ssettm $0x1  }
0x91: {  	s17 =	sld [smem:$0x3FFB];
	_ =	sdelay $0x3  }
0x92: {  	_ =	strace s17  }
0x93: {  	s2 =	sld [smem:$0x3FFC];
	_ =	sdelay $0x3  }
0x94: {  	_ =	strace s2  }
0x95: {  	s2 =	sld [smem:$0x3FFD];
	_ =	sdelay $0x3  }
0x96: {  	_ =	strace s2  }
0x97: {  	_ =	strace $0x8FFFFFFF  }
0x98: {  	s18 =	sld [smem:$0x3FDB];
	_ =	sdelay $0x1  }
0x99: {  	s19 =	simm.s32 $_scs_section_size  }
0x9a: {  	s4 =	simm.s32 $_size__tile_overlayer_lowered;
	s5 =	simm.s32 $_tile_overlayer_lowered  }
0x9b: {  	s22 =	simm.s32 $0x1BFF;
	s21 =	sshll.u32 s5, $0x1;
	s2 =	sadd.s32 s19, s18  }
0x9c: {  	s6 =	simm.s32 $0x0;
	s20 =	sshll.u32 s4, $0x1;
	s4 =	sadd.s32 s21, s2  }
0x9d: {  	[timem:s6], [sflag:s22] =	dma.local [hbm:s4], s20  }
0x9e: {  	_ =	swait.ge [sflag:s22], s20  }
0x9f: {  	s3 =	ssub.s32 $0x0, s20;
	[sflag:s22] =	ssyncset.done $0x0  }
0xa0: {  	[sflag:s22] =	ssyncadd.s32 s3;
	_ =	sdelay $0x1  }
0xa1: {  	s23 =	simm.s32 $0x1B8B  }
0xa2: {  	_ =	swait.ge [sflag:s23], $0x1  }
0xa3: {  	[sflag:s23] =	ssyncset.done $0x0  }
0xa4: {  	s25 =	simm.s32 $0x1B8E;
	s24 =	sld [smem:$0x3FFE];
	[sflag:s23] =	ssyncadd.s32 $0xFFFFFFFF  }
0xa5: {  	s26 =	simm.s32 $execute0_lowered;
	[smem:$0x3FD2] =	sst s25  }
0xa6: {  	s4 =	sshll.u32 s26, $0x1;
	_ =	strace $0x8000004C;
	[dreg:$0x1] =	wrdreg $0xFFFFFFFF  }
0xa7: {  	s28 =	simm.s32 $_size_execute0_lowered;
	s2 =	sadd.s32 s2, s4;
	[dreg:$0x0] =	wrdreg $0x0  }
0xa8: {  	s4 =	sshll.u32 s28, $0x1;
	[dreg:$0x2] =	wrdreg s2  }
0xa9: {  	[dreg:$0x3] =	wrdreg s4  }
0xaa: {  	[dreg:$0x4] =	wrdreg $0xC0  }
0xab: {  	_ =	task [dreg:s6], $0x5FFFF  }
0xac: {  	[dreg:$0x1] =	wrdreg $0xFFFFFFFF  }
0xad: {  	[dreg:$0x0] =	wrdreg $0x60  }
0xae: {  	[dreg:$0x2] =	wrdreg s24  }
0xaf: {  	[dreg:$0x3] =	wrdreg $0x82000  }
0xb0: {  	[dreg:$0x4] =	wrdreg $0x9  }
0xb1: {  	_ =	task.clear_ibuf [dreg:s6], $0x5FFFF;
	_ =	strace $0x9000004C  }
0xb2: {  	s29 =	simm.s32 $0x9;
	_ =	strace $0x8000004E  }
0xb3: {  	_ =	swait.ge [sflag:s29], $0x1  }
0xb4: {  	[sflag:s29] =	ssyncadd.s32 $0xFFFFFFFF  }
0xb5: {  	_ =	strace $0x9000004E  }
0xb6: {  	_ =	sfence  }
0xb7: {  	s30 =	sld [smem:$0x0];
	_ =	sdelay $0x2  }
0xb8: {  	s31 =	sshll.u32 s1, $0xD;
	s1 =	sshrl.u32 s1, $0x2  }
0xb9: {  	s3 =	sand.u32 $0x4000, s31;
	s1 =	sadd.s32 s1, s30  }
0xba: {  	s0 =	sor.u32 s3, s0;
	s1 =	sshll.u32 s1, $0x11  }
0xbb: {  	s0 =	sor.u32 s1, s0  }
0xbc: {  	s0 =	sadd.s32 $0x8F2B, s0  }
0xbd: {  	[sflag:s0] =	ssyncadd.remote.s32 $0x1  }
0xbe: {  	_ =	sfence.sel $0xFFFF  }
0xbf: {  	[dreg:$0x0] =	wrdreg $0xFFFFFFFF;
	(pc) =	sbr.abs _section_cstart, $3  }
0xc0: {  	[dreg:$0x1] =	wrdreg $0xFFFFFFFF  }
0xc1: {  	_ =	task.clear_ibuf [dreg:s6], $0x2FFFF;
	_ =	strace $0x9FFFFFFF  }
0xc2: {  	(tm) =	ssettm $0x7FFFFFFF  }
0xc3: {  	_ =	shalt  }
tec
execute0_lowered:
.L_overlay_start_1:
0x0: {  	(tag) =	ssettag $0x1  }
0x1: {  	s0 =	rddreg [dreg:$0x0]  }
0x2: {  	s2 =	rddreg [dreg:$0x1];
	s3 =	simm.s32 $0x0;
	s1 =	srdreg.scid  }
0x3: {  	s13 =	stileid.u32;
	s31 =	simm.s32 $0x200;
	[smem:$0x7FF] =	sst s3  }
0x4: {  	s1 =	sand.u32 $0x1, s1;
	s8 =	smul.u32 $0x280, s13;
	s4 =	sadd.s32 $0xE0E00, s0  }
0x5: {  	s5 =	sadd.s32 $0xB9C00, s0;
	s6 =	sadd.s32 $0x61A00, s0;
	s7 =	sadd.s32 $0x6A00, s0  }
0x6: {  	s25 =	smul.u32 $0x50000, s13;
	s10 =	sadd.s32 $0x10A00, s0;
	_ =	strace $0x8000004D  }
0x7: {  	s9 =	smul.u32 $0x2800, s1;
	[dreg:$0x3] =	wrdreg s10;
	s26 =	ssub.s32 $0x2, s1  }
0x8: {  	p0 =	seq.s32 s1, $0x1;
	s1 =	simm.s32 $0x80;
	s11 =	sshrl.u32 s26, $0x1  }
0x9: {  	s12 =	sshrl.u32 s25, $0x2;
	s8 =	sadd.s32 s8, s9;
	s9 =	smul.u32 $0x5000, s13  }
0xa: {  	s14 =	ssub.s32 s26, s11;
	s10 =	sadd.s32 s12, s2;
	s13 =	simm.s32 $0x4200  }
0xb: {  	s8 =	sshll.u32 s8, $0x4;
	s24 =	smax.u32 s14, $0x1;
	s28 =	sadd.s32 $0x8000, s10  }
0xc: {  	s29 =	sadd.s32 $0xC000, s10;
	s30 =	sadd.s32 $0x10000, s10;
	s14 =	simm.s32 $0x1  }
0xd: {  	s0 =	sadd.s32 s8, s0;
	s15 =	sshrl.u32 s9, $0x3;
	s11 =	sadd.s32 $0x2800, s9  }
0xe: {  	[dreg:$0xd] =	wrdreg s24;
	s8 =	simm.s32 $0x100;
	s16 =	sadd.s32 s6, s15  }
0xf: {  	s17 =	sadd.s32 s7, s15;
	s18 =	sshrl.u32 s11, $0x3;
	[dreg:$0x4] =	wrdreg s16  }
0x10: {  	s20 =	sadd.s32 $0x108800, s0;
	s21 =	sadd.s32 $0x108000, s0;
	[dreg:$0x5] =	wrdreg s17  }
0x11: {  	s22 =	sadd.s32 $0x109000, s0;
	s23 =	sadd.s32 $0x109800, s0;
	[dreg:$0x8] =	wrdreg s20  }
0x12: {  	s0 =	sadd.s32 $0x10A000, s0;
	s25 =	sadd.s32 $0x4F0, s15;
	[dreg:$0x9] =	wrdreg s21  }
0x13: {  	s26 =	sadd.s32 $0x9F0, s15;
	s15 =	simm.s32 $0x2;
	[dreg:$0xa] =	wrdreg s22  }
.Ltmp0:
0x14: {  	s19 =	sadd.s32 s6, s18;
	[dreg:$0xb] =	wrdreg s23;
	(pc) =	sbr.rel .LBB2_1-.Ltmp0, $4  }
0x15: {  	s12 =	sadd.s32 s7, s18;
	[dreg:$0xc] =	wrdreg s0;
	s22 =	sadd.s32 s6, s25  }
0x16: {  	s23 =	sadd.s32 s7, s25;
	s24 =	sadd.s32 s7, s26;
	s25 =	sadd.s32 s6, s26  }
0x17: {  	s26 =	sadd.s32 $0x4000, s10;
	s0 =	simm.s32 $0x3;
	[dreg:$0x6] =	wrdreg s19  }
0x18: {  	s16 =	simm.s32 $0x0;
	[dreg:$0x7] =	wrdreg s12;
	s12 =	simm.s32 $0x180  }
.LBB2_11:
0x19: {  	[sflag:s15] =	ssyncset.done $0x0  }
0x1a: {  	[sflag:s15] =	ssyncadd.s32 $0xFFFFC000  }
0x1b: {  	[spmem:s2] =	stream.indirect.scatter.add.f32 [tilespmem:s13], [sflag:$0x3], $0x80, s12, s1, $0xb8;
	[tilespmem:$0x1C200] =	vst v63  }
0x1c: {  	s18 =	sor.u32 $0x80, s19;
	_ =	swait.ge [sflag:s0], $0x4000  }
0x1d: {  	s18 =	sshrl.u32 s18, $0x3;
	[sflag:s0] =	ssyncset.done $0x0  }
0x1e: {  	s21 =	sadd.s32 s6, s18;
	[sflag:s0] =	ssyncadd.s32 $0xFFFFC000  }
0x1f: {  	[tilespmem:s8], [sflag:$0x3] =	stream.linear.gather [hbm4b:s21+s3], $0x80, $0x38;
	[tilespmem:$0x1C200] =	vst v63  }
0x20: {  	_ =	swait.ge [sflag:s0], $0x80  }
0x21: {  	[sflag:s0] =	ssyncset.done $0x0  }
0x22: {  	s18 =	sadd.s32 s7, s18;
	[sflag:s0] =	ssyncadd.s32 $0xFFFFFF80  }
0x23: {  	[tilespmem:s12], [sflag:$0x3] =	stream.linear.gather [hbm4b:s18+s3], $0x80, $0x38;
	[tilespmem:$0x1C200] =	vst v63  }
0x24: {  	_ =	swait.ge [sflag:s0], $0x80  }
0x25: {  	[sflag:s0] =	ssyncset.done $0x0  }
0x26: {  	[sflag:s0] =	ssyncadd.s32 $0xFFFFFF80  }
0x27: {  	[tilespmem:s13], [sflag:$0x2] =	stream.indirect.gather [hbm4b:s5+s1], $0x80, s8, s1, $0xb8;
	[tilespmem:$0x1C200] =	vst v63  }
0x28: {  	_ =	swait.ge [sflag:s14], $0x4000  }
0x29: {  	s19 =	sand.u32 $0x7C00, s17;
	[sflag:s14] =	ssyncset.done $0x0  }
0x2a: {  	s20 =	sand.u32 $0x300, s17;
	s18 =	sadd.s32 s11, s19;
	[sflag:s14] =	ssyncadd.s32 $0xFFFFC000  }
0x2b: {  	[spmem:s2] =	stream.indirect.scatter.add.f32 [tilespmem:s31], [sflag:$0x3], $0x80, s1, s1, $0xb8;
	[tilespmem:$0x1C200] =	vst v63  }
0x2c: {  	s17 =	sor.u32 s20, s18;
	_ =	swait.ge [sflag:s0], $0x4000  }
0x2d: {  	s17 =	sshrl.u32 s17, $0x3;
	[sflag:s0] =	ssyncset.done $0x0  }
0x2e: {  	s21 =	sadd.s32 s6, s17;
	[sflag:s0] =	ssyncadd.s32 $0xFFFFC000  }
0x2f: {  	[tilespmem:s3], [sflag:$0x3] =	stream.linear.gather [hbm4b:s21+s3], $0x80, $0x38;
	[tilespmem:$0x1C200] =	vst v63  }
0x30: {  	_ =	swait.ge [sflag:s0], $0x80  }
0x31: {  	[sflag:s0] =	ssyncset.done $0x0  }
0x32: {  	s17 =	sadd.s32 s7, s17;
	[sflag:s0] =	ssyncadd.s32 $0xFFFFFF80  }
0x33: {  	[tilespmem:s1], [sflag:$0x3] =	stream.linear.gather [hbm4b:s17+s3], $0x80, $0x38;
	[tilespmem:$0x1C200] =	vst v63  }
0x34: {  	_ =	swait.ge [sflag:s0], $0x80  }
0x35: {  	[sflag:s0] =	ssyncset.done $0x0  }
0x36: {  	[sflag:s0] =	ssyncadd.s32 $0xFFFFFF80  }
0x37: {  	[tilespmem:s31], [sflag:$0x1] =	stream.indirect.gather [hbm4b:s5+s1], $0x80, s3, s1, $0xb8;
	[tilespmem:$0x1C200] =	vst v63  }
0x38: {  	_ =	swait.ge [sflag:s15], $0x4000  }
0x39: {  	[sflag:s15] =	ssyncset.done $0x0  }
0x3a: {  	[sflag:s15] =	ssyncadd.s32 $0xFFFFC000  }
0x3b: {  	[spmem:s2] =	stream.indirect.scatter.add.f32 [tilespmem:s13], [sflag:$0x3], $0x80, s12, s1, $0xb8;
	[tilespmem:$0x1C200] =	vst v63  }
0x3c: {  	_ =	swait.ge [sflag:s0], $0x4000  }
0x3d: {  	[sflag:s0] =	ssyncset.done $0x0  }
0x3e: {  	s17 =	smov.u32 s5;
	[sflag:s0] =	ssyncadd.s32 $0xFFFFC000  }
.LBB2_12:
0x3f: {  	[tilespmem:s8], [sflag:$0x3] =	stream.linear.gather [hbm4b:s25+s3], $0x80, $0x38;
	[tilespmem:$0x1C200] =	vst v63  }
0x40: {  	_ =	swait.ge [sflag:s0], $0x80  }
0x41: {  	[sflag:s0] =	ssyncset.done $0x0  }
0x42: {  	[sflag:s0] =	ssyncadd.s32 $0xFFFFFF80  }
0x43: {  	[tilespmem:s12], [sflag:$0x3] =	stream.linear.gather [hbm4b:s24+s3], $0x80, $0x38;
	[tilespmem:$0x1C200] =	vst v63  }
0x44: {  	_ =	swait.ge [sflag:s0], $0x80  }
0x45: {  	[sflag:s0] =	ssyncset.done $0x0  }
0x46: {  	[sflag:s0] =	ssyncadd.s32 $0xFFFFFF80  }
0x47: {  	[tilespmem:s13], [sflag:$0x2] =	stream.indirect.gather [hbm4b:s17+s1], $0x80, s8, s1, $0xb8;
	[tilespmem:$0x1C200] =	vst v63  }
0x48: {  	_ =	swait.ge [sflag:s14], $0x4000  }
0x49: {  	[sflag:s14] =	ssyncset.done $0x0  }
0x4a: {  	[sflag:s14] =	ssyncadd.s32 $0xFFFFC000  }
0x4b: {  	[spmem:s2] =	stream.indirect.scatter.add.f32 [tilespmem:s31], [sflag:$0x3], $0x80, s1, s1, $0xb8;
	[tilespmem:$0x1C200] =	vst v63  }
0x4c: {  	_ =	swait.ge [sflag:s0], $0x4000  }
0x4d: {  	[sflag:s0] =	ssyncset.done $0x0  }
0x4e: {  	[sflag:s0] =	ssyncadd.s32 $0xFFFFC000  }
0x4f: {  	_ =	swait.ge [sflag:s15], $0x4000  }
0x50: {  	[sflag:s15] =	ssyncset.done $0x0  }
0x51: {  	[sflag:s15] =	ssyncadd.s32 $0xFFFFC000  }
0x52: {  	[spmem:s2] =	stream.indirect.scatter.add.f32 [tilespmem:s13], [sflag:$0x3], $0x80, s12, s1, $0xb8;
	[tilespmem:$0x1C200] =	vst v63  }
0x53: {  	_ =	swait.ge [sflag:s0], $0x4000  }
0x54: {  	[sflag:s0] =	ssyncset.done $0x0  }
0x55: {  	[sflag:s0] =	ssyncadd.s32 $0xFFFFC000  }
0x56: {  	[bflag:$0x0] =	sbarrier.arrive $0xFFFF  }
0x57: {  	[tilespmem:s31], [sflag:$0x3] =	stream.linear.gather [spmem:s10], $0x4000, $0x38;
	[tilespmem:$0x1C200] =	vst v63  }
0x58: {  	_ =	swait.ge [sflag:s0], $0x4000  }
0x59: {  	[sflag:s0] =	ssyncset.done $0x0  }
0x5a: {  	s20 =	rddreg [dreg:$0x9];
	[sflag:s0] =	ssyncadd.s32 $0xFFFFC000  }
0x5b: {  	[hbm4b:s20+s3] =	stream.linear.scatter [tilespmem:s31], [sflag:$0x3], $0x4000, $0x38;
	[tilespmem:$0x1C200] =	vst v63  }
0x5c: {  	_ =	swait.ge [sflag:s0], $0x4000  }
0x5d: {  	[sflag:s0] =	ssyncset.done $0x0  }
0x5e: {  	[sflag:s0] =	ssyncadd.s32 $0xFFFFC000  }
0x5f: {  	[tilespmem:s31], [sflag:$0x3] =	stream.linear.gather [spmem:s26], $0x4000, $0x38;
	[tilespmem:$0x1C200] =	vst v63  }
0x60: {  	_ =	swait.ge [sflag:s0], $0x4000  }
0x61: {  	[sflag:s0] =	ssyncset.done $0x0  }
0x62: {  	s21 =	rddreg [dreg:$0x8];
	[sflag:s0] =	ssyncadd.s32 $0xFFFFC000  }
0x63: {  	[hbm4b:s21+s3] =	stream.linear.scatter [tilespmem:s31], [sflag:$0x3], $0x4000, $0x38;
	[tilespmem:$0x1C200] =	vst v63  }
0x64: {  	_ =	swait.ge [sflag:s0], $0x4000  }
0x65: {  	[sflag:s0] =	ssyncset.done $0x0  }
0x66: {  	[sflag:s0] =	ssyncadd.s32 $0xFFFFC000  }
0x67: {  	[tilespmem:s31], [sflag:$0x3] =	stream.linear.gather [spmem:s28], $0x4000, $0x38;
	[tilespmem:$0x1C200] =	vst v63  }
0x68: {  	_ =	swait.ge [sflag:s0], $0x4000  }
0x69: {  	[sflag:s0] =	ssyncset.done $0x0  }
0x6a: {  	s18 =	rddreg [dreg:$0xa];
	[sflag:s0] =	ssyncadd.s32 $0xFFFFC000  }
0x6b: {  	[hbm4b:s18+s3] =	stream.linear.scatter [tilespmem:s31], [sflag:$0x3], $0x4000, $0x38;
	[tilespmem:$0x1C200] =	vst v63  }
0x6c: {  	_ =	swait.ge [sflag:s0], $0x4000  }
0x6d: {  	[sflag:s0] =	ssyncset.done $0x0  }
0x6e: {  	[sflag:s0] =	ssyncadd.s32 $0xFFFFC000  }
0x6f: {  	[tilespmem:s31], [sflag:$0x3] =	stream.linear.gather [spmem:s29], $0x4000, $0x38;
	[tilespmem:$0x1C200] =	vst v63  }
0x70: {  	_ =	swait.ge [sflag:s0], $0x4000  }
0x71: {  	[sflag:s0] =	ssyncset.done $0x0  }
0x72: {  	s19 =	rddreg [dreg:$0xb];
	[sflag:s0] =	ssyncadd.s32 $0xFFFFC000  }
0x73: {  	[hbm4b:s19+s3] =	stream.linear.scatter [tilespmem:s31], [sflag:$0x3], $0x4000, $0x38;
	[tilespmem:$0x1C200] =	vst v63  }
0x74: {  	_ =	swait.ge [sflag:s0], $0x4000  }
0x75: {  	[sflag:s0] =	ssyncset.done $0x0  }
0x76: {  	[sflag:s0] =	ssyncadd.s32 $0xFFFFC000  }
0x77: {  	[tilespmem:s31], [sflag:$0x3] =	stream.linear.gather [spmem:s30], $0x4000, $0x38;
	[tilespmem:$0x1C200] =	vst v63  }
0x78: {  	_ =	swait.ge [sflag:s0], $0x4000  }
0x79: {  	[sflag:s0] =	ssyncset.done $0x0  }
0x7a: {  	s20 =	rddreg [dreg:$0xc];
	[sflag:s0] =	ssyncadd.s32 $0xFFFFC000  }
0x7b: {  	[hbm4b:s20+s3] =	stream.linear.scatter [tilespmem:s31], [sflag:$0x3], $0x4000, $0x38;
	[tilespmem:$0x1C200] =	vst v63  }
0x7c: {  	_ =	swait.ge [sflag:s0], $0x4000  }
0x7d: {  	s16 =	sadd.s32 $0x1, s16;
	s21 =	rddreg [dreg:$0xd]  }
0x7e: {  	p1 =	sne.s32 s16, s21  }
.Ltmp1:
0x7f: {  	_ = 	snop;
	(pc) =	sbr.rel @!p1 .LBB2_13-.Ltmp1, $3  }
0x80: {  	_ =	sdelay $0x1  }
0x81: {  	[sflag:s0] =	ssyncset.done $0x0  }
0x82: {  	[sflag:s0] =	ssyncadd.s32 $0xFFFFC000  }
.LBB2_1:
0x83: {  	s17 =	rddreg [dreg:$0x3]  }
0x84: {  	[tilespmem:s31], [sflag:$0x3] =	stream.linear.gather [hbm4b:s17+s3], $0x4000, $0x38;
	[tilespmem:$0x1C200] =	vst v63  }
0x85: {  	_ =	swait.ge [sflag:s0], $0x4000  }
0x86: {  	[sflag:s0] =	ssyncset.done $0x0  }
0x87: {  	[sflag:s0] =	ssyncadd.s32 $0xFFFFC000  }
0x88: {  	[spmem:s10] =	stream.linear.scatter [tilespmem:s31], [sflag:$0x3], $0x4000, $0x38;
	[tilespmem:$0x1C200] =	vst v63  }
0x89: {  	_ =	swait.ge [sflag:s0], $0x4000  }
0x8a: {  	[sflag:s0] =	ssyncset.done $0x0  }
0x8b: {  	[sflag:s0] =	ssyncadd.s32 $0xFFFFC000  }
0x8c: {  	[spmem:s26] =	stream.linear.scatter [tilespmem:s31], [sflag:$0x3], $0x4000, $0x38;
	[tilespmem:$0x1C200] =	vst v63  }
0x8d: {  	_ =	swait.ge [sflag:s0], $0x4000  }
0x8e: {  	[sflag:s0] =	ssyncset.done $0x0  }
0x8f: {  	[sflag:s0] =	ssyncadd.s32 $0xFFFFC000  }
0x90: {  	[spmem:s28] =	stream.linear.scatter [tilespmem:s31], [sflag:$0x3], $0x4000, $0x38;
	[tilespmem:$0x1C200] =	vst v63  }
0x91: {  	_ =	swait.ge [sflag:s0], $0x4000  }
0x92: {  	[sflag:s0] =	ssyncset.done $0x0  }
0x93: {  	[sflag:s0] =	ssyncadd.s32 $0xFFFFC000  }
0x94: {  	[spmem:s29] =	stream.linear.scatter [tilespmem:s31], [sflag:$0x3], $0x4000, $0x38;
	[tilespmem:$0x1C200] =	vst v63  }
0x95: {  	_ =	swait.ge [sflag:s0], $0x4000  }
0x96: {  	[sflag:s0] =	ssyncset.done $0x0  }
0x97: {  	[sflag:s0] =	ssyncadd.s32 $0xFFFFC000  }
0x98: {  	[spmem:s30] =	stream.linear.scatter [tilespmem:s31], [sflag:$0x3], $0x4000, $0x38;
	[tilespmem:$0x1C200] =	vst v63  }
0x99: {  	_ =	swait.ge [sflag:s0], $0x4000  }
0x9a: {  	[sflag:s0] =	ssyncset.done $0x0  }
0x9b: {  	[sflag:s0] =	ssyncadd.s32 $0xFFFFC000  }
0x9c: {  	[bflag:$0x0] =	sbarrier.arrive $0xFFFF  }
0x9d: {  	s20 =	rddreg [dreg:$0x4]  }
0x9e: {  	[tilespmem:s3], [sflag:$0x3] =	stream.linear.gather [hbm4b:s20+s3], $0x80, $0x38;
	[tilespmem:$0x1C200] =	vst v63  }
0x9f: {  	_ =	swait.ge [sflag:s0], $0x80  }
0xa0: {  	[sflag:s0] =	ssyncset.done $0x0  }
.Ltmp2:
0xa1: {  	s21 =	rddreg [dreg:$0x5];
	[sflag:s0] =	ssyncadd.s32 $0xFFFFFF80;
	(pc) =	sbr.rel @!p0 .LBB2_2-.Ltmp2, $4  }
0xa2: {  	[tilespmem:s1], [sflag:$0x3] =	stream.linear.gather [hbm4b:s21+s3], $0x80, $0x38;
	[tilespmem:$0x1C200] =	vst v63  }
0xa3: {  	_ =	swait.ge [sflag:s0], $0x80  }
0xa4: {  	[sflag:s0] =	ssyncset.done $0x0  }
0xa5: {  	[sflag:s0] =	ssyncadd.s32 $0xFFFFFF80  }
0xa6: {  	[tilespmem:s31], [sflag:$0x1] =	stream.indirect.gather [hbm4b:s5+s1], $0x80, s3, s1, $0xb8;
	[tilespmem:$0x1C200] =	vst v63  }
0xa7: {  	s17 =	simm.s32 $0x0  }
0xa8: {  	s18 =	sand.u32 $0x3C00, s17  }
0xa9: {  	s17 =	sand.u32 $0x300, s17;
	s18 =	sadd.s32 s9, s18  }
0xaa: {  	s17 =	sor.u32 s18, s17  }
0xab: {  	s17 =	sor.u32 $0x80, s17  }
0xac: {  	s17 =	sshrl.u32 s17, $0x3  }
0xad: {  	s21 =	sadd.s32 s6, s17  }
0xae: {  	[tilespmem:s8], [sflag:$0x3] =	stream.linear.gather [hbm4b:s21+s3], $0x80, $0x38;
	[tilespmem:$0x1C200] =	vst v63  }
0xaf: {  	_ =	swait.ge [sflag:s0], $0x80  }
0xb0: {  	[sflag:s0] =	ssyncset.done $0x0  }
0xb1: {  	s17 =	sadd.s32 s7, s17;
	[sflag:s0] =	ssyncadd.s32 $0xFFFFFF80  }
0xb2: {  	[tilespmem:s12], [sflag:$0x3] =	stream.linear.gather [hbm4b:s17+s3], $0x80, $0x38;
	[tilespmem:$0x1C200] =	vst v63  }
0xb3: {  	_ =	swait.ge [sflag:s0], $0x80  }
0xb4: {  	[sflag:s0] =	ssyncset.done $0x0  }
0xb5: {  	[sflag:s0] =	ssyncadd.s32 $0xFFFFFF80  }
0xb6: {  	[tilespmem:s13], [sflag:$0x2] =	stream.indirect.gather [hbm4b:s5+s1], $0x80, s8, s1, $0xb8;
	[tilespmem:$0x1C200] =	vst v63  }
0xb7: {  	s18 =	simm.s32 $0x100;
	_ =	swait.ge [sflag:s14], $0x4000  }
0xb8: {  	s19 =	sand.u32 $0x7C00, s18;
	[sflag:s14] =	ssyncset.done $0x0  }
0xb9: {  	s17 =	sand.u32 $0x300, s18;
	s18 =	sadd.s32 s9, s19;
	[sflag:s14] =	ssyncadd.s32 $0xFFFFC000  }
0xba: {  	[spmem:s2] =	stream.indirect.scatter.add.f32 [tilespmem:s31], [sflag:$0x3], $0x80, s1, s1, $0xb8;
	[tilespmem:$0x1C200] =	vst v63  }
0xbb: {  	s17 =	sor.u32 s17, s18;
	_ =	swait.ge [sflag:s0], $0x4000  }
0xbc: {  	s17 =	sshrl.u32 s17, $0x3;
	[sflag:s0] =	ssyncset.done $0x0  }
0xbd: {  	s20 =	sadd.s32 s6, s17;
	[sflag:s0] =	ssyncadd.s32 $0xFFFFC000  }
0xbe: {  	[tilespmem:s3], [sflag:$0x3] =	stream.linear.gather [hbm4b:s20+s3], $0x80, $0x38;
	[tilespmem:$0x1C200] =	vst v63  }
0xbf: {  	_ =	swait.ge [sflag:s0], $0x80  }
0xc0: {  	[sflag:s0] =	ssyncset.done $0x0  }
0xc1: {  	s21 =	simm.s32 $0x100;
	s17 =	sadd.s32 s7, s17;
	[sflag:s0] =	ssyncadd.s32 $0xFFFFFF80  }
0xc2: {  	[tilespmem:s1], [sflag:$0x3] =	stream.linear.gather [hbm4b:s17+s3], $0x80, $0x38;
	[tilespmem:$0x1C200] =	vst v63  }
0xc3: {  	s19 =	sand.u32 $0x3C00, s21;
	_ =	swait.ge [sflag:s0], $0x80  }
0xc4: {  	s19 =	sadd.s32 s9, s19;
	[sflag:s0] =	ssyncset.done $0x0  }
0xc5: {  	s18 =	simm.s32 $0x300;
	s20 =	sand.u32 $0x300, s21;
	[sflag:s0] =	ssyncadd.s32 $0xFFFFFF80  }
0xc6: {  	[tilespmem:s31], [sflag:$0x1] =	stream.indirect.gather [hbm4b:s5+s1], $0x80, s3, s1, $0xb8;
	[tilespmem:$0x1C200] =	vst v63  }
0xc7: {  	s19 =	sor.u32 s19, s20;
	s17 =	simm.s32 $0x200;
	_ =	swait.ge [sflag:s15], $0x4000  }
.LBB2_8:
0xc8: {  	p1 =	sne.s32 s18, $0x2700  }
0xc9: {  	[sflag:s15] =	ssyncset.done $0x0;
	s20 =	smov.u32 s18;
	s18 =	sadd.s32 $0x100, s18  }
0xca: {  	[sflag:s15] =	ssyncadd.s32 $0xFFFFC000  }
0xcb: {  	[spmem:s2] =	stream.indirect.scatter.add.f32 [tilespmem:s13], [sflag:$0x3], $0x80, s12, s1, $0xb8;
	[tilespmem:$0x1C200] =	vst v63  }
0xcc: {  	s19 =	sor.u32 $0x80, s19;
	_ =	swait.ge [sflag:s0], $0x4000  }
0xcd: {  	s19 =	sshrl.u32 s19, $0x3;
	[sflag:s0] =	ssyncset.done $0x0  }
0xce: {  	s21 =	sadd.s32 s6, s19;
	[sflag:s0] =	ssyncadd.s32 $0xFFFFC000  }
0xcf: {  	[tilespmem:s8], [sflag:$0x3] =	stream.linear.gather [hbm4b:s21+s3], $0x80, $0x38;
	[tilespmem:$0x1C200] =	vst v63  }
0xd0: {  	_ =	swait.ge [sflag:s0], $0x80  }
0xd1: {  	[sflag:s0] =	ssyncset.done $0x0  }
0xd2: {  	s19 =	sadd.s32 s7, s19;
	[sflag:s0] =	ssyncadd.s32 $0xFFFFFF80  }
0xd3: {  	[tilespmem:s12], [sflag:$0x3] =	stream.linear.gather [hbm4b:s19+s3], $0x80, $0x38;
	[tilespmem:$0x1C200] =	vst v63  }
0xd4: {  	_ =	swait.ge [sflag:s0], $0x80  }
0xd5: {  	[sflag:s0] =	ssyncset.done $0x0  }
0xd6: {  	[sflag:s0] =	ssyncadd.s32 $0xFFFFFF80  }
0xd7: {  	[tilespmem:s13], [sflag:$0x2] =	stream.indirect.gather [hbm4b:s5+s1], $0x80, s8, s1, $0xb8;
	[tilespmem:$0x1C200] =	vst v63  }
0xd8: {  	_ =	swait.ge [sflag:s14], $0x4000  }
0xd9: {  	[sflag:s14] =	ssyncset.done $0x0  }
0xda: {  	s21 =	sand.u32 $0x300, s17;
	s19 =	sand.u32 $0x7C00, s17;
	[sflag:s14] =	ssyncadd.s32 $0xFFFFC000  }
0xdb: {  	[spmem:s2] =	stream.indirect.scatter.add.f32 [tilespmem:s31], [sflag:$0x3], $0x80, s1, s1, $0xb8;
	[tilespmem:$0x1C200] =	vst v63  }
0xdc: {  	s17 =	smov.u32 s20;
	s19 =	sadd.s32 s9, s19;
	_ =	swait.ge [sflag:s0], $0x4000  }
0xdd: {  	s19 =	sor.u32 s21, s19;
	[sflag:s0] =	ssyncset.done $0x0  }
0xde: {  	s19 =	sshrl.u32 s19, $0x3;
	[sflag:s0] =	ssyncadd.s32 $0xFFFFC000  }
0xdf: {  	s20 =	sadd.s32 s6, s19  }
0xe0: {  	[tilespmem:s3], [sflag:$0x3] =	stream.linear.gather [hbm4b:s20+s3], $0x80, $0x38;
	[tilespmem:$0x1C200] =	vst v63  }
0xe1: {  	_ =	swait.ge [sflag:s0], $0x80  }
0xe2: {  	s19 =	sadd.s32 s7, s19;
	[sflag:s0] =	ssyncset.done $0x0  }
0xe3: {  	[sflag:s0] =	ssyncadd.s32 $0xFFFFFF80  }
0xe4: {  	[tilespmem:s1], [sflag:$0x3] =	stream.linear.gather [hbm4b:s19+s3], $0x80, $0x38;
	[tilespmem:$0x1C200] =	vst v63  }
.Ltmp3:
0xe5: {  	s19 =	sadd.s32 $0xFFFFFF00, s17;
	_ =	swait.ge [sflag:s0], $0x80;
	(pc) =	sbr.rel @p1 .LBB2_8-.Ltmp3, $4  }
0xe6: {  	s20 =	sand.u32 $0x3C00, s19;
	[sflag:s0] =	ssyncset.done $0x0  }
0xe7: {  	s19 =	sand.u32 $0x300, s19;
	s20 =	sadd.s32 s9, s20;
	[sflag:s0] =	ssyncadd.s32 $0xFFFFFF80  }
0xe8: {  	[tilespmem:s31], [sflag:$0x1] =	stream.indirect.gather [hbm4b:s5+s1], $0x80, s3, s1, $0xb8;
	[tilespmem:$0x1C200] =	vst v63  }
0xe9: {  	s19 =	sor.u32 s20, s19;
	_ =	swait.ge [sflag:s15], $0x4000  }
0xea: {  	[sflag:s15] =	ssyncset.done $0x0  }
0xeb: {  	[sflag:s15] =	ssyncadd.s32 $0xFFFFC000  }
0xec: {  	[spmem:s2] =	stream.indirect.scatter.add.f32 [tilespmem:s13], [sflag:$0x3], $0x80, s12, s1, $0xb8;
	[tilespmem:$0x1C200] =	vst v63  }
0xed: {  	s18 =	sor.u32 $0x80, s19;
	_ =	swait.ge [sflag:s0], $0x4000  }
0xee: {  	s18 =	sshrl.u32 s18, $0x3;
	[sflag:s0] =	ssyncset.done $0x0  }
0xef: {  	s20 =	sadd.s32 s6, s18;
	[sflag:s0] =	ssyncadd.s32 $0xFFFFC000  }
0xf0: {  	[tilespmem:s8], [sflag:$0x3] =	stream.linear.gather [hbm4b:s20+s3], $0x80, $0x38;
	[tilespmem:$0x1C200] =	vst v63  }
0xf1: {  	_ =	swait.ge [sflag:s0], $0x80  }
0xf2: {  	[sflag:s0] =	ssyncset.done $0x0  }
0xf3: {  	s18 =	sadd.s32 s7, s18;
	[sflag:s0] =	ssyncadd.s32 $0xFFFFFF80  }
0xf4: {  	[tilespmem:s12], [sflag:$0x3] =	stream.linear.gather [hbm4b:s18+s3], $0x80, $0x38;
	[tilespmem:$0x1C200] =	vst v63  }
0xf5: {  	_ =	swait.ge [sflag:s0], $0x80  }
0xf6: {  	[sflag:s0] =	ssyncset.done $0x0  }
0xf7: {  	[sflag:s0] =	ssyncadd.s32 $0xFFFFFF80  }
0xf8: {  	[tilespmem:s13], [sflag:$0x2] =	stream.indirect.gather [hbm4b:s5+s1], $0x80, s8, s1, $0xb8;
	[tilespmem:$0x1C200] =	vst v63  }
0xf9: {  	_ =	swait.ge [sflag:s14], $0x4000  }
0xfa: {  	s21 =	sand.u32 $0x7C00, s17;
	[sflag:s14] =	ssyncset.done $0x0  }
0xfb: {  	s19 =	sand.u32 $0x300, s17;
	s18 =	sadd.s32 s9, s21;
	[sflag:s14] =	ssyncadd.s32 $0xFFFFC000  }
0xfc: {  	[spmem:s2] =	stream.indirect.scatter.add.f32 [tilespmem:s31], [sflag:$0x3], $0x80, s1, s1, $0xb8;
	[tilespmem:$0x1C200] =	vst v63  }
0xfd: {  	s17 =	sor.u32 s19, s18;
	_ =	swait.ge [sflag:s0], $0x4000  }
0xfe: {  	s17 =	sshrl.u32 s17, $0x3;
	[sflag:s0] =	ssyncset.done $0x0  }
0xff: {  	s20 =	sadd.s32 s6, s17;
	[sflag:s0] =	ssyncadd.s32 $0xFFFFC000  }
0x100: {  	[tilespmem:s3], [sflag:$0x3] =	stream.linear.gather [hbm4b:s20+s3], $0x80, $0x38;
	[tilespmem:$0x1C200] =	vst v63  }
0x101: {  	_ =	swait.ge [sflag:s0], $0x80  }
0x102: {  	[sflag:s0] =	ssyncset.done $0x0  }
0x103: {  	s17 =	sadd.s32 s7, s17;
	[sflag:s0] =	ssyncadd.s32 $0xFFFFFF80  }
0x104: {  	[tilespmem:s1], [sflag:$0x3] =	stream.linear.gather [hbm4b:s17+s3], $0x80, $0x38;
	[tilespmem:$0x1C200] =	vst v63  }
0x105: {  	_ =	swait.ge [sflag:s0], $0x80  }
0x106: {  	[sflag:s0] =	ssyncset.done $0x0  }
0x107: {  	[sflag:s0] =	ssyncadd.s32 $0xFFFFFF80  }
0x108: {  	[tilespmem:s31], [sflag:$0x1] =	stream.indirect.gather [hbm4b:s5+s1], $0x80, s3, s1, $0xb8;
	[tilespmem:$0x1C200] =	vst v63  }
0x109: {  	_ =	swait.ge [sflag:s15], $0x4000  }
0x10a: {  	[sflag:s15] =	ssyncset.done $0x0  }
0x10b: {  	[sflag:s15] =	ssyncadd.s32 $0xFFFFC000  }
0x10c: {  	[spmem:s2] =	stream.indirect.scatter.add.f32 [tilespmem:s13], [sflag:$0x3], $0x80, s12, s1, $0xb8;
	[tilespmem:$0x1C200] =	vst v63  }
0x10d: {  	_ =	swait.ge [sflag:s0], $0x4000  }
0x10e: {  	[sflag:s0] =	ssyncset.done $0x0  }
0x10f: {  	s17 =	simm.s32 $0x100;
	[sflag:s0] =	ssyncadd.s32 $0xFFFFC000  }
0x110: {  	[tilespmem:s17], [sflag:$0x3] =	stream.linear.gather [hbm4b:s22+s3], $0x80, $0x38;
	[tilespmem:$0x1C200] =	vst v63  }
0x111: {  	_ =	swait.ge [sflag:s0], $0x80  }
0x112: {  	[sflag:s0] =	ssyncset.done $0x0  }
0x113: {  	[sflag:s0] =	ssyncadd.s32 $0xFFFFFF80  }
0x114: {  	[tilespmem:s12], [sflag:$0x3] =	stream.linear.gather [hbm4b:s23+s3], $0x80, $0x38;
	[tilespmem:$0x1C200] =	vst v63  }
0x115: {  	_ =	swait.ge [sflag:s0], $0x80  }
0x116: {  	[sflag:s0] =	ssyncset.done $0x0  }
0x117: {  	[sflag:s0] =	ssyncadd.s32 $0xFFFFFF80  }
0x118: {  	[tilespmem:s13], [sflag:$0x2] =	stream.indirect.gather [hbm4b:s5+s1], $0x80, s17, s1, $0xb8;
	[tilespmem:$0x1C200] =	vst v63  }
0x119: {  	_ =	swait.ge [sflag:s14], $0x4000  }
0x11a: {  	[sflag:s14] =	ssyncset.done $0x0  }
0x11b: {  	[sflag:s14] =	ssyncadd.s32 $0xFFFFC000  }
0x11c: {  	[spmem:s2] =	stream.indirect.scatter.add.f32 [tilespmem:s31], [sflag:$0x3], $0x80, s1, s1, $0xb8;
	[tilespmem:$0x1C200] =	vst v63  }
0x11d: {  	_ =	swait.ge [sflag:s0], $0x4000  }
0x11e: {  	[sflag:s0] =	ssyncset.done $0x0  }
0x11f: {  	[sflag:s0] =	ssyncadd.s32 $0xFFFFC000  }
0x120: {  	_ =	swait.ge [sflag:s15], $0x4000  }
0x121: {  	[sflag:s15] =	ssyncset.done $0x0  }
0x122: {  	[sflag:s15] =	ssyncadd.s32 $0xFFFFC000  }
0x123: {  	[spmem:s2] =	stream.indirect.scatter.add.f32 [tilespmem:s13], [sflag:$0x3], $0x80, s12, s1, $0xb8;
	[tilespmem:$0x1C200] =	vst v63  }
0x124: {  	_ =	swait.ge [sflag:s0], $0x4000  }
0x125: {  	[sflag:s0] =	ssyncset.done $0x0  }
0x126: {  	s21 =	rddreg [dreg:$0x6];
	[sflag:s0] =	ssyncadd.s32 $0xFFFFC000  }
0x127: {  	[tilespmem:s3], [sflag:$0x3] =	stream.linear.gather [hbm4b:s21+s3], $0x80, $0x38;
	[tilespmem:$0x1C200] =	vst v63  }
0x128: {  	_ =	swait.ge [sflag:s0], $0x80  }
0x129: {  	s20 =	simm.s32 $0x0;
	[sflag:s0] =	ssyncset.done $0x0  }
0x12a: {  	s21 =	sand.u32 $0x3C00, s20;
	s19 =	rddreg [dreg:$0x7];
	[sflag:s0] =	ssyncadd.s32 $0xFFFFFF80  }
0x12b: {  	[tilespmem:s1], [sflag:$0x3] =	stream.linear.gather [hbm4b:s19+s3], $0x80, $0x38;
	[tilespmem:$0x1C200] =	vst v63  }
0x12c: {  	s18 =	sand.u32 $0x300, s20;
	s19 =	sadd.s32 s11, s21  }
0x12d: {  	_ =	swait.ge [sflag:s0], $0x80;
	s18 =	sor.u32 s19, s18  }
0x12e: {  	[sflag:s0] =	ssyncset.done $0x0;
	s18 =	sor.u32 $0x80, s18  }
0x12f: {  	[sflag:s0] =	ssyncadd.s32 $0xFFFFFF80;
	s18 =	sshrl.u32 s18, $0x3  }
0x130: {  	[tilespmem:s31], [sflag:$0x1] =	stream.indirect.gather [hbm4b:s5+s1], $0x80, s3, s1, $0xb8;
	[tilespmem:$0x1C200] =	vst v63  }
0x131: {  	s20 =	sadd.s32 s6, s18  }
0x132: {  	[tilespmem:s8], [sflag:$0x3] =	stream.linear.gather [hbm4b:s20+s3], $0x80, $0x38;
	[tilespmem:$0x1C200] =	vst v63  }
0x133: {  	_ =	swait.ge [sflag:s0], $0x80  }
0x134: {  	[sflag:s0] =	ssyncset.done $0x0  }
0x135: {  	s18 =	sadd.s32 s7, s18;
	[sflag:s0] =	ssyncadd.s32 $0xFFFFFF80  }
0x136: {  	[tilespmem:s12], [sflag:$0x3] =	stream.linear.gather [hbm4b:s18+s3], $0x80, $0x38;
	[tilespmem:$0x1C200] =	vst v63  }
0x137: {  	_ =	swait.ge [sflag:s0], $0x80  }
0x138: {  	[sflag:s0] =	ssyncset.done $0x0  }
0x139: {  	[sflag:s0] =	ssyncadd.s32 $0xFFFFFF80  }
0x13a: {  	[tilespmem:s13], [sflag:$0x2] =	stream.indirect.gather [hbm4b:s5+s1], $0x80, s8, s1, $0xb8;
	[tilespmem:$0x1C200] =	vst v63  }
0x13b: {  	_ =	swait.ge [sflag:s14], $0x4000  }
0x13c: {  	s21 =	sand.u32 $0x7C00, s17;
	[sflag:s14] =	ssyncset.done $0x0  }
0x13d: {  	s17 =	sand.u32 $0x300, s17;
	s18 =	sadd.s32 s11, s21;
	[sflag:s14] =	ssyncadd.s32 $0xFFFFC000  }
0x13e: {  	[spmem:s2] =	stream.indirect.scatter.add.f32 [tilespmem:s31], [sflag:$0x3], $0x80, s1, s1, $0xb8;
	[tilespmem:$0x1C200] =	vst v63  }
0x13f: {  	s17 =	sor.u32 s17, s18;
	_ =	swait.ge [sflag:s0], $0x4000  }
0x140: {  	s17 =	sshrl.u32 s17, $0x3;
	[sflag:s0] =	ssyncset.done $0x0  }
0x141: {  	s19 =	sadd.s32 s6, s17;
	[sflag:s0] =	ssyncadd.s32 $0xFFFFC000  }
0x142: {  	[tilespmem:s3], [sflag:$0x3] =	stream.linear.gather [hbm4b:s19+s3], $0x80, $0x38;
	[tilespmem:$0x1C200] =	vst v63  }
0x143: {  	_ =	swait.ge [sflag:s0], $0x80  }
0x144: {  	[sflag:s0] =	ssyncset.done $0x0  }
0x145: {  	s17 =	sadd.s32 s7, s17;
	[sflag:s0] =	ssyncadd.s32 $0xFFFFFF80  }
0x146: {  	[tilespmem:s1], [sflag:$0x3] =	stream.linear.gather [hbm4b:s17+s3], $0x80, $0x38;
	[tilespmem:$0x1C200] =	vst v63  }
0x147: {  	s20 =	simm.s32 $0x100;
	_ =	swait.ge [sflag:s0], $0x80  }
0x148: {  	s21 =	sand.u32 $0x3C00, s20;
	s20 =	sand.u32 $0x300, s20;
	[sflag:s0] =	ssyncset.done $0x0  }
0x149: {  	s18 =	simm.s32 $0x300;
	s19 =	sadd.s32 s11, s21;
	[sflag:s0] =	ssyncadd.s32 $0xFFFFFF80  }
0x14a: {  	[tilespmem:s31], [sflag:$0x1] =	stream.indirect.gather [hbm4b:s5+s1], $0x80, s3, s1, $0xb8;
	[tilespmem:$0x1C200] =	vst v63  }
0x14b: {  	s19 =	sor.u32 s19, s20;
	s17 =	simm.s32 $0x200;
	_ =	swait.ge [sflag:s15], $0x4000  }
.LBB2_10:
0x14c: {  	p1 =	sne.s32 s18, $0x2700  }
0x14d: {  	[sflag:s15] =	ssyncset.done $0x0;
	s20 =	smov.u32 s18;
	s18 =	sadd.s32 $0x100, s18  }
0x14e: {  	[sflag:s15] =	ssyncadd.s32 $0xFFFFC000  }
0x14f: {  	[spmem:s2] =	stream.indirect.scatter.add.f32 [tilespmem:s13], [sflag:$0x3], $0x80, s12, s1, $0xb8;
	[tilespmem:$0x1C200] =	vst v63  }
0x150: {  	s19 =	sor.u32 $0x80, s19;
	_ =	swait.ge [sflag:s0], $0x4000  }
0x151: {  	s19 =	sshrl.u32 s19, $0x3;
	[sflag:s0] =	ssyncset.done $0x0  }
0x152: {  	s21 =	sadd.s32 s6, s19;
	[sflag:s0] =	ssyncadd.s32 $0xFFFFC000  }
0x153: {  	[tilespmem:s8], [sflag:$0x3] =	stream.linear.gather [hbm4b:s21+s3], $0x80, $0x38;
	[tilespmem:$0x1C200] =	vst v63  }
0x154: {  	_ =	swait.ge [sflag:s0], $0x80  }
0x155: {  	[sflag:s0] =	ssyncset.done $0x0  }
0x156: {  	s19 =	sadd.s32 s7, s19;
	[sflag:s0] =	ssyncadd.s32 $0xFFFFFF80  }
0x157: {  	[tilespmem:s12], [sflag:$0x3] =	stream.linear.gather [hbm4b:s19+s3], $0x80, $0x38;
	[tilespmem:$0x1C200] =	vst v63  }
0x158: {  	_ =	swait.ge [sflag:s0], $0x80  }
0x159: {  	[sflag:s0] =	ssyncset.done $0x0  }
0x15a: {  	[sflag:s0] =	ssyncadd.s32 $0xFFFFFF80  }
0x15b: {  	[tilespmem:s13], [sflag:$0x2] =	stream.indirect.gather [hbm4b:s5+s1], $0x80, s8, s1, $0xb8;
	[tilespmem:$0x1C200] =	vst v63  }
0x15c: {  	_ =	swait.ge [sflag:s14], $0x4000  }
0x15d: {  	[sflag:s14] =	ssyncset.done $0x0  }
0x15e: {  	s21 =	sand.u32 $0x300, s17;
	s19 =	sand.u32 $0x7C00, s17;
	[sflag:s14] =	ssyncadd.s32 $0xFFFFC000  }
0x15f: {  	[spmem:s2] =	stream.indirect.scatter.add.f32 [tilespmem:s31], [sflag:$0x3], $0x80, s1, s1, $0xb8;
	[tilespmem:$0x1C200] =	vst v63  }
0x160: {  	s17 =	smov.u32 s20;
	s19 =	sadd.s32 s11, s19;
	_ =	swait.ge [sflag:s0], $0x4000  }
0x161: {  	s19 =	sor.u32 s21, s19;
	[sflag:s0] =	ssyncset.done $0x0  }
0x162: {  	s19 =	sshrl.u32 s19, $0x3;
	[sflag:s0] =	ssyncadd.s32 $0xFFFFC000  }
0x163: {  	s20 =	sadd.s32 s6, s19  }
0x164: {  	[tilespmem:s3], [sflag:$0x3] =	stream.linear.gather [hbm4b:s20+s3], $0x80, $0x38;
	[tilespmem:$0x1C200] =	vst v63  }
0x165: {  	_ =	swait.ge [sflag:s0], $0x80  }
0x166: {  	s19 =	sadd.s32 s7, s19;
	[sflag:s0] =	ssyncset.done $0x0  }
0x167: {  	[sflag:s0] =	ssyncadd.s32 $0xFFFFFF80  }
0x168: {  	[tilespmem:s1], [sflag:$0x3] =	stream.linear.gather [hbm4b:s19+s3], $0x80, $0x38;
	[tilespmem:$0x1C200] =	vst v63  }
.Ltmp4:
0x169: {  	s19 =	sadd.s32 $0xFFFFFF00, s17;
	_ =	swait.ge [sflag:s0], $0x80;
	(pc) =	sbr.rel @p1 .LBB2_10-.Ltmp4, $4  }
0x16a: {  	s20 =	sand.u32 $0x3C00, s19;
	[sflag:s0] =	ssyncset.done $0x0  }
0x16b: {  	s19 =	sand.u32 $0x300, s19;
	s20 =	sadd.s32 s11, s20;
	[sflag:s0] =	ssyncadd.s32 $0xFFFFFF80  }
0x16c: {  	[tilespmem:s31], [sflag:$0x1] =	stream.indirect.gather [hbm4b:s5+s1], $0x80, s3, s1, $0xb8;
	[tilespmem:$0x1C200] =	vst v63  }
0x16d: {  	s19 =	sor.u32 s20, s19;
	_ =	swait.ge [sflag:s15], $0x4000  }
.Ltmp5:
0x16e: {  	_ = 	snop;
	(pc) =	sbr.rel .LBB2_11-.Ltmp5, $1  }
0x16f: {  	_ =	sdelay $0x3  }
.LBB2_2:
0x170: {  	[tilespmem:s31], [sflag:$0x1] =	stream.indirect.gather [hbm4b:s4+s1], $0x80, s3, s1, $0xb8;
	[tilespmem:$0x1C200] =	vst v63  }
0x171: {  	s17 =	simm.s32 $0x0  }
0x172: {  	s18 =	sand.u32 $0x3C00, s17  }
0x173: {  	s17 =	sand.u32 $0x300, s17;
	s18 =	sadd.s32 s9, s18  }
0x174: {  	s17 =	sor.u32 s18, s17  }
0x175: {  	s17 =	sor.u32 $0x80, s17  }
0x176: {  	s17 =	sshrl.u32 s17, $0x3  }
0x177: {  	s21 =	sadd.s32 s6, s17  }
0x178: {  	[tilespmem:s8], [sflag:$0x3] =	stream.linear.gather [hbm4b:s21+s3], $0x80, $0x38;
	[tilespmem:$0x1C200] =	vst v63  }
0x179: {  	_ =	swait.ge [sflag:s0], $0x80  }
0x17a: {  	[sflag:s0] =	ssyncset.done $0x0  }
0x17b: {  	s17 =	sadd.s32 s7, s17;
	[sflag:s0] =	ssyncadd.s32 $0xFFFFFF80  }
0x17c: {  	[tilespmem:s12], [sflag:$0x3] =	stream.linear.gather [hbm4b:s17+s3], $0x80, $0x38;
	[tilespmem:$0x1C200] =	vst v63  }
0x17d: {  	_ =	swait.ge [sflag:s0], $0x80  }
0x17e: {  	[sflag:s0] =	ssyncset.done $0x0  }
0x17f: {  	[sflag:s0] =	ssyncadd.s32 $0xFFFFFF80  }
0x180: {  	[tilespmem:s13], [sflag:$0x2] =	stream.indirect.gather [hbm4b:s4+s1], $0x80, s8, s1, $0xb8;
	[tilespmem:$0x1C200] =	vst v63  }
0x181: {  	s18 =	simm.s32 $0x100;
	_ =	swait.ge [sflag:s14], $0x4000  }
0x182: {  	s19 =	sand.u32 $0x7C00, s18;
	[sflag:s14] =	ssyncset.done $0x0  }
0x183: {  	s17 =	sand.u32 $0x300, s18;
	s18 =	sadd.s32 s9, s19;
	[sflag:s14] =	ssyncadd.s32 $0xFFFFC000  }
0x184: {  	[spmem:s2] =	stream.indirect.scatter.add.f32 [tilespmem:s31], [sflag:$0x3], $0x80, s1, s1, $0xb8;
	[tilespmem:$0x1C200] =	vst v63  }
0x185: {  	s17 =	sor.u32 s17, s18;
	_ =	swait.ge [sflag:s0], $0x4000  }
0x186: {  	s17 =	sshrl.u32 s17, $0x3;
	[sflag:s0] =	ssyncset.done $0x0  }
0x187: {  	s20 =	sadd.s32 s6, s17;
	[sflag:s0] =	ssyncadd.s32 $0xFFFFC000  }
0x188: {  	[tilespmem:s3], [sflag:$0x3] =	stream.linear.gather [hbm4b:s20+s3], $0x80, $0x38;
	[tilespmem:$0x1C200] =	vst v63  }
0x189: {  	_ =	swait.ge [sflag:s0], $0x80  }
0x18a: {  	[sflag:s0] =	ssyncset.done $0x0  }
0x18b: {  	s21 =	simm.s32 $0x100;
	s17 =	sadd.s32 s7, s17;
	[sflag:s0] =	ssyncadd.s32 $0xFFFFFF80  }
0x18c: {  	[tilespmem:s1], [sflag:$0x3] =	stream.linear.gather [hbm4b:s17+s3], $0x80, $0x38;
	[tilespmem:$0x1C200] =	vst v63  }
0x18d: {  	s19 =	sand.u32 $0x3C00, s21;
	_ =	swait.ge [sflag:s0], $0x80  }
0x18e: {  	s19 =	sadd.s32 s9, s19;
	[sflag:s0] =	ssyncset.done $0x0  }
0x18f: {  	s18 =	simm.s32 $0x300;
	s20 =	sand.u32 $0x300, s21;
	[sflag:s0] =	ssyncadd.s32 $0xFFFFFF80  }
0x190: {  	[tilespmem:s31], [sflag:$0x1] =	stream.indirect.gather [hbm4b:s4+s1], $0x80, s3, s1, $0xb8;
	[tilespmem:$0x1C200] =	vst v63  }
0x191: {  	s19 =	sor.u32 s19, s20;
	s17 =	simm.s32 $0x200;
	_ =	swait.ge [sflag:s15], $0x4000  }
.LBB2_3:
0x192: {  	p1 =	sne.s32 s18, $0x2700  }
0x193: {  	[sflag:s15] =	ssyncset.done $0x0;
	s20 =	smov.u32 s18;
	s18 =	sadd.s32 $0x100, s18  }
0x194: {  	[sflag:s15] =	ssyncadd.s32 $0xFFFFC000  }
0x195: {  	[spmem:s2] =	stream.indirect.scatter.add.f32 [tilespmem:s13], [sflag:$0x3], $0x80, s12, s1, $0xb8;
	[tilespmem:$0x1C200] =	vst v63  }
0x196: {  	s19 =	sor.u32 $0x80, s19;
	_ =	swait.ge [sflag:s0], $0x4000  }
0x197: {  	s19 =	sshrl.u32 s19, $0x3;
	[sflag:s0] =	ssyncset.done $0x0  }
0x198: {  	s21 =	sadd.s32 s6, s19;
	[sflag:s0] =	ssyncadd.s32 $0xFFFFC000  }
0x199: {  	[tilespmem:s8], [sflag:$0x3] =	stream.linear.gather [hbm4b:s21+s3], $0x80, $0x38;
	[tilespmem:$0x1C200] =	vst v63  }
0x19a: {  	_ =	swait.ge [sflag:s0], $0x80  }
0x19b: {  	[sflag:s0] =	ssyncset.done $0x0  }
0x19c: {  	s19 =	sadd.s32 s7, s19;
	[sflag:s0] =	ssyncadd.s32 $0xFFFFFF80  }
0x19d: {  	[tilespmem:s12], [sflag:$0x3] =	stream.linear.gather [hbm4b:s19+s3], $0x80, $0x38;
	[tilespmem:$0x1C200] =	vst v63  }
0x19e: {  	_ =	swait.ge [sflag:s0], $0x80  }
0x19f: {  	[sflag:s0] =	ssyncset.done $0x0  }
0x1a0: {  	[sflag:s0] =	ssyncadd.s32 $0xFFFFFF80  }
0x1a1: {  	[tilespmem:s13], [sflag:$0x2] =	stream.indirect.gather [hbm4b:s4+s1], $0x80, s8, s1, $0xb8;
	[tilespmem:$0x1C200] =	vst v63  }
0x1a2: {  	_ =	swait.ge [sflag:s14], $0x4000  }
0x1a3: {  	[sflag:s14] =	ssyncset.done $0x0  }
0x1a4: {  	s21 =	sand.u32 $0x300, s17;
	s19 =	sand.u32 $0x7C00, s17;
	[sflag:s14] =	ssyncadd.s32 $0xFFFFC000  }
0x1a5: {  	[spmem:s2] =	stream.indirect.scatter.add.f32 [tilespmem:s31], [sflag:$0x3], $0x80, s1, s1, $0xb8;
	[tilespmem:$0x1C200] =	vst v63  }
0x1a6: {  	s17 =	smov.u32 s20;
	s19 =	sadd.s32 s9, s19;
	_ =	swait.ge [sflag:s0], $0x4000  }
0x1a7: {  	s19 =	sor.u32 s21, s19;
	[sflag:s0] =	ssyncset.done $0x0  }
0x1a8: {  	s19 =	sshrl.u32 s19, $0x3;
	[sflag:s0] =	ssyncadd.s32 $0xFFFFC000  }
0x1a9: {  	s20 =	sadd.s32 s6, s19  }
0x1aa: {  	[tilespmem:s3], [sflag:$0x3] =	stream.linear.gather [hbm4b:s20+s3], $0x80, $0x38;
	[tilespmem:$0x1C200] =	vst v63  }
0x1ab: {  	_ =	swait.ge [sflag:s0], $0x80  }
0x1ac: {  	s19 =	sadd.s32 s7, s19;
	[sflag:s0] =	ssyncset.done $0x0  }
0x1ad: {  	[sflag:s0] =	ssyncadd.s32 $0xFFFFFF80  }
0x1ae: {  	[tilespmem:s1], [sflag:$0x3] =	stream.linear.gather [hbm4b:s19+s3], $0x80, $0x38;
	[tilespmem:$0x1C200] =	vst v63  }
.Ltmp6:
0x1af: {  	s19 =	sadd.s32 $0xFFFFFF00, s17;
	_ =	swait.ge [sflag:s0], $0x80;
	(pc) =	sbr.rel @p1 .LBB2_3-.Ltmp6, $4  }
0x1b0: {  	s20 =	sand.u32 $0x3C00, s19;
	[sflag:s0] =	ssyncset.done $0x0  }
0x1b1: {  	s19 =	sand.u32 $0x300, s19;
	s20 =	sadd.s32 s9, s20;
	[sflag:s0] =	ssyncadd.s32 $0xFFFFFF80  }
0x1b2: {  	[tilespmem:s31], [sflag:$0x1] =	stream.indirect.gather [hbm4b:s4+s1], $0x80, s3, s1, $0xb8;
	[tilespmem:$0x1C200] =	vst v63  }
0x1b3: {  	s19 =	sor.u32 s20, s19;
	_ =	swait.ge [sflag:s15], $0x4000  }
0x1b4: {  	[sflag:s15] =	ssyncset.done $0x0  }
0x1b5: {  	[sflag:s15] =	ssyncadd.s32 $0xFFFFC000  }
0x1b6: {  	[spmem:s2] =	stream.indirect.scatter.add.f32 [tilespmem:s13], [sflag:$0x3], $0x80, s12, s1, $0xb8;
	[tilespmem:$0x1C200] =	vst v63  }
0x1b7: {  	s18 =	sor.u32 $0x80, s19;
	_ =	swait.ge [sflag:s0], $0x4000  }
0x1b8: {  	s18 =	sshrl.u32 s18, $0x3;
	[sflag:s0] =	ssyncset.done $0x0  }
0x1b9: {  	s20 =	sadd.s32 s6, s18;
	[sflag:s0] =	ssyncadd.s32 $0xFFFFC000  }
0x1ba: {  	[tilespmem:s8], [sflag:$0x3] =	stream.linear.gather [hbm4b:s20+s3], $0x80, $0x38;
	[tilespmem:$0x1C200] =	vst v63  }
0x1bb: {  	_ =	swait.ge [sflag:s0], $0x80  }
0x1bc: {  	[sflag:s0] =	ssyncset.done $0x0  }
0x1bd: {  	s18 =	sadd.s32 s7, s18;
	[sflag:s0] =	ssyncadd.s32 $0xFFFFFF80  }
0x1be: {  	[tilespmem:s12], [sflag:$0x3] =	stream.linear.gather [hbm4b:s18+s3], $0x80, $0x38;
	[tilespmem:$0x1C200] =	vst v63  }
0x1bf: {  	_ =	swait.ge [sflag:s0], $0x80  }
0x1c0: {  	[sflag:s0] =	ssyncset.done $0x0  }
0x1c1: {  	[sflag:s0] =	ssyncadd.s32 $0xFFFFFF80  }
0x1c2: {  	[tilespmem:s13], [sflag:$0x2] =	stream.indirect.gather [hbm4b:s4+s1], $0x80, s8, s1, $0xb8;
	[tilespmem:$0x1C200] =	vst v63  }
0x1c3: {  	_ =	swait.ge [sflag:s14], $0x4000  }
0x1c4: {  	s21 =	sand.u32 $0x7C00, s17;
	[sflag:s14] =	ssyncset.done $0x0  }
0x1c5: {  	s19 =	sand.u32 $0x300, s17;
	s18 =	sadd.s32 s9, s21;
	[sflag:s14] =	ssyncadd.s32 $0xFFFFC000  }
0x1c6: {  	[spmem:s2] =	stream.indirect.scatter.add.f32 [tilespmem:s31], [sflag:$0x3], $0x80, s1, s1, $0xb8;
	[tilespmem:$0x1C200] =	vst v63  }
0x1c7: {  	s17 =	sor.u32 s19, s18;
	_ =	swait.ge [sflag:s0], $0x4000  }
0x1c8: {  	s17 =	sshrl.u32 s17, $0x3;
	[sflag:s0] =	ssyncset.done $0x0  }
0x1c9: {  	s20 =	sadd.s32 s6, s17;
	[sflag:s0] =	ssyncadd.s32 $0xFFFFC000  }
0x1ca: {  	[tilespmem:s3], [sflag:$0x3] =	stream.linear.gather [hbm4b:s20+s3], $0x80, $0x38;
	[tilespmem:$0x1C200] =	vst v63  }
0x1cb: {  	_ =	swait.ge [sflag:s0], $0x80  }
0x1cc: {  	[sflag:s0] =	ssyncset.done $0x0  }
0x1cd: {  	s17 =	sadd.s32 s7, s17;
	[sflag:s0] =	ssyncadd.s32 $0xFFFFFF80  }
0x1ce: {  	[tilespmem:s1], [sflag:$0x3] =	stream.linear.gather [hbm4b:s17+s3], $0x80, $0x38;
	[tilespmem:$0x1C200] =	vst v63  }
0x1cf: {  	_ =	swait.ge [sflag:s0], $0x80  }
0x1d0: {  	[sflag:s0] =	ssyncset.done $0x0  }
0x1d1: {  	[sflag:s0] =	ssyncadd.s32 $0xFFFFFF80  }
0x1d2: {  	[tilespmem:s31], [sflag:$0x1] =	stream.indirect.gather [hbm4b:s4+s1], $0x80, s3, s1, $0xb8;
	[tilespmem:$0x1C200] =	vst v63  }
0x1d3: {  	_ =	swait.ge [sflag:s15], $0x4000  }
0x1d4: {  	[sflag:s15] =	ssyncset.done $0x0  }
0x1d5: {  	[sflag:s15] =	ssyncadd.s32 $0xFFFFC000  }
0x1d6: {  	[spmem:s2] =	stream.indirect.scatter.add.f32 [tilespmem:s13], [sflag:$0x3], $0x80, s12, s1, $0xb8;
	[tilespmem:$0x1C200] =	vst v63  }
0x1d7: {  	_ =	swait.ge [sflag:s0], $0x4000  }
0x1d8: {  	[sflag:s0] =	ssyncset.done $0x0  }
0x1d9: {  	s17 =	simm.s32 $0x100;
	[sflag:s0] =	ssyncadd.s32 $0xFFFFC000  }
0x1da: {  	[tilespmem:s17], [sflag:$0x3] =	stream.linear.gather [hbm4b:s22+s3], $0x80, $0x38;
	[tilespmem:$0x1C200] =	vst v63  }
0x1db: {  	_ =	swait.ge [sflag:s0], $0x80  }
0x1dc: {  	[sflag:s0] =	ssyncset.done $0x0  }
0x1dd: {  	[sflag:s0] =	ssyncadd.s32 $0xFFFFFF80  }
0x1de: {  	[tilespmem:s12], [sflag:$0x3] =	stream.linear.gather [hbm4b:s23+s3], $0x80, $0x38;
	[tilespmem:$0x1C200] =	vst v63  }
0x1df: {  	_ =	swait.ge [sflag:s0], $0x80  }
0x1e0: {  	[sflag:s0] =	ssyncset.done $0x0  }
0x1e1: {  	[sflag:s0] =	ssyncadd.s32 $0xFFFFFF80  }
0x1e2: {  	[tilespmem:s13], [sflag:$0x2] =	stream.indirect.gather [hbm4b:s4+s1], $0x80, s17, s1, $0xb8;
	[tilespmem:$0x1C200] =	vst v63  }
0x1e3: {  	_ =	swait.ge [sflag:s14], $0x4000  }
0x1e4: {  	[sflag:s14] =	ssyncset.done $0x0  }
0x1e5: {  	[sflag:s14] =	ssyncadd.s32 $0xFFFFC000  }
0x1e6: {  	[spmem:s2] =	stream.indirect.scatter.add.f32 [tilespmem:s31], [sflag:$0x3], $0x80, s1, s1, $0xb8;
	[tilespmem:$0x1C200] =	vst v63  }
0x1e7: {  	_ =	swait.ge [sflag:s0], $0x4000  }
0x1e8: {  	[sflag:s0] =	ssyncset.done $0x0  }
0x1e9: {  	[sflag:s0] =	ssyncadd.s32 $0xFFFFC000  }
0x1ea: {  	_ =	swait.ge [sflag:s15], $0x4000  }
0x1eb: {  	[sflag:s15] =	ssyncset.done $0x0  }
0x1ec: {  	[sflag:s15] =	ssyncadd.s32 $0xFFFFC000  }
0x1ed: {  	[spmem:s2] =	stream.indirect.scatter.add.f32 [tilespmem:s13], [sflag:$0x3], $0x80, s12, s1, $0xb8;
	[tilespmem:$0x1C200] =	vst v63  }
0x1ee: {  	_ =	swait.ge [sflag:s0], $0x4000  }
0x1ef: {  	[sflag:s0] =	ssyncset.done $0x0  }
0x1f0: {  	s21 =	rddreg [dreg:$0x6];
	[sflag:s0] =	ssyncadd.s32 $0xFFFFC000  }
0x1f1: {  	[tilespmem:s3], [sflag:$0x3] =	stream.linear.gather [hbm4b:s21+s3], $0x80, $0x38;
	[tilespmem:$0x1C200] =	vst v63  }
0x1f2: {  	_ =	swait.ge [sflag:s0], $0x80  }
0x1f3: {  	s20 =	simm.s32 $0x0;
	[sflag:s0] =	ssyncset.done $0x0  }
0x1f4: {  	s21 =	sand.u32 $0x3C00, s20;
	s19 =	rddreg [dreg:$0x7];
	[sflag:s0] =	ssyncadd.s32 $0xFFFFFF80  }
0x1f5: {  	[tilespmem:s1], [sflag:$0x3] =	stream.linear.gather [hbm4b:s19+s3], $0x80, $0x38;
	[tilespmem:$0x1C200] =	vst v63  }
0x1f6: {  	s18 =	sand.u32 $0x300, s20;
	s19 =	sadd.s32 s11, s21  }
0x1f7: {  	_ =	swait.ge [sflag:s0], $0x80;
	s18 =	sor.u32 s19, s18  }
0x1f8: {  	[sflag:s0] =	ssyncset.done $0x0;
	s18 =	sor.u32 $0x80, s18  }
0x1f9: {  	[sflag:s0] =	ssyncadd.s32 $0xFFFFFF80;
	s18 =	sshrl.u32 s18, $0x3  }
0x1fa: {  	[tilespmem:s31], [sflag:$0x1] =	stream.indirect.gather [hbm4b:s4+s1], $0x80, s3, s1, $0xb8;
	[tilespmem:$0x1C200] =	vst v63  }
0x1fb: {  	s20 =	sadd.s32 s6, s18  }
0x1fc: {  	[tilespmem:s8], [sflag:$0x3] =	stream.linear.gather [hbm4b:s20+s3], $0x80, $0x38;
	[tilespmem:$0x1C200] =	vst v63  }
0x1fd: {  	_ =	swait.ge [sflag:s0], $0x80  }
0x1fe: {  	[sflag:s0] =	ssyncset.done $0x0  }
0x1ff: {  	s18 =	sadd.s32 s7, s18;
	[sflag:s0] =	ssyncadd.s32 $0xFFFFFF80  }
0x200: {  	[tilespmem:s12], [sflag:$0x3] =	stream.linear.gather [hbm4b:s18+s3], $0x80, $0x38;
	[tilespmem:$0x1C200] =	vst v63  }
0x201: {  	_ =	swait.ge [sflag:s0], $0x80  }
0x202: {  	[sflag:s0] =	ssyncset.done $0x0  }
0x203: {  	[sflag:s0] =	ssyncadd.s32 $0xFFFFFF80  }
0x204: {  	[tilespmem:s13], [sflag:$0x2] =	stream.indirect.gather [hbm4b:s4+s1], $0x80, s8, s1, $0xb8;
	[tilespmem:$0x1C200] =	vst v63  }
0x205: {  	_ =	swait.ge [sflag:s14], $0x4000  }
0x206: {  	s21 =	sand.u32 $0x7C00, s17;
	[sflag:s14] =	ssyncset.done $0x0  }
0x207: {  	s17 =	sand.u32 $0x300, s17;
	s18 =	sadd.s32 s11, s21;
	[sflag:s14] =	ssyncadd.s32 $0xFFFFC000  }
0x208: {  	[spmem:s2] =	stream.indirect.scatter.add.f32 [tilespmem:s31], [sflag:$0x3], $0x80, s1, s1, $0xb8;
	[tilespmem:$0x1C200] =	vst v63  }
0x209: {  	s17 =	sor.u32 s17, s18;
	_ =	swait.ge [sflag:s0], $0x4000  }
0x20a: {  	s17 =	sshrl.u32 s17, $0x3;
	[sflag:s0] =	ssyncset.done $0x0  }
0x20b: {  	s19 =	sadd.s32 s6, s17;
	[sflag:s0] =	ssyncadd.s32 $0xFFFFC000  }
0x20c: {  	[tilespmem:s3], [sflag:$0x3] =	stream.linear.gather [hbm4b:s19+s3], $0x80, $0x38;
	[tilespmem:$0x1C200] =	vst v63  }
0x20d: {  	_ =	swait.ge [sflag:s0], $0x80  }
0x20e: {  	[sflag:s0] =	ssyncset.done $0x0  }
0x20f: {  	s17 =	sadd.s32 s7, s17;
	[sflag:s0] =	ssyncadd.s32 $0xFFFFFF80  }
0x210: {  	[tilespmem:s1], [sflag:$0x3] =	stream.linear.gather [hbm4b:s17+s3], $0x80, $0x38;
	[tilespmem:$0x1C200] =	vst v63  }
0x211: {  	s20 =	simm.s32 $0x100;
	_ =	swait.ge [sflag:s0], $0x80  }
0x212: {  	s21 =	sand.u32 $0x3C00, s20;
	s20 =	sand.u32 $0x300, s20;
	[sflag:s0] =	ssyncset.done $0x0  }
0x213: {  	s18 =	simm.s32 $0x300;
	s19 =	sadd.s32 s11, s21;
	[sflag:s0] =	ssyncadd.s32 $0xFFFFFF80  }
0x214: {  	[tilespmem:s31], [sflag:$0x1] =	stream.indirect.gather [hbm4b:s4+s1], $0x80, s3, s1, $0xb8;
	[tilespmem:$0x1C200] =	vst v63  }
0x215: {  	s19 =	sor.u32 s19, s20;
	s17 =	simm.s32 $0x200;
	_ =	swait.ge [sflag:s15], $0x4000  }
.LBB2_5:
0x216: {  	p1 =	seq.s32 s18, $0x2700  }
0x217: {  	[sflag:s15] =	ssyncset.done $0x0;
	s20 =	smov.u32 s18;
	s18 =	sadd.s32 $0x100, s18  }
0x218: {  	[sflag:s15] =	ssyncadd.s32 $0xFFFFC000  }
0x219: {  	[spmem:s2] =	stream.indirect.scatter.add.f32 [tilespmem:s13], [sflag:$0x3], $0x80, s12, s1, $0xb8;
	[tilespmem:$0x1C200] =	vst v63  }
0x21a: {  	s19 =	sor.u32 $0x80, s19;
	_ =	swait.ge [sflag:s0], $0x4000  }
0x21b: {  	s19 =	sshrl.u32 s19, $0x3;
	[sflag:s0] =	ssyncset.done $0x0  }
0x21c: {  	s21 =	sadd.s32 s6, s19;
	[sflag:s0] =	ssyncadd.s32 $0xFFFFC000  }
0x21d: {  	[tilespmem:s8], [sflag:$0x3] =	stream.linear.gather [hbm4b:s21+s3], $0x80, $0x38;
	[tilespmem:$0x1C200] =	vst v63  }
0x21e: {  	_ =	swait.ge [sflag:s0], $0x80  }
0x21f: {  	[sflag:s0] =	ssyncset.done $0x0  }
0x220: {  	s19 =	sadd.s32 s7, s19;
	[sflag:s0] =	ssyncadd.s32 $0xFFFFFF80  }
0x221: {  	[tilespmem:s12], [sflag:$0x3] =	stream.linear.gather [hbm4b:s19+s3], $0x80, $0x38;
	[tilespmem:$0x1C200] =	vst v63  }
0x222: {  	_ =	swait.ge [sflag:s0], $0x80  }
0x223: {  	[sflag:s0] =	ssyncset.done $0x0  }
0x224: {  	[sflag:s0] =	ssyncadd.s32 $0xFFFFFF80  }
0x225: {  	[tilespmem:s13], [sflag:$0x2] =	stream.indirect.gather [hbm4b:s4+s1], $0x80, s8, s1, $0xb8;
	[tilespmem:$0x1C200] =	vst v63  }
0x226: {  	_ =	swait.ge [sflag:s14], $0x4000  }
0x227: {  	[sflag:s14] =	ssyncset.done $0x0  }
0x228: {  	s21 =	sand.u32 $0x300, s17;
	s19 =	sand.u32 $0x7C00, s17;
	[sflag:s14] =	ssyncadd.s32 $0xFFFFC000  }
0x229: {  	[spmem:s2] =	stream.indirect.scatter.add.f32 [tilespmem:s31], [sflag:$0x3], $0x80, s1, s1, $0xb8;
	[tilespmem:$0x1C200] =	vst v63  }
0x22a: {  	s17 =	smov.u32 s20;
	s19 =	sadd.s32 s11, s19;
	_ =	swait.ge [sflag:s0], $0x4000  }
0x22b: {  	s19 =	sor.u32 s21, s19;
	[sflag:s0] =	ssyncset.done $0x0  }
0x22c: {  	s19 =	sshrl.u32 s19, $0x3;
	[sflag:s0] =	ssyncadd.s32 $0xFFFFC000  }
0x22d: {  	s20 =	sadd.s32 s6, s19  }
0x22e: {  	[tilespmem:s3], [sflag:$0x3] =	stream.linear.gather [hbm4b:s20+s3], $0x80, $0x38;
	[tilespmem:$0x1C200] =	vst v63  }
0x22f: {  	_ =	swait.ge [sflag:s0], $0x80  }
0x230: {  	s19 =	sadd.s32 s7, s19;
	[sflag:s0] =	ssyncset.done $0x0  }
0x231: {  	[sflag:s0] =	ssyncadd.s32 $0xFFFFFF80  }
0x232: {  	[tilespmem:s1], [sflag:$0x3] =	stream.linear.gather [hbm4b:s19+s3], $0x80, $0x38;
	[tilespmem:$0x1C200] =	vst v63  }
.Ltmp7:
0x233: {  	s19 =	sadd.s32 $0xFFFFFF00, s17;
	_ =	swait.ge [sflag:s0], $0x80;
	(pc) =	sbr.rel @!p1 .LBB2_5-.Ltmp7, $4  }
0x234: {  	s20 =	sand.u32 $0x3C00, s19;
	[sflag:s0] =	ssyncset.done $0x0  }
0x235: {  	s19 =	sand.u32 $0x300, s19;
	s20 =	sadd.s32 s11, s20;
	[sflag:s0] =	ssyncadd.s32 $0xFFFFFF80  }
0x236: {  	[tilespmem:s31], [sflag:$0x1] =	stream.indirect.gather [hbm4b:s4+s1], $0x80, s3, s1, $0xb8;
	[tilespmem:$0x1C200] =	vst v63  }
0x237: {  	s19 =	sor.u32 s20, s19;
	_ =	swait.ge [sflag:s15], $0x4000  }
0x238: {  	[sflag:s15] =	ssyncset.done $0x0  }
0x239: {  	[sflag:s15] =	ssyncadd.s32 $0xFFFFC000  }
0x23a: {  	[spmem:s2] =	stream.indirect.scatter.add.f32 [tilespmem:s13], [sflag:$0x3], $0x80, s12, s1, $0xb8;
	[tilespmem:$0x1C200] =	vst v63  }
0x23b: {  	s18 =	sor.u32 $0x80, s19;
	_ =	swait.ge [sflag:s0], $0x4000  }
0x23c: {  	s18 =	sshrl.u32 s18, $0x3;
	[sflag:s0] =	ssyncset.done $0x0  }
0x23d: {  	s21 =	sadd.s32 s6, s18;
	[sflag:s0] =	ssyncadd.s32 $0xFFFFC000  }
0x23e: {  	[tilespmem:s8], [sflag:$0x3] =	stream.linear.gather [hbm4b:s21+s3], $0x80, $0x38;
	[tilespmem:$0x1C200] =	vst v63  }
0x23f: {  	_ =	swait.ge [sflag:s0], $0x80  }
0x240: {  	[sflag:s0] =	ssyncset.done $0x0  }
0x241: {  	s18 =	sadd.s32 s7, s18;
	[sflag:s0] =	ssyncadd.s32 $0xFFFFFF80  }
0x242: {  	[tilespmem:s12], [sflag:$0x3] =	stream.linear.gather [hbm4b:s18+s3], $0x80, $0x38;
	[tilespmem:$0x1C200] =	vst v63  }
0x243: {  	_ =	swait.ge [sflag:s0], $0x80  }
0x244: {  	[sflag:s0] =	ssyncset.done $0x0  }
0x245: {  	[sflag:s0] =	ssyncadd.s32 $0xFFFFFF80  }
0x246: {  	[tilespmem:s13], [sflag:$0x2] =	stream.indirect.gather [hbm4b:s4+s1], $0x80, s8, s1, $0xb8;
	[tilespmem:$0x1C200] =	vst v63  }
0x247: {  	_ =	swait.ge [sflag:s14], $0x4000  }
0x248: {  	s19 =	sand.u32 $0x7C00, s17;
	[sflag:s14] =	ssyncset.done $0x0  }
0x249: {  	s20 =	sand.u32 $0x300, s17;
	s18 =	sadd.s32 s11, s19;
	[sflag:s14] =	ssyncadd.s32 $0xFFFFC000  }
0x24a: {  	[spmem:s2] =	stream.indirect.scatter.add.f32 [tilespmem:s31], [sflag:$0x3], $0x80, s1, s1, $0xb8;
	[tilespmem:$0x1C200] =	vst v63  }
0x24b: {  	s17 =	sor.u32 s20, s18;
	_ =	swait.ge [sflag:s0], $0x4000  }
0x24c: {  	s17 =	sshrl.u32 s17, $0x3;
	[sflag:s0] =	ssyncset.done $0x0  }
0x24d: {  	s21 =	sadd.s32 s6, s17;
	[sflag:s0] =	ssyncadd.s32 $0xFFFFC000  }
0x24e: {  	[tilespmem:s3], [sflag:$0x3] =	stream.linear.gather [hbm4b:s21+s3], $0x80, $0x38;
	[tilespmem:$0x1C200] =	vst v63  }
0x24f: {  	_ =	swait.ge [sflag:s0], $0x80  }
0x250: {  	[sflag:s0] =	ssyncset.done $0x0  }
0x251: {  	s17 =	sadd.s32 s7, s17;
	[sflag:s0] =	ssyncadd.s32 $0xFFFFFF80  }
0x252: {  	[tilespmem:s1], [sflag:$0x3] =	stream.linear.gather [hbm4b:s17+s3], $0x80, $0x38;
	[tilespmem:$0x1C200] =	vst v63  }
0x253: {  	_ =	swait.ge [sflag:s0], $0x80  }
0x254: {  	[sflag:s0] =	ssyncset.done $0x0  }
0x255: {  	[sflag:s0] =	ssyncadd.s32 $0xFFFFFF80  }
0x256: {  	[tilespmem:s31], [sflag:$0x1] =	stream.indirect.gather [hbm4b:s4+s1], $0x80, s3, s1, $0xb8;
	[tilespmem:$0x1C200] =	vst v63  }
0x257: {  	_ =	swait.ge [sflag:s15], $0x4000  }
0x258: {  	[sflag:s15] =	ssyncset.done $0x0  }
.Ltmp8:
0x259: {  	[sflag:s15] =	ssyncadd.s32 $0xFFFFC000;
	(pc) =	sbr.rel .LBB2_12-.Ltmp8, $4  }
0x25a: {  	[spmem:s2] =	stream.indirect.scatter.add.f32 [tilespmem:s13], [sflag:$0x3], $0x80, s12, s1, $0xb8;
	[tilespmem:$0x1C200] =	vst v63  }
0x25b: {  	_ =	swait.ge [sflag:s0], $0x4000  }
0x25c: {  	[sflag:s0] =	ssyncset.done $0x0  }
0x25d: {  	s17 =	smov.u32 s4;
	[sflag:s0] =	ssyncadd.s32 $0xFFFFC000  }
.LBB2_13:
0x25e: {  	_ =	sfence.sel $0x180000  }
0x25f: {  	[bflag:$0x0] =	sbarrier.arrive $0xFFFF  }
0x260: {  	_ =	strace $0x9000004D  }
0x261: {  	s0 =	stileid.u32;
	[bflag:$0x2] =	sbarrier.arrive $0xFFFF  }
0x262: {  	p0 =	sne.s32 s0, $0x0;
	s0 =	rddreg [dreg:$0x2]  }
0x263: {  	s0 =	sadd.s32 @!p0 $0x100000, s0  }
0x264: {  	[sflag:s0] =	ssyncadd.tile.s32 @!p0 $0x1;
	_ =	shalt  }
.Lfunc_end2:
_tile_overlayer_lowered:
.L_overlay_start_2:
0x265: {  	(tag) =	ssettag $0x2  }
0x266: {  	s0 =	rddreg [dreg:$0x0];
	s2 =	stileid.u32  }
0x267: {  	s1 =	rddreg [dreg:$0x1];
	p0 =	sne.s32 s2, $0x0  }
0x268: {  	s3 =	rddreg [dreg:$0x2];
	[bflag:$0x3] =	sbarrier.arrive $0xFFFF;
	s2 =	simm.s32 @!p0 $0x1C03  }
0x269: {  	[timem:s3], [sflag:s2] =	dma.local @!p0 [hbm:s0], s1  }
0x26a: {  	s0 =	simm.s32 @!p0 $0x3  }
0x26b: {  	_ =	swait.ge @!p0 [sflag:s0], s1  }
0x26c: {  	s1 =	ssub.s32 @!p0 $0x0, s1;
	[sflag:s0] =	ssyncset.done @!p0 $0x0  }
0x26d: {  	[sflag:s0] =	ssyncadd.s32 @!p0 s1  }
0x26e: {  	[bflag:$0x3] =	sbarrier.arrive $0xFFFF  }
0x26f: {  	_ =	shalt  }

// kernel: kernel.21.cloned.1.call-start
scs
__scs_entry_jumppad:
0x0: {  	(pc) =	sbr.rel $0x88, $3  }
0x1: {  	(tag) =	ssettag $0x0;
	lr =	simm.s32 $0x1  }
0x2: {  	[smem:$0x3F8A] =	sst lr;
	_ =	strace $0xD0000000  }
0x3: {  	_ = 	snop  }
0x4: {  	_ = 	snop  }
0x5: {  	_ = 	snop  }
0x6: {  	_ = 	snop  }
0x7: {  	_ = 	snop  }
__scs_overlays_trampoline_lowered:
0x8: {  	[smem:$0x3F99] =	sst s0  }
0x9: {  	[smem:$0x3F9A] =	sst s1  }
0xa: {  	[smem:$0x3F9B] =	sst s2  }
0xb: {  	[smem:$0x3F9C] =	sst s3  }
0xc: {  	[smem:$0x3F9D] =	sst s4  }
0xd: {  	[smem:$0x3F9E] =	sst s5  }
0xe: {  	[smem:$0x3F9F] =	sst s6  }
0xf: {  	[smem:$0x3FA0] =	sst s7  }
0x10: {  	[smem:$0x3FA1] =	sst s8  }
0x11: {  	[smem:$0x3FA2] =	sst s9;
	s0 =	simm.s32 @!p0 $0x0  }
0x12: {  	s1 =	sld [smem:$0x3F88];
	s0 =	simm.s32 @p0 $0x1  }
0x13: {  	[smem:$0x3FA3] =	sst s0;
	s0 =	simm.s32 @!p1 $0x0  }
0x14: {  	s2 =	sld [smem:$0x3F87];
	s0 =	simm.s32 @p1 $0x1  }
0x15: {  	[smem:$0x3FA4] =	sst s0;
	s0 =	simm.s32 @!p2 $0x0  }
0x16: {  	s3 =	sld [smem:$0x3FDB];
	s0 =	simm.s32 @p2 $0x1  }
0x17: {  	s4 =	simm.s32 $0x1BF5;
	[smem:$0x3FA6] =	sst s0  }
0x18: {  	s0 =	sld [smem:$0x3F89];
	_ =	swait.ge [sflag:s4], $0x0  }
0x19: {  	s7 =	sld [smem:$0x3F8A]  }
0x1a: {  	s8 =	sadd.s32 $0xFFFFE003, lr  }
0x1b: {  	s9 =	sadd.s32 $0xFFFFFEF7, lr;
	s5 =	simm.s32 $0xFFFFFFFF;
	p2 =	slt.u32 s8, $0xFFFFF086  }
0x1c: {  	p1 =	slt.u32 s9, $0xF7A;
	s5 =	simm.s32 @!p2 $0x0  }
0x1d: {  	s5 =	simm.s32 @p1 $0x1;
	p0 =	seq.s32 s7, s2  }
0x1e: {  	s7 =	smul.u32 @!p0 $0xF7A, s2;
	p2 =	seq.s32 @!p0 s5, $0x0  }
0x1f: {  	s9 =	smul.u32 $0xF7A, s1;
	s8 =	simm.s32 @!p0 $0x1BF5;
	p2 =	por !p2, p0  }
0x20: {  	[sflag:s8] =	ssyncset.s32 @!p0 $0xFFFFF086;
	s6 =	sadd.s32 @!p0 s3, s7;
	s7 =	simm.s32 @!p0 $0x108  }
0x21: {  	s3 =	sadd.s32 s3, s9;
	s6 =	sadd.s32 @!p0 $0x88, s6;
	s7 =	simm.s32 @p2 $0x1082  }
0x22: {  	[simem:s7], [sflag:s8] =	dma.local @!p0 [hbm:s6], $0xF7A  }
0x23: {  	s9 =	sor.u32 $0xD0000000, s2;
	s6 =	simm.s32 $0x108;
	_ =	swait.ge @!p0 [sflag:s8], $0x0  }
0x24: {  	s3 =	sadd.s32 $0x88, s3;
	s6 =	simm.s32 @!p1 $0x1082;
	[sflag:s4] =	ssyncset.s32 $0xFFFFF086  }
0x25: {  	[simem:s6], [sflag:s4] =	dma.local [hbm:s3], $0xF7A  }
0x26: {  	[smem:$0x3F8A] =	sst s1;
	(tag) =	ssettag s2;
	_ =	strace s9  }
0x27: {  	s1 =	sld [smem:$0x3F9A]  }
0x28: {  	s2 =	sld [smem:$0x3F9B]  }
0x29: {  	s4 =	sld [smem:$0x3F9D]  }
0x2a: {  	p0 =	seq.s32 s5, $0x0;
	s5 =	sld [smem:$0x3F9E]  }
0x2b: {  	s6 =	sld [smem:$0x3F9F]  }
0x2c: {  	s7 =	sld [smem:$0x3FA0]  }
0x2d: {  	s3 =	simm.s32 $0x108;
	s8 =	sld [smem:$0x3FA1]  }
0x2e: {  	s3 =	simm.s32 @!p0 $0x1082;
	s9 =	sld [smem:$0x3FA2]  }
0x2f: {  	lr =	sadd.s32 s0, s3;
	s0 =	sld [smem:$0x3F99]  }
0x30: {  	s3 =	sld [smem:$0x3F9C]  }
0x31: {  	[smem:$0x3FA5] =	sst s10  }
0x32: {  	s10 =	sld [smem:$0x3FA3];
	_ =	sdelay $0x3  }
0x33: {  	p0 =	seq.s32 s10, $0x1;
	s10 =	sld [smem:$0x3FA5];
	_ =	sdelay $0x3  }
0x34: {  	[smem:$0x3FA5] =	sst s10  }
0x35: {  	s10 =	sld [smem:$0x3FA4];
	_ =	sdelay $0x3  }
0x36: {  	p1 =	seq.s32 s10, $0x1;
	s10 =	sld [smem:$0x3FA5];
	_ =	sdelay $0x3  }
0x37: {  	[smem:$0x3FA5] =	sst s10  }
0x38: {  	s10 =	sld [smem:$0x3FA6]  }
0x39: {  	_ = 	snop;
	(pc) =	sbr.ind lr, $3  }
0x3a: {  	_ = 	snop  }
0x3b: {  	_ = 	snop  }
0x3c: {  	p2 =	seq.s32 s10, $0x1;
	s10 =	sld [smem:$0x3FA5]  }
0x3d: {  	_ =	shalt  }
0x3e: {  	_ =	shalt  }
0x3f: {  	_ =	shalt  }
0x40: {  	_ =	shalt  }
0x41: {  	_ =	shalt  }
0x42: {  	_ =	shalt  }
0x43: {  	_ =	shalt  }
0x44: {  	_ =	shalt  }
0x45: {  	_ =	shalt  }
0x46: {  	_ =	shalt  }
0x47: {  	_ =	shalt  }
0x48: {  	_ =	shalt  }
0x49: {  	_ =	shalt  }
0x4a: {  	_ =	shalt  }
0x4b: {  	_ =	shalt  }
0x4c: {  	_ =	shalt  }
0x4d: {  	_ =	shalt  }
0x4e: {  	_ =	shalt  }
0x4f: {  	_ =	shalt  }
0x50: {  	_ =	shalt  }
0x51: {  	_ =	shalt  }
0x52: {  	_ =	shalt  }
0x53: {  	_ =	shalt  }
0x54: {  	_ =	shalt  }
0x55: {  	_ =	shalt  }
0x56: {  	_ =	shalt  }
0x57: {  	_ =	shalt  }
0x58: {  	_ =	shalt  }
0x59: {  	_ =	shalt  }
0x5a: {  	_ =	shalt  }
0x5b: {  	_ =	shalt  }
0x5c: {  	_ =	shalt  }
0x5d: {  	_ =	shalt  }
0x5e: {  	_ =	shalt  }
0x5f: {  	_ =	shalt  }
0x60: {  	_ =	shalt  }
0x61: {  	_ =	shalt  }
0x62: {  	_ =	shalt  }
0x63: {  	_ =	shalt  }
0x64: {  	_ =	shalt  }
0x65: {  	_ =	shalt  }
0x66: {  	_ =	shalt  }
0x67: {  	_ =	shalt  }
0x68: {  	_ =	shalt  }
0x69: {  	_ =	shalt  }
0x6a: {  	_ =	shalt  }
0x6b: {  	_ =	shalt  }
0x6c: {  	_ =	shalt  }
0x6d: {  	_ =	shalt  }
0x6e: {  	_ =	shalt  }
0x6f: {  	_ =	shalt  }
0x70: {  	_ =	shalt  }
0x71: {  	_ =	shalt  }
0x72: {  	_ =	shalt  }
0x73: {  	_ =	shalt  }
0x74: {  	_ =	shalt  }
0x75: {  	_ =	shalt  }
0x76: {  	_ =	shalt  }
0x77: {  	_ =	shalt  }
0x78: {  	_ =	shalt  }
0x79: {  	_ =	shalt  }
0x7a: {  	_ =	shalt  }
0x7b: {  	_ =	shalt  }
0x7c: {  	_ =	shalt  }
0x7d: {  	_ =	shalt  }
0x7e: {  	_ =	shalt  }
0x7f: {  	_ =	shalt  }
0x80: {  	_ =	shalt  }
0x81: {  	_ =	shalt  }
0x82: {  	_ =	shalt  }
0x83: {  	_ =	shalt  }
0x84: {  	_ =	shalt  }
0x85: {  	_ =	shalt  }
0x86: {  	_ =	shalt  }
0x87: {  	_ =	shalt  }
.Lfunc_end0:
.L_simem_size_0:
called_computation.3_lowered:
.L_overlay_start_0:
0x88: {  	s2 =	sld [smem:$0x3FD9]  }
0x89: {  	s3 =	sld [smem:$0x3FFE];
	_ =	sdelay $0x1  }
0x8a: {  	s1 =	srdreg.scid  }
0x8b: {  	s0 =	sand.u32 $0x1, s1  }
0x8c: {  	s16 =	sshll.u32 s0, $0xA;
	s2 =	sadd.s32 s3, s2  }
0x8d: {  	s2 =	sadd.s32 s2, s16  }
0x8e: {  	[smem:$0x3FB1] =	sst s2  }
0x8f: {  	_ = 	snop  }
0x90: {  	(tm) =	ssettm $0x1  }
0x91: {  	s17 =	sld [smem:$0x3FFB];
	_ =	sdelay $0x3  }
0x92: {  	_ =	strace s17  }
0x93: {  	s2 =	sld [smem:$0x3FFC];
	_ =	sdelay $0x3  }
0x94: {  	_ =	strace s2  }
0x95: {  	s2 =	sld [smem:$0x3FFD];
	_ =	sdelay $0x3  }
0x96: {  	_ =	strace s2  }
0x97: {  	_ =	strace $0x8FFFFFFF  }
0x98: {  	s18 =	sld [smem:$0x3FDB];
	_ =	sdelay $0x1  }
0x99: {  	s19 =	simm.s32 $_scs_section_size  }
0x9a: {  	s4 =	simm.s32 $_size__tile_overlayer_lowered;
	s5 =	simm.s32 $_tile_overlayer_lowered  }
0x9b: {  	s22 =	simm.s32 $0x1BFF;
	s21 =	sshll.u32 s5, $0x1;
	s2 =	sadd.s32 s19, s18  }
0x9c: {  	s6 =	simm.s32 $0x0;
	s20 =	sshll.u32 s4, $0x1;
	s4 =	sadd.s32 s21, s2  }
0x9d: {  	[timem:s6], [sflag:s22] =	dma.local [hbm:s4], s20  }
0x9e: {  	_ =	swait.ge [sflag:s22], s20  }
0x9f: {  	s3 =	ssub.s32 $0x0, s20;
	[sflag:s22] =	ssyncset.done $0x0  }
0xa0: {  	[sflag:s22] =	ssyncadd.s32 s3;
	_ =	sdelay $0x1  }
0xa1: {  	s23 =	simm.s32 $0x1B8B  }
0xa2: {  	_ =	swait.ge [sflag:s23], $0x1  }
0xa3: {  	[sflag:s23] =	ssyncset.done $0x0  }
0xa4: {  	s25 =	simm.s32 $0x1B8E;
	s24 =	sld [smem:$0x3FFE];
	[sflag:s23] =	ssyncadd.s32 $0xFFFFFFFF  }
0xa5: {  	s26 =	simm.s32 $execute0_lowered;
	[smem:$0x3FD2] =	sst s25  }
0xa6: {  	s4 =	sshll.u32 s26, $0x1;
	_ =	strace $0x8000004F;
	[dreg:$0x1] =	wrdreg $0xFFFFFFFF  }
0xa7: {  	s28 =	simm.s32 $_size_execute0_lowered;
	s2 =	sadd.s32 s2, s4;
	[dreg:$0x0] =	wrdreg $0x0  }
0xa8: {  	s4 =	sshll.u32 s28, $0x1;
	[dreg:$0x2] =	wrdreg s2  }
0xa9: {  	[dreg:$0x3] =	wrdreg s4  }
0xaa: {  	[dreg:$0x4] =	wrdreg $0xC0  }
0xab: {  	_ =	task [dreg:s6], $0x5FFFF  }
0xac: {  	[dreg:$0x1] =	wrdreg $0xFFFFFFFF  }
0xad: {  	[dreg:$0x0] =	wrdreg $0x60  }
0xae: {  	[dreg:$0x2] =	wrdreg s24  }
0xaf: {  	[dreg:$0x3] =	wrdreg $0x82000  }
0xb0: {  	[dreg:$0x4] =	wrdreg $0x9  }
0xb1: {  	_ =	task.clear_ibuf [dreg:s6], $0x5FFFF;
	_ =	strace $0x9000004F  }
0xb2: {  	s29 =	simm.s32 $0x9;
	_ =	strace $0x80000051  }
0xb3: {  	_ =	swait.ge [sflag:s29], $0x1  }
0xb4: {  	[sflag:s29] =	ssyncadd.s32 $0xFFFFFFFF  }
0xb5: {  	_ =	strace $0x90000051  }
0xb6: {  	_ =	sfence  }
0xb7: {  	s30 =	sld [smem:$0x0];
	_ =	sdelay $0x2  }
0xb8: {  	s31 =	sshll.u32 s1, $0xD;
	s1 =	sshrl.u32 s1, $0x2  }
0xb9: {  	s3 =	sand.u32 $0x4000, s31;
	s1 =	sadd.s32 s1, s30  }
0xba: {  	s0 =	sor.u32 s3, s0;
	s1 =	sshll.u32 s1, $0x11  }
0xbb: {  	s0 =	sor.u32 s1, s0  }
0xbc: {  	s0 =	sadd.s32 $0x8F2B, s0  }
0xbd: {  	[sflag:s0] =	ssyncadd.remote.s32 $0x1  }
0xbe: {  	_ =	sfence.sel $0xFFFF  }
0xbf: {  	[dreg:$0x0] =	wrdreg $0xFFFFFFFF;
	(pc) =	sbr.abs _section_cstart, $3  }
0xc0: {  	[dreg:$0x1] =	wrdreg $0xFFFFFFFF  }
0xc1: {  	_ =	task.clear_ibuf [dreg:s6], $0x2FFFF;
	_ =	strace $0x9FFFFFFF  }
0xc2: {  	(tm) =	ssettm $0x7FFFFFFF  }
0xc3: {  	_ =	shalt  }
tec
execute0_lowered:
.L_overlay_start_1:
0x0: {  	(tag) =	ssettag $0x1  }
0x1: {  	s0 =	rddreg [dreg:$0x0]  }
0x2: {  	s2 =	rddreg [dreg:$0x1]  }
0x3: {  	s1 =	srdreg.scid;
	s9 =	stileid.u32;
	s3 =	simm.s32 $0x0  }
0x4: {  	s28 =	simm.s32 $0x100;
	s29 =	simm.s32 $0x180;
	s30 =	simm.s32 $0x4200  }
0x5: {  	s31 =	simm.s32 $0x1;
	s1 =	sand.u32 $0x1, s1;
	s7 =	smul.u32 $0x280, s9  }
0x6: {  	[smem:$0x7FF] =	sst s3;
	s4 =	sadd.s32 $0x6BA00, s0;
	s5 =	sadd.s32 $0x61A00, s0  }
0x7: {  	s6 =	sadd.s32 $0x6A00, s0;
	s19 =	smul.u32 $0x50000, s9;
	s10 =	sadd.s32 $0x10A00, s0  }
0x8: {  	s9 =	sshll.u32 s9, $0x1;
	s8 =	smul.u32 $0x2800, s1;
	_ =	strace $0x80000050  }
0x9: {  	[dreg:$0x3] =	wrdreg s10;
	s20 =	ssub.s32 $0x2, s1;
	s1 =	sor.u32 s1, s9  }
0xa: {  	s11 =	sshrl.u32 s20, $0x1;
	s9 =	smul.u32 $0x2800, s1;
	s1 =	simm.s32 $0x0  }
0xb: {  	s7 =	sadd.s32 s7, s8;
	s8 =	sshrl.u32 s19, $0x2;
	s21 =	ssub.s32 s20, s11  }
0xc: {  	s7 =	sshll.u32 s7, $0x4;
	s8 =	sadd.s32 s8, s2;
	s22 =	sshrl.u32 s9, $0x3  }
0xd: {  	s21 =	smax.u32 s21, $0x1;
	s0 =	sadd.s32 s7, s0;
	s10 =	sadd.s32 $0x4000, s8  }
0xe: {  	s11 =	sadd.s32 $0x8000, s8;
	s12 =	sadd.s32 $0xC000, s8;
	s14 =	sadd.s32 s5, s22  }
0xf: {  	s13 =	sadd.s32 $0x10000, s8;
	s23 =	sadd.s32 s6, s22;
	[dreg:$0x4] =	wrdreg s14  }
0x10: {  	s26 =	sadd.s32 $0x4F0, s22;
	[dreg:$0x5] =	wrdreg s23;
	s24 =	sadd.s32 $0x92C00, s0  }
0x11: {  	s25 =	sadd.s32 $0x93400, s0;
	s18 =	sadd.s32 $0x93C00, s0;
	s19 =	sadd.s32 $0x94400, s0  }
0x12: {  	s20 =	sadd.s32 $0x94C00, s0;
	s22 =	sadd.s32 s5, s26;
	s23 =	sadd.s32 s6, s26  }
0x13: {  	s26 =	simm.s32 $0x80;
	s0 =	simm.s32 $0x2;
	[dreg:$0x6] =	wrdreg s24  }
0x14: {  	[dreg:$0x7] =	wrdreg s25;
	s24 =	simm.s32 $0x200;
	s25 =	simm.s32 $0x3  }
.LBB2_1:
0x15: {  	s7 =	rddreg [dreg:$0x3]  }
0x16: {  	[tilespmem:s24], [sflag:$0x3] =	stream.linear.gather [hbm4b:s7+s3], $0x4000, $0x38;
	[tilespmem:$0x1C200] =	vst v63  }
0x17: {  	_ =	swait.ge [sflag:s25], $0x4000  }
0x18: {  	[sflag:s25] =	ssyncset.done $0x0  }
0x19: {  	[sflag:s25] =	ssyncadd.s32 $0xFFFFC000  }
0x1a: {  	[spmem:s8] =	stream.linear.scatter [tilespmem:s24], [sflag:$0x3], $0x4000, $0x38;
	[tilespmem:$0x1C200] =	vst v63  }
0x1b: {  	_ =	swait.ge [sflag:s25], $0x4000  }
0x1c: {  	[sflag:s25] =	ssyncset.done $0x0  }
0x1d: {  	[sflag:s25] =	ssyncadd.s32 $0xFFFFC000  }
0x1e: {  	[spmem:s10] =	stream.linear.scatter [tilespmem:s24], [sflag:$0x3], $0x4000, $0x38;
	[tilespmem:$0x1C200] =	vst v63  }
0x1f: {  	_ =	swait.ge [sflag:s25], $0x4000  }
0x20: {  	[sflag:s25] =	ssyncset.done $0x0  }
0x21: {  	[sflag:s25] =	ssyncadd.s32 $0xFFFFC000  }
0x22: {  	[spmem:s11] =	stream.linear.scatter [tilespmem:s24], [sflag:$0x3], $0x4000, $0x38;
	[tilespmem:$0x1C200] =	vst v63  }
0x23: {  	_ =	swait.ge [sflag:s25], $0x4000  }
0x24: {  	[sflag:s25] =	ssyncset.done $0x0  }
0x25: {  	[sflag:s25] =	ssyncadd.s32 $0xFFFFC000  }
0x26: {  	[spmem:s12] =	stream.linear.scatter [tilespmem:s24], [sflag:$0x3], $0x4000, $0x38;
	[tilespmem:$0x1C200] =	vst v63  }
0x27: {  	_ =	swait.ge [sflag:s25], $0x4000  }
0x28: {  	[sflag:s25] =	ssyncset.done $0x0  }
0x29: {  	[sflag:s25] =	ssyncadd.s32 $0xFFFFC000  }
0x2a: {  	[spmem:s13] =	stream.linear.scatter [tilespmem:s24], [sflag:$0x3], $0x4000, $0x38;
	[tilespmem:$0x1C200] =	vst v63  }
0x2b: {  	_ =	swait.ge [sflag:s25], $0x4000  }
0x2c: {  	[sflag:s25] =	ssyncset.done $0x0  }
0x2d: {  	[sflag:s25] =	ssyncadd.s32 $0xFFFFC000  }
0x2e: {  	[bflag:$0x0] =	sbarrier.arrive $0xFFFF  }
0x2f: {  	s14 =	rddreg [dreg:$0x4]  }
0x30: {  	[tilespmem:s3], [sflag:$0x3] =	stream.linear.gather [hbm4b:s14+s3], $0x80, $0x38;
	[tilespmem:$0x1C200] =	vst v63  }
0x31: {  	s16 =	simm.s32 $0x0;
	_ =	swait.ge [sflag:s25], $0x80  }
0x32: {  	s7 =	sand.u32 $0x300, s16;
	s14 =	sand.u32 $0x3C00, s16;
	[sflag:s25] =	ssyncset.done $0x0  }
0x33: {  	s14 =	sadd.s32 s9, s14;
	s15 =	rddreg [dreg:$0x5];
	[sflag:s25] =	ssyncadd.s32 $0xFFFFFF80  }
0x34: {  	[tilespmem:s26], [sflag:$0x3] =	stream.linear.gather [hbm4b:s15+s3], $0x80, $0x38;
	[tilespmem:$0x1C200] =	vst v63  }
0x35: {  	s7 =	sor.u32 s14, s7;
	_ =	swait.ge [sflag:s25], $0x80  }
0x36: {  	s7 =	sor.u32 $0x80, s7;
	[sflag:s25] =	ssyncset.done $0x0  }
0x37: {  	s7 =	sshrl.u32 s7, $0x3;
	[sflag:s25] =	ssyncadd.s32 $0xFFFFFF80  }
0x38: {  	[tilespmem:s24], [sflag:$0x1] =	stream.indirect.gather [hbm4b:s4+s26], $0x80, s3, s26, $0xb8;
	[tilespmem:$0x1C200] =	vst v63  }
0x39: {  	s17 =	sadd.s32 s5, s7  }
0x3a: {  	[tilespmem:s28], [sflag:$0x3] =	stream.linear.gather [hbm4b:s17+s3], $0x80, $0x38;
	[tilespmem:$0x1C200] =	vst v63  }
0x3b: {  	_ =	swait.ge [sflag:s25], $0x80  }
0x3c: {  	[sflag:s25] =	ssyncset.done $0x0  }
0x3d: {  	s7 =	sadd.s32 s6, s7;
	[sflag:s25] =	ssyncadd.s32 $0xFFFFFF80  }
0x3e: {  	[tilespmem:s29], [sflag:$0x3] =	stream.linear.gather [hbm4b:s7+s3], $0x80, $0x38;
	[tilespmem:$0x1C200] =	vst v63  }
0x3f: {  	_ =	swait.ge [sflag:s25], $0x80  }
0x40: {  	[sflag:s25] =	ssyncset.done $0x0  }
0x41: {  	[sflag:s25] =	ssyncadd.s32 $0xFFFFFF80  }
0x42: {  	[tilespmem:s30], [sflag:$0x2] =	stream.indirect.gather [hbm4b:s4+s26], $0x80, s28, s26, $0xb8;
	[tilespmem:$0x1C200] =	vst v63  }
0x43: {  	_ =	swait.ge [sflag:s31], $0x4000  }
0x44: {  	s14 =	sand.u32 $0x7C00, s28;
	[sflag:s31] =	ssyncset.done $0x0  }
0x45: {  	s15 =	sand.u32 $0x300, s28;
	s7 =	sadd.s32 s9, s14;
	[sflag:s31] =	ssyncadd.s32 $0xFFFFC000  }
0x46: {  	[spmem:s2] =	stream.indirect.scatter.add.f32 [tilespmem:s24], [sflag:$0x3], $0x80, s26, s26, $0xb8;
	[tilespmem:$0x1C200] =	vst v63  }
0x47: {  	s7 =	sor.u32 s15, s7;
	_ =	swait.ge [sflag:s25], $0x4000  }
0x48: {  	s7 =	sshrl.u32 s7, $0x3;
	[sflag:s25] =	ssyncset.done $0x0  }
0x49: {  	s16 =	sadd.s32 s5, s7;
	[sflag:s25] =	ssyncadd.s32 $0xFFFFC000  }
0x4a: {  	[tilespmem:s3], [sflag:$0x3] =	stream.linear.gather [hbm4b:s16+s3], $0x80, $0x38;
	[tilespmem:$0x1C200] =	vst v63  }
0x4b: {  	_ =	swait.ge [sflag:s25], $0x80  }
0x4c: {  	[sflag:s25] =	ssyncset.done $0x0  }
0x4d: {  	s7 =	sadd.s32 s6, s7;
	[sflag:s25] =	ssyncadd.s32 $0xFFFFFF80  }
0x4e: {  	[tilespmem:s26], [sflag:$0x3] =	stream.linear.gather [hbm4b:s7+s3], $0x80, $0x38;
	[tilespmem:$0x1C200] =	vst v63  }
0x4f: {  	s17 =	simm.s32 $0x100;
	_ =	swait.ge [sflag:s25], $0x80  }
0x50: {  	s14 =	simm.s32 $0x300;
	s15 =	sand.u32 $0x3C00, s17;
	[sflag:s25] =	ssyncset.done $0x0  }
0x51: {  	s15 =	sadd.s32 s9, s15;
	s16 =	sand.u32 $0x300, s17;
	[sflag:s25] =	ssyncadd.s32 $0xFFFFFF80  }
0x52: {  	[tilespmem:s24], [sflag:$0x1] =	stream.indirect.gather [hbm4b:s4+s26], $0x80, s3, s26, $0xb8;
	[tilespmem:$0x1C200] =	vst v63  }
0x53: {  	s15 =	sor.u32 s15, s16;
	s7 =	simm.s32 $0x200;
	_ =	swait.ge [sflag:s0], $0x4000  }
.LBB2_2:
0x54: {  	p0 =	sne.s32 s14, $0x2700  }
0x55: {  	[sflag:s0] =	ssyncset.done $0x0;
	s16 =	smov.u32 s14;
	s14 =	sadd.s32 $0x100, s14  }
0x56: {  	[sflag:s0] =	ssyncadd.s32 $0xFFFFC000  }
0x57: {  	[spmem:s2] =	stream.indirect.scatter.add.f32 [tilespmem:s30], [sflag:$0x3], $0x80, s29, s26, $0xb8;
	[tilespmem:$0x1C200] =	vst v63  }
0x58: {  	s15 =	sor.u32 $0x80, s15;
	_ =	swait.ge [sflag:s25], $0x4000  }
0x59: {  	s15 =	sshrl.u32 s15, $0x3;
	[sflag:s25] =	ssyncset.done $0x0  }
0x5a: {  	s17 =	sadd.s32 s5, s15;
	[sflag:s25] =	ssyncadd.s32 $0xFFFFC000  }
0x5b: {  	[tilespmem:s28], [sflag:$0x3] =	stream.linear.gather [hbm4b:s17+s3], $0x80, $0x38;
	[tilespmem:$0x1C200] =	vst v63  }
0x5c: {  	_ =	swait.ge [sflag:s25], $0x80  }
0x5d: {  	[sflag:s25] =	ssyncset.done $0x0  }
0x5e: {  	s15 =	sadd.s32 s6, s15;
	[sflag:s25] =	ssyncadd.s32 $0xFFFFFF80  }
0x5f: {  	[tilespmem:s29], [sflag:$0x3] =	stream.linear.gather [hbm4b:s15+s3], $0x80, $0x38;
	[tilespmem:$0x1C200] =	vst v63  }
0x60: {  	_ =	swait.ge [sflag:s25], $0x80  }
0x61: {  	[sflag:s25] =	ssyncset.done $0x0  }
0x62: {  	[sflag:s25] =	ssyncadd.s32 $0xFFFFFF80  }
0x63: {  	[tilespmem:s30], [sflag:$0x2] =	stream.indirect.gather [hbm4b:s4+s26], $0x80, s28, s26, $0xb8;
	[tilespmem:$0x1C200] =	vst v63  }
0x64: {  	_ =	swait.ge [sflag:s31], $0x4000  }
0x65: {  	[sflag:s31] =	ssyncset.done $0x0  }
0x66: {  	s17 =	sand.u32 $0x300, s7;
	s15 =	sand.u32 $0x7C00, s7;
	[sflag:s31] =	ssyncadd.s32 $0xFFFFC000  }
0x67: {  	[spmem:s2] =	stream.indirect.scatter.add.f32 [tilespmem:s24], [sflag:$0x3], $0x80, s26, s26, $0xb8;
	[tilespmem:$0x1C200] =	vst v63  }
0x68: {  	s7 =	smov.u32 s16;
	s15 =	sadd.s32 s9, s15;
	_ =	swait.ge [sflag:s25], $0x4000  }
0x69: {  	s15 =	sor.u32 s17, s15;
	[sflag:s25] =	ssyncset.done $0x0  }
0x6a: {  	s15 =	sshrl.u32 s15, $0x3;
	[sflag:s25] =	ssyncadd.s32 $0xFFFFC000  }
0x6b: {  	s16 =	sadd.s32 s5, s15  }
0x6c: {  	[tilespmem:s3], [sflag:$0x3] =	stream.linear.gather [hbm4b:s16+s3], $0x80, $0x38;
	[tilespmem:$0x1C200] =	vst v63  }
0x6d: {  	_ =	swait.ge [sflag:s25], $0x80  }
0x6e: {  	s15 =	sadd.s32 s6, s15;
	[sflag:s25] =	ssyncset.done $0x0  }
0x6f: {  	[sflag:s25] =	ssyncadd.s32 $0xFFFFFF80  }
0x70: {  	[tilespmem:s26], [sflag:$0x3] =	stream.linear.gather [hbm4b:s15+s3], $0x80, $0x38;
	[tilespmem:$0x1C200] =	vst v63  }
.Ltmp0:
0x71: {  	s15 =	sadd.s32 $0xFFFFFF00, s7;
	_ =	swait.ge [sflag:s25], $0x80;
	(pc) =	sbr.rel @p0 .LBB2_2-.Ltmp0, $4  }
0x72: {  	s16 =	sand.u32 $0x3C00, s15;
	[sflag:s25] =	ssyncset.done $0x0  }
0x73: {  	s15 =	sand.u32 $0x300, s15;
	s16 =	sadd.s32 s9, s16;
	[sflag:s25] =	ssyncadd.s32 $0xFFFFFF80  }
0x74: {  	[tilespmem:s24], [sflag:$0x1] =	stream.indirect.gather [hbm4b:s4+s26], $0x80, s3, s26, $0xb8;
	[tilespmem:$0x1C200] =	vst v63  }
0x75: {  	s15 =	sor.u32 s16, s15;
	_ =	swait.ge [sflag:s0], $0x4000  }
0x76: {  	[sflag:s0] =	ssyncset.done $0x0  }
0x77: {  	[sflag:s0] =	ssyncadd.s32 $0xFFFFC000  }
0x78: {  	[spmem:s2] =	stream.indirect.scatter.add.f32 [tilespmem:s30], [sflag:$0x3], $0x80, s29, s26, $0xb8;
	[tilespmem:$0x1C200] =	vst v63  }
0x79: {  	s14 =	sor.u32 $0x80, s15;
	_ =	swait.ge [sflag:s25], $0x4000  }
0x7a: {  	s14 =	sshrl.u32 s14, $0x3;
	[sflag:s25] =	ssyncset.done $0x0  }
0x7b: {  	s17 =	sadd.s32 s5, s14;
	[sflag:s25] =	ssyncadd.s32 $0xFFFFC000  }
0x7c: {  	[tilespmem:s28], [sflag:$0x3] =	stream.linear.gather [hbm4b:s17+s3], $0x80, $0x38;
	[tilespmem:$0x1C200] =	vst v63  }
0x7d: {  	_ =	swait.ge [sflag:s25], $0x80  }
0x7e: {  	[sflag:s25] =	ssyncset.done $0x0  }
0x7f: {  	s14 =	sadd.s32 s6, s14;
	[sflag:s25] =	ssyncadd.s32 $0xFFFFFF80  }
0x80: {  	[tilespmem:s29], [sflag:$0x3] =	stream.linear.gather [hbm4b:s14+s3], $0x80, $0x38;
	[tilespmem:$0x1C200] =	vst v63  }
0x81: {  	_ =	swait.ge [sflag:s25], $0x80  }
0x82: {  	[sflag:s25] =	ssyncset.done $0x0  }
0x83: {  	[sflag:s25] =	ssyncadd.s32 $0xFFFFFF80  }
0x84: {  	[tilespmem:s30], [sflag:$0x2] =	stream.indirect.gather [hbm4b:s4+s26], $0x80, s28, s26, $0xb8;
	[tilespmem:$0x1C200] =	vst v63  }
0x85: {  	_ =	swait.ge [sflag:s31], $0x4000  }
0x86: {  	s16 =	sand.u32 $0x7C00, s7;
	[sflag:s31] =	ssyncset.done $0x0  }
0x87: {  	s17 =	sand.u32 $0x300, s7;
	s14 =	sadd.s32 s9, s16;
	[sflag:s31] =	ssyncadd.s32 $0xFFFFC000  }
0x88: {  	[spmem:s2] =	stream.indirect.scatter.add.f32 [tilespmem:s24], [sflag:$0x3], $0x80, s26, s26, $0xb8;
	[tilespmem:$0x1C200] =	vst v63  }
0x89: {  	s7 =	sor.u32 s17, s14;
	_ =	swait.ge [sflag:s25], $0x4000  }
0x8a: {  	s7 =	sshrl.u32 s7, $0x3;
	[sflag:s25] =	ssyncset.done $0x0  }
0x8b: {  	s15 =	sadd.s32 s5, s7;
	[sflag:s25] =	ssyncadd.s32 $0xFFFFC000  }
0x8c: {  	[tilespmem:s3], [sflag:$0x3] =	stream.linear.gather [hbm4b:s15+s3], $0x80, $0x38;
	[tilespmem:$0x1C200] =	vst v63  }
0x8d: {  	_ =	swait.ge [sflag:s25], $0x80  }
0x8e: {  	[sflag:s25] =	ssyncset.done $0x0  }
0x8f: {  	s7 =	sadd.s32 s6, s7;
	[sflag:s25] =	ssyncadd.s32 $0xFFFFFF80  }
0x90: {  	[tilespmem:s26], [sflag:$0x3] =	stream.linear.gather [hbm4b:s7+s3], $0x80, $0x38;
	[tilespmem:$0x1C200] =	vst v63  }
0x91: {  	_ =	swait.ge [sflag:s25], $0x80  }
0x92: {  	[sflag:s25] =	ssyncset.done $0x0  }
0x93: {  	[sflag:s25] =	ssyncadd.s32 $0xFFFFFF80  }
0x94: {  	[tilespmem:s24], [sflag:$0x1] =	stream.indirect.gather [hbm4b:s4+s26], $0x80, s3, s26, $0xb8;
	[tilespmem:$0x1C200] =	vst v63  }
0x95: {  	_ =	swait.ge [sflag:s0], $0x4000  }
0x96: {  	[sflag:s0] =	ssyncset.done $0x0  }
0x97: {  	[sflag:s0] =	ssyncadd.s32 $0xFFFFC000  }
0x98: {  	[spmem:s2] =	stream.indirect.scatter.add.f32 [tilespmem:s30], [sflag:$0x3], $0x80, s29, s26, $0xb8;
	[tilespmem:$0x1C200] =	vst v63  }
0x99: {  	_ =	swait.ge [sflag:s25], $0x4000  }
0x9a: {  	[sflag:s25] =	ssyncset.done $0x0  }
0x9b: {  	[sflag:s25] =	ssyncadd.s32 $0xFFFFC000  }
0x9c: {  	[tilespmem:s28], [sflag:$0x3] =	stream.linear.gather [hbm4b:s22+s3], $0x80, $0x38;
	[tilespmem:$0x1C200] =	vst v63  }
0x9d: {  	_ =	swait.ge [sflag:s25], $0x80  }
0x9e: {  	[sflag:s25] =	ssyncset.done $0x0  }
0x9f: {  	[sflag:s25] =	ssyncadd.s32 $0xFFFFFF80  }
0xa0: {  	[tilespmem:s29], [sflag:$0x3] =	stream.linear.gather [hbm4b:s23+s3], $0x80, $0x38;
	[tilespmem:$0x1C200] =	vst v63  }
0xa1: {  	_ =	swait.ge [sflag:s25], $0x80  }
0xa2: {  	[sflag:s25] =	ssyncset.done $0x0  }
0xa3: {  	[sflag:s25] =	ssyncadd.s32 $0xFFFFFF80  }
0xa4: {  	[tilespmem:s30], [sflag:$0x2] =	stream.indirect.gather [hbm4b:s4+s26], $0x80, s28, s26, $0xb8;
	[tilespmem:$0x1C200] =	vst v63  }
0xa5: {  	_ =	swait.ge [sflag:s31], $0x4000  }
0xa6: {  	[sflag:s31] =	ssyncset.done $0x0  }
0xa7: {  	[sflag:s31] =	ssyncadd.s32 $0xFFFFC000  }
0xa8: {  	[spmem:s2] =	stream.indirect.scatter.add.f32 [tilespmem:s24], [sflag:$0x3], $0x80, s26, s26, $0xb8;
	[tilespmem:$0x1C200] =	vst v63  }
0xa9: {  	_ =	swait.ge [sflag:s25], $0x4000  }
0xaa: {  	[sflag:s25] =	ssyncset.done $0x0  }
0xab: {  	[sflag:s25] =	ssyncadd.s32 $0xFFFFC000  }
0xac: {  	_ =	swait.ge [sflag:s0], $0x4000  }
0xad: {  	[sflag:s0] =	ssyncset.done $0x0  }
0xae: {  	[sflag:s0] =	ssyncadd.s32 $0xFFFFC000  }
0xaf: {  	[spmem:s2] =	stream.indirect.scatter.add.f32 [tilespmem:s30], [sflag:$0x3], $0x80, s29, s26, $0xb8;
	[tilespmem:$0x1C200] =	vst v63  }
0xb0: {  	_ =	swait.ge [sflag:s25], $0x4000  }
0xb1: {  	[sflag:s25] =	ssyncset.done $0x0  }
0xb2: {  	[sflag:s25] =	ssyncadd.s32 $0xFFFFC000  }
0xb3: {  	[bflag:$0x0] =	sbarrier.arrive $0xFFFF  }
0xb4: {  	[tilespmem:s24], [sflag:$0x3] =	stream.linear.gather [spmem:s8], $0x4000, $0x38;
	[tilespmem:$0x1C200] =	vst v63  }
0xb5: {  	_ =	swait.ge [sflag:s25], $0x4000  }
0xb6: {  	[sflag:s25] =	ssyncset.done $0x0  }
0xb7: {  	s16 =	rddreg [dreg:$0x6];
	[sflag:s25] =	ssyncadd.s32 $0xFFFFC000  }
0xb8: {  	[hbm4b:s16+s3] =	stream.linear.scatter [tilespmem:s24], [sflag:$0x3], $0x4000, $0x38;
	[tilespmem:$0x1C200] =	vst v63  }
0xb9: {  	_ =	swait.ge [sflag:s25], $0x4000  }
0xba: {  	[sflag:s25] =	ssyncset.done $0x0  }
0xbb: {  	[sflag:s25] =	ssyncadd.s32 $0xFFFFC000  }
0xbc: {  	[tilespmem:s24], [sflag:$0x3] =	stream.linear.gather [spmem:s10], $0x4000, $0x38;
	[tilespmem:$0x1C200] =	vst v63  }
0xbd: {  	_ =	swait.ge [sflag:s25], $0x4000  }
0xbe: {  	[sflag:s25] =	ssyncset.done $0x0  }
0xbf: {  	s17 =	rddreg [dreg:$0x7];
	[sflag:s25] =	ssyncadd.s32 $0xFFFFC000  }
0xc0: {  	[hbm4b:s17+s3] =	stream.linear.scatter [tilespmem:s24], [sflag:$0x3], $0x4000, $0x38;
	[tilespmem:$0x1C200] =	vst v63  }
0xc1: {  	_ =	swait.ge [sflag:s25], $0x4000  }
0xc2: {  	[sflag:s25] =	ssyncset.done $0x0  }
0xc3: {  	[sflag:s25] =	ssyncadd.s32 $0xFFFFC000  }
0xc4: {  	[tilespmem:s24], [sflag:$0x3] =	stream.linear.gather [spmem:s11], $0x4000, $0x38;
	[tilespmem:$0x1C200] =	vst v63  }
0xc5: {  	_ =	swait.ge [sflag:s25], $0x4000  }
0xc6: {  	[sflag:s25] =	ssyncset.done $0x0  }
0xc7: {  	[sflag:s25] =	ssyncadd.s32 $0xFFFFC000  }
0xc8: {  	[hbm4b:s18+s3] =	stream.linear.scatter [tilespmem:s24], [sflag:$0x3], $0x4000, $0x38;
	[tilespmem:$0x1C200] =	vst v63  }
0xc9: {  	_ =	swait.ge [sflag:s25], $0x4000  }
0xca: {  	[sflag:s25] =	ssyncset.done $0x0  }
0xcb: {  	[sflag:s25] =	ssyncadd.s32 $0xFFFFC000  }
0xcc: {  	[tilespmem:s24], [sflag:$0x3] =	stream.linear.gather [spmem:s12], $0x4000, $0x38;
	[tilespmem:$0x1C200] =	vst v63  }
0xcd: {  	_ =	swait.ge [sflag:s25], $0x4000  }
0xce: {  	[sflag:s25] =	ssyncset.done $0x0  }
0xcf: {  	[sflag:s25] =	ssyncadd.s32 $0xFFFFC000  }
0xd0: {  	[hbm4b:s19+s3] =	stream.linear.scatter [tilespmem:s24], [sflag:$0x3], $0x4000, $0x38;
	[tilespmem:$0x1C200] =	vst v63  }
0xd1: {  	_ =	swait.ge [sflag:s25], $0x4000  }
0xd2: {  	[sflag:s25] =	ssyncset.done $0x0  }
0xd3: {  	[sflag:s25] =	ssyncadd.s32 $0xFFFFC000  }
0xd4: {  	[tilespmem:s24], [sflag:$0x3] =	stream.linear.gather [spmem:s13], $0x4000, $0x38;
	[tilespmem:$0x1C200] =	vst v63  }
0xd5: {  	s1 =	sadd.s32 $0x1, s1;
	_ =	swait.ge [sflag:s25], $0x4000  }
0xd6: {  	p0 =	sne.s32 s1, s21;
	[sflag:s25] =	ssyncset.done $0x0  }
.Ltmp1:
0xd7: {  	[sflag:s25] =	ssyncadd.s32 $0xFFFFC000;
	(pc) =	sbr.rel @p0 .LBB2_1-.Ltmp1, $4  }
0xd8: {  	[hbm4b:s20+s3] =	stream.linear.scatter [tilespmem:s24], [sflag:$0x3], $0x4000, $0x38;
	[tilespmem:$0x1C200] =	vst v63  }
0xd9: {  	_ =	swait.ge [sflag:s25], $0x4000  }
0xda: {  	[sflag:s25] =	ssyncset.done $0x0  }
0xdb: {  	[sflag:s25] =	ssyncadd.s32 $0xFFFFC000  }
0xdc: {  	_ =	sfence.sel $0x180000  }
0xdd: {  	[bflag:$0x0] =	sbarrier.arrive $0xFFFF  }
0xde: {  	_ =	strace $0x90000050  }
0xdf: {  	s0 =	stileid.u32;
	[bflag:$0x2] =	sbarrier.arrive $0xFFFF  }
0xe0: {  	p0 =	sne.s32 s0, $0x0;
	s0 =	rddreg [dreg:$0x2]  }
0xe1: {  	s0 =	sadd.s32 @!p0 $0x100000, s0  }
0xe2: {  	[sflag:s0] =	ssyncadd.tile.s32 @!p0 $0x1;
	_ =	shalt  }
.Lfunc_end2:
_tile_overlayer_lowered:
.L_overlay_start_2:
0xe3: {  	(tag) =	ssettag $0x2  }
0xe4: {  	s0 =	rddreg [dreg:$0x0];
	s2 =	stileid.u32  }
0xe5: {  	s1 =	rddreg [dreg:$0x1];
	p0 =	sne.s32 s2, $0x0  }
0xe6: {  	s3 =	rddreg [dreg:$0x2];
	[bflag:$0x3] =	sbarrier.arrive $0xFFFF;
	s2 =	simm.s32 @!p0 $0x1C03  }
0xe7: {  	[timem:s3], [sflag:s2] =	dma.local @!p0 [hbm:s0], s1  }
0xe8: {  	s0 =	simm.s32 @!p0 $0x3  }
0xe9: {  	_ =	swait.ge @!p0 [sflag:s0], s1  }
0xea: {  	s1 =	ssub.s32 @!p0 $0x0, s1;
	[sflag:s0] =	ssyncset.done @!p0 $0x0  }
0xeb: {  	[sflag:s0] =	ssyncadd.s32 @!p0 s1  }
0xec: {  	[bflag:$0x3] =	sbarrier.arrive $0xFFFF  }
0xed: {  	_ =	shalt  }

// kernel: kernel.24.cloned.1.call-start
scs
__scs_entry_jumppad:
0x0: {  	(pc) =	sbr.rel $0x88, $3  }
0x1: {  	(tag) =	ssettag $0x0;
	lr =	simm.s32 $0x1  }
0x2: {  	[smem:$0x3F8A] =	sst lr;
	_ =	strace $0xD0000000  }
0x3: {  	_ = 	snop  }
0x4: {  	_ = 	snop  }
0x5: {  	_ = 	snop  }
0x6: {  	_ = 	snop  }
0x7: {  	_ = 	snop  }
__scs_overlays_trampoline_lowered:
0x8: {  	[smem:$0x3F99] =	sst s0  }
0x9: {  	[smem:$0x3F9A] =	sst s1  }
0xa: {  	[smem:$0x3F9B] =	sst s2  }
0xb: {  	[smem:$0x3F9C] =	sst s3  }
0xc: {  	[smem:$0x3F9D] =	sst s4  }
0xd: {  	[smem:$0x3F9E] =	sst s5  }
0xe: {  	[smem:$0x3F9F] =	sst s6  }
0xf: {  	[smem:$0x3FA0] =	sst s7  }
0x10: {  	[smem:$0x3FA1] =	sst s8  }
0x11: {  	[smem:$0x3FA2] =	sst s9;
	s0 =	simm.s32 @!p0 $0x0  }
0x12: {  	s1 =	sld [smem:$0x3F88];
	s0 =	simm.s32 @p0 $0x1  }
0x13: {  	[smem:$0x3FA3] =	sst s0;
	s0 =	simm.s32 @!p1 $0x0  }
0x14: {  	s2 =	sld [smem:$0x3F87];
	s0 =	simm.s32 @p1 $0x1  }
0x15: {  	[smem:$0x3FA4] =	sst s0;
	s0 =	simm.s32 @!p2 $0x0  }
0x16: {  	s3 =	sld [smem:$0x3FDB];
	s0 =	simm.s32 @p2 $0x1  }
0x17: {  	s4 =	simm.s32 $0x1BF5;
	[smem:$0x3FA6] =	sst s0  }
0x18: {  	s0 =	sld [smem:$0x3F89];
	_ =	swait.ge [sflag:s4], $0x0  }
0x19: {  	s7 =	sld [smem:$0x3F8A]  }
0x1a: {  	s8 =	sadd.s32 $0xFFFFE003, lr  }
0x1b: {  	s9 =	sadd.s32 $0xFFFFFEF7, lr;
	s5 =	simm.s32 $0xFFFFFFFF;
	p2 =	slt.u32 s8, $0xFFFFF086  }
0x1c: {  	p1 =	slt.u32 s9, $0xF7A;
	s5 =	simm.s32 @!p2 $0x0  }
0x1d: {  	s5 =	simm.s32 @p1 $0x1;
	p0 =	seq.s32 s7, s2  }
0x1e: {  	s7 =	smul.u32 @!p0 $0xF7A, s2;
	p2 =	seq.s32 @!p0 s5, $0x0  }
0x1f: {  	s9 =	smul.u32 $0xF7A, s1;
	s8 =	simm.s32 @!p0 $0x1BF5;
	p2 =	por !p2, p0  }
0x20: {  	[sflag:s8] =	ssyncset.s32 @!p0 $0xFFFFF086;
	s6 =	sadd.s32 @!p0 s3, s7;
	s7 =	simm.s32 @!p0 $0x108  }
0x21: {  	s3 =	sadd.s32 s3, s9;
	s6 =	sadd.s32 @!p0 $0x88, s6;
	s7 =	simm.s32 @p2 $0x1082  }
0x22: {  	[simem:s7], [sflag:s8] =	dma.local @!p0 [hbm:s6], $0xF7A  }
0x23: {  	s9 =	sor.u32 $0xD0000000, s2;
	s6 =	simm.s32 $0x108;
	_ =	swait.ge @!p0 [sflag:s8], $0x0  }
0x24: {  	s3 =	sadd.s32 $0x88, s3;
	s6 =	simm.s32 @!p1 $0x1082;
	[sflag:s4] =	ssyncset.s32 $0xFFFFF086  }
0x25: {  	[simem:s6], [sflag:s4] =	dma.local [hbm:s3], $0xF7A  }
0x26: {  	[smem:$0x3F8A] =	sst s1;
	(tag) =	ssettag s2;
	_ =	strace s9  }
0x27: {  	s1 =	sld [smem:$0x3F9A]  }
0x28: {  	s2 =	sld [smem:$0x3F9B]  }
0x29: {  	s4 =	sld [smem:$0x3F9D]  }
0x2a: {  	p0 =	seq.s32 s5, $0x0;
	s5 =	sld [smem:$0x3F9E]  }
0x2b: {  	s6 =	sld [smem:$0x3F9F]  }
0x2c: {  	s7 =	sld [smem:$0x3FA0]  }
0x2d: {  	s3 =	simm.s32 $0x108;
	s8 =	sld [smem:$0x3FA1]  }
0x2e: {  	s3 =	simm.s32 @!p0 $0x1082;
	s9 =	sld [smem:$0x3FA2]  }
0x2f: {  	lr =	sadd.s32 s0, s3;
	s0 =	sld [smem:$0x3F99]  }
0x30: {  	s3 =	sld [smem:$0x3F9C]  }
0x31: {  	[smem:$0x3FA5] =	sst s10  }
0x32: {  	s10 =	sld [smem:$0x3FA3];
	_ =	sdelay $0x3  }
0x33: {  	p0 =	seq.s32 s10, $0x1;
	s10 =	sld [smem:$0x3FA5];
	_ =	sdelay $0x3  }
0x34: {  	[smem:$0x3FA5] =	sst s10  }
0x35: {  	s10 =	sld [smem:$0x3FA4];
	_ =	sdelay $0x3  }
0x36: {  	p1 =	seq.s32 s10, $0x1;
	s10 =	sld [smem:$0x3FA5];
	_ =	sdelay $0x3  }
0x37: {  	[smem:$0x3FA5] =	sst s10  }
0x38: {  	s10 =	sld [smem:$0x3FA6]  }
0x39: {  	_ = 	snop;
	(pc) =	sbr.ind lr, $3  }
0x3a: {  	_ = 	snop  }
0x3b: {  	_ = 	snop  }
0x3c: {  	p2 =	seq.s32 s10, $0x1;
	s10 =	sld [smem:$0x3FA5]  }
0x3d: {  	_ =	shalt  }
0x3e: {  	_ =	shalt  }
0x3f: {  	_ =	shalt  }
0x40: {  	_ =	shalt  }
0x41: {  	_ =	shalt  }
0x42: {  	_ =	shalt  }
0x43: {  	_ =	shalt  }
0x44: {  	_ =	shalt  }
0x45: {  	_ =	shalt  }
0x46: {  	_ =	shalt  }
0x47: {  	_ =	shalt  }
0x48: {  	_ =	shalt  }
0x49: {  	_ =	shalt  }
0x4a: {  	_ =	shalt  }
0x4b: {  	_ =	shalt  }
0x4c: {  	_ =	shalt  }
0x4d: {  	_ =	shalt  }
0x4e: {  	_ =	shalt  }
0x4f: {  	_ =	shalt  }
0x50: {  	_ =	shalt  }
0x51: {  	_ =	shalt  }
0x52: {  	_ =	shalt  }
0x53: {  	_ =	shalt  }
0x54: {  	_ =	shalt  }
0x55: {  	_ =	shalt  }
0x56: {  	_ =	shalt  }
0x57: {  	_ =	shalt  }
0x58: {  	_ =	shalt  }
0x59: {  	_ =	shalt  }
0x5a: {  	_ =	shalt  }
0x5b: {  	_ =	shalt  }
0x5c: {  	_ =	shalt  }
0x5d: {  	_ =	shalt  }
0x5e: {  	_ =	shalt  }
0x5f: {  	_ =	shalt  }
0x60: {  	_ =	shalt  }
0x61: {  	_ =	shalt  }
0x62: {  	_ =	shalt  }
0x63: {  	_ =	shalt  }
0x64: {  	_ =	shalt  }
0x65: {  	_ =	shalt  }
0x66: {  	_ =	shalt  }
0x67: {  	_ =	shalt  }
0x68: {  	_ =	shalt  }
0x69: {  	_ =	shalt  }
0x6a: {  	_ =	shalt  }
0x6b: {  	_ =	shalt  }
0x6c: {  	_ =	shalt  }
0x6d: {  	_ =	shalt  }
0x6e: {  	_ =	shalt  }
0x6f: {  	_ =	shalt  }
0x70: {  	_ =	shalt  }
0x71: {  	_ =	shalt  }
0x72: {  	_ =	shalt  }
0x73: {  	_ =	shalt  }
0x74: {  	_ =	shalt  }
0x75: {  	_ =	shalt  }
0x76: {  	_ =	shalt  }
0x77: {  	_ =	shalt  }
0x78: {  	_ =	shalt  }
0x79: {  	_ =	shalt  }
0x7a: {  	_ =	shalt  }
0x7b: {  	_ =	shalt  }
0x7c: {  	_ =	shalt  }
0x7d: {  	_ =	shalt  }
0x7e: {  	_ =	shalt  }
0x7f: {  	_ =	shalt  }
0x80: {  	_ =	shalt  }
0x81: {  	_ =	shalt  }
0x82: {  	_ =	shalt  }
0x83: {  	_ =	shalt  }
0x84: {  	_ =	shalt  }
0x85: {  	_ =	shalt  }
0x86: {  	_ =	shalt  }
0x87: {  	_ =	shalt  }
.Lfunc_end0:
.L_simem_size_0:
called_computation.4_lowered:
.L_overlay_start_0:
0x88: {  	s2 =	sld [smem:$0x3FD9]  }
0x89: {  	s3 =	sld [smem:$0x3FFE];
	_ =	sdelay $0x1  }
0x8a: {  	s1 =	srdreg.scid  }
0x8b: {  	s0 =	sand.u32 $0x1, s1  }
0x8c: {  	s16 =	sshll.u32 s0, $0xA;
	s2 =	sadd.s32 s3, s2  }
0x8d: {  	s2 =	sadd.s32 s2, s16  }
0x8e: {  	[smem:$0x3FB1] =	sst s2  }
0x8f: {  	_ = 	snop  }
0x90: {  	(tm) =	ssettm $0x1  }
0x91: {  	s17 =	sld [smem:$0x3FFB];
	_ =	sdelay $0x3  }
0x92: {  	_ =	strace s17  }
0x93: {  	s2 =	sld [smem:$0x3FFC];
	_ =	sdelay $0x3  }
0x94: {  	_ =	strace s2  }
0x95: {  	s2 =	sld [smem:$0x3FFD];
	_ =	sdelay $0x3  }
0x96: {  	_ =	strace s2  }
0x97: {  	_ =	strace $0x8FFFFFFF  }
0x98: {  	s18 =	sld [smem:$0x3FDB];
	_ =	sdelay $0x1  }
0x99: {  	s19 =	simm.s32 $_scs_section_size  }
0x9a: {  	s4 =	simm.s32 $_size__tile_overlayer_lowered;
	s5 =	simm.s32 $_tile_overlayer_lowered  }
0x9b: {  	s22 =	simm.s32 $0x1BFF;
	s21 =	sshll.u32 s5, $0x1;
	s2 =	sadd.s32 s19, s18  }
0x9c: {  	s6 =	simm.s32 $0x0;
	s20 =	sshll.u32 s4, $0x1;
	s4 =	sadd.s32 s21, s2  }
0x9d: {  	[timem:s6], [sflag:s22] =	dma.local [hbm:s4], s20  }
0x9e: {  	_ =	swait.ge [sflag:s22], s20  }
0x9f: {  	s3 =	ssub.s32 $0x0, s20;
	[sflag:s22] =	ssyncset.done $0x0  }
0xa0: {  	[sflag:s22] =	ssyncadd.s32 s3;
	_ =	sdelay $0x1  }
0xa1: {  	s23 =	simm.s32 $0x1B8B  }
0xa2: {  	_ =	swait.ge [sflag:s23], $0x1  }
0xa3: {  	[sflag:s23] =	ssyncset.done $0x0  }
0xa4: {  	s25 =	simm.s32 $0x1B8E;
	s24 =	sld [smem:$0x3FFE];
	[sflag:s23] =	ssyncadd.s32 $0xFFFFFFFF  }
0xa5: {  	s26 =	simm.s32 $execute0_lowered;
	[smem:$0x3FD2] =	sst s25  }
0xa6: {  	s4 =	sshll.u32 s26, $0x1;
	_ =	strace $0x80000052;
	[dreg:$0x1] =	wrdreg $0xFFFFFFFF  }
0xa7: {  	s28 =	simm.s32 $_size_execute0_lowered;
	s2 =	sadd.s32 s2, s4;
	[dreg:$0x0] =	wrdreg $0x0  }
0xa8: {  	s4 =	sshll.u32 s28, $0x1;
	[dreg:$0x2] =	wrdreg s2  }
0xa9: {  	[dreg:$0x3] =	wrdreg s4  }
0xaa: {  	[dreg:$0x4] =	wrdreg $0xC0  }
0xab: {  	_ =	task [dreg:s6], $0x5FFFF  }
0xac: {  	[dreg:$0x1] =	wrdreg $0xFFFFFFFF  }
0xad: {  	[dreg:$0x0] =	wrdreg $0x60  }
0xae: {  	[dreg:$0x2] =	wrdreg s24  }
0xaf: {  	[dreg:$0x3] =	wrdreg $0x82000  }
0xb0: {  	[dreg:$0x4] =	wrdreg $0x9  }
0xb1: {  	_ =	task.clear_ibuf [dreg:s6], $0x5FFFF;
	_ =	strace $0x90000052  }
0xb2: {  	s29 =	simm.s32 $0x9;
	_ =	strace $0x80000054  }
0xb3: {  	_ =	swait.ge [sflag:s29], $0x1  }
0xb4: {  	[sflag:s29] =	ssyncadd.s32 $0xFFFFFFFF  }
0xb5: {  	_ =	strace $0x90000054  }
0xb6: {  	_ =	sfence  }
0xb7: {  	s30 =	sld [smem:$0x0];
	_ =	sdelay $0x2  }
0xb8: {  	s31 =	sshll.u32 s1, $0xD;
	s1 =	sshrl.u32 s1, $0x2  }
0xb9: {  	s3 =	sand.u32 $0x4000, s31;
	s1 =	sadd.s32 s1, s30  }
0xba: {  	s0 =	sor.u32 s3, s0;
	s1 =	sshll.u32 s1, $0x11  }
0xbb: {  	s0 =	sor.u32 s1, s0  }
0xbc: {  	s0 =	sadd.s32 $0x8F2B, s0  }
0xbd: {  	[sflag:s0] =	ssyncadd.remote.s32 $0x1  }
0xbe: {  	_ =	sfence.sel $0xFFFF  }
0xbf: {  	[dreg:$0x0] =	wrdreg $0xFFFFFFFF;
	(pc) =	sbr.abs _section_cstart, $3  }
0xc0: {  	[dreg:$0x1] =	wrdreg $0xFFFFFFFF  }
0xc1: {  	_ =	task.clear_ibuf [dreg:s6], $0x2FFFF;
	_ =	strace $0x9FFFFFFF  }
0xc2: {  	(tm) =	ssettm $0x7FFFFFFF  }
0xc3: {  	_ =	shalt  }
tec
execute0_lowered:
.L_overlay_start_1:
0x0: {  	(tag) =	ssettag $0x1  }
0x1: {  	s0 =	rddreg [dreg:$0x0]  }
0x2: {  	s2 =	rddreg [dreg:$0x1]  }
0x3: {  	s1 =	srdreg.scid;
	s9 =	stileid.u32;
	s3 =	simm.s32 $0x0  }
0x4: {  	s28 =	simm.s32 $0x100;
	s29 =	simm.s32 $0x180;
	s30 =	simm.s32 $0x4200  }
0x5: {  	s31 =	simm.s32 $0x1;
	s1 =	sand.u32 $0x1, s1;
	s7 =	smul.u32 $0x280, s9  }
0x6: {  	[smem:$0x7FF] =	sst s3;
	s4 =	sadd.s32 $0x6BA00, s0;
	s5 =	sadd.s32 $0x61A00, s0  }
0x7: {  	s6 =	sadd.s32 $0x6A00, s0;
	s19 =	smul.u32 $0x50000, s9;
	s10 =	sadd.s32 $0x10A00, s0  }
0x8: {  	s9 =	sshll.u32 s9, $0x1;
	s8 =	smul.u32 $0x2800, s1;
	_ =	strace $0x80000053  }
0x9: {  	[dreg:$0x3] =	wrdreg s10;
	s20 =	ssub.s32 $0x2, s1;
	s1 =	sor.u32 s1, s9  }
0xa: {  	s11 =	sshrl.u32 s20, $0x1;
	s9 =	smul.u32 $0x2800, s1;
	s1 =	simm.s32 $0x0  }
0xb: {  	s7 =	sadd.s32 s7, s8;
	s8 =	sshrl.u32 s19, $0x2;
	s21 =	ssub.s32 s20, s11  }
0xc: {  	s7 =	sshll.u32 s7, $0x4;
	s8 =	sadd.s32 s8, s2;
	s22 =	sshrl.u32 s9, $0x3  }
0xd: {  	s21 =	smax.u32 s21, $0x1;
	s0 =	sadd.s32 s7, s0;
	s10 =	sadd.s32 $0x4000, s8  }
0xe: {  	s11 =	sadd.s32 $0x8000, s8;
	s12 =	sadd.s32 $0xC000, s8;
	s14 =	sadd.s32 s5, s22  }
0xf: {  	s13 =	sadd.s32 $0x10000, s8;
	s23 =	sadd.s32 s6, s22;
	[dreg:$0x4] =	wrdreg s14  }
0x10: {  	s26 =	sadd.s32 $0x4F0, s22;
	[dreg:$0x5] =	wrdreg s23;
	s24 =	sadd.s32 $0x92C00, s0  }
0x11: {  	s25 =	sadd.s32 $0x93400, s0;
	s18 =	sadd.s32 $0x93C00, s0;
	s19 =	sadd.s32 $0x94400, s0  }
0x12: {  	s20 =	sadd.s32 $0x94C00, s0;
	s22 =	sadd.s32 s5, s26;
	s23 =	sadd.s32 s6, s26  }
0x13: {  	s26 =	simm.s32 $0x80;
	s0 =	simm.s32 $0x2;
	[dreg:$0x6] =	wrdreg s24  }
0x14: {  	[dreg:$0x7] =	wrdreg s25;
	s24 =	simm.s32 $0x200;
	s25 =	simm.s32 $0x3  }
.LBB2_1:
0x15: {  	s7 =	rddreg [dreg:$0x3]  }
0x16: {  	[tilespmem:s24], [sflag:$0x3] =	stream.linear.gather [hbm4b:s7+s3], $0x4000, $0x38;
	[tilespmem:$0x1C200] =	vst v63  }
0x17: {  	_ =	swait.ge [sflag:s25], $0x4000  }
0x18: {  	[sflag:s25] =	ssyncset.done $0x0  }
0x19: {  	[sflag:s25] =	ssyncadd.s32 $0xFFFFC000  }
0x1a: {  	[spmem:s8] =	stream.linear.scatter [tilespmem:s24], [sflag:$0x3], $0x4000, $0x38;
	[tilespmem:$0x1C200] =	vst v63  }
0x1b: {  	_ =	swait.ge [sflag:s25], $0x4000  }
0x1c: {  	[sflag:s25] =	ssyncset.done $0x0  }
0x1d: {  	[sflag:s25] =	ssyncadd.s32 $0xFFFFC000  }
0x1e: {  	[spmem:s10] =	stream.linear.scatter [tilespmem:s24], [sflag:$0x3], $0x4000, $0x38;
	[tilespmem:$0x1C200] =	vst v63  }
0x1f: {  	_ =	swait.ge [sflag:s25], $0x4000  }
0x20: {  	[sflag:s25] =	ssyncset.done $0x0  }
0x21: {  	[sflag:s25] =	ssyncadd.s32 $0xFFFFC000  }
0x22: {  	[spmem:s11] =	stream.linear.scatter [tilespmem:s24], [sflag:$0x3], $0x4000, $0x38;
	[tilespmem:$0x1C200] =	vst v63  }
0x23: {  	_ =	swait.ge [sflag:s25], $0x4000  }
0x24: {  	[sflag:s25] =	ssyncset.done $0x0  }
0x25: {  	[sflag:s25] =	ssyncadd.s32 $0xFFFFC000  }
0x26: {  	[spmem:s12] =	stream.linear.scatter [tilespmem:s24], [sflag:$0x3], $0x4000, $0x38;
	[tilespmem:$0x1C200] =	vst v63  }
0x27: {  	_ =	swait.ge [sflag:s25], $0x4000  }
0x28: {  	[sflag:s25] =	ssyncset.done $0x0  }
0x29: {  	[sflag:s25] =	ssyncadd.s32 $0xFFFFC000  }
0x2a: {  	[spmem:s13] =	stream.linear.scatter [tilespmem:s24], [sflag:$0x3], $0x4000, $0x38;
	[tilespmem:$0x1C200] =	vst v63  }
0x2b: {  	_ =	swait.ge [sflag:s25], $0x4000  }
0x2c: {  	[sflag:s25] =	ssyncset.done $0x0  }
0x2d: {  	[sflag:s25] =	ssyncadd.s32 $0xFFFFC000  }
0x2e: {  	[bflag:$0x0] =	sbarrier.arrive $0xFFFF  }
0x2f: {  	s14 =	rddreg [dreg:$0x4]  }
0x30: {  	[tilespmem:s3], [sflag:$0x3] =	stream.linear.gather [hbm4b:s14+s3], $0x80, $0x38;
	[tilespmem:$0x1C200] =	vst v63  }
0x31: {  	s16 =	simm.s32 $0x0;
	_ =	swait.ge [sflag:s25], $0x80  }
0x32: {  	s7 =	sand.u32 $0x300, s16;
	s14 =	sand.u32 $0x3C00, s16;
	[sflag:s25] =	ssyncset.done $0x0  }
0x33: {  	s14 =	sadd.s32 s9, s14;
	s15 =	rddreg [dreg:$0x5];
	[sflag:s25] =	ssyncadd.s32 $0xFFFFFF80  }
0x34: {  	[tilespmem:s26], [sflag:$0x3] =	stream.linear.gather [hbm4b:s15+s3], $0x80, $0x38;
	[tilespmem:$0x1C200] =	vst v63  }
0x35: {  	s7 =	sor.u32 s14, s7;
	_ =	swait.ge [sflag:s25], $0x80  }
0x36: {  	s7 =	sor.u32 $0x80, s7;
	[sflag:s25] =	ssyncset.done $0x0  }
0x37: {  	s7 =	sshrl.u32 s7, $0x3;
	[sflag:s25] =	ssyncadd.s32 $0xFFFFFF80  }
0x38: {  	[tilespmem:s24], [sflag:$0x1] =	stream.indirect.gather [hbm4b:s4+s26], $0x80, s3, s26, $0xb8;
	[tilespmem:$0x1C200] =	vst v63  }
0x39: {  	s17 =	sadd.s32 s5, s7  }
0x3a: {  	[tilespmem:s28], [sflag:$0x3] =	stream.linear.gather [hbm4b:s17+s3], $0x80, $0x38;
	[tilespmem:$0x1C200] =	vst v63  }
0x3b: {  	_ =	swait.ge [sflag:s25], $0x80  }
0x3c: {  	[sflag:s25] =	ssyncset.done $0x0  }
0x3d: {  	s7 =	sadd.s32 s6, s7;
	[sflag:s25] =	ssyncadd.s32 $0xFFFFFF80  }
0x3e: {  	[tilespmem:s29], [sflag:$0x3] =	stream.linear.gather [hbm4b:s7+s3], $0x80, $0x38;
	[tilespmem:$0x1C200] =	vst v63  }
0x3f: {  	_ =	swait.ge [sflag:s25], $0x80  }
0x40: {  	[sflag:s25] =	ssyncset.done $0x0  }
0x41: {  	[sflag:s25] =	ssyncadd.s32 $0xFFFFFF80  }
0x42: {  	[tilespmem:s30], [sflag:$0x2] =	stream.indirect.gather [hbm4b:s4+s26], $0x80, s28, s26, $0xb8;
	[tilespmem:$0x1C200] =	vst v63  }
0x43: {  	_ =	swait.ge [sflag:s31], $0x4000  }
0x44: {  	s14 =	sand.u32 $0x7C00, s28;
	[sflag:s31] =	ssyncset.done $0x0  }
0x45: {  	s15 =	sand.u32 $0x300, s28;
	s7 =	sadd.s32 s9, s14;
	[sflag:s31] =	ssyncadd.s32 $0xFFFFC000  }
0x46: {  	[spmem:s2] =	stream.indirect.scatter.add.f32 [tilespmem:s24], [sflag:$0x3], $0x80, s26, s26, $0xb8;
	[tilespmem:$0x1C200] =	vst v63  }
0x47: {  	s7 =	sor.u32 s15, s7;
	_ =	swait.ge [sflag:s25], $0x4000  }
0x48: {  	s7 =	sshrl.u32 s7, $0x3;
	[sflag:s25] =	ssyncset.done $0x0  }
0x49: {  	s16 =	sadd.s32 s5, s7;
	[sflag:s25] =	ssyncadd.s32 $0xFFFFC000  }
0x4a: {  	[tilespmem:s3], [sflag:$0x3] =	stream.linear.gather [hbm4b:s16+s3], $0x80, $0x38;
	[tilespmem:$0x1C200] =	vst v63  }
0x4b: {  	_ =	swait.ge [sflag:s25], $0x80  }
0x4c: {  	[sflag:s25] =	ssyncset.done $0x0  }
0x4d: {  	s7 =	sadd.s32 s6, s7;
	[sflag:s25] =	ssyncadd.s32 $0xFFFFFF80  }
0x4e: {  	[tilespmem:s26], [sflag:$0x3] =	stream.linear.gather [hbm4b:s7+s3], $0x80, $0x38;
	[tilespmem:$0x1C200] =	vst v63  }
0x4f: {  	s17 =	simm.s32 $0x100;
	_ =	swait.ge [sflag:s25], $0x80  }
0x50: {  	s14 =	simm.s32 $0x300;
	s15 =	sand.u32 $0x3C00, s17;
	[sflag:s25] =	ssyncset.done $0x0  }
0x51: {  	s15 =	sadd.s32 s9, s15;
	s16 =	sand.u32 $0x300, s17;
	[sflag:s25] =	ssyncadd.s32 $0xFFFFFF80  }
0x52: {  	[tilespmem:s24], [sflag:$0x1] =	stream.indirect.gather [hbm4b:s4+s26], $0x80, s3, s26, $0xb8;
	[tilespmem:$0x1C200] =	vst v63  }
0x53: {  	s15 =	sor.u32 s15, s16;
	s7 =	simm.s32 $0x200;
	_ =	swait.ge [sflag:s0], $0x4000  }
.LBB2_2:
0x54: {  	p0 =	sne.s32 s14, $0x2700  }
0x55: {  	[sflag:s0] =	ssyncset.done $0x0;
	s16 =	smov.u32 s14;
	s14 =	sadd.s32 $0x100, s14  }
0x56: {  	[sflag:s0] =	ssyncadd.s32 $0xFFFFC000  }
0x57: {  	[spmem:s2] =	stream.indirect.scatter.add.f32 [tilespmem:s30], [sflag:$0x3], $0x80, s29, s26, $0xb8;
	[tilespmem:$0x1C200] =	vst v63  }
0x58: {  	s15 =	sor.u32 $0x80, s15;
	_ =	swait.ge [sflag:s25], $0x4000  }
0x59: {  	s15 =	sshrl.u32 s15, $0x3;
	[sflag:s25] =	ssyncset.done $0x0  }
0x5a: {  	s17 =	sadd.s32 s5, s15;
	[sflag:s25] =	ssyncadd.s32 $0xFFFFC000  }
0x5b: {  	[tilespmem:s28], [sflag:$0x3] =	stream.linear.gather [hbm4b:s17+s3], $0x80, $0x38;
	[tilespmem:$0x1C200] =	vst v63  }
0x5c: {  	_ =	swait.ge [sflag:s25], $0x80  }
0x5d: {  	[sflag:s25] =	ssyncset.done $0x0  }
0x5e: {  	s15 =	sadd.s32 s6, s15;
	[sflag:s25] =	ssyncadd.s32 $0xFFFFFF80  }
0x5f: {  	[tilespmem:s29], [sflag:$0x3] =	stream.linear.gather [hbm4b:s15+s3], $0x80, $0x38;
	[tilespmem:$0x1C200] =	vst v63  }
0x60: {  	_ =	swait.ge [sflag:s25], $0x80  }
0x61: {  	[sflag:s25] =	ssyncset.done $0x0  }
0x62: {  	[sflag:s25] =	ssyncadd.s32 $0xFFFFFF80  }
0x63: {  	[tilespmem:s30], [sflag:$0x2] =	stream.indirect.gather [hbm4b:s4+s26], $0x80, s28, s26, $0xb8;
	[tilespmem:$0x1C200] =	vst v63  }
0x64: {  	_ =	swait.ge [sflag:s31], $0x4000  }
0x65: {  	[sflag:s31] =	ssyncset.done $0x0  }
0x66: {  	s17 =	sand.u32 $0x300, s7;
	s15 =	sand.u32 $0x7C00, s7;
	[sflag:s31] =	ssyncadd.s32 $0xFFFFC000  }
0x67: {  	[spmem:s2] =	stream.indirect.scatter.add.f32 [tilespmem:s24], [sflag:$0x3], $0x80, s26, s26, $0xb8;
	[tilespmem:$0x1C200] =	vst v63  }
0x68: {  	s7 =	smov.u32 s16;
	s15 =	sadd.s32 s9, s15;
	_ =	swait.ge [sflag:s25], $0x4000  }
0x69: {  	s15 =	sor.u32 s17, s15;
	[sflag:s25] =	ssyncset.done $0x0  }
0x6a: {  	s15 =	sshrl.u32 s15, $0x3;
	[sflag:s25] =	ssyncadd.s32 $0xFFFFC000  }
0x6b: {  	s16 =	sadd.s32 s5, s15  }
0x6c: {  	[tilespmem:s3], [sflag:$0x3] =	stream.linear.gather [hbm4b:s16+s3], $0x80, $0x38;
	[tilespmem:$0x1C200] =	vst v63  }
0x6d: {  	_ =	swait.ge [sflag:s25], $0x80  }
0x6e: {  	s15 =	sadd.s32 s6, s15;
	[sflag:s25] =	ssyncset.done $0x0  }
0x6f: {  	[sflag:s25] =	ssyncadd.s32 $0xFFFFFF80  }
0x70: {  	[tilespmem:s26], [sflag:$0x3] =	stream.linear.gather [hbm4b:s15+s3], $0x80, $0x38;
	[tilespmem:$0x1C200] =	vst v63  }
.Ltmp0:
0x71: {  	s15 =	sadd.s32 $0xFFFFFF00, s7;
	_ =	swait.ge [sflag:s25], $0x80;
	(pc) =	sbr.rel @p0 .LBB2_2-.Ltmp0, $4  }
0x72: {  	s16 =	sand.u32 $0x3C00, s15;
	[sflag:s25] =	ssyncset.done $0x0  }
0x73: {  	s15 =	sand.u32 $0x300, s15;
	s16 =	sadd.s32 s9, s16;
	[sflag:s25] =	ssyncadd.s32 $0xFFFFFF80  }
0x74: {  	[tilespmem:s24], [sflag:$0x1] =	stream.indirect.gather [hbm4b:s4+s26], $0x80, s3, s26, $0xb8;
	[tilespmem:$0x1C200] =	vst v63  }
0x75: {  	s15 =	sor.u32 s16, s15;
	_ =	swait.ge [sflag:s0], $0x4000  }
0x76: {  	[sflag:s0] =	ssyncset.done $0x0  }
0x77: {  	[sflag:s0] =	ssyncadd.s32 $0xFFFFC000  }
0x78: {  	[spmem:s2] =	stream.indirect.scatter.add.f32 [tilespmem:s30], [sflag:$0x3], $0x80, s29, s26, $0xb8;
	[tilespmem:$0x1C200] =	vst v63  }
0x79: {  	s14 =	sor.u32 $0x80, s15;
	_ =	swait.ge [sflag:s25], $0x4000  }
0x7a: {  	s14 =	sshrl.u32 s14, $0x3;
	[sflag:s25] =	ssyncset.done $0x0  }
0x7b: {  	s17 =	sadd.s32 s5, s14;
	[sflag:s25] =	ssyncadd.s32 $0xFFFFC000  }
0x7c: {  	[tilespmem:s28], [sflag:$0x3] =	stream.linear.gather [hbm4b:s17+s3], $0x80, $0x38;
	[tilespmem:$0x1C200] =	vst v63  }
0x7d: {  	_ =	swait.ge [sflag:s25], $0x80  }
0x7e: {  	[sflag:s25] =	ssyncset.done $0x0  }
0x7f: {  	s14 =	sadd.s32 s6, s14;
	[sflag:s25] =	ssyncadd.s32 $0xFFFFFF80  }
0x80: {  	[tilespmem:s29], [sflag:$0x3] =	stream.linear.gather [hbm4b:s14+s3], $0x80, $0x38;
	[tilespmem:$0x1C200] =	vst v63  }
0x81: {  	_ =	swait.ge [sflag:s25], $0x80  }
0x82: {  	[sflag:s25] =	ssyncset.done $0x0  }
0x83: {  	[sflag:s25] =	ssyncadd.s32 $0xFFFFFF80  }
0x84: {  	[tilespmem:s30], [sflag:$0x2] =	stream.indirect.gather [hbm4b:s4+s26], $0x80, s28, s26, $0xb8;
	[tilespmem:$0x1C200] =	vst v63  }
0x85: {  	_ =	swait.ge [sflag:s31], $0x4000  }
0x86: {  	s16 =	sand.u32 $0x7C00, s7;
	[sflag:s31] =	ssyncset.done $0x0  }
0x87: {  	s17 =	sand.u32 $0x300, s7;
	s14 =	sadd.s32 s9, s16;
	[sflag:s31] =	ssyncadd.s32 $0xFFFFC000  }
0x88: {  	[spmem:s2] =	stream.indirect.scatter.add.f32 [tilespmem:s24], [sflag:$0x3], $0x80, s26, s26, $0xb8;
	[tilespmem:$0x1C200] =	vst v63  }
0x89: {  	s7 =	sor.u32 s17, s14;
	_ =	swait.ge [sflag:s25], $0x4000  }
0x8a: {  	s7 =	sshrl.u32 s7, $0x3;
	[sflag:s25] =	ssyncset.done $0x0  }
0x8b: {  	s15 =	sadd.s32 s5, s7;
	[sflag:s25] =	ssyncadd.s32 $0xFFFFC000  }
0x8c: {  	[tilespmem:s3], [sflag:$0x3] =	stream.linear.gather [hbm4b:s15+s3], $0x80, $0x38;
	[tilespmem:$0x1C200] =	vst v63  }
0x8d: {  	_ =	swait.ge [sflag:s25], $0x80  }
0x8e: {  	[sflag:s25] =	ssyncset.done $0x0  }
0x8f: {  	s7 =	sadd.s32 s6, s7;
	[sflag:s25] =	ssyncadd.s32 $0xFFFFFF80  }
0x90: {  	[tilespmem:s26], [sflag:$0x3] =	stream.linear.gather [hbm4b:s7+s3], $0x80, $0x38;
	[tilespmem:$0x1C200] =	vst v63  }
0x91: {  	_ =	swait.ge [sflag:s25], $0x80  }
0x92: {  	[sflag:s25] =	ssyncset.done $0x0  }
0x93: {  	[sflag:s25] =	ssyncadd.s32 $0xFFFFFF80  }
0x94: {  	[tilespmem:s24], [sflag:$0x1] =	stream.indirect.gather [hbm4b:s4+s26], $0x80, s3, s26, $0xb8;
	[tilespmem:$0x1C200] =	vst v63  }
0x95: {  	_ =	swait.ge [sflag:s0], $0x4000  }
0x96: {  	[sflag:s0] =	ssyncset.done $0x0  }
0x97: {  	[sflag:s0] =	ssyncadd.s32 $0xFFFFC000  }
0x98: {  	[spmem:s2] =	stream.indirect.scatter.add.f32 [tilespmem:s30], [sflag:$0x3], $0x80, s29, s26, $0xb8;
	[tilespmem:$0x1C200] =	vst v63  }
0x99: {  	_ =	swait.ge [sflag:s25], $0x4000  }
0x9a: {  	[sflag:s25] =	ssyncset.done $0x0  }
0x9b: {  	[sflag:s25] =	ssyncadd.s32 $0xFFFFC000  }
0x9c: {  	[tilespmem:s28], [sflag:$0x3] =	stream.linear.gather [hbm4b:s22+s3], $0x80, $0x38;
	[tilespmem:$0x1C200] =	vst v63  }
0x9d: {  	_ =	swait.ge [sflag:s25], $0x80  }
0x9e: {  	[sflag:s25] =	ssyncset.done $0x0  }
0x9f: {  	[sflag:s25] =	ssyncadd.s32 $0xFFFFFF80  }
0xa0: {  	[tilespmem:s29], [sflag:$0x3] =	stream.linear.gather [hbm4b:s23+s3], $0x80, $0x38;
	[tilespmem:$0x1C200] =	vst v63  }
0xa1: {  	_ =	swait.ge [sflag:s25], $0x80  }
0xa2: {  	[sflag:s25] =	ssyncset.done $0x0  }
0xa3: {  	[sflag:s25] =	ssyncadd.s32 $0xFFFFFF80  }
0xa4: {  	[tilespmem:s30], [sflag:$0x2] =	stream.indirect.gather [hbm4b:s4+s26], $0x80, s28, s26, $0xb8;
	[tilespmem:$0x1C200] =	vst v63  }
0xa5: {  	_ =	swait.ge [sflag:s31], $0x4000  }
0xa6: {  	[sflag:s31] =	ssyncset.done $0x0  }
0xa7: {  	[sflag:s31] =	ssyncadd.s32 $0xFFFFC000  }
0xa8: {  	[spmem:s2] =	stream.indirect.scatter.add.f32 [tilespmem:s24], [sflag:$0x3], $0x80, s26, s26, $0xb8;
	[tilespmem:$0x1C200] =	vst v63  }
0xa9: {  	_ =	swait.ge [sflag:s25], $0x4000  }
0xaa: {  	[sflag:s25] =	ssyncset.done $0x0  }
0xab: {  	[sflag:s25] =	ssyncadd.s32 $0xFFFFC000  }
0xac: {  	_ =	swait.ge [sflag:s0], $0x4000  }
0xad: {  	[sflag:s0] =	ssyncset.done $0x0  }
0xae: {  	[sflag:s0] =	ssyncadd.s32 $0xFFFFC000  }
0xaf: {  	[spmem:s2] =	stream.indirect.scatter.add.f32 [tilespmem:s30], [sflag:$0x3], $0x80, s29, s26, $0xb8;
	[tilespmem:$0x1C200] =	vst v63  }
0xb0: {  	_ =	swait.ge [sflag:s25], $0x4000  }
0xb1: {  	[sflag:s25] =	ssyncset.done $0x0  }
0xb2: {  	[sflag:s25] =	ssyncadd.s32 $0xFFFFC000  }
0xb3: {  	[bflag:$0x0] =	sbarrier.arrive $0xFFFF  }
0xb4: {  	[tilespmem:s24], [sflag:$0x3] =	stream.linear.gather [spmem:s8], $0x4000, $0x38;
	[tilespmem:$0x1C200] =	vst v63  }
0xb5: {  	_ =	swait.ge [sflag:s25], $0x4000  }
0xb6: {  	[sflag:s25] =	ssyncset.done $0x0  }
0xb7: {  	s16 =	rddreg [dreg:$0x6];
	[sflag:s25] =	ssyncadd.s32 $0xFFFFC000  }
0xb8: {  	[hbm4b:s16+s3] =	stream.linear.scatter [tilespmem:s24], [sflag:$0x3], $0x4000, $0x38;
	[tilespmem:$0x1C200] =	vst v63  }
0xb9: {  	_ =	swait.ge [sflag:s25], $0x4000  }
0xba: {  	[sflag:s25] =	ssyncset.done $0x0  }
0xbb: {  	[sflag:s25] =	ssyncadd.s32 $0xFFFFC000  }
0xbc: {  	[tilespmem:s24], [sflag:$0x3] =	stream.linear.gather [spmem:s10], $0x4000, $0x38;
	[tilespmem:$0x1C200] =	vst v63  }
0xbd: {  	_ =	swait.ge [sflag:s25], $0x4000  }
0xbe: {  	[sflag:s25] =	ssyncset.done $0x0  }
0xbf: {  	s17 =	rddreg [dreg:$0x7];
	[sflag:s25] =	ssyncadd.s32 $0xFFFFC000  }
0xc0: {  	[hbm4b:s17+s3] =	stream.linear.scatter [tilespmem:s24], [sflag:$0x3], $0x4000, $0x38;
	[tilespmem:$0x1C200] =	vst v63  }
0xc1: {  	_ =	swait.ge [sflag:s25], $0x4000  }
0xc2: {  	[sflag:s25] =	ssyncset.done $0x0  }
0xc3: {  	[sflag:s25] =	ssyncadd.s32 $0xFFFFC000  }
0xc4: {  	[tilespmem:s24], [sflag:$0x3] =	stream.linear.gather [spmem:s11], $0x4000, $0x38;
	[tilespmem:$0x1C200] =	vst v63  }
0xc5: {  	_ =	swait.ge [sflag:s25], $0x4000  }
0xc6: {  	[sflag:s25] =	ssyncset.done $0x0  }
0xc7: {  	[sflag:s25] =	ssyncadd.s32 $0xFFFFC000  }
0xc8: {  	[hbm4b:s18+s3] =	stream.linear.scatter [tilespmem:s24], [sflag:$0x3], $0x4000, $0x38;
	[tilespmem:$0x1C200] =	vst v63  }
0xc9: {  	_ =	swait.ge [sflag:s25], $0x4000  }
0xca: {  	[sflag:s25] =	ssyncset.done $0x0  }
0xcb: {  	[sflag:s25] =	ssyncadd.s32 $0xFFFFC000  }
0xcc: {  	[tilespmem:s24], [sflag:$0x3] =	stream.linear.gather [spmem:s12], $0x4000, $0x38;
	[tilespmem:$0x1C200] =	vst v63  }
0xcd: {  	_ =	swait.ge [sflag:s25], $0x4000  }
0xce: {  	[sflag:s25] =	ssyncset.done $0x0  }
0xcf: {  	[sflag:s25] =	ssyncadd.s32 $0xFFFFC000  }
0xd0: {  	[hbm4b:s19+s3] =	stream.linear.scatter [tilespmem:s24], [sflag:$0x3], $0x4000, $0x38;
	[tilespmem:$0x1C200] =	vst v63  }
0xd1: {  	_ =	swait.ge [sflag:s25], $0x4000  }
0xd2: {  	[sflag:s25] =	ssyncset.done $0x0  }
0xd3: {  	[sflag:s25] =	ssyncadd.s32 $0xFFFFC000  }
0xd4: {  	[tilespmem:s24], [sflag:$0x3] =	stream.linear.gather [spmem:s13], $0x4000, $0x38;
	[tilespmem:$0x1C200] =	vst v63  }
0xd5: {  	s1 =	sadd.s32 $0x1, s1;
	_ =	swait.ge [sflag:s25], $0x4000  }
0xd6: {  	p0 =	sne.s32 s1, s21;
	[sflag:s25] =	ssyncset.done $0x0  }
.Ltmp1:
0xd7: {  	[sflag:s25] =	ssyncadd.s32 $0xFFFFC000;
	(pc) =	sbr.rel @p0 .LBB2_1-.Ltmp1, $4  }
0xd8: {  	[hbm4b:s20+s3] =	stream.linear.scatter [tilespmem:s24], [sflag:$0x3], $0x4000, $0x38;
	[tilespmem:$0x1C200] =	vst v63  }
0xd9: {  	_ =	swait.ge [sflag:s25], $0x4000  }
0xda: {  	[sflag:s25] =	ssyncset.done $0x0  }
0xdb: {  	[sflag:s25] =	ssyncadd.s32 $0xFFFFC000  }
0xdc: {  	_ =	sfence.sel $0x180000  }
0xdd: {  	[bflag:$0x0] =	sbarrier.arrive $0xFFFF  }
0xde: {  	_ =	strace $0x90000053  }
0xdf: {  	s0 =	stileid.u32;
	[bflag:$0x2] =	sbarrier.arrive $0xFFFF  }
0xe0: {  	p0 =	sne.s32 s0, $0x0;
	s0 =	rddreg [dreg:$0x2]  }
0xe1: {  	s0 =	sadd.s32 @!p0 $0x100000, s0  }
0xe2: {  	[sflag:s0] =	ssyncadd.tile.s32 @!p0 $0x1;
	_ =	shalt  }
.Lfunc_end2:
_tile_overlayer_lowered:
.L_overlay_start_2:
0xe3: {  	(tag) =	ssettag $0x2  }
0xe4: {  	s0 =	rddreg [dreg:$0x0];
	s2 =	stileid.u32  }
0xe5: {  	s1 =	rddreg [dreg:$0x1];
	p0 =	sne.s32 s2, $0x0  }
0xe6: {  	s3 =	rddreg [dreg:$0x2];
	[bflag:$0x3] =	sbarrier.arrive $0xFFFF;
	s2 =	simm.s32 @!p0 $0x1C03  }
0xe7: {  	[timem:s3], [sflag:s2] =	dma.local @!p0 [hbm:s0], s1  }
0xe8: {  	s0 =	simm.s32 @!p0 $0x3  }
0xe9: {  	_ =	swait.ge @!p0 [sflag:s0], s1  }
0xea: {  	s1 =	ssub.s32 @!p0 $0x0, s1;
	[sflag:s0] =	ssyncset.done @!p0 $0x0  }
0xeb: {  	[sflag:s0] =	ssyncadd.s32 @!p0 s1  }
0xec: {  	[bflag:$0x3] =	sbarrier.arrive $0xFFFF  }
0xed: {  	_ =	shalt  }

</sc_bundles>
